<compile_context>
chip_gen: v7x
topology: tpu7x:2x2x1
jax: 0.10.2.dev20260603
libtpu: 0.0.44.dev20260713+nightly
codegen_flags: <defaults>
</compile_context>

<pallas_src>
import functools

import jax
import jax.numpy as jnp
from jax import lax
from jax.experimental import pallas as pl
from jax.experimental.pallas import tpu as pltpu
from jax.experimental.pallas import tpu_sc as plsc

N = 10000
E = 320000
F_IN = 128
HID = 64
NCLS = 10

NP = 10112
NSC, NT = 2, 16
CH = 128
CPT = 80
EPT = CH * CPT
EPAD = NSC * NT * EPT
ZR = NP // NT
NSLOT = 8
NAHEAD = 4

RB = 1024


@functools.lru_cache(maxsize=None)
def _s_pass(D):
    G = 2 if D > 32 else 1
    CD = D // G
    mesh = plsc.VectorSubcoreMesh(core_axis_name="c", subcore_axis_name="s")

    @functools.partial(
        pl.kernel,
        out_type=jax.ShapeDtypeStruct((NSC, G, NP, CD), jnp.float32),
        mesh=mesh,
        scratch_types=[
            pltpu.VMEM((CPT, CH), jnp.int32),
            pltpu.VMEM((CPT, CH), jnp.int32),
            pltpu.VMEM((NSLOT, CH, CD), jnp.float32),
            pltpu.VMEM_SHARED((NP, CD), jnp.float32),
            pltpu.VMEM_SHARED((NP, CD), jnp.float32),
        ] + [pltpu.SemaphoreType.DMA] * (2 * NSLOT),
        compiler_params=pltpu.CompilerParams(use_tc_tiling_on_sc=False, skip_device_barrier=True),
    )
    def body(table, rowp3, colp3, zeros, out, ridx, cidx, rows, tbl, acc,
             *sems):
        gsems, ssems = sems[:NSLOT], sems[NSLOT:]
        c = lax.axis_index("c")
        s = lax.axis_index("s")
        wid = c * NT + s
        pltpu.sync_copy(rowp3.at[wid], ridx)
        pltpu.sync_copy(colp3.at[wid], cidx)

        def group(g, gcarry):
            pltpu.sync_copy(table.at[g, pl.ds(s * ZR, ZR)],
                            tbl.at[pl.ds(s * ZR, ZR)])
            pltpu.sync_copy(zeros.at[g, pl.ds(s * ZR, ZR)],
                            acc.at[pl.ds(s * ZR, ZR)])
            plsc.subcore_barrier()
            for b in range(NAHEAD):
                pltpu.async_copy(tbl.at[ridx.at[b]], rows.at[b], gsems[b])

            def step(j, carry):
                for b in range(NSLOT):
                    i = j * NSLOT + b
                    bp = (b + NAHEAD) % NSLOT
                    pltpu.make_async_copy(tbl.at[ridx.at[i]], rows.at[b],
                                          gsems[b]).wait()
                    pltpu.async_copy(rows.at[b], acc.at[cidx.at[i]],
                                     ssems[b], add=True)

                    @pl.when(i + NAHEAD < CPT)
                    def _():
                        @pl.when(i >= NAHEAD)
                        def _():
                            pltpu.make_async_copy(
                                rows.at[bp], acc.at[cidx.at[0]],
                                ssems[bp]).wait()

                        pltpu.async_copy(tbl.at[ridx.at[i + NAHEAD]],
                                         rows.at[bp], gsems[bp])
                return carry

            lax.fori_loop(0, CPT // NSLOT, step, 0)
            for b in range(NSLOT):
                pltpu.make_async_copy(rows.at[b], acc.at[cidx.at[0]],
                                      ssems[b]).wait()
            plsc.subcore_barrier()
            pltpu.sync_copy(acc.at[pl.ds(s * ZR, ZR)],
                            out.at[c, g, pl.ds(s * ZR, ZR)])
            return gcarry

        lax.fori_loop(0, G, group, 0)

    return body


def _l2_pass():
    mesh = plsc.VectorSubcoreMesh(core_axis_name="c", subcore_axis_name="s")

    @functools.partial(
        pl.kernel,
        out_type=jax.ShapeDtypeStruct((NSC, NP, 16), jnp.float32),
        mesh=mesh,
        scratch_types=[
            pltpu.VMEM((2 * CPT, CH), jnp.int32),
            pltpu.VMEM((2 * CPT, CH), jnp.int32),
            pltpu.VMEM((NSLOT, CH, 16), jnp.float32),
            pltpu.VMEM((ZR, 16), jnp.float32),
            pltpu.VMEM((ZR, 16), jnp.float32),
            pltpu.VMEM((ZR, 16), jnp.float32),
            pltpu.VMEM_SHARED((NP, 16), jnp.float32),
            pltpu.VMEM_SHARED((NP, 16), jnp.float32),
        ] + [pltpu.SemaphoreType.DMA] * (2 * NSLOT),
        compiler_params=pltpu.CompilerParams(use_tc_tiling_on_sc=False,
                                             skip_device_barrier=True),
    )
    def body(y2b, v1d, d2b2, rowp3, colp3, zeros, out, ridx, cidx, rows,
             ew_g, ew_v, ew_d, tbl, acc, *sems):
        gsems, ssems = sems[:NSLOT], sems[NSLOT:]
        c = lax.axis_index("c")
        s = lax.axis_index("s")
        pltpu.sync_copy(rowp3.at[2 * s], ridx.at[pl.ds(0, CPT)])
        pltpu.sync_copy(rowp3.at[2 * s + 1], ridx.at[pl.ds(CPT, CPT)])
        pltpu.sync_copy(colp3.at[2 * s], cidx.at[pl.ds(0, CPT)])
        pltpu.sync_copy(colp3.at[2 * s + 1], cidx.at[pl.ds(CPT, CPT)])
        pltpu.sync_copy(y2b.at[pl.ds(s * ZR, ZR)], tbl.at[pl.ds(s * ZR, ZR)])
        pltpu.sync_copy(zeros.at[pl.ds(s * ZR, ZR)], acc.at[pl.ds(s * ZR, ZR)])
        plsc.subcore_barrier()

        def run_ring(base, nchunks):
            for b in range(NAHEAD):
                pltpu.async_copy(tbl.at[ridx.at[base + b]], rows.at[b],
                                 gsems[b])

            def step(j, carry):
                for b in range(NSLOT):
                    i = j * NSLOT + b
                    bp = (b + NAHEAD) % NSLOT
                    pltpu.make_async_copy(tbl.at[ridx.at[base + i]],
                                          rows.at[b], gsems[b]).wait()
                    pltpu.async_copy(rows.at[b], acc.at[cidx.at[base + i]],
                                     ssems[b], add=True)

                    @pl.when(i + NAHEAD < nchunks)
                    def _():
                        @pl.when(i >= NAHEAD)
                        def _():
                            pltpu.make_async_copy(
                                rows.at[bp], acc.at[cidx.at[base]],
                                ssems[bp]).wait()

                        pltpu.async_copy(tbl.at[ridx.at[base + i + NAHEAD]],
                                         rows.at[bp], gsems[bp])
                return carry

            lax.fori_loop(0, nchunks // NSLOT, step, 0)
            for b in range(NSLOT):
                pltpu.make_async_copy(rows.at[b], acc.at[cidx.at[base]],
                                      ssems[b]).wait()

        run_ring(0, 2 * CPT)
        plsc.subcore_barrier()

        pltpu.sync_copy(acc.at[pl.ds(s * ZR, ZR)], ew_g)
        pltpu.sync_copy(v1d.at[pl.ds(s * ZR, ZR)], ew_v)
        pltpu.sync_copy(d2b2.at[pl.ds(s * ZR, ZR)], ew_d)

        def ew(r4, carry):
            for k in range(4):
                r = r4 * 4 + k
                ew_g[r, :] = ew_v[r, :] - ew_d[r, :] * ew_g[r, :]
            return carry

        lax.fori_loop(0, ZR // 4, ew, 0)
        pltpu.sync_copy(ew_g, tbl.at[pl.ds(s * ZR, ZR)])
        pltpu.sync_copy(zeros.at[pl.ds(s * ZR, ZR)], acc.at[pl.ds(s * ZR, ZR)])
        plsc.subcore_barrier()

        run_ring(c * CPT, CPT)
        plsc.subcore_barrier()
        pltpu.sync_copy(acc.at[pl.ds(s * ZR, ZR)], out.at[c, pl.ds(s * ZR, ZR)])

    return body


def _deg_pass():
    mesh = plsc.VectorSubcoreMesh(core_axis_name="c", subcore_axis_name="s")

    @functools.partial(
        pl.kernel,
        out_type=jax.ShapeDtypeStruct((NSC, NP, 16), jnp.float32),
        mesh=mesh,
        scratch_types=[
            pltpu.VMEM((CPT, CH), jnp.int32),
            pltpu.VMEM((CH, 16), jnp.float32),
            pltpu.VMEM_SHARED((NP, 16), jnp.float32),
            pltpu.SemaphoreType.DMA,
        ],
        compiler_params=pltpu.CompilerParams(use_tc_tiling_on_sc=False, skip_device_barrier=True),
    )
    def body(rowp3, onesc, zeros, out, ridx, ones_v, acc, ssem):
        c = lax.axis_index("c")
        s = lax.axis_index("s")
        wid = c * NT + s
        pltpu.sync_copy(rowp3.at[wid], ridx)
        pltpu.sync_copy(onesc, ones_v)
        pltpu.sync_copy(zeros.at[pl.ds(s * ZR, ZR)], acc.at[pl.ds(s * ZR, ZR)])
        plsc.subcore_barrier()

        def step(i, carry):
            pltpu.async_copy(ones_v, acc.at[ridx.at[i]], ssem, add=True).wait()
            return carry

        lax.fori_loop(0, CPT, step, 0)
        plsc.subcore_barrier()
        pltpu.sync_copy(acc.at[pl.ds(s * ZR, ZR)], out.at[c, pl.ds(s * ZR, ZR)])

    return body


def _dinv_of(degp):
    deg = degp[0] + degp[1]
    dinv = jnp.where(deg > 0, lax.rsqrt(jnp.maximum(deg, 1e-12)), 0.0)
    return dinv[:, 0:1]


def _mm1_body(x_ref, w_ref, o_ref):
    o_ref[...] = jnp.dot(x_ref[...], w_ref[...],
                         preferred_element_type=jnp.float32)


def _mm1(x, wc1):
    return pl.pallas_call(
        _mm1_body,
        grid=(pl.cdiv(NP, RB),),
        in_specs=[
            pl.BlockSpec((RB, F_IN), lambda i: (i, 0)),
            pl.BlockSpec((F_IN, 3 * HID), lambda i: (0, 0)),
        ],
        out_specs=pl.BlockSpec((RB, 3 * HID), lambda i: (i, 0)),
        out_shape=jax.ShapeDtypeStruct((NP, 3 * HID), jnp.float32),
    )(x, wc1)


def _prep_body(xw_ref, degp_ref, y2_ref, u1d_ref):
    dinv = _dinv_of(degp_ref[...])
    xw = xw_ref[...]
    u1d_ref[...] = jnp.stack(
        [dinv * xw[:, HID:HID + 32], dinv * xw[:, HID + 32:2 * HID]], axis=0)
    y2_ref[...] = jnp.stack(
        [dinv * xw[:, 2 * HID:2 * HID + 32], dinv * xw[:, 2 * HID + 32:]],
        axis=0)


def _prep(xw, degp):
    return pl.pallas_call(
        _prep_body,
        grid=(pl.cdiv(NP, RB),),
        in_specs=[
            pl.BlockSpec((RB, 3 * HID), lambda i: (i, 0)),
            pl.BlockSpec((NSC, RB, 16), lambda i: (0, i, 0)),
        ],
        out_specs=[
            pl.BlockSpec((2, RB, 32), lambda i: (0, i, 0)),
            pl.BlockSpec((2, RB, 32), lambda i: (0, i, 0)),
        ],
        out_shape=[
            jax.ShapeDtypeStruct((2, NP, 32), jnp.float32),
            jax.ShapeDtypeStruct((2, NP, 32), jnp.float32),
        ],
    )(xw, degp)


def _comb_body(gp_ref, u_ref, degp_ref, o_ref):
    dinv = _dinv_of(degp_ref[...])
    d2 = (dinv * dinv)[None]
    o_ref[...] = u_ref[...] - 2.0 * d2 * (gp_ref[0] + gp_ref[1])


def _comb(gp, u, degp):
    G, _, CD = u.shape
    return pl.pallas_call(
        _comb_body,
        grid=(pl.cdiv(NP, RB),),
        in_specs=[
            pl.BlockSpec((NSC, G, RB, CD), lambda i: (0, 0, i, 0)),
            pl.BlockSpec((G, RB, CD), lambda i: (0, i, 0)),
            pl.BlockSpec((NSC, RB, 16), lambda i: (0, i, 0)),
        ],
        out_specs=pl.BlockSpec((G, RB, CD), lambda i: (0, i, 0)),
        out_shape=jax.ShapeDtypeStruct((G, NP, CD), jnp.float32),
    )(gp, u, degp)


def _layer2_body(xw_ref, g1p_ref, degp_ref, b1_ref, wc2_ref, b2_ref,
                 b2v_ref, v1d_ref, y2b_ref, d2b2_ref):
    dinv = _dinv_of(degp_ref[...])
    a = xw_ref[:, 0:HID]
    g1 = g1p_ref[0] + g1p_ref[1]
    g1cat = jnp.concatenate([g1[0], g1[1]], axis=1)
    h = jnp.maximum(a + b1_ref[...] - dinv * g1cat, 0.0)
    hw = jnp.dot(h, wc2_ref[...], preferred_element_type=jnp.float32)
    b2v_ref[...] = hw[:, 0:16] + b2_ref[...]
    v1d_ref[...] = dinv * hw[:, 16:32]
    y2b_ref[...] = dinv * hw[:, 32:48]
    d2b2_ref[...] = jnp.broadcast_to(2.0 * dinv * dinv, d2b2_ref.shape)


def _layer2(xw, g1p, degp, b1r, wc2, b2r):
    return pl.pallas_call(
        _layer2_body,
        grid=(pl.cdiv(NP, RB),),
        in_specs=[
            pl.BlockSpec((RB, 3 * HID), lambda i: (i, 0)),
            pl.BlockSpec((NSC, 2, RB, 32), lambda i: (0, 0, i, 0)),
            pl.BlockSpec((NSC, RB, 16), lambda i: (0, i, 0)),
            pl.BlockSpec((1, HID), lambda i: (0, 0)),
            pl.BlockSpec((HID, 48), lambda i: (0, 0)),
            pl.BlockSpec((1, 16), lambda i: (0, 0)),
        ],
        out_specs=[
            pl.BlockSpec((RB, 16), lambda i: (i, 0)),
            pl.BlockSpec((RB, 16), lambda i: (i, 0)),
            pl.BlockSpec((RB, 16), lambda i: (i, 0)),
            pl.BlockSpec((RB, 16), lambda i: (i, 0)),
        ],
        out_shape=[
            jax.ShapeDtypeStruct((NP, 16), jnp.float32),
            jax.ShapeDtypeStruct((NP, 16), jnp.float32),
            jax.ShapeDtypeStruct((NP, 16), jnp.float32),
            jax.ShapeDtypeStruct((NP, 16), jnp.float32),
        ],
    )(xw, g1p, degp, b1r, wc2, b2r)


def _final_body(b2v_ref, g1bp_ref, degp_ref, o_ref):
    dinv = _dinv_of(degp_ref[...])
    o_ref[...] = b2v_ref[...] - dinv * (g1bp_ref[0] + g1bp_ref[1])


def _final(b2v, g1bp, degp):
    return pl.pallas_call(
        _final_body,
        grid=(pl.cdiv(NP, RB),),
        in_specs=[
            pl.BlockSpec((RB, 16), lambda i: (i, 0)),
            pl.BlockSpec((NSC, RB, 16), lambda i: (0, i, 0)),
            pl.BlockSpec((NSC, RB, 16), lambda i: (0, i, 0)),
        ],
        out_specs=pl.BlockSpec((RB, 16), lambda i: (i, 0)),
        out_shape=jax.ShapeDtypeStruct((NP, 16), jnp.float32),
    )(b2v, g1bp, degp)


def kernel(x, edge_index, W1, b1, W2, b2):
    row, col = edge_index[0], edge_index[1]
    pad = EPAD - E
    trash = jnp.full((pad,), N, dtype=jnp.int32)
    rowp = jnp.concatenate([row, trash]).reshape(NSC * NT, CPT, CH)
    colp = jnp.concatenate([col, trash]).reshape(NSC * NT, CPT, CH)

    wc1 = jnp.concatenate([W1[0] - W1[2], W1[1], W1[2]], axis=1)
    wc2 = jnp.zeros((HID, 48), jnp.float32)
    wc2 = wc2.at[:, 0:NCLS].set(W2[0] - W2[2])
    wc2 = wc2.at[:, 16:16 + NCLS].set(W2[1])
    wc2 = wc2.at[:, 32:32 + NCLS].set(W2[2])
    b1r = b1.reshape(1, HID)
    b2r = jnp.zeros((1, 16), jnp.float32).at[0, 0:NCLS].set(b2)

    onesc = jnp.ones((CH, 16), jnp.float32)
    zdeg = jnp.zeros((NP, 16), jnp.float32)
    zeros64 = jnp.zeros((2, NP, 32), jnp.float32)

    degp = _deg_pass()(rowp, onesc, zdeg)
    xw = _mm1(x, wc1)

    y2, u1d = _prep(xw, degp)
    g2p = _s_pass(HID)(y2, rowp, colp, zeros64)
    inner = _comb(g2p, u1d, degp)
    g1p = _s_pass(HID)(inner, rowp, colp, zeros64)

    b2v, v1d, y2b, d2b2 = _layer2(xw, g1p, degp, b1r, wc2, b2r)
    g1bp = _l2_pass()(y2b, v1d, d2b2, rowp, colp, zdeg)

    out16 = _final(b2v, g1bp, degp)
    return (out16[:N, :NCLS], edge_index)

# --- scband reference (transcript-rebuilt; emitter-appended) ---
"""Pipeline reference for scband-chebyshev-convolution-652835029489 (READ-ONLY COPY).

The authoritative reference and input builder live on the scoring server;
editing this copy changes nothing except your own understanding.
"""

import jax, jax.numpy as jnp
import numpy as np

N = 10000
E = 320000
F_IN = 128
HID = 64
NCLS = 10
K = 3


def setup_inputs(seed: int = 0) -> dict:
    key = jax.random.key(seed)
    ks = jax.random.split(key, 6)
    x = jax.random.normal(ks[0], (N, F_IN), dtype=jnp.float32)
    edge_index = jax.random.randint(ks[1], (2, E), 0, N, dtype=jnp.int32)
    s1 = float(1.0 / np.sqrt(F_IN))
    W1 = jax.random.uniform(ks[2], (K, F_IN, HID), dtype=jnp.float32, minval=-s1, maxval=s1)
    b1 = jnp.zeros((HID,), dtype=jnp.float32)
    s2 = float(1.0 / np.sqrt(HID))
    W2 = jax.random.uniform(ks[3], (K, HID, NCLS), dtype=jnp.float32, minval=-s2, maxval=s2)
    b2 = jnp.zeros((NCLS,), dtype=jnp.float32)
    return {"x": x, "edge_index": edge_index, "W1": W1, "b1": b1, "W2": W2, "b2": b2}


def _cheb_conv(x, row, col, W, b):
    # PyG ChebConv with normalization='sym', lambda_max=2.0 (default assumption):
    # scaled Laplacian L_hat = 2L/lambda_max - I has off-diagonal weights
    # -d_i^{-1/2} d_j^{-1/2} and zero diagonal.
    n = x.shape[0]
    ones = jnp.ones(row.shape[0], dtype=jnp.float32)
    deg = jax.ops.segment_sum(ones, row, num_segments=n)
    deg_inv_sqrt = jnp.where(deg > 0, jax.lax.rsqrt(jnp.maximum(deg, 1e-12)), 0.0)
    w = -(deg_inv_sqrt[row] * deg_inv_sqrt[col])

    def prop(z):
        # message: w_e * z[source]; aggregate sum at target
        return jax.ops.segment_sum(w[:, None] * z[row], col, num_segments=n)

    Tx0 = x
    out = Tx0 @ W[0]
    Tx1 = prop(Tx0)
    out = out + Tx1 @ W[1]
    Tx_prev, Tx_cur = Tx0, Tx1
    for k in range(2, W.shape[0]):
        Tx_new = 2.0 * prop(Tx_cur) - Tx_prev
        out = out + Tx_new @ W[k]
        Tx_prev, Tx_cur = Tx_cur, Tx_new
    return out + b


def reference(x, edge_index, W1, b1, W2, b2):
    row, col = edge_index[0], edge_index[1]
    h = jax.nn.relu(_cheb_conv(x, row, col, W1, b1))
    # F.dropout with training=False (eval mode) is identity
    out = _cheb_conv(h, row, col, W2, b2)
    return (out, edge_index)

if __name__ == "__main__":
    import jax
    _d = setup_inputs()
    print(jax.jit(kernel)(*tuple(_d.values())))

</pallas_src>

<mosaic_0001>
#map = affine_map<(d0, d1) -> (0, 0, 0)>
#map1 = affine_map<(d0, d1) -> (0, 0, 0, 0)>
module attributes {stable_mosaic.version = 14 : i64} {
  func.func @body(%arg0: i32, %arg1: i32, %arg2: memref<2x10112x32xf32, #tpu.memory_space<hbm>>, %arg3: memref<32x80x128xi32, #tpu.memory_space<hbm>>, %arg4: memref<32x80x128xi32, #tpu.memory_space<hbm>>, %arg5: memref<2x10112x32xf32, #tpu.memory_space<hbm>>, %arg6: memref<2x2x10112x32xf32, #tpu.memory_space<hbm>>, %arg7: memref<80x128xi32, #tpu.memory_space<vmem>>, %arg8: memref<80x128xi32, #tpu.memory_space<vmem>>, %arg9: memref<8x128x32xf32, #tpu.memory_space<vmem>>, %arg10: memref<10112x32xf32, #tpu.memory_space<vmem_shared>>, %arg11: memref<10112x32xf32, #tpu.memory_space<vmem_shared>>, %arg12: memref<!tpu.dma_semaphore, #tpu.memory_space<semaphore_mem>>, %arg13: memref<!tpu.dma_semaphore, #tpu.memory_space<semaphore_mem>>, %arg14: memref<!tpu.dma_semaphore, #tpu.memory_space<semaphore_mem>>, %arg15: memref<!tpu.dma_semaphore, #tpu.memory_space<semaphore_mem>>, %arg16: memref<!tpu.dma_semaphore, #tpu.memory_space<semaphore_mem>>, %arg17: memref<!tpu.dma_semaphore, #tpu.memory_space<semaphore_mem>>, %arg18: memref<!tpu.dma_semaphore, #tpu.memory_space<semaphore_mem>>, %arg19: memref<!tpu.dma_semaphore, #tpu.memory_space<semaphore_mem>>, %arg20: memref<!tpu.dma_semaphore, #tpu.memory_space<semaphore_mem>>, %arg21: memref<!tpu.dma_semaphore, #tpu.memory_space<semaphore_mem>>, %arg22: memref<!tpu.dma_semaphore, #tpu.memory_space<semaphore_mem>>, %arg23: memref<!tpu.dma_semaphore, #tpu.memory_space<semaphore_mem>>, %arg24: memref<!tpu.dma_semaphore, #tpu.memory_space<semaphore_mem>>, %arg25: memref<!tpu.dma_semaphore, #tpu.memory_space<semaphore_mem>>, %arg26: memref<!tpu.dma_semaphore, #tpu.memory_space<semaphore_mem>>, %arg27: memref<!tpu.dma_semaphore, #tpu.memory_space<semaphore_mem>>) attributes {dimension_semantics = [#tpu.dimension_semantics<core_parallel>, #tpu.dimension_semantics<subcore_parallel>], iteration_bounds = array<i64: 2, 16>, scalar_prefetch = 0 : i64, scratch_operands = 21 : i64, tpu.core_type = #tpu.core_type<sc_vector_subcore>, window_params = [{transform_indices = #map}, {transform_indices = #map}, {transform_indices = #map}, {transform_indices = #map}, {transform_indices = #map1}]} {
    %mul3A = arith.constant 16 : i32
    %mul3A_0 = arith.muli %arg0, %mul3A : i32
    %add3A = arith.addi %mul3A_0, %arg1 : i32
    "tpu.region"() ({
      %run_scoped3A = tpu.sem_alloc : memref<!tpu.dma_semaphore, #tpu.memory_space<semaphore_mem>>
      %dma_start3A = arith.constant 0 : i32
      %dma_start3A_6 = arith.constant 0 : i32
      %dma_start3A_7 = tpu.memref_slice %arg3[%add3A, %dma_start3A, %dma_start3A_6] : memref<32x80x128xi32, #tpu.memory_space<hbm>> -> memref<1x80x128xi32, #tpu.memory_space<hbm>>
      %dma_start3A_8 = tpu.memref_squeeze %dma_start3A_7 : memref<1x80x128xi32, #tpu.memory_space<hbm>> -> memref<80x128xi32, #tpu.memory_space<hbm>>
      %dma_start3A_9 = arith.constant 0 : i32
      %dma_start3A_10 = arith.constant 0 : i32
      %dma_start3A_11 = tpu.memref_slice %arg3[%add3A, %dma_start3A_9, %dma_start3A_10] : memref<32x80x128xi32, #tpu.memory_space<hbm>> -> memref<1x80x128xi32, #tpu.memory_space<hbm>>
      %dma_start3A_12 = tpu.memref_squeeze %dma_start3A_11 : memref<1x80x128xi32, #tpu.memory_space<hbm>> -> memref<80x128xi32, #tpu.memory_space<hbm>>
      tpu.enqueue_dma source(%dma_start3A_12 : memref<80x128xi32, #tpu.memory_space<hbm>>) target(%arg7 : memref<80x128xi32, #tpu.memory_space<vmem>>) target_semaphore(%run_scoped3A : memref<!tpu.dma_semaphore, #tpu.memory_space<semaphore_mem>>)
      %dma_wait3A = arith.constant 0 : i32
      %dma_wait3A_13 = arith.constant 0 : i32
      %dma_wait3A_14 = tpu.memref_slice %arg3[%add3A, %dma_wait3A, %dma_wait3A_13] : memref<32x80x128xi32, #tpu.memory_space<hbm>> -> memref<1x80x128xi32, #tpu.memory_space<hbm>>
      %dma_wait3A_15 = tpu.memref_squeeze %dma_wait3A_14 : memref<1x80x128xi32, #tpu.memory_space<hbm>> -> memref<80x128xi32, #tpu.memory_space<hbm>>
      %dma_wait3A_16 = arith.constant 0 : i32
      %dma_wait3A_17 = arith.constant 0 : i32
      %dma_wait3A_18 = tpu.memref_slice %arg3[%add3A, %dma_wait3A_16, %dma_wait3A_17] : memref<32x80x128xi32, #tpu.memory_space<hbm>> -> memref<1x80x128xi32, #tpu.memory_space<hbm>>
      %dma_wait3A_19 = tpu.memref_squeeze %dma_wait3A_18 : memref<1x80x128xi32, #tpu.memory_space<hbm>> -> memref<80x128xi32, #tpu.memory_space<hbm>>
      tpu.wait_dma2 semaphore(%run_scoped3A : memref<!tpu.dma_semaphore, #tpu.memory_space<semaphore_mem>>) src(%dma_wait3A_19 : memref<80x128xi32, #tpu.memory_space<hbm>>) dst(%arg7 : memref<80x128xi32, #tpu.memory_space<vmem>>)
      tpu.yield
    }) : () -> ()
    "tpu.region"() ({
      %run_scoped3A = tpu.sem_alloc : memref<!tpu.dma_semaphore, #tpu.memory_space<semaphore_mem>>
      %dma_start3A = arith.constant 0 : i32
      %dma_start3A_6 = arith.constant 0 : i32
      %dma_start3A_7 = tpu.memref_slice %arg4[%add3A, %dma_start3A, %dma_start3A_6] : memref<32x80x128xi32, #tpu.memory_space<hbm>> -> memref<1x80x128xi32, #tpu.memory_space<hbm>>
      %dma_start3A_8 = tpu.memref_squeeze %dma_start3A_7 : memref<1x80x128xi32, #tpu.memory_space<hbm>> -> memref<80x128xi32, #tpu.memory_space<hbm>>
      %dma_start3A_9 = arith.constant 0 : i32
      %dma_start3A_10 = arith.constant 0 : i32
      %dma_start3A_11 = tpu.memref_slice %arg4[%add3A, %dma_start3A_9, %dma_start3A_10] : memref<32x80x128xi32, #tpu.memory_space<hbm>> -> memref<1x80x128xi32, #tpu.memory_space<hbm>>
      %dma_start3A_12 = tpu.memref_squeeze %dma_start3A_11 : memref<1x80x128xi32, #tpu.memory_space<hbm>> -> memref<80x128xi32, #tpu.memory_space<hbm>>
      tpu.enqueue_dma source(%dma_start3A_12 : memref<80x128xi32, #tpu.memory_space<hbm>>) target(%arg8 : memref<80x128xi32, #tpu.memory_space<vmem>>) target_semaphore(%run_scoped3A : memref<!tpu.dma_semaphore, #tpu.memory_space<semaphore_mem>>)
      %dma_wait3A = arith.constant 0 : i32
      %dma_wait3A_13 = arith.constant 0 : i32
      %dma_wait3A_14 = tpu.memref_slice %arg4[%add3A, %dma_wait3A, %dma_wait3A_13] : memref<32x80x128xi32, #tpu.memory_space<hbm>> -> memref<1x80x128xi32, #tpu.memory_space<hbm>>
      %dma_wait3A_15 = tpu.memref_squeeze %dma_wait3A_14 : memref<1x80x128xi32, #tpu.memory_space<hbm>> -> memref<80x128xi32, #tpu.memory_space<hbm>>
      %dma_wait3A_16 = arith.constant 0 : i32
      %dma_wait3A_17 = arith.constant 0 : i32
      %dma_wait3A_18 = tpu.memref_slice %arg4[%add3A, %dma_wait3A_16, %dma_wait3A_17] : memref<32x80x128xi32, #tpu.memory_space<hbm>> -> memref<1x80x128xi32, #tpu.memory_space<hbm>>
      %dma_wait3A_19 = tpu.memref_squeeze %dma_wait3A_18 : memref<1x80x128xi32, #tpu.memory_space<hbm>> -> memref<80x128xi32, #tpu.memory_space<hbm>>
      tpu.wait_dma2 semaphore(%run_scoped3A : memref<!tpu.dma_semaphore, #tpu.memory_space<semaphore_mem>>) src(%dma_wait3A_19 : memref<80x128xi32, #tpu.memory_space<hbm>>) dst(%arg8 : memref<80x128xi32, #tpu.memory_space<vmem>>)
      tpu.yield
    }) : () -> ()
    %scan3A = arith.constant 0 : i32
    %scan3A_1 = arith.constant 0 : i32
    %scan3A_2 = arith.constant 2 : i32
    %scan3A_3 = arith.addi %scan3A_1, %scan3A_2 : i32
    %scan3A_4 = arith.constant 1 : i32
    scf.for %scan3A_6 = %scan3A_1 to %scan3A_3 step %scan3A_4  : i32 {
      %mul3A_7 = arith.constant 632 : i32
      %mul3A_8 = arith.muli %arg1, %mul3A_7 : i32
      %mul3A_9 = arith.constant 632 : i32
      %mul3A_10 = arith.muli %arg1, %mul3A_9 : i32
      "tpu.region"() ({
        %run_scoped3A = tpu.sem_alloc : memref<!tpu.dma_semaphore, #tpu.memory_space<semaphore_mem>>
        %dma_start3A_168 = arith.constant 0 : i32
        %dma_start3A_169 = tpu.memref_slice %arg10[%mul3A_10, %dma_start3A_168] : memref<10112x32xf32, #tpu.memory_space<vmem_shared>> -> memref<632x32xf32, #tpu.memory_space<vmem_shared>>
        %dma_start3A_170 = arith.constant 0 : i32
        %dma_start3A_171 = tpu.memref_slice %arg2[%scan3A_6, %mul3A_8, %dma_start3A_170] : memref<2x10112x32xf32, #tpu.memory_space<hbm>> -> memref<1x632x32xf32, #tpu.memory_space<hbm>>
        %dma_start3A_172 = tpu.memref_squeeze %dma_start3A_171 : memref<1x632x32xf32, #tpu.memory_space<hbm>> -> memref<632x32xf32, #tpu.memory_space<hbm>>
        tpu.enqueue_dma source(%dma_start3A_172 : memref<632x32xf32, #tpu.memory_space<hbm>>) target(%dma_start3A_169 : memref<632x32xf32, #tpu.memory_space<vmem_shared>>) target_semaphore(%run_scoped3A : memref<!tpu.dma_semaphore, #tpu.memory_space<semaphore_mem>>)
        %dma_wait3A_173 = arith.constant 0 : i32
        %dma_wait3A_174 = tpu.memref_slice %arg10[%mul3A_10, %dma_wait3A_173] : memref<10112x32xf32, #tpu.memory_space<vmem_shared>> -> memref<632x32xf32, #tpu.memory_space<vmem_shared>>
        %dma_wait3A_175 = arith.constant 0 : i32
        %dma_wait3A_176 = tpu.memref_slice %arg2[%scan3A_6, %mul3A_8, %dma_wait3A_175] : memref<2x10112x32xf32, #tpu.memory_space<hbm>> -> memref<1x632x32xf32, #tpu.memory_space<hbm>>
        %dma_wait3A_177 = tpu.memref_squeeze %dma_wait3A_176 : memref<1x632x32xf32, #tpu.memory_space<hbm>> -> memref<632x32xf32, #tpu.memory_space<hbm>>
        tpu.wait_dma2 semaphore(%run_scoped3A : memref<!tpu.dma_semaphore, #tpu.memory_space<semaphore_mem>>) src(%dma_wait3A_177 : memref<632x32xf32, #tpu.memory_space<hbm>>) dst(%dma_wait3A_174 : memref<632x32xf32, #tpu.memory_space<vmem_shared>>)
        tpu.yield
      }) : () -> ()
      %mul3A_11 = arith.constant 632 : i32
      %mul3A_12 = arith.muli %arg1, %mul3A_11 : i32
      %mul3A_13 = arith.constant 632 : i32
      %mul3A_14 = arith.muli %arg1, %mul3A_13 : i32
      "tpu.region"() ({
        %run_scoped3A = tpu.sem_alloc : memref<!tpu.dma_semaphore, #tpu.memory_space<semaphore_mem>>
        %dma_start3A_168 = arith.constant 0 : i32
        %dma_start3A_169 = tpu.memref_slice %arg11[%mul3A_14, %dma_start3A_168] : memref<10112x32xf32, #tpu.memory_space<vmem_shared>> -> memref<632x32xf32, #tpu.memory_space<vmem_shared>>
        %dma_start3A_170 = arith.constant 0 : i32
        %dma_start3A_171 = tpu.memref_slice %arg5[%scan3A_6, %mul3A_12, %dma_start3A_170] : memref<2x10112x32xf32, #tpu.memory_space<hbm>> -> memref<1x632x32xf32, #tpu.memory_space<hbm>>
        %dma_start3A_172 = tpu.memref_squeeze %dma_start3A_171 : memref<1x632x32xf32, #tpu.memory_space<hbm>> -> memref<632x32xf32, #tpu.memory_space<hbm>>
        tpu.enqueue_dma source(%dma_start3A_172 : memref<632x32xf32, #tpu.memory_space<hbm>>) target(%dma_start3A_169 : memref<632x32xf32, #tpu.memory_space<vmem_shared>>) target_semaphore(%run_scoped3A : memref<!tpu.dma_semaphore, #tpu.memory_space<semaphore_mem>>)
        %dma_wait3A_173 = arith.constant 0 : i32
        %dma_wait3A_174 = tpu.memref_slice %arg11[%mul3A_14, %dma_wait3A_173] : memref<10112x32xf32, #tpu.memory_space<vmem_shared>> -> memref<632x32xf32, #tpu.memory_space<vmem_shared>>
        %dma_wait3A_175 = arith.constant 0 : i32
        %dma_wait3A_176 = tpu.memref_slice %arg5[%scan3A_6, %mul3A_12, %dma_wait3A_175] : memref<2x10112x32xf32, #tpu.memory_space<hbm>> -> memref<1x632x32xf32, #tpu.memory_space<hbm>>
        %dma_wait3A_177 = tpu.memref_squeeze %dma_wait3A_176 : memref<1x632x32xf32, #tpu.memory_space<hbm>> -> memref<632x32xf32, #tpu.memory_space<hbm>>
        tpu.wait_dma2 semaphore(%run_scoped3A : memref<!tpu.dma_semaphore, #tpu.memory_space<semaphore_mem>>) src(%dma_wait3A_177 : memref<632x32xf32, #tpu.memory_space<hbm>>) dst(%dma_wait3A_174 : memref<632x32xf32, #tpu.memory_space<vmem_shared>>)
        tpu.yield
      }) : () -> ()
      %barrier3A = arith.constant 0 : index
      tpu.barrier barrier_id(%barrier3A)
      %dma_start3A = arith.constant 0 : i32
      %dma_start3A_15 = arith.constant 0 : i32
      %dma_start3A_16 = arith.constant 0 : i32
      %dma_start3A_17 = arith.constant 0 : i32
      %dma_start3A_18 = tpu.memref_slice %arg9[%dma_start3A_15, %dma_start3A_16, %dma_start3A_17] : memref<8x128x32xf32, #tpu.memory_space<vmem>> -> memref<1x128x32xf32, #tpu.memory_space<vmem>>
      %dma_start3A_19 = tpu.memref_squeeze %dma_start3A_18 : memref<1x128x32xf32, #tpu.memory_space<vmem>> -> memref<128x32xf32, #tpu.memory_space<vmem>>
      %dma_start3A_20 = arith.constant 0 : i32
      %dma_start3A_21 = tpu.memref_slice %arg7[%dma_start3A, %dma_start3A_20] : memref<80x128xi32, #tpu.memory_space<vmem>> -> memref<1x128xi32, #tpu.memory_space<vmem>>
      %dma_start3A_22 = tpu.memref_squeeze %dma_start3A_21 : memref<1x128xi32, #tpu.memory_space<vmem>> -> memref<128xi32, #tpu.memory_space<vmem>>
      %dma_start3A_23 = arith.constant 0 : i32
      %dma_start3A_24 = arith.constant 0 : i32
      %dma_start3A_25 = tpu.memref_slice %arg10[%dma_start3A_23, %dma_start3A_24] : memref<10112x32xf32, #tpu.memory_space<vmem_shared>> -> memref<10112x32xf32, #tpu.memory_space<vmem_shared>>
      tpu.enqueue_indirect_dma source(%dma_start3A_25 : memref<10112x32xf32, #tpu.memory_space<vmem_shared>>) target(%dma_start3A_19 : memref<128x32xf32, #tpu.memory_space<vmem>>) offsets(%dma_start3A_22 : memref<128xi32, #tpu.memory_space<vmem>>) semaphore(%arg12 : memref<!tpu.dma_semaphore, #tpu.memory_space<semaphore_mem>>)
      %dma_start3A_26 = arith.constant 1 : i32
      %dma_start3A_27 = arith.constant 1 : i32
      %dma_start3A_28 = arith.constant 0 : i32
      %dma_start3A_29 = arith.constant 0 : i32
      %dma_start3A_30 = tpu.memref_slice %arg9[%dma_start3A_27, %dma_start3A_28, %dma_start3A_29] : memref<8x128x32xf32, #tpu.memory_space<vmem>> -> memref<1x128x32xf32, #tpu.memory_space<vmem>>
      %dma_start3A_31 = tpu.memref_squeeze %dma_start3A_30 : memref<1x128x32xf32, #tpu.memory_space<vmem>> -> memref<128x32xf32, #tpu.memory_space<vmem>>
      %dma_start3A_32 = arith.constant 0 : i32
      %dma_start3A_33 = tpu.memref_slice %arg7[%dma_start3A_26, %dma_start3A_32] : memref<80x128xi32, #tpu.memory_space<vmem>> -> memref<1x128xi32, #tpu.memory_space<vmem>>
      %dma_start3A_34 = tpu.memref_squeeze %dma_start3A_33 : memref<1x128xi32, #tpu.memory_space<vmem>> -> memref<128xi32, #tpu.memory_space<vmem>>
      %dma_start3A_35 = arith.constant 0 : i32
      %dma_start3A_36 = arith.constant 0 : i32
      %dma_start3A_37 = tpu.memref_slice %arg10[%dma_start3A_35, %dma_start3A_36] : memref<10112x32xf32, #tpu.memory_space<vmem_shared>> -> memref<10112x32xf32, #tpu.memory_space<vmem_shared>>
      tpu.enqueue_indirect_dma source(%dma_start3A_37 : memref<10112x32xf32, #tpu.memory_space<vmem_shared>>) target(%dma_start3A_31 : memref<128x32xf32, #tpu.memory_space<vmem>>) offsets(%dma_start3A_34 : memref<128xi32, #tpu.memory_space<vmem>>) semaphore(%arg13 : memref<!tpu.dma_semaphore, #tpu.memory_space<semaphore_mem>>)
      %dma_start3A_38 = arith.constant 2 : i32
      %dma_start3A_39 = arith.constant 2 : i32
      %dma_start3A_40 = arith.constant 0 : i32
      %dma_start3A_41 = arith.constant 0 : i32
      %dma_start3A_42 = tpu.memref_slice %arg9[%dma_start3A_39, %dma_start3A_40, %dma_start3A_41] : memref<8x128x32xf32, #tpu.memory_space<vmem>> -> memref<1x128x32xf32, #tpu.memory_space<vmem>>
      %dma_start3A_43 = tpu.memref_squeeze %dma_start3A_42 : memref<1x128x32xf32, #tpu.memory_space<vmem>> -> memref<128x32xf32, #tpu.memory_space<vmem>>
      %dma_start3A_44 = arith.constant 0 : i32
      %dma_start3A_45 = tpu.memref_slice %arg7[%dma_start3A_38, %dma_start3A_44] : memref<80x128xi32, #tpu.memory_space<vmem>> -> memref<1x128xi32, #tpu.memory_space<vmem>>
      %dma_start3A_46 = tpu.memref_squeeze %dma_start3A_45 : memref<1x128xi32, #tpu.memory_space<vmem>> -> memref<128xi32, #tpu.memory_space<vmem>>
      %dma_start3A_47 = arith.constant 0 : i32
      %dma_start3A_48 = arith.constant 0 : i32
      %dma_start3A_49 = tpu.memref_slice %arg10[%dma_start3A_47, %dma_start3A_48] : memref<10112x32xf32, #tpu.memory_space<vmem_shared>> -> memref<10112x32xf32, #tpu.memory_space<vmem_shared>>
      tpu.enqueue_indirect_dma source(%dma_start3A_49 : memref<10112x32xf32, #tpu.memory_space<vmem_shared>>) target(%dma_start3A_43 : memref<128x32xf32, #tpu.memory_space<vmem>>) offsets(%dma_start3A_46 : memref<128xi32, #tpu.memory_space<vmem>>) semaphore(%arg14 : memref<!tpu.dma_semaphore, #tpu.memory_space<semaphore_mem>>)
      %dma_start3A_50 = arith.constant 3 : i32
      %dma_start3A_51 = arith.constant 3 : i32
      %dma_start3A_52 = arith.constant 0 : i32
      %dma_start3A_53 = arith.constant 0 : i32
      %dma_start3A_54 = tpu.memref_slice %arg9[%dma_start3A_51, %dma_start3A_52, %dma_start3A_53] : memref<8x128x32xf32, #tpu.memory_space<vmem>> -> memref<1x128x32xf32, #tpu.memory_space<vmem>>
      %dma_start3A_55 = tpu.memref_squeeze %dma_start3A_54 : memref<1x128x32xf32, #tpu.memory_space<vmem>> -> memref<128x32xf32, #tpu.memory_space<vmem>>
      %dma_start3A_56 = arith.constant 0 : i32
      %dma_start3A_57 = tpu.memref_slice %arg7[%dma_start3A_50, %dma_start3A_56] : memref<80x128xi32, #tpu.memory_space<vmem>> -> memref<1x128xi32, #tpu.memory_space<vmem>>
      %dma_start3A_58 = tpu.memref_squeeze %dma_start3A_57 : memref<1x128xi32, #tpu.memory_space<vmem>> -> memref<128xi32, #tpu.memory_space<vmem>>
      %dma_start3A_59 = arith.constant 0 : i32
      %dma_start3A_60 = arith.constant 0 : i32
      %dma_start3A_61 = tpu.memref_slice %arg10[%dma_start3A_59, %dma_start3A_60] : memref<10112x32xf32, #tpu.memory_space<vmem_shared>> -> memref<10112x32xf32, #tpu.memory_space<vmem_shared>>
      tpu.enqueue_indirect_dma source(%dma_start3A_61 : memref<10112x32xf32, #tpu.memory_space<vmem_shared>>) target(%dma_start3A_55 : memref<128x32xf32, #tpu.memory_space<vmem>>) offsets(%dma_start3A_58 : memref<128xi32, #tpu.memory_space<vmem>>) semaphore(%arg15 : memref<!tpu.dma_semaphore, #tpu.memory_space<semaphore_mem>>)
      %scan3A_62 = arith.constant 0 : i32
      %scan3A_63 = arith.constant 0 : i32
      %scan3A_64 = arith.constant 10 : i32
      %scan3A_65 = arith.addi %scan3A_63, %scan3A_64 : i32
      %scan3A_66 = arith.constant 1 : i32
      scf.for %scan3A_168 = %scan3A_63 to %scan3A_65 step %scan3A_66  : i32 {
        %mul3A_169 = arith.constant 8 : i32
        %mul3A_170 = arith.muli %scan3A_168, %mul3A_169 : i32
        %add3A_171 = arith.constant 0 : i32
        %add3A_172 = arith.addi %mul3A_170, %add3A_171 : i32
        %dma_wait3A_173 = arith.constant 0 : i32
        %dma_wait3A_174 = arith.constant 0 : i32
        %dma_wait3A_175 = arith.constant 0 : i32
        %dma_wait3A_176 = tpu.memref_slice %arg9[%dma_wait3A_173, %dma_wait3A_174, %dma_wait3A_175] : memref<8x128x32xf32, #tpu.memory_space<vmem>> -> memref<1x128x32xf32, #tpu.memory_space<vmem>>
        %dma_wait3A_177 = tpu.memref_squeeze %dma_wait3A_176 : memref<1x128x32xf32, #tpu.memory_space<vmem>> -> memref<128x32xf32, #tpu.memory_space<vmem>>
        %dma_wait3A_178 = arith.constant 0 : i32
        %dma_wait3A_179 = tpu.memref_slice %arg7[%add3A_172, %dma_wait3A_178] : memref<80x128xi32, #tpu.memory_space<vmem>> -> memref<1x128xi32, #tpu.memory_space<vmem>>
        %dma_wait3A_180 = tpu.memref_squeeze %dma_wait3A_179 : memref<1x128xi32, #tpu.memory_space<vmem>> -> memref<128xi32, #tpu.memory_space<vmem>>
        %dma_wait3A_181 = arith.constant 0 : i32
        %dma_wait3A_182 = arith.constant 0 : i32
        %dma_wait3A_183 = tpu.memref_slice %arg10[%dma_wait3A_181, %dma_wait3A_182] : memref<10112x32xf32, #tpu.memory_space<vmem_shared>> -> memref<10112x32xf32, #tpu.memory_space<vmem_shared>>
        tpu.wait_indirect_dma semaphore(%arg12 : memref<!tpu.dma_semaphore, #tpu.memory_space<semaphore_mem>>) src(%dma_wait3A_183 : memref<10112x32xf32, #tpu.memory_space<vmem_shared>>) dst(%dma_wait3A_177 : memref<128x32xf32, #tpu.memory_space<vmem>>)
        %dma_start3A_184 = arith.constant 0 : i32
        %dma_start3A_185 = arith.constant 0 : i32
        %dma_start3A_186 = arith.constant 0 : i32
        %dma_start3A_187 = tpu.memref_slice %arg9[%dma_start3A_184, %dma_start3A_185, %dma_start3A_186] : memref<8x128x32xf32, #tpu.memory_space<vmem>> -> memref<1x128x32xf32, #tpu.memory_space<vmem>>
        %dma_start3A_188 = tpu.memref_squeeze %dma_start3A_187 : memref<1x128x32xf32, #tpu.memory_space<vmem>> -> memref<128x32xf32, #tpu.memory_space<vmem>>
        %dma_start3A_189 = arith.constant 0 : i32
        %dma_start3A_190 = tpu.memref_slice %arg8[%add3A_172, %dma_start3A_189] : memref<80x128xi32, #tpu.memory_space<vmem>> -> memref<1x128xi32, #tpu.memory_space<vmem>>
        %dma_start3A_191 = tpu.memref_squeeze %dma_start3A_190 : memref<1x128xi32, #tpu.memory_space<vmem>> -> memref<128xi32, #tpu.memory_space<vmem>>
        %dma_start3A_192 = arith.constant 0 : i32
        %dma_start3A_193 = arith.constant 0 : i32
        %dma_start3A_194 = tpu.memref_slice %arg11[%dma_start3A_192, %dma_start3A_193] : memref<10112x32xf32, #tpu.memory_space<vmem_shared>> -> memref<10112x32xf32, #tpu.memory_space<vmem_shared>>
        tpu.enqueue_indirect_dma source(%dma_start3A_188 : memref<128x32xf32, #tpu.memory_space<vmem>>) target(%dma_start3A_194 : memref<10112x32xf32, #tpu.memory_space<vmem_shared>>) offsets(%dma_start3A_191 : memref<128xi32, #tpu.memory_space<vmem>>) semaphore(%arg20 : memref<!tpu.dma_semaphore, #tpu.memory_space<semaphore_mem>>) {add = true}
        %add3A_195 = arith.constant 4 : i32
        %add3A_196 = arith.addi %add3A_172, %add3A_195 : i32
        %lt3A = arith.constant 80 : i32
        %lt3A_197 = arith.cmpi slt, %add3A_196, %lt3A : i32
        %convert_element_type3A = arith.extui %lt3A_197 : i1 to i32
        %cond3A = arith.constant 0 : i32
        %cond3A_198 = arith.cmpi ne, %convert_element_type3A, %cond3A : i32
        scf.if %cond3A_198 {
          %ge3A = arith.constant 4 : i32
          %ge3A_430 = arith.cmpi sge, %add3A_172, %ge3A : i32
          %convert_element_type3A_431 = arith.extui %ge3A_430 : i1 to i32
          %cond3A_432 = arith.constant 0 : i32
          %cond3A_433 = arith.cmpi ne, %convert_element_type3A_431, %cond3A_432 : i32
          scf.if %cond3A_433 {
            %dma_wait3A_447 = arith.constant 4 : i32
            %dma_wait3A_448 = arith.constant 0 : i32
            %dma_wait3A_449 = arith.constant 0 : i32
            %dma_wait3A_450 = arith.constant 0 : i32
            %dma_wait3A_451 = tpu.memref_slice %arg9[%dma_wait3A_447, %dma_wait3A_449, %dma_wait3A_450] : memref<8x128x32xf32, #tpu.memory_space<vmem>> -> memref<1x128x32xf32, #tpu.memory_space<vmem>>
            %dma_wait3A_452 = tpu.memref_squeeze %dma_wait3A_451 : memref<1x128x32xf32, #tpu.memory_space<vmem>> -> memref<128x32xf32, #tpu.memory_space<vmem>>
            %dma_wait3A_453 = arith.constant 0 : i32
            %dma_wait3A_454 = tpu.memref_slice %arg8[%dma_wait3A_448, %dma_wait3A_453] : memref<80x128xi32, #tpu.memory_space<vmem>> -> memref<1x128xi32, #tpu.memory_space<vmem>>
            %dma_wait3A_455 = tpu.memref_squeeze %dma_wait3A_454 : memref<1x128xi32, #tpu.memory_space<vmem>> -> memref<128xi32, #tpu.memory_space<vmem>>
            %dma_wait3A_456 = arith.constant 0 : i32
            %dma_wait3A_457 = arith.constant 0 : i32
            %dma_wait3A_458 = tpu.memref_slice %arg11[%dma_wait3A_456, %dma_wait3A_457] : memref<10112x32xf32, #tpu.memory_space<vmem_shared>> -> memref<10112x32xf32, #tpu.memory_space<vmem_shared>>
            tpu.wait_indirect_dma semaphore(%arg24 : memref<!tpu.dma_semaphore, #tpu.memory_space<semaphore_mem>>) src(%dma_wait3A_452 : memref<128x32xf32, #tpu.memory_space<vmem>>) dst(%dma_wait3A_458 : memref<10112x32xf32, #tpu.memory_space<vmem_shared>>)
          } else {
          }
          %add3A_434 = arith.constant 4 : i32
          %add3A_435 = arith.addi %add3A_172, %add3A_434 : i32
          %dma_start3A_436 = arith.constant 4 : i32
          %dma_start3A_437 = arith.constant 0 : i32
          %dma_start3A_438 = arith.constant 0 : i32
          %dma_start3A_439 = tpu.memref_slice %arg9[%dma_start3A_436, %dma_start3A_437, %dma_start3A_438] : memref<8x128x32xf32, #tpu.memory_space<vmem>> -> memref<1x128x32xf32, #tpu.memory_space<vmem>>
          %dma_start3A_440 = tpu.memref_squeeze %dma_start3A_439 : memref<1x128x32xf32, #tpu.memory_space<vmem>> -> memref<128x32xf32, #tpu.memory_space<vmem>>
          %dma_start3A_441 = arith.constant 0 : i32
          %dma_start3A_442 = tpu.memref_slice %arg7[%add3A_435, %dma_start3A_441] : memref<80x128xi32, #tpu.memory_space<vmem>> -> memref<1x128xi32, #tpu.memory_space<vmem>>
          %dma_start3A_443 = tpu.memref_squeeze %dma_start3A_442 : memref<1x128xi32, #tpu.memory_space<vmem>> -> memref<128xi32, #tpu.memory_space<vmem>>
          %dma_start3A_444 = arith.constant 0 : i32
          %dma_start3A_445 = arith.constant 0 : i32
          %dma_start3A_446 = tpu.memref_slice %arg10[%dma_start3A_444, %dma_start3A_445] : memref<10112x32xf32, #tpu.memory_space<vmem_shared>> -> memref<10112x32xf32, #tpu.memory_space<vmem_shared>>
          tpu.enqueue_indirect_dma source(%dma_start3A_446 : memref<10112x32xf32, #tpu.memory_space<vmem_shared>>) target(%dma_start3A_440 : memref<128x32xf32, #tpu.memory_space<vmem>>) offsets(%dma_start3A_443 : memref<128xi32, #tpu.memory_space<vmem>>) semaphore(%arg16 : memref<!tpu.dma_semaphore, #tpu.memory_space<semaphore_mem>>)
        } else {
        }
        %mul3A_199 = arith.constant 8 : i32
        %mul3A_200 = arith.muli %scan3A_168, %mul3A_199 : i32
        %add3A_201 = arith.constant 1 : i32
        %add3A_202 = arith.addi %mul3A_200, %add3A_201 : i32
        %dma_wait3A_203 = arith.constant 1 : i32
        %dma_wait3A_204 = arith.constant 0 : i32
        %dma_wait3A_205 = arith.constant 0 : i32
        %dma_wait3A_206 = tpu.memref_slice %arg9[%dma_wait3A_203, %dma_wait3A_204, %dma_wait3A_205] : memref<8x128x32xf32, #tpu.memory_space<vmem>> -> memref<1x128x32xf32, #tpu.memory_space<vmem>>
        %dma_wait3A_207 = tpu.memref_squeeze %dma_wait3A_206 : memref<1x128x32xf32, #tpu.memory_space<vmem>> -> memref<128x32xf32, #tpu.memory_space<vmem>>
        %dma_wait3A_208 = arith.constant 0 : i32
        %dma_wait3A_209 = tpu.memref_slice %arg7[%add3A_202, %dma_wait3A_208] : memref<80x128xi32, #tpu.memory_space<vmem>> -> memref<1x128xi32, #tpu.memory_space<vmem>>
        %dma_wait3A_210 = tpu.memref_squeeze %dma_wait3A_209 : memref<1x128xi32, #tpu.memory_space<vmem>> -> memref<128xi32, #tpu.memory_space<vmem>>
        %dma_wait3A_211 = arith.constant 0 : i32
        %dma_wait3A_212 = arith.constant 0 : i32
        %dma_wait3A_213 = tpu.memref_slice %arg10[%dma_wait3A_211, %dma_wait3A_212] : memref<10112x32xf32, #tpu.memory_space<vmem_shared>> -> memref<10112x32xf32, #tpu.memory_space<vmem_shared>>
        tpu.wait_indirect_dma semaphore(%arg13 : memref<!tpu.dma_semaphore, #tpu.memory_space<semaphore_mem>>) src(%dma_wait3A_213 : memref<10112x32xf32, #tpu.memory_space<vmem_shared>>) dst(%dma_wait3A_207 : memref<128x32xf32, #tpu.memory_space<vmem>>)
        %dma_start3A_214 = arith.constant 1 : i32
        %dma_start3A_215 = arith.constant 0 : i32
        %dma_start3A_216 = arith.constant 0 : i32
        %dma_start3A_217 = tpu.memref_slice %arg9[%dma_start3A_214, %dma_start3A_215, %dma_start3A_216] : memref<8x128x32xf32, #tpu.memory_space<vmem>> -> memref<1x128x32xf32, #tpu.memory_space<vmem>>
        %dma_start3A_218 = tpu.memref_squeeze %dma_start3A_217 : memref<1x128x32xf32, #tpu.memory_space<vmem>> -> memref<128x32xf32, #tpu.memory_space<vmem>>
        %dma_start3A_219 = arith.constant 0 : i32
        %dma_start3A_220 = tpu.memref_slice %arg8[%add3A_202, %dma_start3A_219] : memref<80x128xi32, #tpu.memory_space<vmem>> -> memref<1x128xi32, #tpu.memory_space<vmem>>
        %dma_start3A_221 = tpu.memref_squeeze %dma_start3A_220 : memref<1x128xi32, #tpu.memory_space<vmem>> -> memref<128xi32, #tpu.memory_space<vmem>>
        %dma_start3A_222 = arith.constant 0 : i32
        %dma_start3A_223 = arith.constant 0 : i32
        %dma_start3A_224 = tpu.memref_slice %arg11[%dma_start3A_222, %dma_start3A_223] : memref<10112x32xf32, #tpu.memory_space<vmem_shared>> -> memref<10112x32xf32, #tpu.memory_space<vmem_shared>>
        tpu.enqueue_indirect_dma source(%dma_start3A_218 : memref<128x32xf32, #tpu.memory_space<vmem>>) target(%dma_start3A_224 : memref<10112x32xf32, #tpu.memory_space<vmem_shared>>) offsets(%dma_start3A_221 : memref<128xi32, #tpu.memory_space<vmem>>) semaphore(%arg21 : memref<!tpu.dma_semaphore, #tpu.memory_space<semaphore_mem>>) {add = true}
        %add3A_225 = arith.constant 4 : i32
        %add3A_226 = arith.addi %add3A_202, %add3A_225 : i32
        %lt3A_227 = arith.constant 80 : i32
        %lt3A_228 = arith.cmpi slt, %add3A_226, %lt3A_227 : i32
        %convert_element_type3A_229 = arith.extui %lt3A_228 : i1 to i32
        %cond3A_230 = arith.constant 0 : i32
        %cond3A_231 = arith.cmpi ne, %convert_element_type3A_229, %cond3A_230 : i32
        scf.if %cond3A_231 {
          %ge3A = arith.constant 4 : i32
          %ge3A_430 = arith.cmpi sge, %add3A_202, %ge3A : i32
          %convert_element_type3A_431 = arith.extui %ge3A_430 : i1 to i32
          %cond3A_432 = arith.constant 0 : i32
          %cond3A_433 = arith.cmpi ne, %convert_element_type3A_431, %cond3A_432 : i32
          scf.if %cond3A_433 {
            %dma_wait3A_447 = arith.constant 5 : i32
            %dma_wait3A_448 = arith.constant 0 : i32
            %dma_wait3A_449 = arith.constant 0 : i32
            %dma_wait3A_450 = arith.constant 0 : i32
            %dma_wait3A_451 = tpu.memref_slice %arg9[%dma_wait3A_447, %dma_wait3A_449, %dma_wait3A_450] : memref<8x128x32xf32, #tpu.memory_space<vmem>> -> memref<1x128x32xf32, #tpu.memory_space<vmem>>
            %dma_wait3A_452 = tpu.memref_squeeze %dma_wait3A_451 : memref<1x128x32xf32, #tpu.memory_space<vmem>> -> memref<128x32xf32, #tpu.memory_space<vmem>>
            %dma_wait3A_453 = arith.constant 0 : i32
            %dma_wait3A_454 = tpu.memref_slice %arg8[%dma_wait3A_448, %dma_wait3A_453] : memref<80x128xi32, #tpu.memory_space<vmem>> -> memref<1x128xi32, #tpu.memory_space<vmem>>
            %dma_wait3A_455 = tpu.memref_squeeze %dma_wait3A_454 : memref<1x128xi32, #tpu.memory_space<vmem>> -> memref<128xi32, #tpu.memory_space<vmem>>
            %dma_wait3A_456 = arith.constant 0 : i32
            %dma_wait3A_457 = arith.constant 0 : i32
            %dma_wait3A_458 = tpu.memref_slice %arg11[%dma_wait3A_456, %dma_wait3A_457] : memref<10112x32xf32, #tpu.memory_space<vmem_shared>> -> memref<10112x32xf32, #tpu.memory_space<vmem_shared>>
            tpu.wait_indirect_dma semaphore(%arg25 : memref<!tpu.dma_semaphore, #tpu.memory_space<semaphore_mem>>) src(%dma_wait3A_452 : memref<128x32xf32, #tpu.memory_space<vmem>>) dst(%dma_wait3A_458 : memref<10112x32xf32, #tpu.memory_space<vmem_shared>>)
          } else {
          }
          %add3A_434 = arith.constant 4 : i32
          %add3A_435 = arith.addi %add3A_202, %add3A_434 : i32
          %dma_start3A_436 = arith.constant 5 : i32
          %dma_start3A_437 = arith.constant 0 : i32
          %dma_start3A_438 = arith.constant 0 : i32
          %dma_start3A_439 = tpu.memref_slice %arg9[%dma_start3A_436, %dma_start3A_437, %dma_start3A_438] : memref<8x128x32xf32, #tpu.memory_space<vmem>> -> memref<1x128x32xf32, #tpu.memory_space<vmem>>
          %dma_start3A_440 = tpu.memref_squeeze %dma_start3A_439 : memref<1x128x32xf32, #tpu.memory_space<vmem>> -> memref<128x32xf32, #tpu.memory_space<vmem>>
          %dma_start3A_441 = arith.constant 0 : i32
          %dma_start3A_442 = tpu.memref_slice %arg7[%add3A_435, %dma_start3A_441] : memref<80x128xi32, #tpu.memory_space<vmem>> -> memref<1x128xi32, #tpu.memory_space<vmem>>
          %dma_start3A_443 = tpu.memref_squeeze %dma_start3A_442 : memref<1x128xi32, #tpu.memory_space<vmem>> -> memref<128xi32, #tpu.memory_space<vmem>>
          %dma_start3A_444 = arith.constant 0 : i32
          %dma_start3A_445 = arith.constant 0 : i32
          %dma_start3A_446 = tpu.memref_slice %arg10[%dma_start3A_444, %dma_start3A_445] : memref<10112x32xf32, #tpu.memory_space<vmem_shared>> -> memref<10112x32xf32, #tpu.memory_space<vmem_shared>>
          tpu.enqueue_indirect_dma source(%dma_start3A_446 : memref<10112x32xf32, #tpu.memory_space<vmem_shared>>) target(%dma_start3A_440 : memref<128x32xf32, #tpu.memory_space<vmem>>) offsets(%dma_start3A_443 : memref<128xi32, #tpu.memory_space<vmem>>) semaphore(%arg17 : memref<!tpu.dma_semaphore, #tpu.memory_space<semaphore_mem>>)
        } else {
        }
        %mul3A_232 = arith.constant 8 : i32
        %mul3A_233 = arith.muli %scan3A_168, %mul3A_232 : i32
        %add3A_234 = arith.constant 2 : i32
        %add3A_235 = arith.addi %mul3A_233, %add3A_234 : i32
        %dma_wait3A_236 = arith.constant 2 : i32
        %dma_wait3A_237 = arith.constant 0 : i32
        %dma_wait3A_238 = arith.constant 0 : i32
        %dma_wait3A_239 = tpu.memref_slice %arg9[%dma_wait3A_236, %dma_wait3A_237, %dma_wait3A_238] : memref<8x128x32xf32, #tpu.memory_space<vmem>> -> memref<1x128x32xf32, #tpu.memory_space<vmem>>
        %dma_wait3A_240 = tpu.memref_squeeze %dma_wait3A_239 : memref<1x128x32xf32, #tpu.memory_space<vmem>> -> memref<128x32xf32, #tpu.memory_space<vmem>>
        %dma_wait3A_241 = arith.constant 0 : i32
        %dma_wait3A_242 = tpu.memref_slice %arg7[%add3A_235, %dma_wait3A_241] : memref<80x128xi32, #tpu.memory_space<vmem>> -> memref<1x128xi32, #tpu.memory_space<vmem>>
        %dma_wait3A_243 = tpu.memref_squeeze %dma_wait3A_242 : memref<1x128xi32, #tpu.memory_space<vmem>> -> memref<128xi32, #tpu.memory_space<vmem>>
        %dma_wait3A_244 = arith.constant 0 : i32
        %dma_wait3A_245 = arith.constant 0 : i32
        %dma_wait3A_246 = tpu.memref_slice %arg10[%dma_wait3A_244, %dma_wait3A_245] : memref<10112x32xf32, #tpu.memory_space<vmem_shared>> -> memref<10112x32xf32, #tpu.memory_space<vmem_shared>>
        tpu.wait_indirect_dma semaphore(%arg14 : memref<!tpu.dma_semaphore, #tpu.memory_space<semaphore_mem>>) src(%dma_wait3A_246 : memref<10112x32xf32, #tpu.memory_space<vmem_shared>>) dst(%dma_wait3A_240 : memref<128x32xf32, #tpu.memory_space<vmem>>)
        %dma_start3A_247 = arith.constant 2 : i32
        %dma_start3A_248 = arith.constant 0 : i32
        %dma_start3A_249 = arith.constant 0 : i32
        %dma_start3A_250 = tpu.memref_slice %arg9[%dma_start3A_247, %dma_start3A_248, %dma_start3A_249] : memref<8x128x32xf32, #tpu.memory_space<vmem>> -> memref<1x128x32xf32, #tpu.memory_space<vmem>>
        %dma_start3A_251 = tpu.memref_squeeze %dma_start3A_250 : memref<1x128x32xf32, #tpu.memory_space<vmem>> -> memref<128x32xf32, #tpu.memory_space<vmem>>
        %dma_start3A_252 = arith.constant 0 : i32
        %dma_start3A_253 = tpu.memref_slice %arg8[%add3A_235, %dma_start3A_252] : memref<80x128xi32, #tpu.memory_space<vmem>> -> memref<1x128xi32, #tpu.memory_space<vmem>>
        %dma_start3A_254 = tpu.memref_squeeze %dma_start3A_253 : memref<1x128xi32, #tpu.memory_space<vmem>> -> memref<128xi32, #tpu.memory_space<vmem>>
        %dma_start3A_255 = arith.constant 0 : i32
        %dma_start3A_256 = arith.constant 0 : i32
        %dma_start3A_257 = tpu.memref_slice %arg11[%dma_start3A_255, %dma_start3A_256] : memref<10112x32xf32, #tpu.memory_space<vmem_shared>> -> memref<10112x32xf32, #tpu.memory_space<vmem_shared>>
        tpu.enqueue_indirect_dma source(%dma_start3A_251 : memref<128x32xf32, #tpu.memory_space<vmem>>) target(%dma_start3A_257 : memref<10112x32xf32, #tpu.memory_space<vmem_shared>>) offsets(%dma_start3A_254 : memref<128xi32, #tpu.memory_space<vmem>>) semaphore(%arg22 : memref<!tpu.dma_semaphore, #tpu.memory_space<semaphore_mem>>) {add = true}
        %add3A_258 = arith.constant 4 : i32
        %add3A_259 = arith.addi %add3A_235, %add3A_258 : i32
        %lt3A_260 = arith.constant 80 : i32
        %lt3A_261 = arith.cmpi slt, %add3A_259, %lt3A_260 : i32
        %convert_element_type3A_262 = arith.extui %lt3A_261 : i1 to i32
        %cond3A_263 = arith.constant 0 : i32
        %cond3A_264 = arith.cmpi ne, %convert_element_type3A_262, %cond3A_263 : i32
        scf.if %cond3A_264 {
          %ge3A = arith.constant 4 : i32
          %ge3A_430 = arith.cmpi sge, %add3A_235, %ge3A : i32
          %convert_element_type3A_431 = arith.extui %ge3A_430 : i1 to i32
          %cond3A_432 = arith.constant 0 : i32
          %cond3A_433 = arith.cmpi ne, %convert_element_type3A_431, %cond3A_432 : i32
          scf.if %cond3A_433 {
            %dma_wait3A_447 = arith.constant 6 : i32
            %dma_wait3A_448 = arith.constant 0 : i32
            %dma_wait3A_449 = arith.constant 0 : i32
            %dma_wait3A_450 = arith.constant 0 : i32
            %dma_wait3A_451 = tpu.memref_slice %arg9[%dma_wait3A_447, %dma_wait3A_449, %dma_wait3A_450] : memref<8x128x32xf32, #tpu.memory_space<vmem>> -> memref<1x128x32xf32, #tpu.memory_space<vmem>>
            %dma_wait3A_452 = tpu.memref_squeeze %dma_wait3A_451 : memref<1x128x32xf32, #tpu.memory_space<vmem>> -> memref<128x32xf32, #tpu.memory_space<vmem>>
            %dma_wait3A_453 = arith.constant 0 : i32
            %dma_wait3A_454 = tpu.memref_slice %arg8[%dma_wait3A_448, %dma_wait3A_453] : memref<80x128xi32, #tpu.memory_space<vmem>> -> memref<1x128xi32, #tpu.memory_space<vmem>>
            %dma_wait3A_455 = tpu.memref_squeeze %dma_wait3A_454 : memref<1x128xi32, #tpu.memory_space<vmem>> -> memref<128xi32, #tpu.memory_space<vmem>>
            %dma_wait3A_456 = arith.constant 0 : i32
            %dma_wait3A_457 = arith.constant 0 : i32
            %dma_wait3A_458 = tpu.memref_slice %arg11[%dma_wait3A_456, %dma_wait3A_457] : memref<10112x32xf32, #tpu.memory_space<vmem_shared>> -> memref<10112x32xf32, #tpu.memory_space<vmem_shared>>
            tpu.wait_indirect_dma semaphore(%arg26 : memref<!tpu.dma_semaphore, #tpu.memory_space<semaphore_mem>>) src(%dma_wait3A_452 : memref<128x32xf32, #tpu.memory_space<vmem>>) dst(%dma_wait3A_458 : memref<10112x32xf32, #tpu.memory_space<vmem_shared>>)
          } else {
          }
          %add3A_434 = arith.constant 4 : i32
          %add3A_435 = arith.addi %add3A_235, %add3A_434 : i32
          %dma_start3A_436 = arith.constant 6 : i32
          %dma_start3A_437 = arith.constant 0 : i32
          %dma_start3A_438 = arith.constant 0 : i32
          %dma_start3A_439 = tpu.memref_slice %arg9[%dma_start3A_436, %dma_start3A_437, %dma_start3A_438] : memref<8x128x32xf32, #tpu.memory_space<vmem>> -> memref<1x128x32xf32, #tpu.memory_space<vmem>>
          %dma_start3A_440 = tpu.memref_squeeze %dma_start3A_439 : memref<1x128x32xf32, #tpu.memory_space<vmem>> -> memref<128x32xf32, #tpu.memory_space<vmem>>
          %dma_start3A_441 = arith.constant 0 : i32
          %dma_start3A_442 = tpu.memref_slice %arg7[%add3A_435, %dma_start3A_441] : memref<80x128xi32, #tpu.memory_space<vmem>> -> memref<1x128xi32, #tpu.memory_space<vmem>>
          %dma_start3A_443 = tpu.memref_squeeze %dma_start3A_442 : memref<1x128xi32, #tpu.memory_space<vmem>> -> memref<128xi32, #tpu.memory_space<vmem>>
          %dma_start3A_444 = arith.constant 0 : i32
          %dma_start3A_445 = arith.constant 0 : i32
          %dma_start3A_446 = tpu.memref_slice %arg10[%dma_start3A_444, %dma_start3A_445] : memref<10112x32xf32, #tpu.memory_space<vmem_shared>> -> memref<10112x32xf32, #tpu.memory_space<vmem_shared>>
          tpu.enqueue_indirect_dma source(%dma_start3A_446 : memref<10112x32xf32, #tpu.memory_space<vmem_shared>>) target(%dma_start3A_440 : memref<128x32xf32, #tpu.memory_space<vmem>>) offsets(%dma_start3A_443 : memref<128xi32, #tpu.memory_space<vmem>>) semaphore(%arg18 : memref<!tpu.dma_semaphore, #tpu.memory_space<semaphore_mem>>)
        } else {
        }
        %mul3A_265 = arith.constant 8 : i32
        %mul3A_266 = arith.muli %scan3A_168, %mul3A_265 : i32
        %add3A_267 = arith.constant 3 : i32
        %add3A_268 = arith.addi %mul3A_266, %add3A_267 : i32
        %dma_wait3A_269 = arith.constant 3 : i32
        %dma_wait3A_270 = arith.constant 0 : i32
        %dma_wait3A_271 = arith.constant 0 : i32
        %dma_wait3A_272 = tpu.memref_slice %arg9[%dma_wait3A_269, %dma_wait3A_270, %dma_wait3A_271] : memref<8x128x32xf32, #tpu.memory_space<vmem>> -> memref<1x128x32xf32, #tpu.memory_space<vmem>>
        %dma_wait3A_273 = tpu.memref_squeeze %dma_wait3A_272 : memref<1x128x32xf32, #tpu.memory_space<vmem>> -> memref<128x32xf32, #tpu.memory_space<vmem>>
        %dma_wait3A_274 = arith.constant 0 : i32
        %dma_wait3A_275 = tpu.memref_slice %arg7[%add3A_268, %dma_wait3A_274] : memref<80x128xi32, #tpu.memory_space<vmem>> -> memref<1x128xi32, #tpu.memory_space<vmem>>
        %dma_wait3A_276 = tpu.memref_squeeze %dma_wait3A_275 : memref<1x128xi32, #tpu.memory_space<vmem>> -> memref<128xi32, #tpu.memory_space<vmem>>
        %dma_wait3A_277 = arith.constant 0 : i32
        %dma_wait3A_278 = arith.constant 0 : i32
        %dma_wait3A_279 = tpu.memref_slice %arg10[%dma_wait3A_277, %dma_wait3A_278] : memref<10112x32xf32, #tpu.memory_space<vmem_shared>> -> memref<10112x32xf32, #tpu.memory_space<vmem_shared>>
        tpu.wait_indirect_dma semaphore(%arg15 : memref<!tpu.dma_semaphore, #tpu.memory_space<semaphore_mem>>) src(%dma_wait3A_279 : memref<10112x32xf32, #tpu.memory_space<vmem_shared>>) dst(%dma_wait3A_273 : memref<128x32xf32, #tpu.memory_space<vmem>>)
        %dma_start3A_280 = arith.constant 3 : i32
        %dma_start3A_281 = arith.constant 0 : i32
        %dma_start3A_282 = arith.constant 0 : i32
        %dma_start3A_283 = tpu.memref_slice %arg9[%dma_start3A_280, %dma_start3A_281, %dma_start3A_282] : memref<8x128x32xf32, #tpu.memory_space<vmem>> -> memref<1x128x32xf32, #tpu.memory_space<vmem>>
        %dma_start3A_284 = tpu.memref_squeeze %dma_start3A_283 : memref<1x128x32xf32, #tpu.memory_space<vmem>> -> memref<128x32xf32, #tpu.memory_space<vmem>>
        %dma_start3A_285 = arith.constant 0 : i32
        %dma_start3A_286 = tpu.memref_slice %arg8[%add3A_268, %dma_start3A_285] : memref<80x128xi32, #tpu.memory_space<vmem>> -> memref<1x128xi32, #tpu.memory_space<vmem>>
        %dma_start3A_287 = tpu.memref_squeeze %dma_start3A_286 : memref<1x128xi32, #tpu.memory_space<vmem>> -> memref<128xi32, #tpu.memory_space<vmem>>
        %dma_start3A_288 = arith.constant 0 : i32
        %dma_start3A_289 = arith.constant 0 : i32
        %dma_start3A_290 = tpu.memref_slice %arg11[%dma_start3A_288, %dma_start3A_289] : memref<10112x32xf32, #tpu.memory_space<vmem_shared>> -> memref<10112x32xf32, #tpu.memory_space<vmem_shared>>
        tpu.enqueue_indirect_dma source(%dma_start3A_284 : memref<128x32xf32, #tpu.memory_space<vmem>>) target(%dma_start3A_290 : memref<10112x32xf32, #tpu.memory_space<vmem_shared>>) offsets(%dma_start3A_287 : memref<128xi32, #tpu.memory_space<vmem>>) semaphore(%arg23 : memref<!tpu.dma_semaphore, #tpu.memory_space<semaphore_mem>>) {add = true}
        %add3A_291 = arith.constant 4 : i32
        %add3A_292 = arith.addi %add3A_268, %add3A_291 : i32
        %lt3A_293 = arith.constant 80 : i32
        %lt3A_294 = arith.cmpi slt, %add3A_292, %lt3A_293 : i32
        %convert_element_type3A_295 = arith.extui %lt3A_294 : i1 to i32
        %cond3A_296 = arith.constant 0 : i32
        %cond3A_297 = arith.cmpi ne, %convert_element_type3A_295, %cond3A_296 : i32
        scf.if %cond3A_297 {
          %ge3A = arith.constant 4 : i32
          %ge3A_430 = arith.cmpi sge, %add3A_268, %ge3A : i32
          %convert_element_type3A_431 = arith.extui %ge3A_430 : i1 to i32
          %cond3A_432 = arith.constant 0 : i32
          %cond3A_433 = arith.cmpi ne, %convert_element_type3A_431, %cond3A_432 : i32
          scf.if %cond3A_433 {
            %dma_wait3A_447 = arith.constant 7 : i32
            %dma_wait3A_448 = arith.constant 0 : i32
            %dma_wait3A_449 = arith.constant 0 : i32
            %dma_wait3A_450 = arith.constant 0 : i32
            %dma_wait3A_451 = tpu.memref_slice %arg9[%dma_wait3A_447, %dma_wait3A_449, %dma_wait3A_450] : memref<8x128x32xf32, #tpu.memory_space<vmem>> -> memref<1x128x32xf32, #tpu.memory_space<vmem>>
            %dma_wait3A_452 = tpu.memref_squeeze %dma_wait3A_451 : memref<1x128x32xf32, #tpu.memory_space<vmem>> -> memref<128x32xf32, #tpu.memory_space<vmem>>
            %dma_wait3A_453 = arith.constant 0 : i32
            %dma_wait3A_454 = tpu.memref_slice %arg8[%dma_wait3A_448, %dma_wait3A_453] : memref<80x128xi32, #tpu.memory_space<vmem>> -> memref<1x128xi32, #tpu.memory_space<vmem>>
            %dma_wait3A_455 = tpu.memref_squeeze %dma_wait3A_454 : memref<1x128xi32, #tpu.memory_space<vmem>> -> memref<128xi32, #tpu.memory_space<vmem>>
            %dma_wait3A_456 = arith.constant 0 : i32
            %dma_wait3A_457 = arith.constant 0 : i32
            %dma_wait3A_458 = tpu.memref_slice %arg11[%dma_wait3A_456, %dma_wait3A_457] : memref<10112x32xf32, #tpu.memory_space<vmem_shared>> -> memref<10112x32xf32, #tpu.memory_space<vmem_shared>>
            tpu.wait_indirect_dma semaphore(%arg27 : memref<!tpu.dma_semaphore, #tpu.memory_space<semaphore_mem>>) src(%dma_wait3A_452 : memref<128x32xf32, #tpu.memory_space<vmem>>) dst(%dma_wait3A_458 : memref<10112x32xf32, #tpu.memory_space<vmem_shared>>)
          } else {
          }
          %add3A_434 = arith.constant 4 : i32
          %add3A_435 = arith.addi %add3A_268, %add3A_434 : i32
          %dma_start3A_436 = arith.constant 7 : i32
          %dma_start3A_437 = arith.constant 0 : i32
          %dma_start3A_438 = arith.constant 0 : i32
          %dma_start3A_439 = tpu.memref_slice %arg9[%dma_start3A_436, %dma_start3A_437, %dma_start3A_438] : memref<8x128x32xf32, #tpu.memory_space<vmem>> -> memref<1x128x32xf32, #tpu.memory_space<vmem>>
          %dma_start3A_440 = tpu.memref_squeeze %dma_start3A_439 : memref<1x128x32xf32, #tpu.memory_space<vmem>> -> memref<128x32xf32, #tpu.memory_space<vmem>>
          %dma_start3A_441 = arith.constant 0 : i32
          %dma_start3A_442 = tpu.memref_slice %arg7[%add3A_435, %dma_start3A_441] : memref<80x128xi32, #tpu.memory_space<vmem>> -> memref<1x128xi32, #tpu.memory_space<vmem>>
          %dma_start3A_443 = tpu.memref_squeeze %dma_start3A_442 : memref<1x128xi32, #tpu.memory_space<vmem>> -> memref<128xi32, #tpu.memory_space<vmem>>
          %dma_start3A_444 = arith.constant 0 : i32
          %dma_start3A_445 = arith.constant 0 : i32
          %dma_start3A_446 = tpu.memref_slice %arg10[%dma_start3A_444, %dma_start3A_445] : memref<10112x32xf32, #tpu.memory_space<vmem_shared>> -> memref<10112x32xf32, #tpu.memory_space<vmem_shared>>
          tpu.enqueue_indirect_dma source(%dma_start3A_446 : memref<10112x32xf32, #tpu.memory_space<vmem_shared>>) target(%dma_start3A_440 : memref<128x32xf32, #tpu.memory_space<vmem>>) offsets(%dma_start3A_443 : memref<128xi32, #tpu.memory_space<vmem>>) semaphore(%arg19 : memref<!tpu.dma_semaphore, #tpu.memory_space<semaphore_mem>>)
        } else {
        }
        %mul3A_298 = arith.constant 8 : i32
        %mul3A_299 = arith.muli %scan3A_168, %mul3A_298 : i32
        %add3A_300 = arith.constant 4 : i32
        %add3A_301 = arith.addi %mul3A_299, %add3A_300 : i32
        %dma_wait3A_302 = arith.constant 4 : i32
        %dma_wait3A_303 = arith.constant 0 : i32
        %dma_wait3A_304 = arith.constant 0 : i32
        %dma_wait3A_305 = tpu.memref_slice %arg9[%dma_wait3A_302, %dma_wait3A_303, %dma_wait3A_304] : memref<8x128x32xf32, #tpu.memory_space<vmem>> -> memref<1x128x32xf32, #tpu.memory_space<vmem>>
        %dma_wait3A_306 = tpu.memref_squeeze %dma_wait3A_305 : memref<1x128x32xf32, #tpu.memory_space<vmem>> -> memref<128x32xf32, #tpu.memory_space<vmem>>
        %dma_wait3A_307 = arith.constant 0 : i32
        %dma_wait3A_308 = tpu.memref_slice %arg7[%add3A_301, %dma_wait3A_307] : memref<80x128xi32, #tpu.memory_space<vmem>> -> memref<1x128xi32, #tpu.memory_space<vmem>>
        %dma_wait3A_309 = tpu.memref_squeeze %dma_wait3A_308 : memref<1x128xi32, #tpu.memory_space<vmem>> -> memref<128xi32, #tpu.memory_space<vmem>>
        %dma_wait3A_310 = arith.constant 0 : i32
        %dma_wait3A_311 = arith.constant 0 : i32
        %dma_wait3A_312 = tpu.memref_slice %arg10[%dma_wait3A_310, %dma_wait3A_311] : memref<10112x32xf32, #tpu.memory_space<vmem_shared>> -> memref<10112x32xf32, #tpu.memory_space<vmem_shared>>
        tpu.wait_indirect_dma semaphore(%arg16 : memref<!tpu.dma_semaphore, #tpu.memory_space<semaphore_mem>>) src(%dma_wait3A_312 : memref<10112x32xf32, #tpu.memory_space<vmem_shared>>) dst(%dma_wait3A_306 : memref<128x32xf32, #tpu.memory_space<vmem>>)
        %dma_start3A_313 = arith.constant 4 : i32
        %dma_start3A_314 = arith.constant 0 : i32
        %dma_start3A_315 = arith.constant 0 : i32
        %dma_start3A_316 = tpu.memref_slice %arg9[%dma_start3A_313, %dma_start3A_314, %dma_start3A_315] : memref<8x128x32xf32, #tpu.memory_space<vmem>> -> memref<1x128x32xf32, #tpu.memory_space<vmem>>
        %dma_start3A_317 = tpu.memref_squeeze %dma_start3A_316 : memref<1x128x32xf32, #tpu.memory_space<vmem>> -> memref<128x32xf32, #tpu.memory_space<vmem>>
        %dma_start3A_318 = arith.constant 0 : i32
        %dma_start3A_319 = tpu.memref_slice %arg8[%add3A_301, %dma_start3A_318] : memref<80x128xi32, #tpu.memory_space<vmem>> -> memref<1x128xi32, #tpu.memory_space<vmem>>
        %dma_start3A_320 = tpu.memref_squeeze %dma_start3A_319 : memref<1x128xi32, #tpu.memory_space<vmem>> -> memref<128xi32, #tpu.memory_space<vmem>>
        %dma_start3A_321 = arith.constant 0 : i32
        %dma_start3A_322 = arith.constant 0 : i32
        %dma_start3A_323 = tpu.memref_slice %arg11[%dma_start3A_321, %dma_start3A_322] : memref<10112x32xf32, #tpu.memory_space<vmem_shared>> -> memref<10112x32xf32, #tpu.memory_space<vmem_shared>>
        tpu.enqueue_indirect_dma source(%dma_start3A_317 : memref<128x32xf32, #tpu.memory_space<vmem>>) target(%dma_start3A_323 : memref<10112x32xf32, #tpu.memory_space<vmem_shared>>) offsets(%dma_start3A_320 : memref<128xi32, #tpu.memory_space<vmem>>) semaphore(%arg24 : memref<!tpu.dma_semaphore, #tpu.memory_space<semaphore_mem>>) {add = true}
        %add3A_324 = arith.constant 4 : i32
        %add3A_325 = arith.addi %add3A_301, %add3A_324 : i32
        %lt3A_326 = arith.constant 80 : i32
        %lt3A_327 = arith.cmpi slt, %add3A_325, %lt3A_326 : i32
        %convert_element_type3A_328 = arith.extui %lt3A_327 : i1 to i32
        %cond3A_329 = arith.constant 0 : i32
        %cond3A_330 = arith.cmpi ne, %convert_element_type3A_328, %cond3A_329 : i32
        scf.if %cond3A_330 {
          %ge3A = arith.constant 4 : i32
          %ge3A_430 = arith.cmpi sge, %add3A_301, %ge3A : i32
          %convert_element_type3A_431 = arith.extui %ge3A_430 : i1 to i32
          %cond3A_432 = arith.constant 0 : i32
          %cond3A_433 = arith.cmpi ne, %convert_element_type3A_431, %cond3A_432 : i32
          scf.if %cond3A_433 {
            %dma_wait3A_447 = arith.constant 0 : i32
            %dma_wait3A_448 = arith.constant 0 : i32
            %dma_wait3A_449 = arith.constant 0 : i32
            %dma_wait3A_450 = arith.constant 0 : i32
            %dma_wait3A_451 = tpu.memref_slice %arg9[%dma_wait3A_447, %dma_wait3A_449, %dma_wait3A_450] : memref<8x128x32xf32, #tpu.memory_space<vmem>> -> memref<1x128x32xf32, #tpu.memory_space<vmem>>
            %dma_wait3A_452 = tpu.memref_squeeze %dma_wait3A_451 : memref<1x128x32xf32, #tpu.memory_space<vmem>> -> memref<128x32xf32, #tpu.memory_space<vmem>>
            %dma_wait3A_453 = arith.constant 0 : i32
            %dma_wait3A_454 = tpu.memref_slice %arg8[%dma_wait3A_448, %dma_wait3A_453] : memref<80x128xi32, #tpu.memory_space<vmem>> -> memref<1x128xi32, #tpu.memory_space<vmem>>
            %dma_wait3A_455 = tpu.memref_squeeze %dma_wait3A_454 : memref<1x128xi32, #tpu.memory_space<vmem>> -> memref<128xi32, #tpu.memory_space<vmem>>
            %dma_wait3A_456 = arith.constant 0 : i32
            %dma_wait3A_457 = arith.constant 0 : i32
            %dma_wait3A_458 = tpu.memref_slice %arg11[%dma_wait3A_456, %dma_wait3A_457] : memref<10112x32xf32, #tpu.memory_space<vmem_shared>> -> memref<10112x32xf32, #tpu.memory_space<vmem_shared>>
            tpu.wait_indirect_dma semaphore(%arg20 : memref<!tpu.dma_semaphore, #tpu.memory_space<semaphore_mem>>) src(%dma_wait3A_452 : memref<128x32xf32, #tpu.memory_space<vmem>>) dst(%dma_wait3A_458 : memref<10112x32xf32, #tpu.memory_space<vmem_shared>>)
          } else {
          }
          %add3A_434 = arith.constant 4 : i32
          %add3A_435 = arith.addi %add3A_301, %add3A_434 : i32
          %dma_start3A_436 = arith.constant 0 : i32
          %dma_start3A_437 = arith.constant 0 : i32
          %dma_start3A_438 = arith.constant 0 : i32
          %dma_start3A_439 = tpu.memref_slice %arg9[%dma_start3A_436, %dma_start3A_437, %dma_start3A_438] : memref<8x128x32xf32, #tpu.memory_space<vmem>> -> memref<1x128x32xf32, #tpu.memory_space<vmem>>
          %dma_start3A_440 = tpu.memref_squeeze %dma_start3A_439 : memref<1x128x32xf32, #tpu.memory_space<vmem>> -> memref<128x32xf32, #tpu.memory_space<vmem>>
          %dma_start3A_441 = arith.constant 0 : i32
          %dma_start3A_442 = tpu.memref_slice %arg7[%add3A_435, %dma_start3A_441] : memref<80x128xi32, #tpu.memory_space<vmem>> -> memref<1x128xi32, #tpu.memory_space<vmem>>
          %dma_start3A_443 = tpu.memref_squeeze %dma_start3A_442 : memref<1x128xi32, #tpu.memory_space<vmem>> -> memref<128xi32, #tpu.memory_space<vmem>>
          %dma_start3A_444 = arith.constant 0 : i32
          %dma_start3A_445 = arith.constant 0 : i32
          %dma_start3A_446 = tpu.memref_slice %arg10[%dma_start3A_444, %dma_start3A_445] : memref<10112x32xf32, #tpu.memory_space<vmem_shared>> -> memref<10112x32xf32, #tpu.memory_space<vmem_shared>>
          tpu.enqueue_indirect_dma source(%dma_start3A_446 : memref<10112x32xf32, #tpu.memory_space<vmem_shared>>) target(%dma_start3A_440 : memref<128x32xf32, #tpu.memory_space<vmem>>) offsets(%dma_start3A_443 : memref<128xi32, #tpu.memory_space<vmem>>) semaphore(%arg12 : memref<!tpu.dma_semaphore, #tpu.memory_space<semaphore_mem>>)
        } else {
        }
        %mul3A_331 = arith.constant 8 : i32
        %mul3A_332 = arith.muli %scan3A_168, %mul3A_331 : i32
        %add3A_333 = arith.constant 5 : i32
        %add3A_334 = arith.addi %mul3A_332, %add3A_333 : i32
        %dma_wait3A_335 = arith.constant 5 : i32
        %dma_wait3A_336 = arith.constant 0 : i32
        %dma_wait3A_337 = arith.constant 0 : i32
        %dma_wait3A_338 = tpu.memref_slice %arg9[%dma_wait3A_335, %dma_wait3A_336, %dma_wait3A_337] : memref<8x128x32xf32, #tpu.memory_space<vmem>> -> memref<1x128x32xf32, #tpu.memory_space<vmem>>
        %dma_wait3A_339 = tpu.memref_squeeze %dma_wait3A_338 : memref<1x128x32xf32, #tpu.memory_space<vmem>> -> memref<128x32xf32, #tpu.memory_space<vmem>>
        %dma_wait3A_340 = arith.constant 0 : i32
        %dma_wait3A_341 = tpu.memref_slice %arg7[%add3A_334, %dma_wait3A_340] : memref<80x128xi32, #tpu.memory_space<vmem>> -> memref<1x128xi32, #tpu.memory_space<vmem>>
        %dma_wait3A_342 = tpu.memref_squeeze %dma_wait3A_341 : memref<1x128xi32, #tpu.memory_space<vmem>> -> memref<128xi32, #tpu.memory_space<vmem>>
        %dma_wait3A_343 = arith.constant 0 : i32
        %dma_wait3A_344 = arith.constant 0 : i32
        %dma_wait3A_345 = tpu.memref_slice %arg10[%dma_wait3A_343, %dma_wait3A_344] : memref<10112x32xf32, #tpu.memory_space<vmem_shared>> -> memref<10112x32xf32, #tpu.memory_space<vmem_shared>>
        tpu.wait_indirect_dma semaphore(%arg17 : memref<!tpu.dma_semaphore, #tpu.memory_space<semaphore_mem>>) src(%dma_wait3A_345 : memref<10112x32xf32, #tpu.memory_space<vmem_shared>>) dst(%dma_wait3A_339 : memref<128x32xf32, #tpu.memory_space<vmem>>)
        %dma_start3A_346 = arith.constant 5 : i32
        %dma_start3A_347 = arith.constant 0 : i32
        %dma_start3A_348 = arith.constant 0 : i32
        %dma_start3A_349 = tpu.memref_slice %arg9[%dma_start3A_346, %dma_start3A_347, %dma_start3A_348] : memref<8x128x32xf32, #tpu.memory_space<vmem>> -> memref<1x128x32xf32, #tpu.memory_space<vmem>>
        %dma_start3A_350 = tpu.memref_squeeze %dma_start3A_349 : memref<1x128x32xf32, #tpu.memory_space<vmem>> -> memref<128x32xf32, #tpu.memory_space<vmem>>
        %dma_start3A_351 = arith.constant 0 : i32
        %dma_start3A_352 = tpu.memref_slice %arg8[%add3A_334, %dma_start3A_351] : memref<80x128xi32, #tpu.memory_space<vmem>> -> memref<1x128xi32, #tpu.memory_space<vmem>>
        %dma_start3A_353 = tpu.memref_squeeze %dma_start3A_352 : memref<1x128xi32, #tpu.memory_space<vmem>> -> memref<128xi32, #tpu.memory_space<vmem>>
        %dma_start3A_354 = arith.constant 0 : i32
        %dma_start3A_355 = arith.constant 0 : i32
        %dma_start3A_356 = tpu.memref_slice %arg11[%dma_start3A_354, %dma_start3A_355] : memref<10112x32xf32, #tpu.memory_space<vmem_shared>> -> memref<10112x32xf32, #tpu.memory_space<vmem_shared>>
        tpu.enqueue_indirect_dma source(%dma_start3A_350 : memref<128x32xf32, #tpu.memory_space<vmem>>) target(%dma_start3A_356 : memref<10112x32xf32, #tpu.memory_space<vmem_shared>>) offsets(%dma_start3A_353 : memref<128xi32, #tpu.memory_space<vmem>>) semaphore(%arg25 : memref<!tpu.dma_semaphore, #tpu.memory_space<semaphore_mem>>) {add = true}
        %add3A_357 = arith.constant 4 : i32
        %add3A_358 = arith.addi %add3A_334, %add3A_357 : i32
        %lt3A_359 = arith.constant 80 : i32
        %lt3A_360 = arith.cmpi slt, %add3A_358, %lt3A_359 : i32
        %convert_element_type3A_361 = arith.extui %lt3A_360 : i1 to i32
        %cond3A_362 = arith.constant 0 : i32
        %cond3A_363 = arith.cmpi ne, %convert_element_type3A_361, %cond3A_362 : i32
        scf.if %cond3A_363 {
          %ge3A = arith.constant 4 : i32
          %ge3A_430 = arith.cmpi sge, %add3A_334, %ge3A : i32
          %convert_element_type3A_431 = arith.extui %ge3A_430 : i1 to i32
          %cond3A_432 = arith.constant 0 : i32
          %cond3A_433 = arith.cmpi ne, %convert_element_type3A_431, %cond3A_432 : i32
          scf.if %cond3A_433 {
            %dma_wait3A_447 = arith.constant 1 : i32
            %dma_wait3A_448 = arith.constant 0 : i32
            %dma_wait3A_449 = arith.constant 0 : i32
            %dma_wait3A_450 = arith.constant 0 : i32
            %dma_wait3A_451 = tpu.memref_slice %arg9[%dma_wait3A_447, %dma_wait3A_449, %dma_wait3A_450] : memref<8x128x32xf32, #tpu.memory_space<vmem>> -> memref<1x128x32xf32, #tpu.memory_space<vmem>>
            %dma_wait3A_452 = tpu.memref_squeeze %dma_wait3A_451 : memref<1x128x32xf32, #tpu.memory_space<vmem>> -> memref<128x32xf32, #tpu.memory_space<vmem>>
            %dma_wait3A_453 = arith.constant 0 : i32
            %dma_wait3A_454 = tpu.memref_slice %arg8[%dma_wait3A_448, %dma_wait3A_453] : memref<80x128xi32, #tpu.memory_space<vmem>> -> memref<1x128xi32, #tpu.memory_space<vmem>>
            %dma_wait3A_455 = tpu.memref_squeeze %dma_wait3A_454 : memref<1x128xi32, #tpu.memory_space<vmem>> -> memref<128xi32, #tpu.memory_space<vmem>>
            %dma_wait3A_456 = arith.constant 0 : i32
            %dma_wait3A_457 = arith.constant 0 : i32
            %dma_wait3A_458 = tpu.memref_slice %arg11[%dma_wait3A_456, %dma_wait3A_457] : memref<10112x32xf32, #tpu.memory_space<vmem_shared>> -> memref<10112x32xf32, #tpu.memory_space<vmem_shared>>
            tpu.wait_indirect_dma semaphore(%arg21 : memref<!tpu.dma_semaphore, #tpu.memory_space<semaphore_mem>>) src(%dma_wait3A_452 : memref<128x32xf32, #tpu.memory_space<vmem>>) dst(%dma_wait3A_458 : memref<10112x32xf32, #tpu.memory_space<vmem_shared>>)
          } else {
          }
          %add3A_434 = arith.constant 4 : i32
          %add3A_435 = arith.addi %add3A_334, %add3A_434 : i32
          %dma_start3A_436 = arith.constant 1 : i32
          %dma_start3A_437 = arith.constant 0 : i32
          %dma_start3A_438 = arith.constant 0 : i32
          %dma_start3A_439 = tpu.memref_slice %arg9[%dma_start3A_436, %dma_start3A_437, %dma_start3A_438] : memref<8x128x32xf32, #tpu.memory_space<vmem>> -> memref<1x128x32xf32, #tpu.memory_space<vmem>>
          %dma_start3A_440 = tpu.memref_squeeze %dma_start3A_439 : memref<1x128x32xf32, #tpu.memory_space<vmem>> -> memref<128x32xf32, #tpu.memory_space<vmem>>
          %dma_start3A_441 = arith.constant 0 : i32
          %dma_start3A_442 = tpu.memref_slice %arg7[%add3A_435, %dma_start3A_441] : memref<80x128xi32, #tpu.memory_space<vmem>> -> memref<1x128xi32, #tpu.memory_space<vmem>>
          %dma_start3A_443 = tpu.memref_squeeze %dma_start3A_442 : memref<1x128xi32, #tpu.memory_space<vmem>> -> memref<128xi32, #tpu.memory_space<vmem>>
          %dma_start3A_444 = arith.constant 0 : i32
          %dma_start3A_445 = arith.constant 0 : i32
          %dma_start3A_446 = tpu.memref_slice %arg10[%dma_start3A_444, %dma_start3A_445] : memref<10112x32xf32, #tpu.memory_space<vmem_shared>> -> memref<10112x32xf32, #tpu.memory_space<vmem_shared>>
          tpu.enqueue_indirect_dma source(%dma_start3A_446 : memref<10112x32xf32, #tpu.memory_space<vmem_shared>>) target(%dma_start3A_440 : memref<128x32xf32, #tpu.memory_space<vmem>>) offsets(%dma_start3A_443 : memref<128xi32, #tpu.memory_space<vmem>>) semaphore(%arg13 : memref<!tpu.dma_semaphore, #tpu.memory_space<semaphore_mem>>)
        } else {
        }
        %mul3A_364 = arith.constant 8 : i32
        %mul3A_365 = arith.muli %scan3A_168, %mul3A_364 : i32
        %add3A_366 = arith.constant 6 : i32
        %add3A_367 = arith.addi %mul3A_365, %add3A_366 : i32
        %dma_wait3A_368 = arith.constant 6 : i32
        %dma_wait3A_369 = arith.constant 0 : i32
        %dma_wait3A_370 = arith.constant 0 : i32
        %dma_wait3A_371 = tpu.memref_slice %arg9[%dma_wait3A_368, %dma_wait3A_369, %dma_wait3A_370] : memref<8x128x32xf32, #tpu.memory_space<vmem>> -> memref<1x128x32xf32, #tpu.memory_space<vmem>>
        %dma_wait3A_372 = tpu.memref_squeeze %dma_wait3A_371 : memref<1x128x32xf32, #tpu.memory_space<vmem>> -> memref<128x32xf32, #tpu.memory_space<vmem>>
        %dma_wait3A_373 = arith.constant 0 : i32
        %dma_wait3A_374 = tpu.memref_slice %arg7[%add3A_367, %dma_wait3A_373] : memref<80x128xi32, #tpu.memory_space<vmem>> -> memref<1x128xi32, #tpu.memory_space<vmem>>
        %dma_wait3A_375 = tpu.memref_squeeze %dma_wait3A_374 : memref<1x128xi32, #tpu.memory_space<vmem>> -> memref<128xi32, #tpu.memory_space<vmem>>
        %dma_wait3A_376 = arith.constant 0 : i32
        %dma_wait3A_377 = arith.constant 0 : i32
        %dma_wait3A_378 = tpu.memref_slice %arg10[%dma_wait3A_376, %dma_wait3A_377] : memref<10112x32xf32, #tpu.memory_space<vmem_shared>> -> memref<10112x32xf32, #tpu.memory_space<vmem_shared>>
        tpu.wait_indirect_dma semaphore(%arg18 : memref<!tpu.dma_semaphore, #tpu.memory_space<semaphore_mem>>) src(%dma_wait3A_378 : memref<10112x32xf32, #tpu.memory_space<vmem_shared>>) dst(%dma_wait3A_372 : memref<128x32xf32, #tpu.memory_space<vmem>>)
        %dma_start3A_379 = arith.constant 6 : i32
        %dma_start3A_380 = arith.constant 0 : i32
        %dma_start3A_381 = arith.constant 0 : i32
        %dma_start3A_382 = tpu.memref_slice %arg9[%dma_start3A_379, %dma_start3A_380, %dma_start3A_381] : memref<8x128x32xf32, #tpu.memory_space<vmem>> -> memref<1x128x32xf32, #tpu.memory_space<vmem>>
        %dma_start3A_383 = tpu.memref_squeeze %dma_start3A_382 : memref<1x128x32xf32, #tpu.memory_space<vmem>> -> memref<128x32xf32, #tpu.memory_space<vmem>>
        %dma_start3A_384 = arith.constant 0 : i32
        %dma_start3A_385 = tpu.memref_slice %arg8[%add3A_367, %dma_start3A_384] : memref<80x128xi32, #tpu.memory_space<vmem>> -> memref<1x128xi32, #tpu.memory_space<vmem>>
        %dma_start3A_386 = tpu.memref_squeeze %dma_start3A_385 : memref<1x128xi32, #tpu.memory_space<vmem>> -> memref<128xi32, #tpu.memory_space<vmem>>
        %dma_start3A_387 = arith.constant 0 : i32
        %dma_start3A_388 = arith.constant 0 : i32
        %dma_start3A_389 = tpu.memref_slice %arg11[%dma_start3A_387, %dma_start3A_388] : memref<10112x32xf32, #tpu.memory_space<vmem_shared>> -> memref<10112x32xf32, #tpu.memory_space<vmem_shared>>
        tpu.enqueue_indirect_dma source(%dma_start3A_383 : memref<128x32xf32, #tpu.memory_space<vmem>>) target(%dma_start3A_389 : memref<10112x32xf32, #tpu.memory_space<vmem_shared>>) offsets(%dma_start3A_386 : memref<128xi32, #tpu.memory_space<vmem>>) semaphore(%arg26 : memref<!tpu.dma_semaphore, #tpu.memory_space<semaphore_mem>>) {add = true}
        %add3A_390 = arith.constant 4 : i32
        %add3A_391 = arith.addi %add3A_367, %add3A_390 : i32
        %lt3A_392 = arith.constant 80 : i32
        %lt3A_393 = arith.cmpi slt, %add3A_391, %lt3A_392 : i32
        %convert_element_type3A_394 = arith.extui %lt3A_393 : i1 to i32
        %cond3A_395 = arith.constant 0 : i32
        %cond3A_396 = arith.cmpi ne, %convert_element_type3A_394, %cond3A_395 : i32
        scf.if %cond3A_396 {
          %ge3A = arith.constant 4 : i32
          %ge3A_430 = arith.cmpi sge, %add3A_367, %ge3A : i32
          %convert_element_type3A_431 = arith.extui %ge3A_430 : i1 to i32
          %cond3A_432 = arith.constant 0 : i32
          %cond3A_433 = arith.cmpi ne, %convert_element_type3A_431, %cond3A_432 : i32
          scf.if %cond3A_433 {
            %dma_wait3A_447 = arith.constant 2 : i32
            %dma_wait3A_448 = arith.constant 0 : i32
            %dma_wait3A_449 = arith.constant 0 : i32
            %dma_wait3A_450 = arith.constant 0 : i32
            %dma_wait3A_451 = tpu.memref_slice %arg9[%dma_wait3A_447, %dma_wait3A_449, %dma_wait3A_450] : memref<8x128x32xf32, #tpu.memory_space<vmem>> -> memref<1x128x32xf32, #tpu.memory_space<vmem>>
            %dma_wait3A_452 = tpu.memref_squeeze %dma_wait3A_451 : memref<1x128x32xf32, #tpu.memory_space<vmem>> -> memref<128x32xf32, #tpu.memory_space<vmem>>
            %dma_wait3A_453 = arith.constant 0 : i32
            %dma_wait3A_454 = tpu.memref_slice %arg8[%dma_wait3A_448, %dma_wait3A_453] : memref<80x128xi32, #tpu.memory_space<vmem>> -> memref<1x128xi32, #tpu.memory_space<vmem>>
            %dma_wait3A_455 = tpu.memref_squeeze %dma_wait3A_454 : memref<1x128xi32, #tpu.memory_space<vmem>> -> memref<128xi32, #tpu.memory_space<vmem>>
            %dma_wait3A_456 = arith.constant 0 : i32
            %dma_wait3A_457 = arith.constant 0 : i32
            %dma_wait3A_458 = tpu.memref_slice %arg11[%dma_wait3A_456, %dma_wait3A_457] : memref<10112x32xf32, #tpu.memory_space<vmem_shared>> -> memref<10112x32xf32, #tpu.memory_space<vmem_shared>>
            tpu.wait_indirect_dma semaphore(%arg22 : memref<!tpu.dma_semaphore, #tpu.memory_space<semaphore_mem>>) src(%dma_wait3A_452 : memref<128x32xf32, #tpu.memory_space<vmem>>) dst(%dma_wait3A_458 : memref<10112x32xf32, #tpu.memory_space<vmem_shared>>)
          } else {
          }
          %add3A_434 = arith.constant 4 : i32
          %add3A_435 = arith.addi %add3A_367, %add3A_434 : i32
          %dma_start3A_436 = arith.constant 2 : i32
          %dma_start3A_437 = arith.constant 0 : i32
          %dma_start3A_438 = arith.constant 0 : i32
          %dma_start3A_439 = tpu.memref_slice %arg9[%dma_start3A_436, %dma_start3A_437, %dma_start3A_438] : memref<8x128x32xf32, #tpu.memory_space<vmem>> -> memref<1x128x32xf32, #tpu.memory_space<vmem>>
          %dma_start3A_440 = tpu.memref_squeeze %dma_start3A_439 : memref<1x128x32xf32, #tpu.memory_space<vmem>> -> memref<128x32xf32, #tpu.memory_space<vmem>>
          %dma_start3A_441 = arith.constant 0 : i32
          %dma_start3A_442 = tpu.memref_slice %arg7[%add3A_435, %dma_start3A_441] : memref<80x128xi32, #tpu.memory_space<vmem>> -> memref<1x128xi32, #tpu.memory_space<vmem>>
          %dma_start3A_443 = tpu.memref_squeeze %dma_start3A_442 : memref<1x128xi32, #tpu.memory_space<vmem>> -> memref<128xi32, #tpu.memory_space<vmem>>
          %dma_start3A_444 = arith.constant 0 : i32
          %dma_start3A_445 = arith.constant 0 : i32
          %dma_start3A_446 = tpu.memref_slice %arg10[%dma_start3A_444, %dma_start3A_445] : memref<10112x32xf32, #tpu.memory_space<vmem_shared>> -> memref<10112x32xf32, #tpu.memory_space<vmem_shared>>
          tpu.enqueue_indirect_dma source(%dma_start3A_446 : memref<10112x32xf32, #tpu.memory_space<vmem_shared>>) target(%dma_start3A_440 : memref<128x32xf32, #tpu.memory_space<vmem>>) offsets(%dma_start3A_443 : memref<128xi32, #tpu.memory_space<vmem>>) semaphore(%arg14 : memref<!tpu.dma_semaphore, #tpu.memory_space<semaphore_mem>>)
        } else {
        }
        %mul3A_397 = arith.constant 8 : i32
        %mul3A_398 = arith.muli %scan3A_168, %mul3A_397 : i32
        %add3A_399 = arith.constant 7 : i32
        %add3A_400 = arith.addi %mul3A_398, %add3A_399 : i32
        %dma_wait3A_401 = arith.constant 7 : i32
        %dma_wait3A_402 = arith.constant 0 : i32
        %dma_wait3A_403 = arith.constant 0 : i32
        %dma_wait3A_404 = tpu.memref_slice %arg9[%dma_wait3A_401, %dma_wait3A_402, %dma_wait3A_403] : memref<8x128x32xf32, #tpu.memory_space<vmem>> -> memref<1x128x32xf32, #tpu.memory_space<vmem>>
        %dma_wait3A_405 = tpu.memref_squeeze %dma_wait3A_404 : memref<1x128x32xf32, #tpu.memory_space<vmem>> -> memref<128x32xf32, #tpu.memory_space<vmem>>
        %dma_wait3A_406 = arith.constant 0 : i32
        %dma_wait3A_407 = tpu.memref_slice %arg7[%add3A_400, %dma_wait3A_406] : memref<80x128xi32, #tpu.memory_space<vmem>> -> memref<1x128xi32, #tpu.memory_space<vmem>>
        %dma_wait3A_408 = tpu.memref_squeeze %dma_wait3A_407 : memref<1x128xi32, #tpu.memory_space<vmem>> -> memref<128xi32, #tpu.memory_space<vmem>>
        %dma_wait3A_409 = arith.constant 0 : i32
        %dma_wait3A_410 = arith.constant 0 : i32
        %dma_wait3A_411 = tpu.memref_slice %arg10[%dma_wait3A_409, %dma_wait3A_410] : memref<10112x32xf32, #tpu.memory_space<vmem_shared>> -> memref<10112x32xf32, #tpu.memory_space<vmem_shared>>
        tpu.wait_indirect_dma semaphore(%arg19 : memref<!tpu.dma_semaphore, #tpu.memory_space<semaphore_mem>>) src(%dma_wait3A_411 : memref<10112x32xf32, #tpu.memory_space<vmem_shared>>) dst(%dma_wait3A_405 : memref<128x32xf32, #tpu.memory_space<vmem>>)
        %dma_start3A_412 = arith.constant 7 : i32
        %dma_start3A_413 = arith.constant 0 : i32
        %dma_start3A_414 = arith.constant 0 : i32
        %dma_start3A_415 = tpu.memref_slice %arg9[%dma_start3A_412, %dma_start3A_413, %dma_start3A_414] : memref<8x128x32xf32, #tpu.memory_space<vmem>> -> memref<1x128x32xf32, #tpu.memory_space<vmem>>
        %dma_start3A_416 = tpu.memref_squeeze %dma_start3A_415 : memref<1x128x32xf32, #tpu.memory_space<vmem>> -> memref<128x32xf32, #tpu.memory_space<vmem>>
        %dma_start3A_417 = arith.constant 0 : i32
        %dma_start3A_418 = tpu.memref_slice %arg8[%add3A_400, %dma_start3A_417] : memref<80x128xi32, #tpu.memory_space<vmem>> -> memref<1x128xi32, #tpu.memory_space<vmem>>
        %dma_start3A_419 = tpu.memref_squeeze %dma_start3A_418 : memref<1x128xi32, #tpu.memory_space<vmem>> -> memref<128xi32, #tpu.memory_space<vmem>>
        %dma_start3A_420 = arith.constant 0 : i32
        %dma_start3A_421 = arith.constant 0 : i32
        %dma_start3A_422 = tpu.memref_slice %arg11[%dma_start3A_420, %dma_start3A_421] : memref<10112x32xf32, #tpu.memory_space<vmem_shared>> -> memref<10112x32xf32, #tpu.memory_space<vmem_shared>>
        tpu.enqueue_indirect_dma source(%dma_start3A_416 : memref<128x32xf32, #tpu.memory_space<vmem>>) target(%dma_start3A_422 : memref<10112x32xf32, #tpu.memory_space<vmem_shared>>) offsets(%dma_start3A_419 : memref<128xi32, #tpu.memory_space<vmem>>) semaphore(%arg27 : memref<!tpu.dma_semaphore, #tpu.memory_space<semaphore_mem>>) {add = true}
        %add3A_423 = arith.constant 4 : i32
        %add3A_424 = arith.addi %add3A_400, %add3A_423 : i32
        %lt3A_425 = arith.constant 80 : i32
        %lt3A_426 = arith.cmpi slt, %add3A_424, %lt3A_425 : i32
        %convert_element_type3A_427 = arith.extui %lt3A_426 : i1 to i32
        %cond3A_428 = arith.constant 0 : i32
        %cond3A_429 = arith.cmpi ne, %convert_element_type3A_427, %cond3A_428 : i32
        scf.if %cond3A_429 {
          %ge3A = arith.constant 4 : i32
          %ge3A_430 = arith.cmpi sge, %add3A_400, %ge3A : i32
          %convert_element_type3A_431 = arith.extui %ge3A_430 : i1 to i32
          %cond3A_432 = arith.constant 0 : i32
          %cond3A_433 = arith.cmpi ne, %convert_element_type3A_431, %cond3A_432 : i32
          scf.if %cond3A_433 {
            %dma_wait3A_447 = arith.constant 3 : i32
            %dma_wait3A_448 = arith.constant 0 : i32
            %dma_wait3A_449 = arith.constant 0 : i32
            %dma_wait3A_450 = arith.constant 0 : i32
            %dma_wait3A_451 = tpu.memref_slice %arg9[%dma_wait3A_447, %dma_wait3A_449, %dma_wait3A_450] : memref<8x128x32xf32, #tpu.memory_space<vmem>> -> memref<1x128x32xf32, #tpu.memory_space<vmem>>
            %dma_wait3A_452 = tpu.memref_squeeze %dma_wait3A_451 : memref<1x128x32xf32, #tpu.memory_space<vmem>> -> memref<128x32xf32, #tpu.memory_space<vmem>>
            %dma_wait3A_453 = arith.constant 0 : i32
            %dma_wait3A_454 = tpu.memref_slice %arg8[%dma_wait3A_448, %dma_wait3A_453] : memref<80x128xi32, #tpu.memory_space<vmem>> -> memref<1x128xi32, #tpu.memory_space<vmem>>
            %dma_wait3A_455 = tpu.memref_squeeze %dma_wait3A_454 : memref<1x128xi32, #tpu.memory_space<vmem>> -> memref<128xi32, #tpu.memory_space<vmem>>
            %dma_wait3A_456 = arith.constant 0 : i32
            %dma_wait3A_457 = arith.constant 0 : i32
            %dma_wait3A_458 = tpu.memref_slice %arg11[%dma_wait3A_456, %dma_wait3A_457] : memref<10112x32xf32, #tpu.memory_space<vmem_shared>> -> memref<10112x32xf32, #tpu.memory_space<vmem_shared>>
            tpu.wait_indirect_dma semaphore(%arg23 : memref<!tpu.dma_semaphore, #tpu.memory_space<semaphore_mem>>) src(%dma_wait3A_452 : memref<128x32xf32, #tpu.memory_space<vmem>>) dst(%dma_wait3A_458 : memref<10112x32xf32, #tpu.memory_space<vmem_shared>>)
          } else {
          }
          %add3A_434 = arith.constant 4 : i32
          %add3A_435 = arith.addi %add3A_400, %add3A_434 : i32
          %dma_start3A_436 = arith.constant 3 : i32
          %dma_start3A_437 = arith.constant 0 : i32
          %dma_start3A_438 = arith.constant 0 : i32
          %dma_start3A_439 = tpu.memref_slice %arg9[%dma_start3A_436, %dma_start3A_437, %dma_start3A_438] : memref<8x128x32xf32, #tpu.memory_space<vmem>> -> memref<1x128x32xf32, #tpu.memory_space<vmem>>
          %dma_start3A_440 = tpu.memref_squeeze %dma_start3A_439 : memref<1x128x32xf32, #tpu.memory_space<vmem>> -> memref<128x32xf32, #tpu.memory_space<vmem>>
          %dma_start3A_441 = arith.constant 0 : i32
          %dma_start3A_442 = tpu.memref_slice %arg7[%add3A_435, %dma_start3A_441] : memref<80x128xi32, #tpu.memory_space<vmem>> -> memref<1x128xi32, #tpu.memory_space<vmem>>
          %dma_start3A_443 = tpu.memref_squeeze %dma_start3A_442 : memref<1x128xi32, #tpu.memory_space<vmem>> -> memref<128xi32, #tpu.memory_space<vmem>>
          %dma_start3A_444 = arith.constant 0 : i32
          %dma_start3A_445 = arith.constant 0 : i32
          %dma_start3A_446 = tpu.memref_slice %arg10[%dma_start3A_444, %dma_start3A_445] : memref<10112x32xf32, #tpu.memory_space<vmem_shared>> -> memref<10112x32xf32, #tpu.memory_space<vmem_shared>>
          tpu.enqueue_indirect_dma source(%dma_start3A_446 : memref<10112x32xf32, #tpu.memory_space<vmem_shared>>) target(%dma_start3A_440 : memref<128x32xf32, #tpu.memory_space<vmem>>) offsets(%dma_start3A_443 : memref<128xi32, #tpu.memory_space<vmem>>) semaphore(%arg15 : memref<!tpu.dma_semaphore, #tpu.memory_space<semaphore_mem>>)
        } else {
        }
      }
      %scan3A_67 = arith.constant 10 : i32
      %dma_wait3A = arith.constant 0 : i32
      %dma_wait3A_68 = arith.constant 0 : i32
      %dma_wait3A_69 = arith.constant 0 : i32
      %dma_wait3A_70 = arith.constant 0 : i32
      %dma_wait3A_71 = tpu.memref_slice %arg9[%dma_wait3A, %dma_wait3A_69, %dma_wait3A_70] : memref<8x128x32xf32, #tpu.memory_space<vmem>> -> memref<1x128x32xf32, #tpu.memory_space<vmem>>
      %dma_wait3A_72 = tpu.memref_squeeze %dma_wait3A_71 : memref<1x128x32xf32, #tpu.memory_space<vmem>> -> memref<128x32xf32, #tpu.memory_space<vmem>>
      %dma_wait3A_73 = arith.constant 0 : i32
      %dma_wait3A_74 = tpu.memref_slice %arg8[%dma_wait3A_68, %dma_wait3A_73] : memref<80x128xi32, #tpu.memory_space<vmem>> -> memref<1x128xi32, #tpu.memory_space<vmem>>
      %dma_wait3A_75 = tpu.memref_squeeze %dma_wait3A_74 : memref<1x128xi32, #tpu.memory_space<vmem>> -> memref<128xi32, #tpu.memory_space<vmem>>
      %dma_wait3A_76 = arith.constant 0 : i32
      %dma_wait3A_77 = arith.constant 0 : i32
      %dma_wait3A_78 = tpu.memref_slice %arg11[%dma_wait3A_76, %dma_wait3A_77] : memref<10112x32xf32, #tpu.memory_space<vmem_shared>> -> memref<10112x32xf32, #tpu.memory_space<vmem_shared>>
      tpu.wait_indirect_dma semaphore(%arg20 : memref<!tpu.dma_semaphore, #tpu.memory_space<semaphore_mem>>) src(%dma_wait3A_72 : memref<128x32xf32, #tpu.memory_space<vmem>>) dst(%dma_wait3A_78 : memref<10112x32xf32, #tpu.memory_space<vmem_shared>>)
      %dma_wait3A_79 = arith.constant 1 : i32
      %dma_wait3A_80 = arith.constant 0 : i32
      %dma_wait3A_81 = arith.constant 0 : i32
      %dma_wait3A_82 = arith.constant 0 : i32
      %dma_wait3A_83 = tpu.memref_slice %arg9[%dma_wait3A_79, %dma_wait3A_81, %dma_wait3A_82] : memref<8x128x32xf32, #tpu.memory_space<vmem>> -> memref<1x128x32xf32, #tpu.memory_space<vmem>>
      %dma_wait3A_84 = tpu.memref_squeeze %dma_wait3A_83 : memref<1x128x32xf32, #tpu.memory_space<vmem>> -> memref<128x32xf32, #tpu.memory_space<vmem>>
      %dma_wait3A_85 = arith.constant 0 : i32
      %dma_wait3A_86 = tpu.memref_slice %arg8[%dma_wait3A_80, %dma_wait3A_85] : memref<80x128xi32, #tpu.memory_space<vmem>> -> memref<1x128xi32, #tpu.memory_space<vmem>>
      %dma_wait3A_87 = tpu.memref_squeeze %dma_wait3A_86 : memref<1x128xi32, #tpu.memory_space<vmem>> -> memref<128xi32, #tpu.memory_space<vmem>>
      %dma_wait3A_88 = arith.constant 0 : i32
      %dma_wait3A_89 = arith.constant 0 : i32
      %dma_wait3A_90 = tpu.memref_slice %arg11[%dma_wait3A_88, %dma_wait3A_89] : memref<10112x32xf32, #tpu.memory_space<vmem_shared>> -> memref<10112x32xf32, #tpu.memory_space<vmem_shared>>
      tpu.wait_indirect_dma semaphore(%arg21 : memref<!tpu.dma_semaphore, #tpu.memory_space<semaphore_mem>>) src(%dma_wait3A_84 : memref<128x32xf32, #tpu.memory_space<vmem>>) dst(%dma_wait3A_90 : memref<10112x32xf32, #tpu.memory_space<vmem_shared>>)
      %dma_wait3A_91 = arith.constant 2 : i32
      %dma_wait3A_92 = arith.constant 0 : i32
      %dma_wait3A_93 = arith.constant 0 : i32
      %dma_wait3A_94 = arith.constant 0 : i32
      %dma_wait3A_95 = tpu.memref_slice %arg9[%dma_wait3A_91, %dma_wait3A_93, %dma_wait3A_94] : memref<8x128x32xf32, #tpu.memory_space<vmem>> -> memref<1x128x32xf32, #tpu.memory_space<vmem>>
      %dma_wait3A_96 = tpu.memref_squeeze %dma_wait3A_95 : memref<1x128x32xf32, #tpu.memory_space<vmem>> -> memref<128x32xf32, #tpu.memory_space<vmem>>
      %dma_wait3A_97 = arith.constant 0 : i32
      %dma_wait3A_98 = tpu.memref_slice %arg8[%dma_wait3A_92, %dma_wait3A_97] : memref<80x128xi32, #tpu.memory_space<vmem>> -> memref<1x128xi32, #tpu.memory_space<vmem>>
      %dma_wait3A_99 = tpu.memref_squeeze %dma_wait3A_98 : memref<1x128xi32, #tpu.memory_space<vmem>> -> memref<128xi32, #tpu.memory_space<vmem>>
      %dma_wait3A_100 = arith.constant 0 : i32
      %dma_wait3A_101 = arith.constant 0 : i32
      %dma_wait3A_102 = tpu.memref_slice %arg11[%dma_wait3A_100, %dma_wait3A_101] : memref<10112x32xf32, #tpu.memory_space<vmem_shared>> -> memref<10112x32xf32, #tpu.memory_space<vmem_shared>>
      tpu.wait_indirect_dma semaphore(%arg22 : memref<!tpu.dma_semaphore, #tpu.memory_space<semaphore_mem>>) src(%dma_wait3A_96 : memref<128x32xf32, #tpu.memory_space<vmem>>) dst(%dma_wait3A_102 : memref<10112x32xf32, #tpu.memory_space<vmem_shared>>)
      %dma_wait3A_103 = arith.constant 3 : i32
      %dma_wait3A_104 = arith.constant 0 : i32
      %dma_wait3A_105 = arith.constant 0 : i32
      %dma_wait3A_106 = arith.constant 0 : i32
      %dma_wait3A_107 = tpu.memref_slice %arg9[%dma_wait3A_103, %dma_wait3A_105, %dma_wait3A_106] : memref<8x128x32xf32, #tpu.memory_space<vmem>> -> memref<1x128x32xf32, #tpu.memory_space<vmem>>
      %dma_wait3A_108 = tpu.memref_squeeze %dma_wait3A_107 : memref<1x128x32xf32, #tpu.memory_space<vmem>> -> memref<128x32xf32, #tpu.memory_space<vmem>>
      %dma_wait3A_109 = arith.constant 0 : i32
      %dma_wait3A_110 = tpu.memref_slice %arg8[%dma_wait3A_104, %dma_wait3A_109] : memref<80x128xi32, #tpu.memory_space<vmem>> -> memref<1x128xi32, #tpu.memory_space<vmem>>
      %dma_wait3A_111 = tpu.memref_squeeze %dma_wait3A_110 : memref<1x128xi32, #tpu.memory_space<vmem>> -> memref<128xi32, #tpu.memory_space<vmem>>
      %dma_wait3A_112 = arith.constant 0 : i32
      %dma_wait3A_113 = arith.constant 0 : i32
      %dma_wait3A_114 = tpu.memref_slice %arg11[%dma_wait3A_112, %dma_wait3A_113] : memref<10112x32xf32, #tpu.memory_space<vmem_shared>> -> memref<10112x32xf32, #tpu.memory_space<vmem_shared>>
      tpu.wait_indirect_dma semaphore(%arg23 : memref<!tpu.dma_semaphore, #tpu.memory_space<semaphore_mem>>) src(%dma_wait3A_108 : memref<128x32xf32, #tpu.memory_space<vmem>>) dst(%dma_wait3A_114 : memref<10112x32xf32, #tpu.memory_space<vmem_shared>>)
      %dma_wait3A_115 = arith.constant 4 : i32
      %dma_wait3A_116 = arith.constant 0 : i32
      %dma_wait3A_117 = arith.constant 0 : i32
      %dma_wait3A_118 = arith.constant 0 : i32
      %dma_wait3A_119 = tpu.memref_slice %arg9[%dma_wait3A_115, %dma_wait3A_117, %dma_wait3A_118] : memref<8x128x32xf32, #tpu.memory_space<vmem>> -> memref<1x128x32xf32, #tpu.memory_space<vmem>>
      %dma_wait3A_120 = tpu.memref_squeeze %dma_wait3A_119 : memref<1x128x32xf32, #tpu.memory_space<vmem>> -> memref<128x32xf32, #tpu.memory_space<vmem>>
      %dma_wait3A_121 = arith.constant 0 : i32
      %dma_wait3A_122 = tpu.memref_slice %arg8[%dma_wait3A_116, %dma_wait3A_121] : memref<80x128xi32, #tpu.memory_space<vmem>> -> memref<1x128xi32, #tpu.memory_space<vmem>>
      %dma_wait3A_123 = tpu.memref_squeeze %dma_wait3A_122 : memref<1x128xi32, #tpu.memory_space<vmem>> -> memref<128xi32, #tpu.memory_space<vmem>>
      %dma_wait3A_124 = arith.constant 0 : i32
      %dma_wait3A_125 = arith.constant 0 : i32
      %dma_wait3A_126 = tpu.memref_slice %arg11[%dma_wait3A_124, %dma_wait3A_125] : memref<10112x32xf32, #tpu.memory_space<vmem_shared>> -> memref<10112x32xf32, #tpu.memory_space<vmem_shared>>
      tpu.wait_indirect_dma semaphore(%arg24 : memref<!tpu.dma_semaphore, #tpu.memory_space<semaphore_mem>>) src(%dma_wait3A_120 : memref<128x32xf32, #tpu.memory_space<vmem>>) dst(%dma_wait3A_126 : memref<10112x32xf32, #tpu.memory_space<vmem_shared>>)
      %dma_wait3A_127 = arith.constant 5 : i32
      %dma_wait3A_128 = arith.constant 0 : i32
      %dma_wait3A_129 = arith.constant 0 : i32
      %dma_wait3A_130 = arith.constant 0 : i32
      %dma_wait3A_131 = tpu.memref_slice %arg9[%dma_wait3A_127, %dma_wait3A_129, %dma_wait3A_130] : memref<8x128x32xf32, #tpu.memory_space<vmem>> -> memref<1x128x32xf32, #tpu.memory_space<vmem>>
      %dma_wait3A_132 = tpu.memref_squeeze %dma_wait3A_131 : memref<1x128x32xf32, #tpu.memory_space<vmem>> -> memref<128x32xf32, #tpu.memory_space<vmem>>
      %dma_wait3A_133 = arith.constant 0 : i32
      %dma_wait3A_134 = tpu.memref_slice %arg8[%dma_wait3A_128, %dma_wait3A_133] : memref<80x128xi32, #tpu.memory_space<vmem>> -> memref<1x128xi32, #tpu.memory_space<vmem>>
      %dma_wait3A_135 = tpu.memref_squeeze %dma_wait3A_134 : memref<1x128xi32, #tpu.memory_space<vmem>> -> memref<128xi32, #tpu.memory_space<vmem>>
      %dma_wait3A_136 = arith.constant 0 : i32
      %dma_wait3A_137 = arith.constant 0 : i32
      %dma_wait3A_138 = tpu.memref_slice %arg11[%dma_wait3A_136, %dma_wait3A_137] : memref<10112x32xf32, #tpu.memory_space<vmem_shared>> -> memref<10112x32xf32, #tpu.memory_space<vmem_shared>>
      tpu.wait_indirect_dma semaphore(%arg25 : memref<!tpu.dma_semaphore, #tpu.memory_space<semaphore_mem>>) src(%dma_wait3A_132 : memref<128x32xf32, #tpu.memory_space<vmem>>) dst(%dma_wait3A_138 : memref<10112x32xf32, #tpu.memory_space<vmem_shared>>)
      %dma_wait3A_139 = arith.constant 6 : i32
      %dma_wait3A_140 = arith.constant 0 : i32
      %dma_wait3A_141 = arith.constant 0 : i32
      %dma_wait3A_142 = arith.constant 0 : i32
      %dma_wait3A_143 = tpu.memref_slice %arg9[%dma_wait3A_139, %dma_wait3A_141, %dma_wait3A_142] : memref<8x128x32xf32, #tpu.memory_space<vmem>> -> memref<1x128x32xf32, #tpu.memory_space<vmem>>
      %dma_wait3A_144 = tpu.memref_squeeze %dma_wait3A_143 : memref<1x128x32xf32, #tpu.memory_space<vmem>> -> memref<128x32xf32, #tpu.memory_space<vmem>>
      %dma_wait3A_145 = arith.constant 0 : i32
      %dma_wait3A_146 = tpu.memref_slice %arg8[%dma_wait3A_140, %dma_wait3A_145] : memref<80x128xi32, #tpu.memory_space<vmem>> -> memref<1x128xi32, #tpu.memory_space<vmem>>
      %dma_wait3A_147 = tpu.memref_squeeze %dma_wait3A_146 : memref<1x128xi32, #tpu.memory_space<vmem>> -> memref<128xi32, #tpu.memory_space<vmem>>
      %dma_wait3A_148 = arith.constant 0 : i32
      %dma_wait3A_149 = arith.constant 0 : i32
      %dma_wait3A_150 = tpu.memref_slice %arg11[%dma_wait3A_148, %dma_wait3A_149] : memref<10112x32xf32, #tpu.memory_space<vmem_shared>> -> memref<10112x32xf32, #tpu.memory_space<vmem_shared>>
      tpu.wait_indirect_dma semaphore(%arg26 : memref<!tpu.dma_semaphore, #tpu.memory_space<semaphore_mem>>) src(%dma_wait3A_144 : memref<128x32xf32, #tpu.memory_space<vmem>>) dst(%dma_wait3A_150 : memref<10112x32xf32, #tpu.memory_space<vmem_shared>>)
      %dma_wait3A_151 = arith.constant 7 : i32
      %dma_wait3A_152 = arith.constant 0 : i32
      %dma_wait3A_153 = arith.constant 0 : i32
      %dma_wait3A_154 = arith.constant 0 : i32
      %dma_wait3A_155 = tpu.memref_slice %arg9[%dma_wait3A_151, %dma_wait3A_153, %dma_wait3A_154] : memref<8x128x32xf32, #tpu.memory_space<vmem>> -> memref<1x128x32xf32, #tpu.memory_space<vmem>>
      %dma_wait3A_156 = tpu.memref_squeeze %dma_wait3A_155 : memref<1x128x32xf32, #tpu.memory_space<vmem>> -> memref<128x32xf32, #tpu.memory_space<vmem>>
      %dma_wait3A_157 = arith.constant 0 : i32
      %dma_wait3A_158 = tpu.memref_slice %arg8[%dma_wait3A_152, %dma_wait3A_157] : memref<80x128xi32, #tpu.memory_space<vmem>> -> memref<1x128xi32, #tpu.memory_space<vmem>>
      %dma_wait3A_159 = tpu.memref_squeeze %dma_wait3A_158 : memref<1x128xi32, #tpu.memory_space<vmem>> -> memref<128xi32, #tpu.memory_space<vmem>>
      %dma_wait3A_160 = arith.constant 0 : i32
      %dma_wait3A_161 = arith.constant 0 : i32
      %dma_wait3A_162 = tpu.memref_slice %arg11[%dma_wait3A_160, %dma_wait3A_161] : memref<10112x32xf32, #tpu.memory_space<vmem_shared>> -> memref<10112x32xf32, #tpu.memory_space<vmem_shared>>
      tpu.wait_indirect_dma semaphore(%arg27 : memref<!tpu.dma_semaphore, #tpu.memory_space<semaphore_mem>>) src(%dma_wait3A_156 : memref<128x32xf32, #tpu.memory_space<vmem>>) dst(%dma_wait3A_162 : memref<10112x32xf32, #tpu.memory_space<vmem_shared>>)
      %barrier3A_163 = arith.constant 0 : index
      tpu.barrier barrier_id(%barrier3A_163)
      %mul3A_164 = arith.constant 632 : i32
      %mul3A_165 = arith.muli %arg1, %mul3A_164 : i32
      %mul3A_166 = arith.constant 632 : i32
      %mul3A_167 = arith.muli %arg1, %mul3A_166 : i32
      "tpu.region"() ({
        %run_scoped3A = tpu.sem_alloc : memref<!tpu.dma_semaphore, #tpu.memory_space<semaphore_mem>>
        %dma_start3A_168 = arith.constant 0 : i32
        %dma_start3A_169 = tpu.memref_slice %arg6[%arg0, %scan3A_6, %mul3A_167, %dma_start3A_168] : memref<2x2x10112x32xf32, #tpu.memory_space<hbm>> -> memref<1x1x632x32xf32, #tpu.memory_space<hbm>>
        %dma_start3A_170 = tpu.memref_squeeze %dma_start3A_169 : memref<1x1x632x32xf32, #tpu.memory_space<hbm>> -> memref<632x32xf32, #tpu.memory_space<hbm>>
        %dma_start3A_171 = arith.constant 0 : i32
        %dma_start3A_172 = tpu.memref_slice %arg11[%mul3A_165, %dma_start3A_171] : memref<10112x32xf32, #tpu.memory_space<vmem_shared>> -> memref<632x32xf32, #tpu.memory_space<vmem_shared>>
        tpu.enqueue_dma source(%dma_start3A_172 : memref<632x32xf32, #tpu.memory_space<vmem_shared>>) target(%dma_start3A_170 : memref<632x32xf32, #tpu.memory_space<hbm>>) target_semaphore(%run_scoped3A : memref<!tpu.dma_semaphore, #tpu.memory_space<semaphore_mem>>)
        %dma_wait3A_173 = arith.constant 0 : i32
        %dma_wait3A_174 = tpu.memref_slice %arg6[%arg0, %scan3A_6, %mul3A_167, %dma_wait3A_173] : memref<2x2x10112x32xf32, #tpu.memory_space<hbm>> -> memref<1x1x632x32xf32, #tpu.memory_space<hbm>>
        %dma_wait3A_175 = tpu.memref_squeeze %dma_wait3A_174 : memref<1x1x632x32xf32, #tpu.memory_space<hbm>> -> memref<632x32xf32, #tpu.memory_space<hbm>>
        %dma_wait3A_176 = arith.constant 0 : i32
        %dma_wait3A_177 = tpu.memref_slice %arg11[%mul3A_165, %dma_wait3A_176] : memref<10112x32xf32, #tpu.memory_space<vmem_shared>> -> memref<632x32xf32, #tpu.memory_space<vmem_shared>>
        tpu.wait_dma2 semaphore(%run_scoped3A : memref<!tpu.dma_semaphore, #tpu.memory_space<semaphore_mem>>) src(%dma_wait3A_177 : memref<632x32xf32, #tpu.memory_space<vmem_shared>>) dst(%dma_wait3A_175 : memref<632x32xf32, #tpu.memory_space<hbm>>)
        tpu.yield
      }) : () -> ()
    }
    %scan3A_5 = arith.constant 2 : i32
    return
  }
}

#map = affine_map<(d0, d1) -> (0, 0, 0)>
#map1 = affine_map<(d0, d1) -> (0, 0)>
module attributes {stable_mosaic.version = 14 : i64} {
  func.func @body(%arg0: i32, %arg1: i32, %arg2: memref<32x80x128xi32, #tpu.memory_space<hbm>>, %arg3: memref<128x16xf32, #tpu.memory_space<hbm>>, %arg4: memref<10112x16xf32, #tpu.memory_space<hbm>>, %arg5: memref<2x10112x16xf32, #tpu.memory_space<hbm>>, %arg6: memref<80x128xi32, #tpu.memory_space<vmem>>, %arg7: memref<128x16xf32, #tpu.memory_space<vmem>>, %arg8: memref<10112x16xf32, #tpu.memory_space<vmem_shared>>, %arg9: memref<!tpu.dma_semaphore, #tpu.memory_space<semaphore_mem>>) attributes {dimension_semantics = [#tpu.dimension_semantics<core_parallel>, #tpu.dimension_semantics<subcore_parallel>], iteration_bounds = array<i64: 2, 16>, scalar_prefetch = 0 : i64, scratch_operands = 4 : i64, tpu.core_type = #tpu.core_type<sc_vector_subcore>, window_params = [{transform_indices = #map}, {transform_indices = #map1}, {transform_indices = #map1}, {transform_indices = #map}]} {
    %mul3A = arith.constant 16 : i32
    %mul3A_0 = arith.muli %arg0, %mul3A : i32
    %add3A = arith.addi %mul3A_0, %arg1 : i32
    "tpu.region"() ({
      %run_scoped3A = tpu.sem_alloc : memref<!tpu.dma_semaphore, #tpu.memory_space<semaphore_mem>>
      %dma_start3A = arith.constant 0 : i32
      %dma_start3A_15 = arith.constant 0 : i32
      %dma_start3A_16 = tpu.memref_slice %arg2[%add3A, %dma_start3A, %dma_start3A_15] : memref<32x80x128xi32, #tpu.memory_space<hbm>> -> memref<1x80x128xi32, #tpu.memory_space<hbm>>
      %dma_start3A_17 = tpu.memref_squeeze %dma_start3A_16 : memref<1x80x128xi32, #tpu.memory_space<hbm>> -> memref<80x128xi32, #tpu.memory_space<hbm>>
      %dma_start3A_18 = arith.constant 0 : i32
      %dma_start3A_19 = arith.constant 0 : i32
      %dma_start3A_20 = tpu.memref_slice %arg2[%add3A, %dma_start3A_18, %dma_start3A_19] : memref<32x80x128xi32, #tpu.memory_space<hbm>> -> memref<1x80x128xi32, #tpu.memory_space<hbm>>
      %dma_start3A_21 = tpu.memref_squeeze %dma_start3A_20 : memref<1x80x128xi32, #tpu.memory_space<hbm>> -> memref<80x128xi32, #tpu.memory_space<hbm>>
      tpu.enqueue_dma source(%dma_start3A_21 : memref<80x128xi32, #tpu.memory_space<hbm>>) target(%arg6 : memref<80x128xi32, #tpu.memory_space<vmem>>) target_semaphore(%run_scoped3A : memref<!tpu.dma_semaphore, #tpu.memory_space<semaphore_mem>>)
      %dma_wait3A = arith.constant 0 : i32
      %dma_wait3A_22 = arith.constant 0 : i32
      %dma_wait3A_23 = tpu.memref_slice %arg2[%add3A, %dma_wait3A, %dma_wait3A_22] : memref<32x80x128xi32, #tpu.memory_space<hbm>> -> memref<1x80x128xi32, #tpu.memory_space<hbm>>
      %dma_wait3A_24 = tpu.memref_squeeze %dma_wait3A_23 : memref<1x80x128xi32, #tpu.memory_space<hbm>> -> memref<80x128xi32, #tpu.memory_space<hbm>>
      %dma_wait3A_25 = arith.constant 0 : i32
      %dma_wait3A_26 = arith.constant 0 : i32
      %dma_wait3A_27 = tpu.memref_slice %arg2[%add3A, %dma_wait3A_25, %dma_wait3A_26] : memref<32x80x128xi32, #tpu.memory_space<hbm>> -> memref<1x80x128xi32, #tpu.memory_space<hbm>>
      %dma_wait3A_28 = tpu.memref_squeeze %dma_wait3A_27 : memref<1x80x128xi32, #tpu.memory_space<hbm>> -> memref<80x128xi32, #tpu.memory_space<hbm>>
      tpu.wait_dma2 semaphore(%run_scoped3A : memref<!tpu.dma_semaphore, #tpu.memory_space<semaphore_mem>>) src(%dma_wait3A_28 : memref<80x128xi32, #tpu.memory_space<hbm>>) dst(%arg6 : memref<80x128xi32, #tpu.memory_space<vmem>>)
      tpu.yield
    }) : () -> ()
    "tpu.region"() ({
      %run_scoped3A = tpu.sem_alloc : memref<!tpu.dma_semaphore, #tpu.memory_space<semaphore_mem>>
      tpu.enqueue_dma source(%arg3 : memref<128x16xf32, #tpu.memory_space<hbm>>) target(%arg7 : memref<128x16xf32, #tpu.memory_space<vmem>>) target_semaphore(%run_scoped3A : memref<!tpu.dma_semaphore, #tpu.memory_space<semaphore_mem>>)
      tpu.wait_dma2 semaphore(%run_scoped3A : memref<!tpu.dma_semaphore, #tpu.memory_space<semaphore_mem>>) src(%arg3 : memref<128x16xf32, #tpu.memory_space<hbm>>) dst(%arg7 : memref<128x16xf32, #tpu.memory_space<vmem>>)
      tpu.yield
    }) : () -> ()
    %mul3A_1 = arith.constant 632 : i32
    %mul3A_2 = arith.muli %arg1, %mul3A_1 : i32
    %mul3A_3 = arith.constant 632 : i32
    %mul3A_4 = arith.muli %arg1, %mul3A_3 : i32
    "tpu.region"() ({
      %run_scoped3A = tpu.sem_alloc : memref<!tpu.dma_semaphore, #tpu.memory_space<semaphore_mem>>
      %dma_start3A = arith.constant 0 : i32
      %dma_start3A_15 = tpu.memref_slice %arg8[%mul3A_4, %dma_start3A] : memref<10112x16xf32, #tpu.memory_space<vmem_shared>> -> memref<632x16xf32, #tpu.memory_space<vmem_shared>>
      %dma_start3A_16 = arith.constant 0 : i32
      %dma_start3A_17 = tpu.memref_slice %arg4[%mul3A_2, %dma_start3A_16] : memref<10112x16xf32, #tpu.memory_space<hbm>> -> memref<632x16xf32, #tpu.memory_space<hbm>>
      tpu.enqueue_dma source(%dma_start3A_17 : memref<632x16xf32, #tpu.memory_space<hbm>>) target(%dma_start3A_15 : memref<632x16xf32, #tpu.memory_space<vmem_shared>>) target_semaphore(%run_scoped3A : memref<!tpu.dma_semaphore, #tpu.memory_space<semaphore_mem>>)
      %dma_wait3A = arith.constant 0 : i32
      %dma_wait3A_18 = tpu.memref_slice %arg8[%mul3A_4, %dma_wait3A] : memref<10112x16xf32, #tpu.memory_space<vmem_shared>> -> memref<632x16xf32, #tpu.memory_space<vmem_shared>>
      %dma_wait3A_19 = arith.constant 0 : i32
      %dma_wait3A_20 = tpu.memref_slice %arg4[%mul3A_2, %dma_wait3A_19] : memref<10112x16xf32, #tpu.memory_space<hbm>> -> memref<632x16xf32, #tpu.memory_space<hbm>>
      tpu.wait_dma2 semaphore(%run_scoped3A : memref<!tpu.dma_semaphore, #tpu.memory_space<semaphore_mem>>) src(%dma_wait3A_20 : memref<632x16xf32, #tpu.memory_space<hbm>>) dst(%dma_wait3A_18 : memref<632x16xf32, #tpu.memory_space<vmem_shared>>)
      tpu.yield
    }) : () -> ()
    %barrier3A = arith.constant 0 : index
    tpu.barrier barrier_id(%barrier3A)
    %scan3A = arith.constant 0 : i32
    %scan3A_5 = arith.constant 0 : i32
    %scan3A_6 = arith.constant 80 : i32
    %scan3A_7 = arith.addi %scan3A_5, %scan3A_6 : i32
    %scan3A_8 = arith.constant 1 : i32
    scf.for %scan3A_15 = %scan3A_5 to %scan3A_7 step %scan3A_8  : i32 {
      %dma_start3A = arith.constant 0 : i32
      %dma_start3A_16 = tpu.memref_slice %arg6[%scan3A_15, %dma_start3A] : memref<80x128xi32, #tpu.memory_space<vmem>> -> memref<1x128xi32, #tpu.memory_space<vmem>>
      %dma_start3A_17 = tpu.memref_squeeze %dma_start3A_16 : memref<1x128xi32, #tpu.memory_space<vmem>> -> memref<128xi32, #tpu.memory_space<vmem>>
      %dma_start3A_18 = arith.constant 0 : i32
      %dma_start3A_19 = arith.constant 0 : i32
      %dma_start3A_20 = tpu.memref_slice %arg8[%dma_start3A_18, %dma_start3A_19] : memref<10112x16xf32, #tpu.memory_space<vmem_shared>> -> memref<10112x16xf32, #tpu.memory_space<vmem_shared>>
      tpu.enqueue_indirect_dma source(%arg7 : memref<128x16xf32, #tpu.memory_space<vmem>>) target(%dma_start3A_20 : memref<10112x16xf32, #tpu.memory_space<vmem_shared>>) offsets(%dma_start3A_17 : memref<128xi32, #tpu.memory_space<vmem>>) semaphore(%arg9 : memref<!tpu.dma_semaphore, #tpu.memory_space<semaphore_mem>>) {add = true}
      %dma_wait3A = arith.constant 0 : i32
      %dma_wait3A_21 = tpu.memref_slice %arg6[%scan3A_15, %dma_wait3A] : memref<80x128xi32, #tpu.memory_space<vmem>> -> memref<1x128xi32, #tpu.memory_space<vmem>>
      %dma_wait3A_22 = tpu.memref_squeeze %dma_wait3A_21 : memref<1x128xi32, #tpu.memory_space<vmem>> -> memref<128xi32, #tpu.memory_space<vmem>>
      %dma_wait3A_23 = arith.constant 0 : i32
      %dma_wait3A_24 = arith.constant 0 : i32
      %dma_wait3A_25 = tpu.memref_slice %arg8[%dma_wait3A_23, %dma_wait3A_24] : memref<10112x16xf32, #tpu.memory_space<vmem_shared>> -> memref<10112x16xf32, #tpu.memory_space<vmem_shared>>
      tpu.wait_indirect_dma semaphore(%arg9 : memref<!tpu.dma_semaphore, #tpu.memory_space<semaphore_mem>>) src(%arg7 : memref<128x16xf32, #tpu.memory_space<vmem>>) dst(%dma_wait3A_25 : memref<10112x16xf32, #tpu.memory_space<vmem_shared>>)
    }
    %scan3A_9 = arith.constant 80 : i32
    %barrier3A_10 = arith.constant 0 : index
    tpu.barrier barrier_id(%barrier3A_10)
    %mul3A_11 = arith.constant 632 : i32
    %mul3A_12 = arith.muli %arg1, %mul3A_11 : i32
    %mul3A_13 = arith.constant 632 : i32
    %mul3A_14 = arith.muli %arg1, %mul3A_13 : i32
    "tpu.region"() ({
      %run_scoped3A = tpu.sem_alloc : memref<!tpu.dma_semaphore, #tpu.memory_space<semaphore_mem>>
      %dma_start3A = arith.constant 0 : i32
      %dma_start3A_15 = tpu.memref_slice %arg5[%arg0, %mul3A_14, %dma_start3A] : memref<2x10112x16xf32, #tpu.memory_space<hbm>> -> memref<1x632x16xf32, #tpu.memory_space<hbm>>
      %dma_start3A_16 = tpu.memref_squeeze %dma_start3A_15 : memref<1x632x16xf32, #tpu.memory_space<hbm>> -> memref<632x16xf32, #tpu.memory_space<hbm>>
      %dma_start3A_17 = arith.constant 0 : i32
      %dma_start3A_18 = tpu.memref_slice %arg8[%mul3A_12, %dma_start3A_17] : memref<10112x16xf32, #tpu.memory_space<vmem_shared>> -> memref<632x16xf32, #tpu.memory_space<vmem_shared>>
      tpu.enqueue_dma source(%dma_start3A_18 : memref<632x16xf32, #tpu.memory_space<vmem_shared>>) target(%dma_start3A_16 : memref<632x16xf32, #tpu.memory_space<hbm>>) target_semaphore(%run_scoped3A : memref<!tpu.dma_semaphore, #tpu.memory_space<semaphore_mem>>)
      %dma_wait3A = arith.constant 0 : i32
      %dma_wait3A_19 = tpu.memref_slice %arg5[%arg0, %mul3A_14, %dma_wait3A] : memref<2x10112x16xf32, #tpu.memory_space<hbm>> -> memref<1x632x16xf32, #tpu.memory_space<hbm>>
      %dma_wait3A_20 = tpu.memref_squeeze %dma_wait3A_19 : memref<1x632x16xf32, #tpu.memory_space<hbm>> -> memref<632x16xf32, #tpu.memory_space<hbm>>
      %dma_wait3A_21 = arith.constant 0 : i32
      %dma_wait3A_22 = tpu.memref_slice %arg8[%mul3A_12, %dma_wait3A_21] : memref<10112x16xf32, #tpu.memory_space<vmem_shared>> -> memref<632x16xf32, #tpu.memory_space<vmem_shared>>
      tpu.wait_dma2 semaphore(%run_scoped3A : memref<!tpu.dma_semaphore, #tpu.memory_space<semaphore_mem>>) src(%dma_wait3A_22 : memref<632x16xf32, #tpu.memory_space<vmem_shared>>) dst(%dma_wait3A_20 : memref<632x16xf32, #tpu.memory_space<hbm>>)
      tpu.yield
    }) : () -> ()
    return
  }
}

#map = affine_map<(d0, d1) -> (0, 0)>
#map1 = affine_map<(d0, d1) -> (0, 0, 0)>
module attributes {stable_mosaic.version = 14 : i64} {
  func.func @body(%arg0: i32, %arg1: i32, %arg2: memref<10112x16xf32, #tpu.memory_space<hbm>>, %arg3: memref<10112x16xf32, #tpu.memory_space<hbm>>, %arg4: memref<10112x16xf32, #tpu.memory_space<hbm>>, %arg5: memref<32x80x128xi32, #tpu.memory_space<hbm>>, %arg6: memref<32x80x128xi32, #tpu.memory_space<hbm>>, %arg7: memref<10112x16xf32, #tpu.memory_space<hbm>>, %arg8: memref<2x10112x16xf32, #tpu.memory_space<hbm>>, %arg9: memref<160x128xi32, #tpu.memory_space<vmem>>, %arg10: memref<160x128xi32, #tpu.memory_space<vmem>>, %arg11: memref<8x128x16xf32, #tpu.memory_space<vmem>>, %arg12: memref<632x16xf32, #tpu.memory_space<vmem>>, %arg13: memref<632x16xf32, #tpu.memory_space<vmem>>, %arg14: memref<632x16xf32, #tpu.memory_space<vmem>>, %arg15: memref<10112x16xf32, #tpu.memory_space<vmem_shared>>, %arg16: memref<10112x16xf32, #tpu.memory_space<vmem_shared>>, %arg17: memref<!tpu.dma_semaphore, #tpu.memory_space<semaphore_mem>>, %arg18: memref<!tpu.dma_semaphore, #tpu.memory_space<semaphore_mem>>, %arg19: memref<!tpu.dma_semaphore, #tpu.memory_space<semaphore_mem>>, %arg20: memref<!tpu.dma_semaphore, #tpu.memory_space<semaphore_mem>>, %arg21: memref<!tpu.dma_semaphore, #tpu.memory_space<semaphore_mem>>, %arg22: memref<!tpu.dma_semaphore, #tpu.memory_space<semaphore_mem>>, %arg23: memref<!tpu.dma_semaphore, #tpu.memory_space<semaphore_mem>>, %arg24: memref<!tpu.dma_semaphore, #tpu.memory_space<semaphore_mem>>, %arg25: memref<!tpu.dma_semaphore, #tpu.memory_space<semaphore_mem>>, %arg26: memref<!tpu.dma_semaphore, #tpu.memory_space<semaphore_mem>>, %arg27: memref<!tpu.dma_semaphore, #tpu.memory_space<semaphore_mem>>, %arg28: memref<!tpu.dma_semaphore, #tpu.memory_space<semaphore_mem>>, %arg29: memref<!tpu.dma_semaphore, #tpu.memory_space<semaphore_mem>>, %arg30: memref<!tpu.dma_semaphore, #tpu.memory_space<semaphore_mem>>, %arg31: memref<!tpu.dma_semaphore, #tpu.memory_space<semaphore_mem>>, %arg32: memref<!tpu.dma_semaphore, #tpu.memory_space<semaphore_mem>>) attributes {dimension_semantics = [#tpu.dimension_semantics<core_parallel>, #tpu.dimension_semantics<subcore_parallel>], iteration_bounds = array<i64: 2, 16>, scalar_prefetch = 0 : i64, scratch_operands = 24 : i64, tpu.core_type = #tpu.core_type<sc_vector_subcore>, window_params = [{transform_indices = #map}, {transform_indices = #map}, {transform_indices = #map}, {transform_indices = #map1}, {transform_indices = #map1}, {transform_indices = #map}, {transform_indices = #map1}]} {
    %mul3A = arith.constant 2 : i32
    %mul3A_0 = arith.muli %mul3A, %arg1 : i32
    "tpu.region"() ({
      %run_scoped3A = tpu.sem_alloc : memref<!tpu.dma_semaphore, #tpu.memory_space<semaphore_mem>>
      %dma_start3A_338 = arith.constant 0 : i32
      %dma_start3A_339 = arith.constant 0 : i32
      %dma_start3A_340 = tpu.memref_slice %arg9[%dma_start3A_338, %dma_start3A_339] : memref<160x128xi32, #tpu.memory_space<vmem>> -> memref<80x128xi32, #tpu.memory_space<vmem>>
      %dma_start3A_341 = arith.constant 0 : i32
      %dma_start3A_342 = arith.constant 0 : i32
      %dma_start3A_343 = tpu.memref_slice %arg5[%mul3A_0, %dma_start3A_341, %dma_start3A_342] : memref<32x80x128xi32, #tpu.memory_space<hbm>> -> memref<1x80x128xi32, #tpu.memory_space<hbm>>
      %dma_start3A_344 = tpu.memref_squeeze %dma_start3A_343 : memref<1x80x128xi32, #tpu.memory_space<hbm>> -> memref<80x128xi32, #tpu.memory_space<hbm>>
      %dma_start3A_345 = arith.constant 0 : i32
      %dma_start3A_346 = arith.constant 0 : i32
      %dma_start3A_347 = tpu.memref_slice %arg9[%dma_start3A_345, %dma_start3A_346] : memref<160x128xi32, #tpu.memory_space<vmem>> -> memref<80x128xi32, #tpu.memory_space<vmem>>
      %dma_start3A_348 = arith.constant 0 : i32
      %dma_start3A_349 = arith.constant 0 : i32
      %dma_start3A_350 = tpu.memref_slice %arg5[%mul3A_0, %dma_start3A_348, %dma_start3A_349] : memref<32x80x128xi32, #tpu.memory_space<hbm>> -> memref<1x80x128xi32, #tpu.memory_space<hbm>>
      %dma_start3A_351 = tpu.memref_squeeze %dma_start3A_350 : memref<1x80x128xi32, #tpu.memory_space<hbm>> -> memref<80x128xi32, #tpu.memory_space<hbm>>
      tpu.enqueue_dma source(%dma_start3A_351 : memref<80x128xi32, #tpu.memory_space<hbm>>) target(%dma_start3A_347 : memref<80x128xi32, #tpu.memory_space<vmem>>) target_semaphore(%run_scoped3A : memref<!tpu.dma_semaphore, #tpu.memory_space<semaphore_mem>>)
      %dma_wait3A_352 = arith.constant 0 : i32
      %dma_wait3A_353 = arith.constant 0 : i32
      %dma_wait3A_354 = tpu.memref_slice %arg9[%dma_wait3A_352, %dma_wait3A_353] : memref<160x128xi32, #tpu.memory_space<vmem>> -> memref<80x128xi32, #tpu.memory_space<vmem>>
      %dma_wait3A_355 = arith.constant 0 : i32
      %dma_wait3A_356 = arith.constant 0 : i32
      %dma_wait3A_357 = tpu.memref_slice %arg5[%mul3A_0, %dma_wait3A_355, %dma_wait3A_356] : memref<32x80x128xi32, #tpu.memory_space<hbm>> -> memref<1x80x128xi32, #tpu.memory_space<hbm>>
      %dma_wait3A_358 = tpu.memref_squeeze %dma_wait3A_357 : memref<1x80x128xi32, #tpu.memory_space<hbm>> -> memref<80x128xi32, #tpu.memory_space<hbm>>
      %dma_wait3A_359 = arith.constant 0 : i32
      %dma_wait3A_360 = arith.constant 0 : i32
      %dma_wait3A_361 = tpu.memref_slice %arg9[%dma_wait3A_359, %dma_wait3A_360] : memref<160x128xi32, #tpu.memory_space<vmem>> -> memref<80x128xi32, #tpu.memory_space<vmem>>
      %dma_wait3A_362 = arith.constant 0 : i32
      %dma_wait3A_363 = arith.constant 0 : i32
      %dma_wait3A_364 = tpu.memref_slice %arg5[%mul3A_0, %dma_wait3A_362, %dma_wait3A_363] : memref<32x80x128xi32, #tpu.memory_space<hbm>> -> memref<1x80x128xi32, #tpu.memory_space<hbm>>
      %dma_wait3A_365 = tpu.memref_squeeze %dma_wait3A_364 : memref<1x80x128xi32, #tpu.memory_space<hbm>> -> memref<80x128xi32, #tpu.memory_space<hbm>>
      tpu.wait_dma2 semaphore(%run_scoped3A : memref<!tpu.dma_semaphore, #tpu.memory_space<semaphore_mem>>) src(%dma_wait3A_365 : memref<80x128xi32, #tpu.memory_space<hbm>>) dst(%dma_wait3A_361 : memref<80x128xi32, #tpu.memory_space<vmem>>)
      tpu.yield
    }) : () -> ()
    %mul3A_1 = arith.constant 2 : i32
    %mul3A_2 = arith.muli %mul3A_1, %arg1 : i32
    %add3A = arith.constant 1 : i32
    %add3A_3 = arith.addi %mul3A_2, %add3A : i32
    "tpu.region"() ({
      %run_scoped3A = tpu.sem_alloc : memref<!tpu.dma_semaphore, #tpu.memory_space<semaphore_mem>>
      %dma_start3A_338 = arith.constant 80 : i32
      %dma_start3A_339 = arith.constant 0 : i32
      %dma_start3A_340 = tpu.memref_slice %arg9[%dma_start3A_338, %dma_start3A_339] : memref<160x128xi32, #tpu.memory_space<vmem>> -> memref<80x128xi32, #tpu.memory_space<vmem>>
      %dma_start3A_341 = arith.constant 0 : i32
      %dma_start3A_342 = arith.constant 0 : i32
      %dma_start3A_343 = tpu.memref_slice %arg5[%add3A_3, %dma_start3A_341, %dma_start3A_342] : memref<32x80x128xi32, #tpu.memory_space<hbm>> -> memref<1x80x128xi32, #tpu.memory_space<hbm>>
      %dma_start3A_344 = tpu.memref_squeeze %dma_start3A_343 : memref<1x80x128xi32, #tpu.memory_space<hbm>> -> memref<80x128xi32, #tpu.memory_space<hbm>>
      %dma_start3A_345 = arith.constant 80 : i32
      %dma_start3A_346 = arith.constant 0 : i32
      %dma_start3A_347 = tpu.memref_slice %arg9[%dma_start3A_345, %dma_start3A_346] : memref<160x128xi32, #tpu.memory_space<vmem>> -> memref<80x128xi32, #tpu.memory_space<vmem>>
      %dma_start3A_348 = arith.constant 0 : i32
      %dma_start3A_349 = arith.constant 0 : i32
      %dma_start3A_350 = tpu.memref_slice %arg5[%add3A_3, %dma_start3A_348, %dma_start3A_349] : memref<32x80x128xi32, #tpu.memory_space<hbm>> -> memref<1x80x128xi32, #tpu.memory_space<hbm>>
      %dma_start3A_351 = tpu.memref_squeeze %dma_start3A_350 : memref<1x80x128xi32, #tpu.memory_space<hbm>> -> memref<80x128xi32, #tpu.memory_space<hbm>>
      tpu.enqueue_dma source(%dma_start3A_351 : memref<80x128xi32, #tpu.memory_space<hbm>>) target(%dma_start3A_347 : memref<80x128xi32, #tpu.memory_space<vmem>>) target_semaphore(%run_scoped3A : memref<!tpu.dma_semaphore, #tpu.memory_space<semaphore_mem>>)
      %dma_wait3A_352 = arith.constant 80 : i32
      %dma_wait3A_353 = arith.constant 0 : i32
      %dma_wait3A_354 = tpu.memref_slice %arg9[%dma_wait3A_352, %dma_wait3A_353] : memref<160x128xi32, #tpu.memory_space<vmem>> -> memref<80x128xi32, #tpu.memory_space<vmem>>
      %dma_wait3A_355 = arith.constant 0 : i32
      %dma_wait3A_356 = arith.constant 0 : i32
      %dma_wait3A_357 = tpu.memref_slice %arg5[%add3A_3, %dma_wait3A_355, %dma_wait3A_356] : memref<32x80x128xi32, #tpu.memory_space<hbm>> -> memref<1x80x128xi32, #tpu.memory_space<hbm>>
      %dma_wait3A_358 = tpu.memref_squeeze %dma_wait3A_357 : memref<1x80x128xi32, #tpu.memory_space<hbm>> -> memref<80x128xi32, #tpu.memory_space<hbm>>
      %dma_wait3A_359 = arith.constant 80 : i32
      %dma_wait3A_360 = arith.constant 0 : i32
      %dma_wait3A_361 = tpu.memref_slice %arg9[%dma_wait3A_359, %dma_wait3A_360] : memref<160x128xi32, #tpu.memory_space<vmem>> -> memref<80x128xi32, #tpu.memory_space<vmem>>
      %dma_wait3A_362 = arith.constant 0 : i32
      %dma_wait3A_363 = arith.constant 0 : i32
      %dma_wait3A_364 = tpu.memref_slice %arg5[%add3A_3, %dma_wait3A_362, %dma_wait3A_363] : memref<32x80x128xi32, #tpu.memory_space<hbm>> -> memref<1x80x128xi32, #tpu.memory_space<hbm>>
      %dma_wait3A_365 = tpu.memref_squeeze %dma_wait3A_364 : memref<1x80x128xi32, #tpu.memory_space<hbm>> -> memref<80x128xi32, #tpu.memory_space<hbm>>
      tpu.wait_dma2 semaphore(%run_scoped3A : memref<!tpu.dma_semaphore, #tpu.memory_space<semaphore_mem>>) src(%dma_wait3A_365 : memref<80x128xi32, #tpu.memory_space<hbm>>) dst(%dma_wait3A_361 : memref<80x128xi32, #tpu.memory_space<vmem>>)
      tpu.yield
    }) : () -> ()
    %mul3A_4 = arith.constant 2 : i32
    %mul3A_5 = arith.muli %mul3A_4, %arg1 : i32
    "tpu.region"() ({
      %run_scoped3A = tpu.sem_alloc : memref<!tpu.dma_semaphore, #tpu.memory_space<semaphore_mem>>
      %dma_start3A_338 = arith.constant 0 : i32
      %dma_start3A_339 = arith.constant 0 : i32
      %dma_start3A_340 = tpu.memref_slice %arg10[%dma_start3A_338, %dma_start3A_339] : memref<160x128xi32, #tpu.memory_space<vmem>> -> memref<80x128xi32, #tpu.memory_space<vmem>>
      %dma_start3A_341 = arith.constant 0 : i32
      %dma_start3A_342 = arith.constant 0 : i32
      %dma_start3A_343 = tpu.memref_slice %arg6[%mul3A_5, %dma_start3A_341, %dma_start3A_342] : memref<32x80x128xi32, #tpu.memory_space<hbm>> -> memref<1x80x128xi32, #tpu.memory_space<hbm>>
      %dma_start3A_344 = tpu.memref_squeeze %dma_start3A_343 : memref<1x80x128xi32, #tpu.memory_space<hbm>> -> memref<80x128xi32, #tpu.memory_space<hbm>>
      %dma_start3A_345 = arith.constant 0 : i32
      %dma_start3A_346 = arith.constant 0 : i32
      %dma_start3A_347 = tpu.memref_slice %arg10[%dma_start3A_345, %dma_start3A_346] : memref<160x128xi32, #tpu.memory_space<vmem>> -> memref<80x128xi32, #tpu.memory_space<vmem>>
      %dma_start3A_348 = arith.constant 0 : i32
      %dma_start3A_349 = arith.constant 0 : i32
      %dma_start3A_350 = tpu.memref_slice %arg6[%mul3A_5, %dma_start3A_348, %dma_start3A_349] : memref<32x80x128xi32, #tpu.memory_space<hbm>> -> memref<1x80x128xi32, #tpu.memory_space<hbm>>
      %dma_start3A_351 = tpu.memref_squeeze %dma_start3A_350 : memref<1x80x128xi32, #tpu.memory_space<hbm>> -> memref<80x128xi32, #tpu.memory_space<hbm>>
      tpu.enqueue_dma source(%dma_start3A_351 : memref<80x128xi32, #tpu.memory_space<hbm>>) target(%dma_start3A_347 : memref<80x128xi32, #tpu.memory_space<vmem>>) target_semaphore(%run_scoped3A : memref<!tpu.dma_semaphore, #tpu.memory_space<semaphore_mem>>)
      %dma_wait3A_352 = arith.constant 0 : i32
      %dma_wait3A_353 = arith.constant 0 : i32
      %dma_wait3A_354 = tpu.memref_slice %arg10[%dma_wait3A_352, %dma_wait3A_353] : memref<160x128xi32, #tpu.memory_space<vmem>> -> memref<80x128xi32, #tpu.memory_space<vmem>>
      %dma_wait3A_355 = arith.constant 0 : i32
      %dma_wait3A_356 = arith.constant 0 : i32
      %dma_wait3A_357 = tpu.memref_slice %arg6[%mul3A_5, %dma_wait3A_355, %dma_wait3A_356] : memref<32x80x128xi32, #tpu.memory_space<hbm>> -> memref<1x80x128xi32, #tpu.memory_space<hbm>>
      %dma_wait3A_358 = tpu.memref_squeeze %dma_wait3A_357 : memref<1x80x128xi32, #tpu.memory_space<hbm>> -> memref<80x128xi32, #tpu.memory_space<hbm>>
      %dma_wait3A_359 = arith.constant 0 : i32
      %dma_wait3A_360 = arith.constant 0 : i32
      %dma_wait3A_361 = tpu.memref_slice %arg10[%dma_wait3A_359, %dma_wait3A_360] : memref<160x128xi32, #tpu.memory_space<vmem>> -> memref<80x128xi32, #tpu.memory_space<vmem>>
      %dma_wait3A_362 = arith.constant 0 : i32
      %dma_wait3A_363 = arith.constant 0 : i32
      %dma_wait3A_364 = tpu.memref_slice %arg6[%mul3A_5, %dma_wait3A_362, %dma_wait3A_363] : memref<32x80x128xi32, #tpu.memory_space<hbm>> -> memref<1x80x128xi32, #tpu.memory_space<hbm>>
      %dma_wait3A_365 = tpu.memref_squeeze %dma_wait3A_364 : memref<1x80x128xi32, #tpu.memory_space<hbm>> -> memref<80x128xi32, #tpu.memory_space<hbm>>
      tpu.wait_dma2 semaphore(%run_scoped3A : memref<!tpu.dma_semaphore, #tpu.memory_space<semaphore_mem>>) src(%dma_wait3A_365 : memref<80x128xi32, #tpu.memory_space<hbm>>) dst(%dma_wait3A_361 : memref<80x128xi32, #tpu.memory_space<vmem>>)
      tpu.yield
    }) : () -> ()
    %mul3A_6 = arith.constant 2 : i32
    %mul3A_7 = arith.muli %mul3A_6, %arg1 : i32
    %add3A_8 = arith.constant 1 : i32
    %add3A_9 = arith.addi %mul3A_7, %add3A_8 : i32
    "tpu.region"() ({
      %run_scoped3A = tpu.sem_alloc : memref<!tpu.dma_semaphore, #tpu.memory_space<semaphore_mem>>
      %dma_start3A_338 = arith.constant 80 : i32
      %dma_start3A_339 = arith.constant 0 : i32
      %dma_start3A_340 = tpu.memref_slice %arg10[%dma_start3A_338, %dma_start3A_339] : memref<160x128xi32, #tpu.memory_space<vmem>> -> memref<80x128xi32, #tpu.memory_space<vmem>>
      %dma_start3A_341 = arith.constant 0 : i32
      %dma_start3A_342 = arith.constant 0 : i32
      %dma_start3A_343 = tpu.memref_slice %arg6[%add3A_9, %dma_start3A_341, %dma_start3A_342] : memref<32x80x128xi32, #tpu.memory_space<hbm>> -> memref<1x80x128xi32, #tpu.memory_space<hbm>>
      %dma_start3A_344 = tpu.memref_squeeze %dma_start3A_343 : memref<1x80x128xi32, #tpu.memory_space<hbm>> -> memref<80x128xi32, #tpu.memory_space<hbm>>
      %dma_start3A_345 = arith.constant 80 : i32
      %dma_start3A_346 = arith.constant 0 : i32
      %dma_start3A_347 = tpu.memref_slice %arg10[%dma_start3A_345, %dma_start3A_346] : memref<160x128xi32, #tpu.memory_space<vmem>> -> memref<80x128xi32, #tpu.memory_space<vmem>>
      %dma_start3A_348 = arith.constant 0 : i32
      %dma_start3A_349 = arith.constant 0 : i32
      %dma_start3A_350 = tpu.memref_slice %arg6[%add3A_9, %dma_start3A_348, %dma_start3A_349] : memref<32x80x128xi32, #tpu.memory_space<hbm>> -> memref<1x80x128xi32, #tpu.memory_space<hbm>>
      %dma_start3A_351 = tpu.memref_squeeze %dma_start3A_350 : memref<1x80x128xi32, #tpu.memory_space<hbm>> -> memref<80x128xi32, #tpu.memory_space<hbm>>
      tpu.enqueue_dma source(%dma_start3A_351 : memref<80x128xi32, #tpu.memory_space<hbm>>) target(%dma_start3A_347 : memref<80x128xi32, #tpu.memory_space<vmem>>) target_semaphore(%run_scoped3A : memref<!tpu.dma_semaphore, #tpu.memory_space<semaphore_mem>>)
      %dma_wait3A_352 = arith.constant 80 : i32
      %dma_wait3A_353 = arith.constant 0 : i32
      %dma_wait3A_354 = tpu.memref_slice %arg10[%dma_wait3A_352, %dma_wait3A_353] : memref<160x128xi32, #tpu.memory_space<vmem>> -> memref<80x128xi32, #tpu.memory_space<vmem>>
      %dma_wait3A_355 = arith.constant 0 : i32
      %dma_wait3A_356 = arith.constant 0 : i32
      %dma_wait3A_357 = tpu.memref_slice %arg6[%add3A_9, %dma_wait3A_355, %dma_wait3A_356] : memref<32x80x128xi32, #tpu.memory_space<hbm>> -> memref<1x80x128xi32, #tpu.memory_space<hbm>>
      %dma_wait3A_358 = tpu.memref_squeeze %dma_wait3A_357 : memref<1x80x128xi32, #tpu.memory_space<hbm>> -> memref<80x128xi32, #tpu.memory_space<hbm>>
      %dma_wait3A_359 = arith.constant 80 : i32
      %dma_wait3A_360 = arith.constant 0 : i32
      %dma_wait3A_361 = tpu.memref_slice %arg10[%dma_wait3A_359, %dma_wait3A_360] : memref<160x128xi32, #tpu.memory_space<vmem>> -> memref<80x128xi32, #tpu.memory_space<vmem>>
      %dma_wait3A_362 = arith.constant 0 : i32
      %dma_wait3A_363 = arith.constant 0 : i32
      %dma_wait3A_364 = tpu.memref_slice %arg6[%add3A_9, %dma_wait3A_362, %dma_wait3A_363] : memref<32x80x128xi32, #tpu.memory_space<hbm>> -> memref<1x80x128xi32, #tpu.memory_space<hbm>>
      %dma_wait3A_365 = tpu.memref_squeeze %dma_wait3A_364 : memref<1x80x128xi32, #tpu.memory_space<hbm>> -> memref<80x128xi32, #tpu.memory_space<hbm>>
      tpu.wait_dma2 semaphore(%run_scoped3A : memref<!tpu.dma_semaphore, #tpu.memory_space<semaphore_mem>>) src(%dma_wait3A_365 : memref<80x128xi32, #tpu.memory_space<hbm>>) dst(%dma_wait3A_361 : memref<80x128xi32, #tpu.memory_space<vmem>>)
      tpu.yield
    }) : () -> ()
    %mul3A_10 = arith.constant 632 : i32
    %mul3A_11 = arith.muli %arg1, %mul3A_10 : i32
    %mul3A_12 = arith.constant 632 : i32
    %mul3A_13 = arith.muli %arg1, %mul3A_12 : i32
    "tpu.region"() ({
      %run_scoped3A = tpu.sem_alloc : memref<!tpu.dma_semaphore, #tpu.memory_space<semaphore_mem>>
      %dma_start3A_338 = arith.constant 0 : i32
      %dma_start3A_339 = tpu.memref_slice %arg15[%mul3A_13, %dma_start3A_338] : memref<10112x16xf32, #tpu.memory_space<vmem_shared>> -> memref<632x16xf32, #tpu.memory_space<vmem_shared>>
      %dma_start3A_340 = arith.constant 0 : i32
      %dma_start3A_341 = tpu.memref_slice %arg2[%mul3A_11, %dma_start3A_340] : memref<10112x16xf32, #tpu.memory_space<hbm>> -> memref<632x16xf32, #tpu.memory_space<hbm>>
      tpu.enqueue_dma source(%dma_start3A_341 : memref<632x16xf32, #tpu.memory_space<hbm>>) target(%dma_start3A_339 : memref<632x16xf32, #tpu.memory_space<vmem_shared>>) target_semaphore(%run_scoped3A : memref<!tpu.dma_semaphore, #tpu.memory_space<semaphore_mem>>)
      %dma_wait3A_342 = arith.constant 0 : i32
      %dma_wait3A_343 = tpu.memref_slice %arg15[%mul3A_13, %dma_wait3A_342] : memref<10112x16xf32, #tpu.memory_space<vmem_shared>> -> memref<632x16xf32, #tpu.memory_space<vmem_shared>>
      %dma_wait3A_344 = arith.constant 0 : i32
      %dma_wait3A_345 = tpu.memref_slice %arg2[%mul3A_11, %dma_wait3A_344] : memref<10112x16xf32, #tpu.memory_space<hbm>> -> memref<632x16xf32, #tpu.memory_space<hbm>>
      tpu.wait_dma2 semaphore(%run_scoped3A : memref<!tpu.dma_semaphore, #tpu.memory_space<semaphore_mem>>) src(%dma_wait3A_345 : memref<632x16xf32, #tpu.memory_space<hbm>>) dst(%dma_wait3A_343 : memref<632x16xf32, #tpu.memory_space<vmem_shared>>)
      tpu.yield
    }) : () -> ()
    %mul3A_14 = arith.constant 632 : i32
    %mul3A_15 = arith.muli %arg1, %mul3A_14 : i32
    %mul3A_16 = arith.constant 632 : i32
    %mul3A_17 = arith.muli %arg1, %mul3A_16 : i32
    "tpu.region"() ({
      %run_scoped3A = tpu.sem_alloc : memref<!tpu.dma_semaphore, #tpu.memory_space<semaphore_mem>>
      %dma_start3A_338 = arith.constant 0 : i32
      %dma_start3A_339 = tpu.memref_slice %arg16[%mul3A_17, %dma_start3A_338] : memref<10112x16xf32, #tpu.memory_space<vmem_shared>> -> memref<632x16xf32, #tpu.memory_space<vmem_shared>>
      %dma_start3A_340 = arith.constant 0 : i32
      %dma_start3A_341 = tpu.memref_slice %arg7[%mul3A_15, %dma_start3A_340] : memref<10112x16xf32, #tpu.memory_space<hbm>> -> memref<632x16xf32, #tpu.memory_space<hbm>>
      tpu.enqueue_dma source(%dma_start3A_341 : memref<632x16xf32, #tpu.memory_space<hbm>>) target(%dma_start3A_339 : memref<632x16xf32, #tpu.memory_space<vmem_shared>>) target_semaphore(%run_scoped3A : memref<!tpu.dma_semaphore, #tpu.memory_space<semaphore_mem>>)
      %dma_wait3A_342 = arith.constant 0 : i32
      %dma_wait3A_343 = tpu.memref_slice %arg16[%mul3A_17, %dma_wait3A_342] : memref<10112x16xf32, #tpu.memory_space<vmem_shared>> -> memref<632x16xf32, #tpu.memory_space<vmem_shared>>
      %dma_wait3A_344 = arith.constant 0 : i32
      %dma_wait3A_345 = tpu.memref_slice %arg7[%mul3A_15, %dma_wait3A_344] : memref<10112x16xf32, #tpu.memory_space<hbm>> -> memref<632x16xf32, #tpu.memory_space<hbm>>
      tpu.wait_dma2 semaphore(%run_scoped3A : memref<!tpu.dma_semaphore, #tpu.memory_space<semaphore_mem>>) src(%dma_wait3A_345 : memref<632x16xf32, #tpu.memory_space<hbm>>) dst(%dma_wait3A_343 : memref<632x16xf32, #tpu.memory_space<vmem_shared>>)
      tpu.yield
    }) : () -> ()
    %barrier3A = arith.constant 0 : index
    tpu.barrier barrier_id(%barrier3A)
    %dma_start3A = arith.constant 0 : i32
    %dma_start3A_18 = arith.constant 0 : i32
    %dma_start3A_19 = arith.constant 0 : i32
    %dma_start3A_20 = arith.constant 0 : i32
    %dma_start3A_21 = tpu.memref_slice %arg11[%dma_start3A_18, %dma_start3A_19, %dma_start3A_20] : memref<8x128x16xf32, #tpu.memory_space<vmem>> -> memref<1x128x16xf32, #tpu.memory_space<vmem>>
    %dma_start3A_22 = tpu.memref_squeeze %dma_start3A_21 : memref<1x128x16xf32, #tpu.memory_space<vmem>> -> memref<128x16xf32, #tpu.memory_space<vmem>>
    %dma_start3A_23 = arith.constant 0 : i32
    %dma_start3A_24 = tpu.memref_slice %arg9[%dma_start3A, %dma_start3A_23] : memref<160x128xi32, #tpu.memory_space<vmem>> -> memref<1x128xi32, #tpu.memory_space<vmem>>
    %dma_start3A_25 = tpu.memref_squeeze %dma_start3A_24 : memref<1x128xi32, #tpu.memory_space<vmem>> -> memref<128xi32, #tpu.memory_space<vmem>>
    %dma_start3A_26 = arith.constant 0 : i32
    %dma_start3A_27 = arith.constant 0 : i32
    %dma_start3A_28 = tpu.memref_slice %arg15[%dma_start3A_26, %dma_start3A_27] : memref<10112x16xf32, #tpu.memory_space<vmem_shared>> -> memref<10112x16xf32, #tpu.memory_space<vmem_shared>>
    tpu.enqueue_indirect_dma source(%dma_start3A_28 : memref<10112x16xf32, #tpu.memory_space<vmem_shared>>) target(%dma_start3A_22 : memref<128x16xf32, #tpu.memory_space<vmem>>) offsets(%dma_start3A_25 : memref<128xi32, #tpu.memory_space<vmem>>) semaphore(%arg17 : memref<!tpu.dma_semaphore, #tpu.memory_space<semaphore_mem>>)
    %dma_start3A_29 = arith.constant 1 : i32
    %dma_start3A_30 = arith.constant 1 : i32
    %dma_start3A_31 = arith.constant 0 : i32
    %dma_start3A_32 = arith.constant 0 : i32
    %dma_start3A_33 = tpu.memref_slice %arg11[%dma_start3A_30, %dma_start3A_31, %dma_start3A_32] : memref<8x128x16xf32, #tpu.memory_space<vmem>> -> memref<1x128x16xf32, #tpu.memory_space<vmem>>
    %dma_start3A_34 = tpu.memref_squeeze %dma_start3A_33 : memref<1x128x16xf32, #tpu.memory_space<vmem>> -> memref<128x16xf32, #tpu.memory_space<vmem>>
    %dma_start3A_35 = arith.constant 0 : i32
    %dma_start3A_36 = tpu.memref_slice %arg9[%dma_start3A_29, %dma_start3A_35] : memref<160x128xi32, #tpu.memory_space<vmem>> -> memref<1x128xi32, #tpu.memory_space<vmem>>
    %dma_start3A_37 = tpu.memref_squeeze %dma_start3A_36 : memref<1x128xi32, #tpu.memory_space<vmem>> -> memref<128xi32, #tpu.memory_space<vmem>>
    %dma_start3A_38 = arith.constant 0 : i32
    %dma_start3A_39 = arith.constant 0 : i32
    %dma_start3A_40 = tpu.memref_slice %arg15[%dma_start3A_38, %dma_start3A_39] : memref<10112x16xf32, #tpu.memory_space<vmem_shared>> -> memref<10112x16xf32, #tpu.memory_space<vmem_shared>>
    tpu.enqueue_indirect_dma source(%dma_start3A_40 : memref<10112x16xf32, #tpu.memory_space<vmem_shared>>) target(%dma_start3A_34 : memref<128x16xf32, #tpu.memory_space<vmem>>) offsets(%dma_start3A_37 : memref<128xi32, #tpu.memory_space<vmem>>) semaphore(%arg18 : memref<!tpu.dma_semaphore, #tpu.memory_space<semaphore_mem>>)
    %dma_start3A_41 = arith.constant 2 : i32
    %dma_start3A_42 = arith.constant 2 : i32
    %dma_start3A_43 = arith.constant 0 : i32
    %dma_start3A_44 = arith.constant 0 : i32
    %dma_start3A_45 = tpu.memref_slice %arg11[%dma_start3A_42, %dma_start3A_43, %dma_start3A_44] : memref<8x128x16xf32, #tpu.memory_space<vmem>> -> memref<1x128x16xf32, #tpu.memory_space<vmem>>
    %dma_start3A_46 = tpu.memref_squeeze %dma_start3A_45 : memref<1x128x16xf32, #tpu.memory_space<vmem>> -> memref<128x16xf32, #tpu.memory_space<vmem>>
    %dma_start3A_47 = arith.constant 0 : i32
    %dma_start3A_48 = tpu.memref_slice %arg9[%dma_start3A_41, %dma_start3A_47] : memref<160x128xi32, #tpu.memory_space<vmem>> -> memref<1x128xi32, #tpu.memory_space<vmem>>
    %dma_start3A_49 = tpu.memref_squeeze %dma_start3A_48 : memref<1x128xi32, #tpu.memory_space<vmem>> -> memref<128xi32, #tpu.memory_space<vmem>>
    %dma_start3A_50 = arith.constant 0 : i32
    %dma_start3A_51 = arith.constant 0 : i32
    %dma_start3A_52 = tpu.memref_slice %arg15[%dma_start3A_50, %dma_start3A_51] : memref<10112x16xf32, #tpu.memory_space<vmem_shared>> -> memref<10112x16xf32, #tpu.memory_space<vmem_shared>>
    tpu.enqueue_indirect_dma source(%dma_start3A_52 : memref<10112x16xf32, #tpu.memory_space<vmem_shared>>) target(%dma_start3A_46 : memref<128x16xf32, #tpu.memory_space<vmem>>) offsets(%dma_start3A_49 : memref<128xi32, #tpu.memory_space<vmem>>) semaphore(%arg19 : memref<!tpu.dma_semaphore, #tpu.memory_space<semaphore_mem>>)
    %dma_start3A_53 = arith.constant 3 : i32
    %dma_start3A_54 = arith.constant 3 : i32
    %dma_start3A_55 = arith.constant 0 : i32
    %dma_start3A_56 = arith.constant 0 : i32
    %dma_start3A_57 = tpu.memref_slice %arg11[%dma_start3A_54, %dma_start3A_55, %dma_start3A_56] : memref<8x128x16xf32, #tpu.memory_space<vmem>> -> memref<1x128x16xf32, #tpu.memory_space<vmem>>
    %dma_start3A_58 = tpu.memref_squeeze %dma_start3A_57 : memref<1x128x16xf32, #tpu.memory_space<vmem>> -> memref<128x16xf32, #tpu.memory_space<vmem>>
    %dma_start3A_59 = arith.constant 0 : i32
    %dma_start3A_60 = tpu.memref_slice %arg9[%dma_start3A_53, %dma_start3A_59] : memref<160x128xi32, #tpu.memory_space<vmem>> -> memref<1x128xi32, #tpu.memory_space<vmem>>
    %dma_start3A_61 = tpu.memref_squeeze %dma_start3A_60 : memref<1x128xi32, #tpu.memory_space<vmem>> -> memref<128xi32, #tpu.memory_space<vmem>>
    %dma_start3A_62 = arith.constant 0 : i32
    %dma_start3A_63 = arith.constant 0 : i32
    %dma_start3A_64 = tpu.memref_slice %arg15[%dma_start3A_62, %dma_start3A_63] : memref<10112x16xf32, #tpu.memory_space<vmem_shared>> -> memref<10112x16xf32, #tpu.memory_space<vmem_shared>>
    tpu.enqueue_indirect_dma source(%dma_start3A_64 : memref<10112x16xf32, #tpu.memory_space<vmem_shared>>) target(%dma_start3A_58 : memref<128x16xf32, #tpu.memory_space<vmem>>) offsets(%dma_start3A_61 : memref<128xi32, #tpu.memory_space<vmem>>) semaphore(%arg20 : memref<!tpu.dma_semaphore, #tpu.memory_space<semaphore_mem>>)
    %scan3A = arith.constant 0 : i32
    %scan3A_65 = arith.constant 0 : i32
    %scan3A_66 = arith.constant 20 : i32
    %scan3A_67 = arith.addi %scan3A_65, %scan3A_66 : i32
    %scan3A_68 = arith.constant 1 : i32
    scf.for %scan3A_338 = %scan3A_65 to %scan3A_67 step %scan3A_68  : i32 {
      %mul3A_339 = arith.constant 8 : i32
      %mul3A_340 = arith.muli %scan3A_338, %mul3A_339 : i32
      %add3A_341 = arith.constant 0 : i32
      %add3A_342 = arith.addi %mul3A_340, %add3A_341 : i32
      %add3A_343 = arith.constant 0 : i32
      %add3A_344 = arith.addi %add3A_343, %add3A_342 : i32
      %dma_wait3A_345 = arith.constant 0 : i32
      %dma_wait3A_346 = arith.constant 0 : i32
      %dma_wait3A_347 = arith.constant 0 : i32
      %dma_wait3A_348 = tpu.memref_slice %arg11[%dma_wait3A_345, %dma_wait3A_346, %dma_wait3A_347] : memref<8x128x16xf32, #tpu.memory_space<vmem>> -> memref<1x128x16xf32, #tpu.memory_space<vmem>>
      %dma_wait3A_349 = tpu.memref_squeeze %dma_wait3A_348 : memref<1x128x16xf32, #tpu.memory_space<vmem>> -> memref<128x16xf32, #tpu.memory_space<vmem>>
      %dma_wait3A_350 = arith.constant 0 : i32
      %dma_wait3A_351 = tpu.memref_slice %arg9[%add3A_344, %dma_wait3A_350] : memref<160x128xi32, #tpu.memory_space<vmem>> -> memref<1x128xi32, #tpu.memory_space<vmem>>
      %dma_wait3A_352 = tpu.memref_squeeze %dma_wait3A_351 : memref<1x128xi32, #tpu.memory_space<vmem>> -> memref<128xi32, #tpu.memory_space<vmem>>
      %dma_wait3A_353 = arith.constant 0 : i32
      %dma_wait3A_354 = arith.constant 0 : i32
      %dma_wait3A_355 = tpu.memref_slice %arg15[%dma_wait3A_353, %dma_wait3A_354] : memref<10112x16xf32, #tpu.memory_space<vmem_shared>> -> memref<10112x16xf32, #tpu.memory_space<vmem_shared>>
      tpu.wait_indirect_dma semaphore(%arg17 : memref<!tpu.dma_semaphore, #tpu.memory_space<semaphore_mem>>) src(%dma_wait3A_355 : memref<10112x16xf32, #tpu.memory_space<vmem_shared>>) dst(%dma_wait3A_349 : memref<128x16xf32, #tpu.memory_space<vmem>>)
      %add3A_356 = arith.constant 0 : i32
      %add3A_357 = arith.addi %add3A_356, %add3A_342 : i32
      %dma_start3A_358 = arith.constant 0 : i32
      %dma_start3A_359 = arith.constant 0 : i32
      %dma_start3A_360 = arith.constant 0 : i32
      %dma_start3A_361 = tpu.memref_slice %arg11[%dma_start3A_358, %dma_start3A_359, %dma_start3A_360] : memref<8x128x16xf32, #tpu.memory_space<vmem>> -> memref<1x128x16xf32, #tpu.memory_space<vmem>>
      %dma_start3A_362 = tpu.memref_squeeze %dma_start3A_361 : memref<1x128x16xf32, #tpu.memory_space<vmem>> -> memref<128x16xf32, #tpu.memory_space<vmem>>
      %dma_start3A_363 = arith.constant 0 : i32
      %dma_start3A_364 = tpu.memref_slice %arg10[%add3A_357, %dma_start3A_363] : memref<160x128xi32, #tpu.memory_space<vmem>> -> memref<1x128xi32, #tpu.memory_space<vmem>>
      %dma_start3A_365 = tpu.memref_squeeze %dma_start3A_364 : memref<1x128xi32, #tpu.memory_space<vmem>> -> memref<128xi32, #tpu.memory_space<vmem>>
      %dma_start3A_366 = arith.constant 0 : i32
      %dma_start3A_367 = arith.constant 0 : i32
      %dma_start3A_368 = tpu.memref_slice %arg16[%dma_start3A_366, %dma_start3A_367] : memref<10112x16xf32, #tpu.memory_space<vmem_shared>> -> memref<10112x16xf32, #tpu.memory_space<vmem_shared>>
      tpu.enqueue_indirect_dma source(%dma_start3A_362 : memref<128x16xf32, #tpu.memory_space<vmem>>) target(%dma_start3A_368 : memref<10112x16xf32, #tpu.memory_space<vmem_shared>>) offsets(%dma_start3A_365 : memref<128xi32, #tpu.memory_space<vmem>>) semaphore(%arg25 : memref<!tpu.dma_semaphore, #tpu.memory_space<semaphore_mem>>) {add = true}
      %add3A_369 = arith.constant 4 : i32
      %add3A_370 = arith.addi %add3A_342, %add3A_369 : i32
      %lt3A = arith.constant 160 : i32
      %lt3A_371 = arith.cmpi slt, %add3A_370, %lt3A : i32
      %convert_element_type3A = arith.extui %lt3A_371 : i1 to i32
      %cond3A = arith.constant 0 : i32
      %cond3A_372 = arith.cmpi ne, %convert_element_type3A, %cond3A : i32
      scf.if %cond3A_372 {
        %ge3A = arith.constant 4 : i32
        %ge3A_632 = arith.cmpi sge, %add3A_342, %ge3A : i32
        %convert_element_type3A_633 = arith.extui %ge3A_632 : i1 to i32
        %cond3A_634 = arith.constant 0 : i32
        %cond3A_635 = arith.cmpi ne, %convert_element_type3A_633, %cond3A_634 : i32
        scf.if %cond3A_635 {
          %dma_wait3A_651 = arith.constant 4 : i32
          %dma_wait3A_652 = arith.constant 0 : i32
          %dma_wait3A_653 = arith.constant 0 : i32
          %dma_wait3A_654 = arith.constant 0 : i32
          %dma_wait3A_655 = tpu.memref_slice %arg11[%dma_wait3A_651, %dma_wait3A_653, %dma_wait3A_654] : memref<8x128x16xf32, #tpu.memory_space<vmem>> -> memref<1x128x16xf32, #tpu.memory_space<vmem>>
          %dma_wait3A_656 = tpu.memref_squeeze %dma_wait3A_655 : memref<1x128x16xf32, #tpu.memory_space<vmem>> -> memref<128x16xf32, #tpu.memory_space<vmem>>
          %dma_wait3A_657 = arith.constant 0 : i32
          %dma_wait3A_658 = tpu.memref_slice %arg10[%dma_wait3A_652, %dma_wait3A_657] : memref<160x128xi32, #tpu.memory_space<vmem>> -> memref<1x128xi32, #tpu.memory_space<vmem>>
          %dma_wait3A_659 = tpu.memref_squeeze %dma_wait3A_658 : memref<1x128xi32, #tpu.memory_space<vmem>> -> memref<128xi32, #tpu.memory_space<vmem>>
          %dma_wait3A_660 = arith.constant 0 : i32
          %dma_wait3A_661 = arith.constant 0 : i32
          %dma_wait3A_662 = tpu.memref_slice %arg16[%dma_wait3A_660, %dma_wait3A_661] : memref<10112x16xf32, #tpu.memory_space<vmem_shared>> -> memref<10112x16xf32, #tpu.memory_space<vmem_shared>>
          tpu.wait_indirect_dma semaphore(%arg29 : memref<!tpu.dma_semaphore, #tpu.memory_space<semaphore_mem>>) src(%dma_wait3A_656 : memref<128x16xf32, #tpu.memory_space<vmem>>) dst(%dma_wait3A_662 : memref<10112x16xf32, #tpu.memory_space<vmem_shared>>)
        } else {
        }
        %add3A_636 = arith.constant 0 : i32
        %add3A_637 = arith.addi %add3A_636, %add3A_342 : i32
        %add3A_638 = arith.constant 4 : i32
        %add3A_639 = arith.addi %add3A_637, %add3A_638 : i32
        %dma_start3A_640 = arith.constant 4 : i32
        %dma_start3A_641 = arith.constant 0 : i32
        %dma_start3A_642 = arith.constant 0 : i32
        %dma_start3A_643 = tpu.memref_slice %arg11[%dma_start3A_640, %dma_start3A_641, %dma_start3A_642] : memref<8x128x16xf32, #tpu.memory_space<vmem>> -> memref<1x128x16xf32, #tpu.memory_space<vmem>>
        %dma_start3A_644 = tpu.memref_squeeze %dma_start3A_643 : memref<1x128x16xf32, #tpu.memory_space<vmem>> -> memref<128x16xf32, #tpu.memory_space<vmem>>
        %dma_start3A_645 = arith.constant 0 : i32
        %dma_start3A_646 = tpu.memref_slice %arg9[%add3A_639, %dma_start3A_645] : memref<160x128xi32, #tpu.memory_space<vmem>> -> memref<1x128xi32, #tpu.memory_space<vmem>>
        %dma_start3A_647 = tpu.memref_squeeze %dma_start3A_646 : memref<1x128xi32, #tpu.memory_space<vmem>> -> memref<128xi32, #tpu.memory_space<vmem>>
        %dma_start3A_648 = arith.constant 0 : i32
        %dma_start3A_649 = arith.constant 0 : i32
        %dma_start3A_650 = tpu.memref_slice %arg15[%dma_start3A_648, %dma_start3A_649] : memref<10112x16xf32, #tpu.memory_space<vmem_shared>> -> memref<10112x16xf32, #tpu.memory_space<vmem_shared>>
        tpu.enqueue_indirect_dma source(%dma_start3A_650 : memref<10112x16xf32, #tpu.memory_space<vmem_shared>>) target(%dma_start3A_644 : memref<128x16xf32, #tpu.memory_space<vmem>>) offsets(%dma_start3A_647 : memref<128xi32, #tpu.memory_space<vmem>>) semaphore(%arg21 : memref<!tpu.dma_semaphore, #tpu.memory_space<semaphore_mem>>)
      } else {
      }
      %mul3A_373 = arith.constant 8 : i32
      %mul3A_374 = arith.muli %scan3A_338, %mul3A_373 : i32
      %add3A_375 = arith.constant 1 : i32
      %add3A_376 = arith.addi %mul3A_374, %add3A_375 : i32
      %add3A_377 = arith.constant 0 : i32
      %add3A_378 = arith.addi %add3A_377, %add3A_376 : i32
      %dma_wait3A_379 = arith.constant 1 : i32
      %dma_wait3A_380 = arith.constant 0 : i32
      %dma_wait3A_381 = arith.constant 0 : i32
      %dma_wait3A_382 = tpu.memref_slice %arg11[%dma_wait3A_379, %dma_wait3A_380, %dma_wait3A_381] : memref<8x128x16xf32, #tpu.memory_space<vmem>> -> memref<1x128x16xf32, #tpu.memory_space<vmem>>
      %dma_wait3A_383 = tpu.memref_squeeze %dma_wait3A_382 : memref<1x128x16xf32, #tpu.memory_space<vmem>> -> memref<128x16xf32, #tpu.memory_space<vmem>>
      %dma_wait3A_384 = arith.constant 0 : i32
      %dma_wait3A_385 = tpu.memref_slice %arg9[%add3A_378, %dma_wait3A_384] : memref<160x128xi32, #tpu.memory_space<vmem>> -> memref<1x128xi32, #tpu.memory_space<vmem>>
      %dma_wait3A_386 = tpu.memref_squeeze %dma_wait3A_385 : memref<1x128xi32, #tpu.memory_space<vmem>> -> memref<128xi32, #tpu.memory_space<vmem>>
      %dma_wait3A_387 = arith.constant 0 : i32
      %dma_wait3A_388 = arith.constant 0 : i32
      %dma_wait3A_389 = tpu.memref_slice %arg15[%dma_wait3A_387, %dma_wait3A_388] : memref<10112x16xf32, #tpu.memory_space<vmem_shared>> -> memref<10112x16xf32, #tpu.memory_space<vmem_shared>>
      tpu.wait_indirect_dma semaphore(%arg18 : memref<!tpu.dma_semaphore, #tpu.memory_space<semaphore_mem>>) src(%dma_wait3A_389 : memref<10112x16xf32, #tpu.memory_space<vmem_shared>>) dst(%dma_wait3A_383 : memref<128x16xf32, #tpu.memory_space<vmem>>)
      %add3A_390 = arith.constant 0 : i32
      %add3A_391 = arith.addi %add3A_390, %add3A_376 : i32
      %dma_start3A_392 = arith.constant 1 : i32
      %dma_start3A_393 = arith.constant 0 : i32
      %dma_start3A_394 = arith.constant 0 : i32
      %dma_start3A_395 = tpu.memref_slice %arg11[%dma_start3A_392, %dma_start3A_393, %dma_start3A_394] : memref<8x128x16xf32, #tpu.memory_space<vmem>> -> memref<1x128x16xf32, #tpu.memory_space<vmem>>
      %dma_start3A_396 = tpu.memref_squeeze %dma_start3A_395 : memref<1x128x16xf32, #tpu.memory_space<vmem>> -> memref<128x16xf32, #tpu.memory_space<vmem>>
      %dma_start3A_397 = arith.constant 0 : i32
      %dma_start3A_398 = tpu.memref_slice %arg10[%add3A_391, %dma_start3A_397] : memref<160x128xi32, #tpu.memory_space<vmem>> -> memref<1x128xi32, #tpu.memory_space<vmem>>
      %dma_start3A_399 = tpu.memref_squeeze %dma_start3A_398 : memref<1x128xi32, #tpu.memory_space<vmem>> -> memref<128xi32, #tpu.memory_space<vmem>>
      %dma_start3A_400 = arith.constant 0 : i32
      %dma_start3A_401 = arith.constant 0 : i32
      %dma_start3A_402 = tpu.memref_slice %arg16[%dma_start3A_400, %dma_start3A_401] : memref<10112x16xf32, #tpu.memory_space<vmem_shared>> -> memref<10112x16xf32, #tpu.memory_space<vmem_shared>>
      tpu.enqueue_indirect_dma source(%dma_start3A_396 : memref<128x16xf32, #tpu.memory_space<vmem>>) target(%dma_start3A_402 : memref<10112x16xf32, #tpu.memory_space<vmem_shared>>) offsets(%dma_start3A_399 : memref<128xi32, #tpu.memory_space<vmem>>) semaphore(%arg26 : memref<!tpu.dma_semaphore, #tpu.memory_space<semaphore_mem>>) {add = true}
      %add3A_403 = arith.constant 4 : i32
      %add3A_404 = arith.addi %add3A_376, %add3A_403 : i32
      %lt3A_405 = arith.constant 160 : i32
      %lt3A_406 = arith.cmpi slt, %add3A_404, %lt3A_405 : i32
      %convert_element_type3A_407 = arith.extui %lt3A_406 : i1 to i32
      %cond3A_408 = arith.constant 0 : i32
      %cond3A_409 = arith.cmpi ne, %convert_element_type3A_407, %cond3A_408 : i32
      scf.if %cond3A_409 {
        %ge3A = arith.constant 4 : i32
        %ge3A_632 = arith.cmpi sge, %add3A_376, %ge3A : i32
        %convert_element_type3A_633 = arith.extui %ge3A_632 : i1 to i32
        %cond3A_634 = arith.constant 0 : i32
        %cond3A_635 = arith.cmpi ne, %convert_element_type3A_633, %cond3A_634 : i32
        scf.if %cond3A_635 {
          %dma_wait3A_651 = arith.constant 5 : i32
          %dma_wait3A_652 = arith.constant 0 : i32
          %dma_wait3A_653 = arith.constant 0 : i32
          %dma_wait3A_654 = arith.constant 0 : i32
          %dma_wait3A_655 = tpu.memref_slice %arg11[%dma_wait3A_651, %dma_wait3A_653, %dma_wait3A_654] : memref<8x128x16xf32, #tpu.memory_space<vmem>> -> memref<1x128x16xf32, #tpu.memory_space<vmem>>
          %dma_wait3A_656 = tpu.memref_squeeze %dma_wait3A_655 : memref<1x128x16xf32, #tpu.memory_space<vmem>> -> memref<128x16xf32, #tpu.memory_space<vmem>>
          %dma_wait3A_657 = arith.constant 0 : i32
          %dma_wait3A_658 = tpu.memref_slice %arg10[%dma_wait3A_652, %dma_wait3A_657] : memref<160x128xi32, #tpu.memory_space<vmem>> -> memref<1x128xi32, #tpu.memory_space<vmem>>
          %dma_wait3A_659 = tpu.memref_squeeze %dma_wait3A_658 : memref<1x128xi32, #tpu.memory_space<vmem>> -> memref<128xi32, #tpu.memory_space<vmem>>
          %dma_wait3A_660 = arith.constant 0 : i32
          %dma_wait3A_661 = arith.constant 0 : i32
          %dma_wait3A_662 = tpu.memref_slice %arg16[%dma_wait3A_660, %dma_wait3A_661] : memref<10112x16xf32, #tpu.memory_space<vmem_shared>> -> memref<10112x16xf32, #tpu.memory_space<vmem_shared>>
          tpu.wait_indirect_dma semaphore(%arg30 : memref<!tpu.dma_semaphore, #tpu.memory_space<semaphore_mem>>) src(%dma_wait3A_656 : memref<128x16xf32, #tpu.memory_space<vmem>>) dst(%dma_wait3A_662 : memref<10112x16xf32, #tpu.memory_space<vmem_shared>>)
        } else {
        }
        %add3A_636 = arith.constant 0 : i32
        %add3A_637 = arith.addi %add3A_636, %add3A_376 : i32
        %add3A_638 = arith.constant 4 : i32
        %add3A_639 = arith.addi %add3A_637, %add3A_638 : i32
        %dma_start3A_640 = arith.constant 5 : i32
        %dma_start3A_641 = arith.constant 0 : i32
        %dma_start3A_642 = arith.constant 0 : i32
        %dma_start3A_643 = tpu.memref_slice %arg11[%dma_start3A_640, %dma_start3A_641, %dma_start3A_642] : memref<8x128x16xf32, #tpu.memory_space<vmem>> -> memref<1x128x16xf32, #tpu.memory_space<vmem>>
        %dma_start3A_644 = tpu.memref_squeeze %dma_start3A_643 : memref<1x128x16xf32, #tpu.memory_space<vmem>> -> memref<128x16xf32, #tpu.memory_space<vmem>>
        %dma_start3A_645 = arith.constant 0 : i32
        %dma_start3A_646 = tpu.memref_slice %arg9[%add3A_639, %dma_start3A_645] : memref<160x128xi32, #tpu.memory_space<vmem>> -> memref<1x128xi32, #tpu.memory_space<vmem>>
        %dma_start3A_647 = tpu.memref_squeeze %dma_start3A_646 : memref<1x128xi32, #tpu.memory_space<vmem>> -> memref<128xi32, #tpu.memory_space<vmem>>
        %dma_start3A_648 = arith.constant 0 : i32
        %dma_start3A_649 = arith.constant 0 : i32
        %dma_start3A_650 = tpu.memref_slice %arg15[%dma_start3A_648, %dma_start3A_649] : memref<10112x16xf32, #tpu.memory_space<vmem_shared>> -> memref<10112x16xf32, #tpu.memory_space<vmem_shared>>
        tpu.enqueue_indirect_dma source(%dma_start3A_650 : memref<10112x16xf32, #tpu.memory_space<vmem_shared>>) target(%dma_start3A_644 : memref<128x16xf32, #tpu.memory_space<vmem>>) offsets(%dma_start3A_647 : memref<128xi32, #tpu.memory_space<vmem>>) semaphore(%arg22 : memref<!tpu.dma_semaphore, #tpu.memory_space<semaphore_mem>>)
      } else {
      }
      %mul3A_410 = arith.constant 8 : i32
      %mul3A_411 = arith.muli %scan3A_338, %mul3A_410 : i32
      %add3A_412 = arith.constant 2 : i32
      %add3A_413 = arith.addi %mul3A_411, %add3A_412 : i32
      %add3A_414 = arith.constant 0 : i32
      %add3A_415 = arith.addi %add3A_414, %add3A_413 : i32
      %dma_wait3A_416 = arith.constant 2 : i32
      %dma_wait3A_417 = arith.constant 0 : i32
      %dma_wait3A_418 = arith.constant 0 : i32
      %dma_wait3A_419 = tpu.memref_slice %arg11[%dma_wait3A_416, %dma_wait3A_417, %dma_wait3A_418] : memref<8x128x16xf32, #tpu.memory_space<vmem>> -> memref<1x128x16xf32, #tpu.memory_space<vmem>>
      %dma_wait3A_420 = tpu.memref_squeeze %dma_wait3A_419 : memref<1x128x16xf32, #tpu.memory_space<vmem>> -> memref<128x16xf32, #tpu.memory_space<vmem>>
      %dma_wait3A_421 = arith.constant 0 : i32
      %dma_wait3A_422 = tpu.memref_slice %arg9[%add3A_415, %dma_wait3A_421] : memref<160x128xi32, #tpu.memory_space<vmem>> -> memref<1x128xi32, #tpu.memory_space<vmem>>
      %dma_wait3A_423 = tpu.memref_squeeze %dma_wait3A_422 : memref<1x128xi32, #tpu.memory_space<vmem>> -> memref<128xi32, #tpu.memory_space<vmem>>
      %dma_wait3A_424 = arith.constant 0 : i32
      %dma_wait3A_425 = arith.constant 0 : i32
      %dma_wait3A_426 = tpu.memref_slice %arg15[%dma_wait3A_424, %dma_wait3A_425] : memref<10112x16xf32, #tpu.memory_space<vmem_shared>> -> memref<10112x16xf32, #tpu.memory_space<vmem_shared>>
      tpu.wait_indirect_dma semaphore(%arg19 : memref<!tpu.dma_semaphore, #tpu.memory_space<semaphore_mem>>) src(%dma_wait3A_426 : memref<10112x16xf32, #tpu.memory_space<vmem_shared>>) dst(%dma_wait3A_420 : memref<128x16xf32, #tpu.memory_space<vmem>>)
      %add3A_427 = arith.constant 0 : i32
      %add3A_428 = arith.addi %add3A_427, %add3A_413 : i32
      %dma_start3A_429 = arith.constant 2 : i32
      %dma_start3A_430 = arith.constant 0 : i32
      %dma_start3A_431 = arith.constant 0 : i32
      %dma_start3A_432 = tpu.memref_slice %arg11[%dma_start3A_429, %dma_start3A_430, %dma_start3A_431] : memref<8x128x16xf32, #tpu.memory_space<vmem>> -> memref<1x128x16xf32, #tpu.memory_space<vmem>>
      %dma_start3A_433 = tpu.memref_squeeze %dma_start3A_432 : memref<1x128x16xf32, #tpu.memory_space<vmem>> -> memref<128x16xf32, #tpu.memory_space<vmem>>
      %dma_start3A_434 = arith.constant 0 : i32
      %dma_start3A_435 = tpu.memref_slice %arg10[%add3A_428, %dma_start3A_434] : memref<160x128xi32, #tpu.memory_space<vmem>> -> memref<1x128xi32, #tpu.memory_space<vmem>>
      %dma_start3A_436 = tpu.memref_squeeze %dma_start3A_435 : memref<1x128xi32, #tpu.memory_space<vmem>> -> memref<128xi32, #tpu.memory_space<vmem>>
      %dma_start3A_437 = arith.constant 0 : i32
      %dma_start3A_438 = arith.constant 0 : i32
      %dma_start3A_439 = tpu.memref_slice %arg16[%dma_start3A_437, %dma_start3A_438] : memref<10112x16xf32, #tpu.memory_space<vmem_shared>> -> memref<10112x16xf32, #tpu.memory_space<vmem_shared>>
      tpu.enqueue_indirect_dma source(%dma_start3A_433 : memref<128x16xf32, #tpu.memory_space<vmem>>) target(%dma_start3A_439 : memref<10112x16xf32, #tpu.memory_space<vmem_shared>>) offsets(%dma_start3A_436 : memref<128xi32, #tpu.memory_space<vmem>>) semaphore(%arg27 : memref<!tpu.dma_semaphore, #tpu.memory_space<semaphore_mem>>) {add = true}
      %add3A_440 = arith.constant 4 : i32
      %add3A_441 = arith.addi %add3A_413, %add3A_440 : i32
      %lt3A_442 = arith.constant 160 : i32
      %lt3A_443 = arith.cmpi slt, %add3A_441, %lt3A_442 : i32
      %convert_element_type3A_444 = arith.extui %lt3A_443 : i1 to i32
      %cond3A_445 = arith.constant 0 : i32
      %cond3A_446 = arith.cmpi ne, %convert_element_type3A_444, %cond3A_445 : i32
      scf.if %cond3A_446 {
        %ge3A = arith.constant 4 : i32
        %ge3A_632 = arith.cmpi sge, %add3A_413, %ge3A : i32
        %convert_element_type3A_633 = arith.extui %ge3A_632 : i1 to i32
        %cond3A_634 = arith.constant 0 : i32
        %cond3A_635 = arith.cmpi ne, %convert_element_type3A_633, %cond3A_634 : i32
        scf.if %cond3A_635 {
          %dma_wait3A_651 = arith.constant 6 : i32
          %dma_wait3A_652 = arith.constant 0 : i32
          %dma_wait3A_653 = arith.constant 0 : i32
          %dma_wait3A_654 = arith.constant 0 : i32
          %dma_wait3A_655 = tpu.memref_slice %arg11[%dma_wait3A_651, %dma_wait3A_653, %dma_wait3A_654] : memref<8x128x16xf32, #tpu.memory_space<vmem>> -> memref<1x128x16xf32, #tpu.memory_space<vmem>>
          %dma_wait3A_656 = tpu.memref_squeeze %dma_wait3A_655 : memref<1x128x16xf32, #tpu.memory_space<vmem>> -> memref<128x16xf32, #tpu.memory_space<vmem>>
          %dma_wait3A_657 = arith.constant 0 : i32
          %dma_wait3A_658 = tpu.memref_slice %arg10[%dma_wait3A_652, %dma_wait3A_657] : memref<160x128xi32, #tpu.memory_space<vmem>> -> memref<1x128xi32, #tpu.memory_space<vmem>>
          %dma_wait3A_659 = tpu.memref_squeeze %dma_wait3A_658 : memref<1x128xi32, #tpu.memory_space<vmem>> -> memref<128xi32, #tpu.memory_space<vmem>>
          %dma_wait3A_660 = arith.constant 0 : i32
          %dma_wait3A_661 = arith.constant 0 : i32
          %dma_wait3A_662 = tpu.memref_slice %arg16[%dma_wait3A_660, %dma_wait3A_661] : memref<10112x16xf32, #tpu.memory_space<vmem_shared>> -> memref<10112x16xf32, #tpu.memory_space<vmem_shared>>
          tpu.wait_indirect_dma semaphore(%arg31 : memref<!tpu.dma_semaphore, #tpu.memory_space<semaphore_mem>>) src(%dma_wait3A_656 : memref<128x16xf32, #tpu.memory_space<vmem>>) dst(%dma_wait3A_662 : memref<10112x16xf32, #tpu.memory_space<vmem_shared>>)
        } else {
        }
        %add3A_636 = arith.constant 0 : i32
        %add3A_637 = arith.addi %add3A_636, %add3A_413 : i32
        %add3A_638 = arith.constant 4 : i32
        %add3A_639 = arith.addi %add3A_637, %add3A_638 : i32
        %dma_start3A_640 = arith.constant 6 : i32
        %dma_start3A_641 = arith.constant 0 : i32
        %dma_start3A_642 = arith.constant 0 : i32
        %dma_start3A_643 = tpu.memref_slice %arg11[%dma_start3A_640, %dma_start3A_641, %dma_start3A_642] : memref<8x128x16xf32, #tpu.memory_space<vmem>> -> memref<1x128x16xf32, #tpu.memory_space<vmem>>
        %dma_start3A_644 = tpu.memref_squeeze %dma_start3A_643 : memref<1x128x16xf32, #tpu.memory_space<vmem>> -> memref<128x16xf32, #tpu.memory_space<vmem>>
        %dma_start3A_645 = arith.constant 0 : i32
        %dma_start3A_646 = tpu.memref_slice %arg9[%add3A_639, %dma_start3A_645] : memref<160x128xi32, #tpu.memory_space<vmem>> -> memref<1x128xi32, #tpu.memory_space<vmem>>
        %dma_start3A_647 = tpu.memref_squeeze %dma_start3A_646 : memref<1x128xi32, #tpu.memory_space<vmem>> -> memref<128xi32, #tpu.memory_space<vmem>>
        %dma_start3A_648 = arith.constant 0 : i32
        %dma_start3A_649 = arith.constant 0 : i32
        %dma_start3A_650 = tpu.memref_slice %arg15[%dma_start3A_648, %dma_start3A_649] : memref<10112x16xf32, #tpu.memory_space<vmem_shared>> -> memref<10112x16xf32, #tpu.memory_space<vmem_shared>>
        tpu.enqueue_indirect_dma source(%dma_start3A_650 : memref<10112x16xf32, #tpu.memory_space<vmem_shared>>) target(%dma_start3A_644 : memref<128x16xf32, #tpu.memory_space<vmem>>) offsets(%dma_start3A_647 : memref<128xi32, #tpu.memory_space<vmem>>) semaphore(%arg23 : memref<!tpu.dma_semaphore, #tpu.memory_space<semaphore_mem>>)
      } else {
      }
      %mul3A_447 = arith.constant 8 : i32
      %mul3A_448 = arith.muli %scan3A_338, %mul3A_447 : i32
      %add3A_449 = arith.constant 3 : i32
      %add3A_450 = arith.addi %mul3A_448, %add3A_449 : i32
      %add3A_451 = arith.constant 0 : i32
      %add3A_452 = arith.addi %add3A_451, %add3A_450 : i32
      %dma_wait3A_453 = arith.constant 3 : i32
      %dma_wait3A_454 = arith.constant 0 : i32
      %dma_wait3A_455 = arith.constant 0 : i32
      %dma_wait3A_456 = tpu.memref_slice %arg11[%dma_wait3A_453, %dma_wait3A_454, %dma_wait3A_455] : memref<8x128x16xf32, #tpu.memory_space<vmem>> -> memref<1x128x16xf32, #tpu.memory_space<vmem>>
      %dma_wait3A_457 = tpu.memref_squeeze %dma_wait3A_456 : memref<1x128x16xf32, #tpu.memory_space<vmem>> -> memref<128x16xf32, #tpu.memory_space<vmem>>
      %dma_wait3A_458 = arith.constant 0 : i32
      %dma_wait3A_459 = tpu.memref_slice %arg9[%add3A_452, %dma_wait3A_458] : memref<160x128xi32, #tpu.memory_space<vmem>> -> memref<1x128xi32, #tpu.memory_space<vmem>>
      %dma_wait3A_460 = tpu.memref_squeeze %dma_wait3A_459 : memref<1x128xi32, #tpu.memory_space<vmem>> -> memref<128xi32, #tpu.memory_space<vmem>>
      %dma_wait3A_461 = arith.constant 0 : i32
      %dma_wait3A_462 = arith.constant 0 : i32
      %dma_wait3A_463 = tpu.memref_slice %arg15[%dma_wait3A_461, %dma_wait3A_462] : memref<10112x16xf32, #tpu.memory_space<vmem_shared>> -> memref<10112x16xf32, #tpu.memory_space<vmem_shared>>
      tpu.wait_indirect_dma semaphore(%arg20 : memref<!tpu.dma_semaphore, #tpu.memory_space<semaphore_mem>>) src(%dma_wait3A_463 : memref<10112x16xf32, #tpu.memory_space<vmem_shared>>) dst(%dma_wait3A_457 : memref<128x16xf32, #tpu.memory_space<vmem>>)
      %add3A_464 = arith.constant 0 : i32
      %add3A_465 = arith.addi %add3A_464, %add3A_450 : i32
      %dma_start3A_466 = arith.constant 3 : i32
      %dma_start3A_467 = arith.constant 0 : i32
      %dma_start3A_468 = arith.constant 0 : i32
      %dma_start3A_469 = tpu.memref_slice %arg11[%dma_start3A_466, %dma_start3A_467, %dma_start3A_468] : memref<8x128x16xf32, #tpu.memory_space<vmem>> -> memref<1x128x16xf32, #tpu.memory_space<vmem>>
      %dma_start3A_470 = tpu.memref_squeeze %dma_start3A_469 : memref<1x128x16xf32, #tpu.memory_space<vmem>> -> memref<128x16xf32, #tpu.memory_space<vmem>>
      %dma_start3A_471 = arith.constant 0 : i32
      %dma_start3A_472 = tpu.memref_slice %arg10[%add3A_465, %dma_start3A_471] : memref<160x128xi32, #tpu.memory_space<vmem>> -> memref<1x128xi32, #tpu.memory_space<vmem>>
      %dma_start3A_473 = tpu.memref_squeeze %dma_start3A_472 : memref<1x128xi32, #tpu.memory_space<vmem>> -> memref<128xi32, #tpu.memory_space<vmem>>
      %dma_start3A_474 = arith.constant 0 : i32
      %dma_start3A_475 = arith.constant 0 : i32
      %dma_start3A_476 = tpu.memref_slice %arg16[%dma_start3A_474, %dma_start3A_475] : memref<10112x16xf32, #tpu.memory_space<vmem_shared>> -> memref<10112x16xf32, #tpu.memory_space<vmem_shared>>
      tpu.enqueue_indirect_dma source(%dma_start3A_470 : memref<128x16xf32, #tpu.memory_space<vmem>>) target(%dma_start3A_476 : memref<10112x16xf32, #tpu.memory_space<vmem_shared>>) offsets(%dma_start3A_473 : memref<128xi32, #tpu.memory_space<vmem>>) semaphore(%arg28 : memref<!tpu.dma_semaphore, #tpu.memory_space<semaphore_mem>>) {add = true}
      %add3A_477 = arith.constant 4 : i32
      %add3A_478 = arith.addi %add3A_450, %add3A_477 : i32
      %lt3A_479 = arith.constant 160 : i32
      %lt3A_480 = arith.cmpi slt, %add3A_478, %lt3A_479 : i32
      %convert_element_type3A_481 = arith.extui %lt3A_480 : i1 to i32
      %cond3A_482 = arith.constant 0 : i32
      %cond3A_483 = arith.cmpi ne, %convert_element_type3A_481, %cond3A_482 : i32
      scf.if %cond3A_483 {
        %ge3A = arith.constant 4 : i32
        %ge3A_632 = arith.cmpi sge, %add3A_450, %ge3A : i32
        %convert_element_type3A_633 = arith.extui %ge3A_632 : i1 to i32
        %cond3A_634 = arith.constant 0 : i32
        %cond3A_635 = arith.cmpi ne, %convert_element_type3A_633, %cond3A_634 : i32
        scf.if %cond3A_635 {
          %dma_wait3A_651 = arith.constant 7 : i32
          %dma_wait3A_652 = arith.constant 0 : i32
          %dma_wait3A_653 = arith.constant 0 : i32
          %dma_wait3A_654 = arith.constant 0 : i32
          %dma_wait3A_655 = tpu.memref_slice %arg11[%dma_wait3A_651, %dma_wait3A_653, %dma_wait3A_654] : memref<8x128x16xf32, #tpu.memory_space<vmem>> -> memref<1x128x16xf32, #tpu.memory_space<vmem>>
          %dma_wait3A_656 = tpu.memref_squeeze %dma_wait3A_655 : memref<1x128x16xf32, #tpu.memory_space<vmem>> -> memref<128x16xf32, #tpu.memory_space<vmem>>
          %dma_wait3A_657 = arith.constant 0 : i32
          %dma_wait3A_658 = tpu.memref_slice %arg10[%dma_wait3A_652, %dma_wait3A_657] : memref<160x128xi32, #tpu.memory_space<vmem>> -> memref<1x128xi32, #tpu.memory_space<vmem>>
          %dma_wait3A_659 = tpu.memref_squeeze %dma_wait3A_658 : memref<1x128xi32, #tpu.memory_space<vmem>> -> memref<128xi32, #tpu.memory_space<vmem>>
          %dma_wait3A_660 = arith.constant 0 : i32
          %dma_wait3A_661 = arith.constant 0 : i32
          %dma_wait3A_662 = tpu.memref_slice %arg16[%dma_wait3A_660, %dma_wait3A_661] : memref<10112x16xf32, #tpu.memory_space<vmem_shared>> -> memref<10112x16xf32, #tpu.memory_space<vmem_shared>>
          tpu.wait_indirect_dma semaphore(%arg32 : memref<!tpu.dma_semaphore, #tpu.memory_space<semaphore_mem>>) src(%dma_wait3A_656 : memref<128x16xf32, #tpu.memory_space<vmem>>) dst(%dma_wait3A_662 : memref<10112x16xf32, #tpu.memory_space<vmem_shared>>)
        } else {
        }
        %add3A_636 = arith.constant 0 : i32
        %add3A_637 = arith.addi %add3A_636, %add3A_450 : i32
        %add3A_638 = arith.constant 4 : i32
        %add3A_639 = arith.addi %add3A_637, %add3A_638 : i32
        %dma_start3A_640 = arith.constant 7 : i32
        %dma_start3A_641 = arith.constant 0 : i32
        %dma_start3A_642 = arith.constant 0 : i32
        %dma_start3A_643 = tpu.memref_slice %arg11[%dma_start3A_640, %dma_start3A_641, %dma_start3A_642] : memref<8x128x16xf32, #tpu.memory_space<vmem>> -> memref<1x128x16xf32, #tpu.memory_space<vmem>>
        %dma_start3A_644 = tpu.memref_squeeze %dma_start3A_643 : memref<1x128x16xf32, #tpu.memory_space<vmem>> -> memref<128x16xf32, #tpu.memory_space<vmem>>
        %dma_start3A_645 = arith.constant 0 : i32
        %dma_start3A_646 = tpu.memref_slice %arg9[%add3A_639, %dma_start3A_645] : memref<160x128xi32, #tpu.memory_space<vmem>> -> memref<1x128xi32, #tpu.memory_space<vmem>>
        %dma_start3A_647 = tpu.memref_squeeze %dma_start3A_646 : memref<1x128xi32, #tpu.memory_space<vmem>> -> memref<128xi32, #tpu.memory_space<vmem>>
        %dma_start3A_648 = arith.constant 0 : i32
        %dma_start3A_649 = arith.constant 0 : i32
        %dma_start3A_650 = tpu.memref_slice %arg15[%dma_start3A_648, %dma_start3A_649] : memref<10112x16xf32, #tpu.memory_space<vmem_shared>> -> memref<10112x16xf32, #tpu.memory_space<vmem_shared>>
        tpu.enqueue_indirect_dma source(%dma_start3A_650 : memref<10112x16xf32, #tpu.memory_space<vmem_shared>>) target(%dma_start3A_644 : memref<128x16xf32, #tpu.memory_space<vmem>>) offsets(%dma_start3A_647 : memref<128xi32, #tpu.memory_space<vmem>>) semaphore(%arg24 : memref<!tpu.dma_semaphore, #tpu.memory_space<semaphore_mem>>)
      } else {
      }
      %mul3A_484 = arith.constant 8 : i32
      %mul3A_485 = arith.muli %scan3A_338, %mul3A_484 : i32
      %add3A_486 = arith.constant 4 : i32
      %add3A_487 = arith.addi %mul3A_485, %add3A_486 : i32
      %add3A_488 = arith.constant 0 : i32
      %add3A_489 = arith.addi %add3A_488, %add3A_487 : i32
      %dma_wait3A_490 = arith.constant 4 : i32
      %dma_wait3A_491 = arith.constant 0 : i32
      %dma_wait3A_492 = arith.constant 0 : i32
      %dma_wait3A_493 = tpu.memref_slice %arg11[%dma_wait3A_490, %dma_wait3A_491, %dma_wait3A_492] : memref<8x128x16xf32, #tpu.memory_space<vmem>> -> memref<1x128x16xf32, #tpu.memory_space<vmem>>
      %dma_wait3A_494 = tpu.memref_squeeze %dma_wait3A_493 : memref<1x128x16xf32, #tpu.memory_space<vmem>> -> memref<128x16xf32, #tpu.memory_space<vmem>>
      %dma_wait3A_495 = arith.constant 0 : i32
      %dma_wait3A_496 = tpu.memref_slice %arg9[%add3A_489, %dma_wait3A_495] : memref<160x128xi32, #tpu.memory_space<vmem>> -> memref<1x128xi32, #tpu.memory_space<vmem>>
      %dma_wait3A_497 = tpu.memref_squeeze %dma_wait3A_496 : memref<1x128xi32, #tpu.memory_space<vmem>> -> memref<128xi32, #tpu.memory_space<vmem>>
      %dma_wait3A_498 = arith.constant 0 : i32
      %dma_wait3A_499 = arith.constant 0 : i32
      %dma_wait3A_500 = tpu.memref_slice %arg15[%dma_wait3A_498, %dma_wait3A_499] : memref<10112x16xf32, #tpu.memory_space<vmem_shared>> -> memref<10112x16xf32, #tpu.memory_space<vmem_shared>>
      tpu.wait_indirect_dma semaphore(%arg21 : memref<!tpu.dma_semaphore, #tpu.memory_space<semaphore_mem>>) src(%dma_wait3A_500 : memref<10112x16xf32, #tpu.memory_space<vmem_shared>>) dst(%dma_wait3A_494 : memref<128x16xf32, #tpu.memory_space<vmem>>)
      %add3A_501 = arith.constant 0 : i32
      %add3A_502 = arith.addi %add3A_501, %add3A_487 : i32
      %dma_start3A_503 = arith.constant 4 : i32
      %dma_start3A_504 = arith.constant 0 : i32
      %dma_start3A_505 = arith.constant 0 : i32
      %dma_start3A_506 = tpu.memref_slice %arg11[%dma_start3A_503, %dma_start3A_504, %dma_start3A_505] : memref<8x128x16xf32, #tpu.memory_space<vmem>> -> memref<1x128x16xf32, #tpu.memory_space<vmem>>
      %dma_start3A_507 = tpu.memref_squeeze %dma_start3A_506 : memref<1x128x16xf32, #tpu.memory_space<vmem>> -> memref<128x16xf32, #tpu.memory_space<vmem>>
      %dma_start3A_508 = arith.constant 0 : i32
      %dma_start3A_509 = tpu.memref_slice %arg10[%add3A_502, %dma_start3A_508] : memref<160x128xi32, #tpu.memory_space<vmem>> -> memref<1x128xi32, #tpu.memory_space<vmem>>
      %dma_start3A_510 = tpu.memref_squeeze %dma_start3A_509 : memref<1x128xi32, #tpu.memory_space<vmem>> -> memref<128xi32, #tpu.memory_space<vmem>>
      %dma_start3A_511 = arith.constant 0 : i32
      %dma_start3A_512 = arith.constant 0 : i32
      %dma_start3A_513 = tpu.memref_slice %arg16[%dma_start3A_511, %dma_start3A_512] : memref<10112x16xf32, #tpu.memory_space<vmem_shared>> -> memref<10112x16xf32, #tpu.memory_space<vmem_shared>>
      tpu.enqueue_indirect_dma source(%dma_start3A_507 : memref<128x16xf32, #tpu.memory_space<vmem>>) target(%dma_start3A_513 : memref<10112x16xf32, #tpu.memory_space<vmem_shared>>) offsets(%dma_start3A_510 : memref<128xi32, #tpu.memory_space<vmem>>) semaphore(%arg29 : memref<!tpu.dma_semaphore, #tpu.memory_space<semaphore_mem>>) {add = true}
      %add3A_514 = arith.constant 4 : i32
      %add3A_515 = arith.addi %add3A_487, %add3A_514 : i32
      %lt3A_516 = arith.constant 160 : i32
      %lt3A_517 = arith.cmpi slt, %add3A_515, %lt3A_516 : i32
      %convert_element_type3A_518 = arith.extui %lt3A_517 : i1 to i32
      %cond3A_519 = arith.constant 0 : i32
      %cond3A_520 = arith.cmpi ne, %convert_element_type3A_518, %cond3A_519 : i32
      scf.if %cond3A_520 {
        %ge3A = arith.constant 4 : i32
        %ge3A_632 = arith.cmpi sge, %add3A_487, %ge3A : i32
        %convert_element_type3A_633 = arith.extui %ge3A_632 : i1 to i32
        %cond3A_634 = arith.constant 0 : i32
        %cond3A_635 = arith.cmpi ne, %convert_element_type3A_633, %cond3A_634 : i32
        scf.if %cond3A_635 {
          %dma_wait3A_651 = arith.constant 0 : i32
          %dma_wait3A_652 = arith.constant 0 : i32
          %dma_wait3A_653 = arith.constant 0 : i32
          %dma_wait3A_654 = arith.constant 0 : i32
          %dma_wait3A_655 = tpu.memref_slice %arg11[%dma_wait3A_651, %dma_wait3A_653, %dma_wait3A_654] : memref<8x128x16xf32, #tpu.memory_space<vmem>> -> memref<1x128x16xf32, #tpu.memory_space<vmem>>
          %dma_wait3A_656 = tpu.memref_squeeze %dma_wait3A_655 : memref<1x128x16xf32, #tpu.memory_space<vmem>> -> memref<128x16xf32, #tpu.memory_space<vmem>>
          %dma_wait3A_657 = arith.constant 0 : i32
          %dma_wait3A_658 = tpu.memref_slice %arg10[%dma_wait3A_652, %dma_wait3A_657] : memref<160x128xi32, #tpu.memory_space<vmem>> -> memref<1x128xi32, #tpu.memory_space<vmem>>
          %dma_wait3A_659 = tpu.memref_squeeze %dma_wait3A_658 : memref<1x128xi32, #tpu.memory_space<vmem>> -> memref<128xi32, #tpu.memory_space<vmem>>
          %dma_wait3A_660 = arith.constant 0 : i32
          %dma_wait3A_661 = arith.constant 0 : i32
          %dma_wait3A_662 = tpu.memref_slice %arg16[%dma_wait3A_660, %dma_wait3A_661] : memref<10112x16xf32, #tpu.memory_space<vmem_shared>> -> memref<10112x16xf32, #tpu.memory_space<vmem_shared>>
          tpu.wait_indirect_dma semaphore(%arg25 : memref<!tpu.dma_semaphore, #tpu.memory_space<semaphore_mem>>) src(%dma_wait3A_656 : memref<128x16xf32, #tpu.memory_space<vmem>>) dst(%dma_wait3A_662 : memref<10112x16xf32, #tpu.memory_space<vmem_shared>>)
        } else {
        }
        %add3A_636 = arith.constant 0 : i32
        %add3A_637 = arith.addi %add3A_636, %add3A_487 : i32
        %add3A_638 = arith.constant 4 : i32
        %add3A_639 = arith.addi %add3A_637, %add3A_638 : i32
        %dma_start3A_640 = arith.constant 0 : i32
        %dma_start3A_641 = arith.constant 0 : i32
        %dma_start3A_642 = arith.constant 0 : i32
        %dma_start3A_643 = tpu.memref_slice %arg11[%dma_start3A_640, %dma_start3A_641, %dma_start3A_642] : memref<8x128x16xf32, #tpu.memory_space<vmem>> -> memref<1x128x16xf32, #tpu.memory_space<vmem>>
        %dma_start3A_644 = tpu.memref_squeeze %dma_start3A_643 : memref<1x128x16xf32, #tpu.memory_space<vmem>> -> memref<128x16xf32, #tpu.memory_space<vmem>>
        %dma_start3A_645 = arith.constant 0 : i32
        %dma_start3A_646 = tpu.memref_slice %arg9[%add3A_639, %dma_start3A_645] : memref<160x128xi32, #tpu.memory_space<vmem>> -> memref<1x128xi32, #tpu.memory_space<vmem>>
        %dma_start3A_647 = tpu.memref_squeeze %dma_start3A_646 : memref<1x128xi32, #tpu.memory_space<vmem>> -> memref<128xi32, #tpu.memory_space<vmem>>
        %dma_start3A_648 = arith.constant 0 : i32
        %dma_start3A_649 = arith.constant 0 : i32
        %dma_start3A_650 = tpu.memref_slice %arg15[%dma_start3A_648, %dma_start3A_649] : memref<10112x16xf32, #tpu.memory_space<vmem_shared>> -> memref<10112x16xf32, #tpu.memory_space<vmem_shared>>
        tpu.enqueue_indirect_dma source(%dma_start3A_650 : memref<10112x16xf32, #tpu.memory_space<vmem_shared>>) target(%dma_start3A_644 : memref<128x16xf32, #tpu.memory_space<vmem>>) offsets(%dma_start3A_647 : memref<128xi32, #tpu.memory_space<vmem>>) semaphore(%arg17 : memref<!tpu.dma_semaphore, #tpu.memory_space<semaphore_mem>>)
      } else {
      }
      %mul3A_521 = arith.constant 8 : i32
      %mul3A_522 = arith.muli %scan3A_338, %mul3A_521 : i32
      %add3A_523 = arith.constant 5 : i32
      %add3A_524 = arith.addi %mul3A_522, %add3A_523 : i32
      %add3A_525 = arith.constant 0 : i32
      %add3A_526 = arith.addi %add3A_525, %add3A_524 : i32
      %dma_wait3A_527 = arith.constant 5 : i32
      %dma_wait3A_528 = arith.constant 0 : i32
      %dma_wait3A_529 = arith.constant 0 : i32
      %dma_wait3A_530 = tpu.memref_slice %arg11[%dma_wait3A_527, %dma_wait3A_528, %dma_wait3A_529] : memref<8x128x16xf32, #tpu.memory_space<vmem>> -> memref<1x128x16xf32, #tpu.memory_space<vmem>>
      %dma_wait3A_531 = tpu.memref_squeeze %dma_wait3A_530 : memref<1x128x16xf32, #tpu.memory_space<vmem>> -> memref<128x16xf32, #tpu.memory_space<vmem>>
      %dma_wait3A_532 = arith.constant 0 : i32
      %dma_wait3A_533 = tpu.memref_slice %arg9[%add3A_526, %dma_wait3A_532] : memref<160x128xi32, #tpu.memory_space<vmem>> -> memref<1x128xi32, #tpu.memory_space<vmem>>
      %dma_wait3A_534 = tpu.memref_squeeze %dma_wait3A_533 : memref<1x128xi32, #tpu.memory_space<vmem>> -> memref<128xi32, #tpu.memory_space<vmem>>
      %dma_wait3A_535 = arith.constant 0 : i32
      %dma_wait3A_536 = arith.constant 0 : i32
      %dma_wait3A_537 = tpu.memref_slice %arg15[%dma_wait3A_535, %dma_wait3A_536] : memref<10112x16xf32, #tpu.memory_space<vmem_shared>> -> memref<10112x16xf32, #tpu.memory_space<vmem_shared>>
      tpu.wait_indirect_dma semaphore(%arg22 : memref<!tpu.dma_semaphore, #tpu.memory_space<semaphore_mem>>) src(%dma_wait3A_537 : memref<10112x16xf32, #tpu.memory_space<vmem_shared>>) dst(%dma_wait3A_531 : memref<128x16xf32, #tpu.memory_space<vmem>>)
      %add3A_538 = arith.constant 0 : i32
      %add3A_539 = arith.addi %add3A_538, %add3A_524 : i32
      %dma_start3A_540 = arith.constant 5 : i32
      %dma_start3A_541 = arith.constant 0 : i32
      %dma_start3A_542 = arith.constant 0 : i32
      %dma_start3A_543 = tpu.memref_slice %arg11[%dma_start3A_540, %dma_start3A_541, %dma_start3A_542] : memref<8x128x16xf32, #tpu.memory_space<vmem>> -> memref<1x128x16xf32, #tpu.memory_space<vmem>>
      %dma_start3A_544 = tpu.memref_squeeze %dma_start3A_543 : memref<1x128x16xf32, #tpu.memory_space<vmem>> -> memref<128x16xf32, #tpu.memory_space<vmem>>
      %dma_start3A_545 = arith.constant 0 : i32
      %dma_start3A_546 = tpu.memref_slice %arg10[%add3A_539, %dma_start3A_545] : memref<160x128xi32, #tpu.memory_space<vmem>> -> memref<1x128xi32, #tpu.memory_space<vmem>>
      %dma_start3A_547 = tpu.memref_squeeze %dma_start3A_546 : memref<1x128xi32, #tpu.memory_space<vmem>> -> memref<128xi32, #tpu.memory_space<vmem>>
      %dma_start3A_548 = arith.constant 0 : i32
      %dma_start3A_549 = arith.constant 0 : i32
      %dma_start3A_550 = tpu.memref_slice %arg16[%dma_start3A_548, %dma_start3A_549] : memref<10112x16xf32, #tpu.memory_space<vmem_shared>> -> memref<10112x16xf32, #tpu.memory_space<vmem_shared>>
      tpu.enqueue_indirect_dma source(%dma_start3A_544 : memref<128x16xf32, #tpu.memory_space<vmem>>) target(%dma_start3A_550 : memref<10112x16xf32, #tpu.memory_space<vmem_shared>>) offsets(%dma_start3A_547 : memref<128xi32, #tpu.memory_space<vmem>>) semaphore(%arg30 : memref<!tpu.dma_semaphore, #tpu.memory_space<semaphore_mem>>) {add = true}
      %add3A_551 = arith.constant 4 : i32
      %add3A_552 = arith.addi %add3A_524, %add3A_551 : i32
      %lt3A_553 = arith.constant 160 : i32
      %lt3A_554 = arith.cmpi slt, %add3A_552, %lt3A_553 : i32
      %convert_element_type3A_555 = arith.extui %lt3A_554 : i1 to i32
      %cond3A_556 = arith.constant 0 : i32
      %cond3A_557 = arith.cmpi ne, %convert_element_type3A_555, %cond3A_556 : i32
      scf.if %cond3A_557 {
        %ge3A = arith.constant 4 : i32
        %ge3A_632 = arith.cmpi sge, %add3A_524, %ge3A : i32
        %convert_element_type3A_633 = arith.extui %ge3A_632 : i1 to i32
        %cond3A_634 = arith.constant 0 : i32
        %cond3A_635 = arith.cmpi ne, %convert_element_type3A_633, %cond3A_634 : i32
        scf.if %cond3A_635 {
          %dma_wait3A_651 = arith.constant 1 : i32
          %dma_wait3A_652 = arith.constant 0 : i32
          %dma_wait3A_653 = arith.constant 0 : i32
          %dma_wait3A_654 = arith.constant 0 : i32
          %dma_wait3A_655 = tpu.memref_slice %arg11[%dma_wait3A_651, %dma_wait3A_653, %dma_wait3A_654] : memref<8x128x16xf32, #tpu.memory_space<vmem>> -> memref<1x128x16xf32, #tpu.memory_space<vmem>>
          %dma_wait3A_656 = tpu.memref_squeeze %dma_wait3A_655 : memref<1x128x16xf32, #tpu.memory_space<vmem>> -> memref<128x16xf32, #tpu.memory_space<vmem>>
          %dma_wait3A_657 = arith.constant 0 : i32
          %dma_wait3A_658 = tpu.memref_slice %arg10[%dma_wait3A_652, %dma_wait3A_657] : memref<160x128xi32, #tpu.memory_space<vmem>> -> memref<1x128xi32, #tpu.memory_space<vmem>>
          %dma_wait3A_659 = tpu.memref_squeeze %dma_wait3A_658 : memref<1x128xi32, #tpu.memory_space<vmem>> -> memref<128xi32, #tpu.memory_space<vmem>>
          %dma_wait3A_660 = arith.constant 0 : i32
          %dma_wait3A_661 = arith.constant 0 : i32
          %dma_wait3A_662 = tpu.memref_slice %arg16[%dma_wait3A_660, %dma_wait3A_661] : memref<10112x16xf32, #tpu.memory_space<vmem_shared>> -> memref<10112x16xf32, #tpu.memory_space<vmem_shared>>
          tpu.wait_indirect_dma semaphore(%arg26 : memref<!tpu.dma_semaphore, #tpu.memory_space<semaphore_mem>>) src(%dma_wait3A_656 : memref<128x16xf32, #tpu.memory_space<vmem>>) dst(%dma_wait3A_662 : memref<10112x16xf32, #tpu.memory_space<vmem_shared>>)
        } else {
        }
        %add3A_636 = arith.constant 0 : i32
        %add3A_637 = arith.addi %add3A_636, %add3A_524 : i32
        %add3A_638 = arith.constant 4 : i32
        %add3A_639 = arith.addi %add3A_637, %add3A_638 : i32
        %dma_start3A_640 = arith.constant 1 : i32
        %dma_start3A_641 = arith.constant 0 : i32
        %dma_start3A_642 = arith.constant 0 : i32
        %dma_start3A_643 = tpu.memref_slice %arg11[%dma_start3A_640, %dma_start3A_641, %dma_start3A_642] : memref<8x128x16xf32, #tpu.memory_space<vmem>> -> memref<1x128x16xf32, #tpu.memory_space<vmem>>
        %dma_start3A_644 = tpu.memref_squeeze %dma_start3A_643 : memref<1x128x16xf32, #tpu.memory_space<vmem>> -> memref<128x16xf32, #tpu.memory_space<vmem>>
        %dma_start3A_645 = arith.constant 0 : i32
        %dma_start3A_646 = tpu.memref_slice %arg9[%add3A_639, %dma_start3A_645] : memref<160x128xi32, #tpu.memory_space<vmem>> -> memref<1x128xi32, #tpu.memory_space<vmem>>
        %dma_start3A_647 = tpu.memref_squeeze %dma_start3A_646 : memref<1x128xi32, #tpu.memory_space<vmem>> -> memref<128xi32, #tpu.memory_space<vmem>>
        %dma_start3A_648 = arith.constant 0 : i32
        %dma_start3A_649 = arith.constant 0 : i32
        %dma_start3A_650 = tpu.memref_slice %arg15[%dma_start3A_648, %dma_start3A_649] : memref<10112x16xf32, #tpu.memory_space<vmem_shared>> -> memref<10112x16xf32, #tpu.memory_space<vmem_shared>>
        tpu.enqueue_indirect_dma source(%dma_start3A_650 : memref<10112x16xf32, #tpu.memory_space<vmem_shared>>) target(%dma_start3A_644 : memref<128x16xf32, #tpu.memory_space<vmem>>) offsets(%dma_start3A_647 : memref<128xi32, #tpu.memory_space<vmem>>) semaphore(%arg18 : memref<!tpu.dma_semaphore, #tpu.memory_space<semaphore_mem>>)
      } else {
      }
      %mul3A_558 = arith.constant 8 : i32
      %mul3A_559 = arith.muli %scan3A_338, %mul3A_558 : i32
      %add3A_560 = arith.constant 6 : i32
      %add3A_561 = arith.addi %mul3A_559, %add3A_560 : i32
      %add3A_562 = arith.constant 0 : i32
      %add3A_563 = arith.addi %add3A_562, %add3A_561 : i32
      %dma_wait3A_564 = arith.constant 6 : i32
      %dma_wait3A_565 = arith.constant 0 : i32
      %dma_wait3A_566 = arith.constant 0 : i32
      %dma_wait3A_567 = tpu.memref_slice %arg11[%dma_wait3A_564, %dma_wait3A_565, %dma_wait3A_566] : memref<8x128x16xf32, #tpu.memory_space<vmem>> -> memref<1x128x16xf32, #tpu.memory_space<vmem>>
      %dma_wait3A_568 = tpu.memref_squeeze %dma_wait3A_567 : memref<1x128x16xf32, #tpu.memory_space<vmem>> -> memref<128x16xf32, #tpu.memory_space<vmem>>
      %dma_wait3A_569 = arith.constant 0 : i32
      %dma_wait3A_570 = tpu.memref_slice %arg9[%add3A_563, %dma_wait3A_569] : memref<160x128xi32, #tpu.memory_space<vmem>> -> memref<1x128xi32, #tpu.memory_space<vmem>>
      %dma_wait3A_571 = tpu.memref_squeeze %dma_wait3A_570 : memref<1x128xi32, #tpu.memory_space<vmem>> -> memref<128xi32, #tpu.memory_space<vmem>>
      %dma_wait3A_572 = arith.constant 0 : i32
      %dma_wait3A_573 = arith.constant 0 : i32
      %dma_wait3A_574 = tpu.memref_slice %arg15[%dma_wait3A_572, %dma_wait3A_573] : memref<10112x16xf32, #tpu.memory_space<vmem_shared>> -> memref<10112x16xf32, #tpu.memory_space<vmem_shared>>
      tpu.wait_indirect_dma semaphore(%arg23 : memref<!tpu.dma_semaphore, #tpu.memory_space<semaphore_mem>>) src(%dma_wait3A_574 : memref<10112x16xf32, #tpu.memory_space<vmem_shared>>) dst(%dma_wait3A_568 : memref<128x16xf32, #tpu.memory_space<vmem>>)
      %add3A_575 = arith.constant 0 : i32
      %add3A_576 = arith.addi %add3A_575, %add3A_561 : i32
      %dma_start3A_577 = arith.constant 6 : i32
      %dma_start3A_578 = arith.constant 0 : i32
      %dma_start3A_579 = arith.constant 0 : i32
      %dma_start3A_580 = tpu.memref_slice %arg11[%dma_start3A_577, %dma_start3A_578, %dma_start3A_579] : memref<8x128x16xf32, #tpu.memory_space<vmem>> -> memref<1x128x16xf32, #tpu.memory_space<vmem>>
      %dma_start3A_581 = tpu.memref_squeeze %dma_start3A_580 : memref<1x128x16xf32, #tpu.memory_space<vmem>> -> memref<128x16xf32, #tpu.memory_space<vmem>>
      %dma_start3A_582 = arith.constant 0 : i32
      %dma_start3A_583 = tpu.memref_slice %arg10[%add3A_576, %dma_start3A_582] : memref<160x128xi32, #tpu.memory_space<vmem>> -> memref<1x128xi32, #tpu.memory_space<vmem>>
      %dma_start3A_584 = tpu.memref_squeeze %dma_start3A_583 : memref<1x128xi32, #tpu.memory_space<vmem>> -> memref<128xi32, #tpu.memory_space<vmem>>
      %dma_start3A_585 = arith.constant 0 : i32
      %dma_start3A_586 = arith.constant 0 : i32
      %dma_start3A_587 = tpu.memref_slice %arg16[%dma_start3A_585, %dma_start3A_586] : memref<10112x16xf32, #tpu.memory_space<vmem_shared>> -> memref<10112x16xf32, #tpu.memory_space<vmem_shared>>
      tpu.enqueue_indirect_dma source(%dma_start3A_581 : memref<128x16xf32, #tpu.memory_space<vmem>>) target(%dma_start3A_587 : memref<10112x16xf32, #tpu.memory_space<vmem_shared>>) offsets(%dma_start3A_584 : memref<128xi32, #tpu.memory_space<vmem>>) semaphore(%arg31 : memref<!tpu.dma_semaphore, #tpu.memory_space<semaphore_mem>>) {add = true}
      %add3A_588 = arith.constant 4 : i32
      %add3A_589 = arith.addi %add3A_561, %add3A_588 : i32
      %lt3A_590 = arith.constant 160 : i32
      %lt3A_591 = arith.cmpi slt, %add3A_589, %lt3A_590 : i32
      %convert_element_type3A_592 = arith.extui %lt3A_591 : i1 to i32
      %cond3A_593 = arith.constant 0 : i32
      %cond3A_594 = arith.cmpi ne, %convert_element_type3A_592, %cond3A_593 : i32
      scf.if %cond3A_594 {
        %ge3A = arith.constant 4 : i32
        %ge3A_632 = arith.cmpi sge, %add3A_561, %ge3A : i32
        %convert_element_type3A_633 = arith.extui %ge3A_632 : i1 to i32
        %cond3A_634 = arith.constant 0 : i32
        %cond3A_635 = arith.cmpi ne, %convert_element_type3A_633, %cond3A_634 : i32
        scf.if %cond3A_635 {
          %dma_wait3A_651 = arith.constant 2 : i32
          %dma_wait3A_652 = arith.constant 0 : i32
          %dma_wait3A_653 = arith.constant 0 : i32
          %dma_wait3A_654 = arith.constant 0 : i32
          %dma_wait3A_655 = tpu.memref_slice %arg11[%dma_wait3A_651, %dma_wait3A_653, %dma_wait3A_654] : memref<8x128x16xf32, #tpu.memory_space<vmem>> -> memref<1x128x16xf32, #tpu.memory_space<vmem>>
          %dma_wait3A_656 = tpu.memref_squeeze %dma_wait3A_655 : memref<1x128x16xf32, #tpu.memory_space<vmem>> -> memref<128x16xf32, #tpu.memory_space<vmem>>
          %dma_wait3A_657 = arith.constant 0 : i32
          %dma_wait3A_658 = tpu.memref_slice %arg10[%dma_wait3A_652, %dma_wait3A_657] : memref<160x128xi32, #tpu.memory_space<vmem>> -> memref<1x128xi32, #tpu.memory_space<vmem>>
          %dma_wait3A_659 = tpu.memref_squeeze %dma_wait3A_658 : memref<1x128xi32, #tpu.memory_space<vmem>> -> memref<128xi32, #tpu.memory_space<vmem>>
          %dma_wait3A_660 = arith.constant 0 : i32
          %dma_wait3A_661 = arith.constant 0 : i32
          %dma_wait3A_662 = tpu.memref_slice %arg16[%dma_wait3A_660, %dma_wait3A_661] : memref<10112x16xf32, #tpu.memory_space<vmem_shared>> -> memref<10112x16xf32, #tpu.memory_space<vmem_shared>>
          tpu.wait_indirect_dma semaphore(%arg27 : memref<!tpu.dma_semaphore, #tpu.memory_space<semaphore_mem>>) src(%dma_wait3A_656 : memref<128x16xf32, #tpu.memory_space<vmem>>) dst(%dma_wait3A_662 : memref<10112x16xf32, #tpu.memory_space<vmem_shared>>)
        } else {
        }
        %add3A_636 = arith.constant 0 : i32
        %add3A_637 = arith.addi %add3A_636, %add3A_561 : i32
        %add3A_638 = arith.constant 4 : i32
        %add3A_639 = arith.addi %add3A_637, %add3A_638 : i32
        %dma_start3A_640 = arith.constant 2 : i32
        %dma_start3A_641 = arith.constant 0 : i32
        %dma_start3A_642 = arith.constant 0 : i32
        %dma_start3A_643 = tpu.memref_slice %arg11[%dma_start3A_640, %dma_start3A_641, %dma_start3A_642] : memref<8x128x16xf32, #tpu.memory_space<vmem>> -> memref<1x128x16xf32, #tpu.memory_space<vmem>>
        %dma_start3A_644 = tpu.memref_squeeze %dma_start3A_643 : memref<1x128x16xf32, #tpu.memory_space<vmem>> -> memref<128x16xf32, #tpu.memory_space<vmem>>
        %dma_start3A_645 = arith.constant 0 : i32
        %dma_start3A_646 = tpu.memref_slice %arg9[%add3A_639, %dma_start3A_645] : memref<160x128xi32, #tpu.memory_space<vmem>> -> memref<1x128xi32, #tpu.memory_space<vmem>>
        %dma_start3A_647 = tpu.memref_squeeze %dma_start3A_646 : memref<1x128xi32, #tpu.memory_space<vmem>> -> memref<128xi32, #tpu.memory_space<vmem>>
        %dma_start3A_648 = arith.constant 0 : i32
        %dma_start3A_649 = arith.constant 0 : i32
        %dma_start3A_650 = tpu.memref_slice %arg15[%dma_start3A_648, %dma_start3A_649] : memref<10112x16xf32, #tpu.memory_space<vmem_shared>> -> memref<10112x16xf32, #tpu.memory_space<vmem_shared>>
        tpu.enqueue_indirect_dma source(%dma_start3A_650 : memref<10112x16xf32, #tpu.memory_space<vmem_shared>>) target(%dma_start3A_644 : memref<128x16xf32, #tpu.memory_space<vmem>>) offsets(%dma_start3A_647 : memref<128xi32, #tpu.memory_space<vmem>>) semaphore(%arg19 : memref<!tpu.dma_semaphore, #tpu.memory_space<semaphore_mem>>)
      } else {
      }
      %mul3A_595 = arith.constant 8 : i32
      %mul3A_596 = arith.muli %scan3A_338, %mul3A_595 : i32
      %add3A_597 = arith.constant 7 : i32
      %add3A_598 = arith.addi %mul3A_596, %add3A_597 : i32
      %add3A_599 = arith.constant 0 : i32
      %add3A_600 = arith.addi %add3A_599, %add3A_598 : i32
      %dma_wait3A_601 = arith.constant 7 : i32
      %dma_wait3A_602 = arith.constant 0 : i32
      %dma_wait3A_603 = arith.constant 0 : i32
      %dma_wait3A_604 = tpu.memref_slice %arg11[%dma_wait3A_601, %dma_wait3A_602, %dma_wait3A_603] : memref<8x128x16xf32, #tpu.memory_space<vmem>> -> memref<1x128x16xf32, #tpu.memory_space<vmem>>
      %dma_wait3A_605 = tpu.memref_squeeze %dma_wait3A_604 : memref<1x128x16xf32, #tpu.memory_space<vmem>> -> memref<128x16xf32, #tpu.memory_space<vmem>>
      %dma_wait3A_606 = arith.constant 0 : i32
      %dma_wait3A_607 = tpu.memref_slice %arg9[%add3A_600, %dma_wait3A_606] : memref<160x128xi32, #tpu.memory_space<vmem>> -> memref<1x128xi32, #tpu.memory_space<vmem>>
      %dma_wait3A_608 = tpu.memref_squeeze %dma_wait3A_607 : memref<1x128xi32, #tpu.memory_space<vmem>> -> memref<128xi32, #tpu.memory_space<vmem>>
      %dma_wait3A_609 = arith.constant 0 : i32
      %dma_wait3A_610 = arith.constant 0 : i32
      %dma_wait3A_611 = tpu.memref_slice %arg15[%dma_wait3A_609, %dma_wait3A_610] : memref<10112x16xf32, #tpu.memory_space<vmem_shared>> -> memref<10112x16xf32, #tpu.memory_space<vmem_shared>>
      tpu.wait_indirect_dma semaphore(%arg24 : memref<!tpu.dma_semaphore, #tpu.memory_space<semaphore_mem>>) src(%dma_wait3A_611 : memref<10112x16xf32, #tpu.memory_space<vmem_shared>>) dst(%dma_wait3A_605 : memref<128x16xf32, #tpu.memory_space<vmem>>)
      %add3A_612 = arith.constant 0 : i32
      %add3A_613 = arith.addi %add3A_612, %add3A_598 : i32
      %dma_start3A_614 = arith.constant 7 : i32
      %dma_start3A_615 = arith.constant 0 : i32
      %dma_start3A_616 = arith.constant 0 : i32
      %dma_start3A_617 = tpu.memref_slice %arg11[%dma_start3A_614, %dma_start3A_615, %dma_start3A_616] : memref<8x128x16xf32, #tpu.memory_space<vmem>> -> memref<1x128x16xf32, #tpu.memory_space<vmem>>
      %dma_start3A_618 = tpu.memref_squeeze %dma_start3A_617 : memref<1x128x16xf32, #tpu.memory_space<vmem>> -> memref<128x16xf32, #tpu.memory_space<vmem>>
      %dma_start3A_619 = arith.constant 0 : i32
      %dma_start3A_620 = tpu.memref_slice %arg10[%add3A_613, %dma_start3A_619] : memref<160x128xi32, #tpu.memory_space<vmem>> -> memref<1x128xi32, #tpu.memory_space<vmem>>
      %dma_start3A_621 = tpu.memref_squeeze %dma_start3A_620 : memref<1x128xi32, #tpu.memory_space<vmem>> -> memref<128xi32, #tpu.memory_space<vmem>>
      %dma_start3A_622 = arith.constant 0 : i32
      %dma_start3A_623 = arith.constant 0 : i32
      %dma_start3A_624 = tpu.memref_slice %arg16[%dma_start3A_622, %dma_start3A_623] : memref<10112x16xf32, #tpu.memory_space<vmem_shared>> -> memref<10112x16xf32, #tpu.memory_space<vmem_shared>>
      tpu.enqueue_indirect_dma source(%dma_start3A_618 : memref<128x16xf32, #tpu.memory_space<vmem>>) target(%dma_start3A_624 : memref<10112x16xf32, #tpu.memory_space<vmem_shared>>) offsets(%dma_start3A_621 : memref<128xi32, #tpu.memory_space<vmem>>) semaphore(%arg32 : memref<!tpu.dma_semaphore, #tpu.memory_space<semaphore_mem>>) {add = true}
      %add3A_625 = arith.constant 4 : i32
      %add3A_626 = arith.addi %add3A_598, %add3A_625 : i32
      %lt3A_627 = arith.constant 160 : i32
      %lt3A_628 = arith.cmpi slt, %add3A_626, %lt3A_627 : i32
      %convert_element_type3A_629 = arith.extui %lt3A_628 : i1 to i32
      %cond3A_630 = arith.constant 0 : i32
      %cond3A_631 = arith.cmpi ne, %convert_element_type3A_629, %cond3A_630 : i32
      scf.if %cond3A_631 {
        %ge3A = arith.constant 4 : i32
        %ge3A_632 = arith.cmpi sge, %add3A_598, %ge3A : i32
        %convert_element_type3A_633 = arith.extui %ge3A_632 : i1 to i32
        %cond3A_634 = arith.constant 0 : i32
        %cond3A_635 = arith.cmpi ne, %convert_element_type3A_633, %cond3A_634 : i32
        scf.if %cond3A_635 {
          %dma_wait3A_651 = arith.constant 3 : i32
          %dma_wait3A_652 = arith.constant 0 : i32
          %dma_wait3A_653 = arith.constant 0 : i32
          %dma_wait3A_654 = arith.constant 0 : i32
          %dma_wait3A_655 = tpu.memref_slice %arg11[%dma_wait3A_651, %dma_wait3A_653, %dma_wait3A_654] : memref<8x128x16xf32, #tpu.memory_space<vmem>> -> memref<1x128x16xf32, #tpu.memory_space<vmem>>
          %dma_wait3A_656 = tpu.memref_squeeze %dma_wait3A_655 : memref<1x128x16xf32, #tpu.memory_space<vmem>> -> memref<128x16xf32, #tpu.memory_space<vmem>>
          %dma_wait3A_657 = arith.constant 0 : i32
          %dma_wait3A_658 = tpu.memref_slice %arg10[%dma_wait3A_652, %dma_wait3A_657] : memref<160x128xi32, #tpu.memory_space<vmem>> -> memref<1x128xi32, #tpu.memory_space<vmem>>
          %dma_wait3A_659 = tpu.memref_squeeze %dma_wait3A_658 : memref<1x128xi32, #tpu.memory_space<vmem>> -> memref<128xi32, #tpu.memory_space<vmem>>
          %dma_wait3A_660 = arith.constant 0 : i32
          %dma_wait3A_661 = arith.constant 0 : i32
          %dma_wait3A_662 = tpu.memref_slice %arg16[%dma_wait3A_660, %dma_wait3A_661] : memref<10112x16xf32, #tpu.memory_space<vmem_shared>> -> memref<10112x16xf32, #tpu.memory_space<vmem_shared>>
          tpu.wait_indirect_dma semaphore(%arg28 : memref<!tpu.dma_semaphore, #tpu.memory_space<semaphore_mem>>) src(%dma_wait3A_656 : memref<128x16xf32, #tpu.memory_space<vmem>>) dst(%dma_wait3A_662 : memref<10112x16xf32, #tpu.memory_space<vmem_shared>>)
        } else {
        }
        %add3A_636 = arith.constant 0 : i32
        %add3A_637 = arith.addi %add3A_636, %add3A_598 : i32
        %add3A_638 = arith.constant 4 : i32
        %add3A_639 = arith.addi %add3A_637, %add3A_638 : i32
        %dma_start3A_640 = arith.constant 3 : i32
        %dma_start3A_641 = arith.constant 0 : i32
        %dma_start3A_642 = arith.constant 0 : i32
        %dma_start3A_643 = tpu.memref_slice %arg11[%dma_start3A_640, %dma_start3A_641, %dma_start3A_642] : memref<8x128x16xf32, #tpu.memory_space<vmem>> -> memref<1x128x16xf32, #tpu.memory_space<vmem>>
        %dma_start3A_644 = tpu.memref_squeeze %dma_start3A_643 : memref<1x128x16xf32, #tpu.memory_space<vmem>> -> memref<128x16xf32, #tpu.memory_space<vmem>>
        %dma_start3A_645 = arith.constant 0 : i32
        %dma_start3A_646 = tpu.memref_slice %arg9[%add3A_639, %dma_start3A_645] : memref<160x128xi32, #tpu.memory_space<vmem>> -> memref<1x128xi32, #tpu.memory_space<vmem>>
        %dma_start3A_647 = tpu.memref_squeeze %dma_start3A_646 : memref<1x128xi32, #tpu.memory_space<vmem>> -> memref<128xi32, #tpu.memory_space<vmem>>
        %dma_start3A_648 = arith.constant 0 : i32
        %dma_start3A_649 = arith.constant 0 : i32
        %dma_start3A_650 = tpu.memref_slice %arg15[%dma_start3A_648, %dma_start3A_649] : memref<10112x16xf32, #tpu.memory_space<vmem_shared>> -> memref<10112x16xf32, #tpu.memory_space<vmem_shared>>
        tpu.enqueue_indirect_dma source(%dma_start3A_650 : memref<10112x16xf32, #tpu.memory_space<vmem_shared>>) target(%dma_start3A_644 : memref<128x16xf32, #tpu.memory_space<vmem>>) offsets(%dma_start3A_647 : memref<128xi32, #tpu.memory_space<vmem>>) semaphore(%arg20 : memref<!tpu.dma_semaphore, #tpu.memory_space<semaphore_mem>>)
      } else {
      }
    }
    %scan3A_69 = arith.constant 20 : i32
    %dma_wait3A = arith.constant 0 : i32
    %dma_wait3A_70 = arith.constant 0 : i32
    %dma_wait3A_71 = arith.constant 0 : i32
    %dma_wait3A_72 = arith.constant 0 : i32
    %dma_wait3A_73 = tpu.memref_slice %arg11[%dma_wait3A, %dma_wait3A_71, %dma_wait3A_72] : memref<8x128x16xf32, #tpu.memory_space<vmem>> -> memref<1x128x16xf32, #tpu.memory_space<vmem>>
    %dma_wait3A_74 = tpu.memref_squeeze %dma_wait3A_73 : memref<1x128x16xf32, #tpu.memory_space<vmem>> -> memref<128x16xf32, #tpu.memory_space<vmem>>
    %dma_wait3A_75 = arith.constant 0 : i32
    %dma_wait3A_76 = tpu.memref_slice %arg10[%dma_wait3A_70, %dma_wait3A_75] : memref<160x128xi32, #tpu.memory_space<vmem>> -> memref<1x128xi32, #tpu.memory_space<vmem>>
    %dma_wait3A_77 = tpu.memref_squeeze %dma_wait3A_76 : memref<1x128xi32, #tpu.memory_space<vmem>> -> memref<128xi32, #tpu.memory_space<vmem>>
    %dma_wait3A_78 = arith.constant 0 : i32
    %dma_wait3A_79 = arith.constant 0 : i32
    %dma_wait3A_80 = tpu.memref_slice %arg16[%dma_wait3A_78, %dma_wait3A_79] : memref<10112x16xf32, #tpu.memory_space<vmem_shared>> -> memref<10112x16xf32, #tpu.memory_space<vmem_shared>>
    tpu.wait_indirect_dma semaphore(%arg25 : memref<!tpu.dma_semaphore, #tpu.memory_space<semaphore_mem>>) src(%dma_wait3A_74 : memref<128x16xf32, #tpu.memory_space<vmem>>) dst(%dma_wait3A_80 : memref<10112x16xf32, #tpu.memory_space<vmem_shared>>)
    %dma_wait3A_81 = arith.constant 1 : i32
    %dma_wait3A_82 = arith.constant 0 : i32
    %dma_wait3A_83 = arith.constant 0 : i32
    %dma_wait3A_84 = arith.constant 0 : i32
    %dma_wait3A_85 = tpu.memref_slice %arg11[%dma_wait3A_81, %dma_wait3A_83, %dma_wait3A_84] : memref<8x128x16xf32, #tpu.memory_space<vmem>> -> memref<1x128x16xf32, #tpu.memory_space<vmem>>
    %dma_wait3A_86 = tpu.memref_squeeze %dma_wait3A_85 : memref<1x128x16xf32, #tpu.memory_space<vmem>> -> memref<128x16xf32, #tpu.memory_space<vmem>>
    %dma_wait3A_87 = arith.constant 0 : i32
    %dma_wait3A_88 = tpu.memref_slice %arg10[%dma_wait3A_82, %dma_wait3A_87] : memref<160x128xi32, #tpu.memory_space<vmem>> -> memref<1x128xi32, #tpu.memory_space<vmem>>
    %dma_wait3A_89 = tpu.memref_squeeze %dma_wait3A_88 : memref<1x128xi32, #tpu.memory_space<vmem>> -> memref<128xi32, #tpu.memory_space<vmem>>
    %dma_wait3A_90 = arith.constant 0 : i32
    %dma_wait3A_91 = arith.constant 0 : i32
    %dma_wait3A_92 = tpu.memref_slice %arg16[%dma_wait3A_90, %dma_wait3A_91] : memref<10112x16xf32, #tpu.memory_space<vmem_shared>> -> memref<10112x16xf32, #tpu.memory_space<vmem_shared>>
    tpu.wait_indirect_dma semaphore(%arg26 : memref<!tpu.dma_semaphore, #tpu.memory_space<semaphore_mem>>) src(%dma_wait3A_86 : memref<128x16xf32, #tpu.memory_space<vmem>>) dst(%dma_wait3A_92 : memref<10112x16xf32, #tpu.memory_space<vmem_shared>>)
    %dma_wait3A_93 = arith.constant 2 : i32
    %dma_wait3A_94 = arith.constant 0 : i32
    %dma_wait3A_95 = arith.constant 0 : i32
    %dma_wait3A_96 = arith.constant 0 : i32
    %dma_wait3A_97 = tpu.memref_slice %arg11[%dma_wait3A_93, %dma_wait3A_95, %dma_wait3A_96] : memref<8x128x16xf32, #tpu.memory_space<vmem>> -> memref<1x128x16xf32, #tpu.memory_space<vmem>>
    %dma_wait3A_98 = tpu.memref_squeeze %dma_wait3A_97 : memref<1x128x16xf32, #tpu.memory_space<vmem>> -> memref<128x16xf32, #tpu.memory_space<vmem>>
    %dma_wait3A_99 = arith.constant 0 : i32
    %dma_wait3A_100 = tpu.memref_slice %arg10[%dma_wait3A_94, %dma_wait3A_99] : memref<160x128xi32, #tpu.memory_space<vmem>> -> memref<1x128xi32, #tpu.memory_space<vmem>>
    %dma_wait3A_101 = tpu.memref_squeeze %dma_wait3A_100 : memref<1x128xi32, #tpu.memory_space<vmem>> -> memref<128xi32, #tpu.memory_space<vmem>>
    %dma_wait3A_102 = arith.constant 0 : i32
    %dma_wait3A_103 = arith.constant 0 : i32
    %dma_wait3A_104 = tpu.memref_slice %arg16[%dma_wait3A_102, %dma_wait3A_103] : memref<10112x16xf32, #tpu.memory_space<vmem_shared>> -> memref<10112x16xf32, #tpu.memory_space<vmem_shared>>
    tpu.wait_indirect_dma semaphore(%arg27 : memref<!tpu.dma_semaphore, #tpu.memory_space<semaphore_mem>>) src(%dma_wait3A_98 : memref<128x16xf32, #tpu.memory_space<vmem>>) dst(%dma_wait3A_104 : memref<10112x16xf32, #tpu.memory_space<vmem_shared>>)
    %dma_wait3A_105 = arith.constant 3 : i32
    %dma_wait3A_106 = arith.constant 0 : i32
    %dma_wait3A_107 = arith.constant 0 : i32
    %dma_wait3A_108 = arith.constant 0 : i32
    %dma_wait3A_109 = tpu.memref_slice %arg11[%dma_wait3A_105, %dma_wait3A_107, %dma_wait3A_108] : memref<8x128x16xf32, #tpu.memory_space<vmem>> -> memref<1x128x16xf32, #tpu.memory_space<vmem>>
    %dma_wait3A_110 = tpu.memref_squeeze %dma_wait3A_109 : memref<1x128x16xf32, #tpu.memory_space<vmem>> -> memref<128x16xf32, #tpu.memory_space<vmem>>
    %dma_wait3A_111 = arith.constant 0 : i32
    %dma_wait3A_112 = tpu.memref_slice %arg10[%dma_wait3A_106, %dma_wait3A_111] : memref<160x128xi32, #tpu.memory_space<vmem>> -> memref<1x128xi32, #tpu.memory_space<vmem>>
    %dma_wait3A_113 = tpu.memref_squeeze %dma_wait3A_112 : memref<1x128xi32, #tpu.memory_space<vmem>> -> memref<128xi32, #tpu.memory_space<vmem>>
    %dma_wait3A_114 = arith.constant 0 : i32
    %dma_wait3A_115 = arith.constant 0 : i32
    %dma_wait3A_116 = tpu.memref_slice %arg16[%dma_wait3A_114, %dma_wait3A_115] : memref<10112x16xf32, #tpu.memory_space<vmem_shared>> -> memref<10112x16xf32, #tpu.memory_space<vmem_shared>>
    tpu.wait_indirect_dma semaphore(%arg28 : memref<!tpu.dma_semaphore, #tpu.memory_space<semaphore_mem>>) src(%dma_wait3A_110 : memref<128x16xf32, #tpu.memory_space<vmem>>) dst(%dma_wait3A_116 : memref<10112x16xf32, #tpu.memory_space<vmem_shared>>)
    %dma_wait3A_117 = arith.constant 4 : i32
    %dma_wait3A_118 = arith.constant 0 : i32
    %dma_wait3A_119 = arith.constant 0 : i32
    %dma_wait3A_120 = arith.constant 0 : i32
    %dma_wait3A_121 = tpu.memref_slice %arg11[%dma_wait3A_117, %dma_wait3A_119, %dma_wait3A_120] : memref<8x128x16xf32, #tpu.memory_space<vmem>> -> memref<1x128x16xf32, #tpu.memory_space<vmem>>
    %dma_wait3A_122 = tpu.memref_squeeze %dma_wait3A_121 : memref<1x128x16xf32, #tpu.memory_space<vmem>> -> memref<128x16xf32, #tpu.memory_space<vmem>>
    %dma_wait3A_123 = arith.constant 0 : i32
    %dma_wait3A_124 = tpu.memref_slice %arg10[%dma_wait3A_118, %dma_wait3A_123] : memref<160x128xi32, #tpu.memory_space<vmem>> -> memref<1x128xi32, #tpu.memory_space<vmem>>
    %dma_wait3A_125 = tpu.memref_squeeze %dma_wait3A_124 : memref<1x128xi32, #tpu.memory_space<vmem>> -> memref<128xi32, #tpu.memory_space<vmem>>
    %dma_wait3A_126 = arith.constant 0 : i32
    %dma_wait3A_127 = arith.constant 0 : i32
    %dma_wait3A_128 = tpu.memref_slice %arg16[%dma_wait3A_126, %dma_wait3A_127] : memref<10112x16xf32, #tpu.memory_space<vmem_shared>> -> memref<10112x16xf32, #tpu.memory_space<vmem_shared>>
    tpu.wait_indirect_dma semaphore(%arg29 : memref<!tpu.dma_semaphore, #tpu.memory_space<semaphore_mem>>) src(%dma_wait3A_122 : memref<128x16xf32, #tpu.memory_space<vmem>>) dst(%dma_wait3A_128 : memref<10112x16xf32, #tpu.memory_space<vmem_shared>>)
    %dma_wait3A_129 = arith.constant 5 : i32
    %dma_wait3A_130 = arith.constant 0 : i32
    %dma_wait3A_131 = arith.constant 0 : i32
    %dma_wait3A_132 = arith.constant 0 : i32
    %dma_wait3A_133 = tpu.memref_slice %arg11[%dma_wait3A_129, %dma_wait3A_131, %dma_wait3A_132] : memref<8x128x16xf32, #tpu.memory_space<vmem>> -> memref<1x128x16xf32, #tpu.memory_space<vmem>>
    %dma_wait3A_134 = tpu.memref_squeeze %dma_wait3A_133 : memref<1x128x16xf32, #tpu.memory_space<vmem>> -> memref<128x16xf32, #tpu.memory_space<vmem>>
    %dma_wait3A_135 = arith.constant 0 : i32
    %dma_wait3A_136 = tpu.memref_slice %arg10[%dma_wait3A_130, %dma_wait3A_135] : memref<160x128xi32, #tpu.memory_space<vmem>> -> memref<1x128xi32, #tpu.memory_space<vmem>>
    %dma_wait3A_137 = tpu.memref_squeeze %dma_wait3A_136 : memref<1x128xi32, #tpu.memory_space<vmem>> -> memref<128xi32, #tpu.memory_space<vmem>>
    %dma_wait3A_138 = arith.constant 0 : i32
    %dma_wait3A_139 = arith.constant 0 : i32
    %dma_wait3A_140 = tpu.memref_slice %arg16[%dma_wait3A_138, %dma_wait3A_139] : memref<10112x16xf32, #tpu.memory_space<vmem_shared>> -> memref<10112x16xf32, #tpu.memory_space<vmem_shared>>
    tpu.wait_indirect_dma semaphore(%arg30 : memref<!tpu.dma_semaphore, #tpu.memory_space<semaphore_mem>>) src(%dma_wait3A_134 : memref<128x16xf32, #tpu.memory_space<vmem>>) dst(%dma_wait3A_140 : memref<10112x16xf32, #tpu.memory_space<vmem_shared>>)
    %dma_wait3A_141 = arith.constant 6 : i32
    %dma_wait3A_142 = arith.constant 0 : i32
    %dma_wait3A_143 = arith.constant 0 : i32
    %dma_wait3A_144 = arith.constant 0 : i32
    %dma_wait3A_145 = tpu.memref_slice %arg11[%dma_wait3A_141, %dma_wait3A_143, %dma_wait3A_144] : memref<8x128x16xf32, #tpu.memory_space<vmem>> -> memref<1x128x16xf32, #tpu.memory_space<vmem>>
    %dma_wait3A_146 = tpu.memref_squeeze %dma_wait3A_145 : memref<1x128x16xf32, #tpu.memory_space<vmem>> -> memref<128x16xf32, #tpu.memory_space<vmem>>
    %dma_wait3A_147 = arith.constant 0 : i32
    %dma_wait3A_148 = tpu.memref_slice %arg10[%dma_wait3A_142, %dma_wait3A_147] : memref<160x128xi32, #tpu.memory_space<vmem>> -> memref<1x128xi32, #tpu.memory_space<vmem>>
    %dma_wait3A_149 = tpu.memref_squeeze %dma_wait3A_148 : memref<1x128xi32, #tpu.memory_space<vmem>> -> memref<128xi32, #tpu.memory_space<vmem>>
    %dma_wait3A_150 = arith.constant 0 : i32
    %dma_wait3A_151 = arith.constant 0 : i32
    %dma_wait3A_152 = tpu.memref_slice %arg16[%dma_wait3A_150, %dma_wait3A_151] : memref<10112x16xf32, #tpu.memory_space<vmem_shared>> -> memref<10112x16xf32, #tpu.memory_space<vmem_shared>>
    tpu.wait_indirect_dma semaphore(%arg31 : memref<!tpu.dma_semaphore, #tpu.memory_space<semaphore_mem>>) src(%dma_wait3A_146 : memref<128x16xf32, #tpu.memory_space<vmem>>) dst(%dma_wait3A_152 : memref<10112x16xf32, #tpu.memory_space<vmem_shared>>)
    %dma_wait3A_153 = arith.constant 7 : i32
    %dma_wait3A_154 = arith.constant 0 : i32
    %dma_wait3A_155 = arith.constant 0 : i32
    %dma_wait3A_156 = arith.constant 0 : i32
    %dma_wait3A_157 = tpu.memref_slice %arg11[%dma_wait3A_153, %dma_wait3A_155, %dma_wait3A_156] : memref<8x128x16xf32, #tpu.memory_space<vmem>> -> memref<1x128x16xf32, #tpu.memory_space<vmem>>
    %dma_wait3A_158 = tpu.memref_squeeze %dma_wait3A_157 : memref<1x128x16xf32, #tpu.memory_space<vmem>> -> memref<128x16xf32, #tpu.memory_space<vmem>>
    %dma_wait3A_159 = arith.constant 0 : i32
    %dma_wait3A_160 = tpu.memref_slice %arg10[%dma_wait3A_154, %dma_wait3A_159] : memref<160x128xi32, #tpu.memory_space<vmem>> -> memref<1x128xi32, #tpu.memory_space<vmem>>
    %dma_wait3A_161 = tpu.memref_squeeze %dma_wait3A_160 : memref<1x128xi32, #tpu.memory_space<vmem>> -> memref<128xi32, #tpu.memory_space<vmem>>
    %dma_wait3A_162 = arith.constant 0 : i32
    %dma_wait3A_163 = arith.constant 0 : i32
    %dma_wait3A_164 = tpu.memref_slice %arg16[%dma_wait3A_162, %dma_wait3A_163] : memref<10112x16xf32, #tpu.memory_space<vmem_shared>> -> memref<10112x16xf32, #tpu.memory_space<vmem_shared>>
    tpu.wait_indirect_dma semaphore(%arg32 : memref<!tpu.dma_semaphore, #tpu.memory_space<semaphore_mem>>) src(%dma_wait3A_158 : memref<128x16xf32, #tpu.memory_space<vmem>>) dst(%dma_wait3A_164 : memref<10112x16xf32, #tpu.memory_space<vmem_shared>>)
    %barrier3A_165 = arith.constant 0 : index
    tpu.barrier barrier_id(%barrier3A_165)
    %mul3A_166 = arith.constant 632 : i32
    %mul3A_167 = arith.muli %arg1, %mul3A_166 : i32
    "tpu.region"() ({
      %run_scoped3A = tpu.sem_alloc : memref<!tpu.dma_semaphore, #tpu.memory_space<semaphore_mem>>
      %dma_start3A_338 = arith.constant 0 : i32
      %dma_start3A_339 = tpu.memref_slice %arg16[%mul3A_167, %dma_start3A_338] : memref<10112x16xf32, #tpu.memory_space<vmem_shared>> -> memref<632x16xf32, #tpu.memory_space<vmem_shared>>
      %dma_start3A_340 = arith.constant 0 : i32
      %dma_start3A_341 = tpu.memref_slice %arg16[%mul3A_167, %dma_start3A_340] : memref<10112x16xf32, #tpu.memory_space<vmem_shared>> -> memref<632x16xf32, #tpu.memory_space<vmem_shared>>
      tpu.enqueue_dma source(%dma_start3A_341 : memref<632x16xf32, #tpu.memory_space<vmem_shared>>) target(%arg12 : memref<632x16xf32, #tpu.memory_space<vmem>>) target_semaphore(%run_scoped3A : memref<!tpu.dma_semaphore, #tpu.memory_space<semaphore_mem>>)
      %dma_wait3A_342 = arith.constant 0 : i32
      %dma_wait3A_343 = tpu.memref_slice %arg16[%mul3A_167, %dma_wait3A_342] : memref<10112x16xf32, #tpu.memory_space<vmem_shared>> -> memref<632x16xf32, #tpu.memory_space<vmem_shared>>
      %dma_wait3A_344 = arith.constant 0 : i32
      %dma_wait3A_345 = tpu.memref_slice %arg16[%mul3A_167, %dma_wait3A_344] : memref<10112x16xf32, #tpu.memory_space<vmem_shared>> -> memref<632x16xf32, #tpu.memory_space<vmem_shared>>
      tpu.wait_dma2 semaphore(%run_scoped3A : memref<!tpu.dma_semaphore, #tpu.memory_space<semaphore_mem>>) src(%dma_wait3A_345 : memref<632x16xf32, #tpu.memory_space<vmem_shared>>) dst(%arg12 : memref<632x16xf32, #tpu.memory_space<vmem>>)
      tpu.yield
    }) : () -> ()
    %mul3A_168 = arith.constant 632 : i32
    %mul3A_169 = arith.muli %arg1, %mul3A_168 : i32
    "tpu.region"() ({
      %run_scoped3A = tpu.sem_alloc : memref<!tpu.dma_semaphore, #tpu.memory_space<semaphore_mem>>
      %dma_start3A_338 = arith.constant 0 : i32
      %dma_start3A_339 = tpu.memref_slice %arg3[%mul3A_169, %dma_start3A_338] : memref<10112x16xf32, #tpu.memory_space<hbm>> -> memref<632x16xf32, #tpu.memory_space<hbm>>
      %dma_start3A_340 = arith.constant 0 : i32
      %dma_start3A_341 = tpu.memref_slice %arg3[%mul3A_169, %dma_start3A_340] : memref<10112x16xf32, #tpu.memory_space<hbm>> -> memref<632x16xf32, #tpu.memory_space<hbm>>
      tpu.enqueue_dma source(%dma_start3A_341 : memref<632x16xf32, #tpu.memory_space<hbm>>) target(%arg13 : memref<632x16xf32, #tpu.memory_space<vmem>>) target_semaphore(%run_scoped3A : memref<!tpu.dma_semaphore, #tpu.memory_space<semaphore_mem>>)
      %dma_wait3A_342 = arith.constant 0 : i32
      %dma_wait3A_343 = tpu.memref_slice %arg3[%mul3A_169, %dma_wait3A_342] : memref<10112x16xf32, #tpu.memory_space<hbm>> -> memref<632x16xf32, #tpu.memory_space<hbm>>
      %dma_wait3A_344 = arith.constant 0 : i32
      %dma_wait3A_345 = tpu.memref_slice %arg3[%mul3A_169, %dma_wait3A_344] : memref<10112x16xf32, #tpu.memory_space<hbm>> -> memref<632x16xf32, #tpu.memory_space<hbm>>
      tpu.wait_dma2 semaphore(%run_scoped3A : memref<!tpu.dma_semaphore, #tpu.memory_space<semaphore_mem>>) src(%dma_wait3A_345 : memref<632x16xf32, #tpu.memory_space<hbm>>) dst(%arg13 : memref<632x16xf32, #tpu.memory_space<vmem>>)
      tpu.yield
    }) : () -> ()
    %mul3A_170 = arith.constant 632 : i32
    %mul3A_171 = arith.muli %arg1, %mul3A_170 : i32
    "tpu.region"() ({
      %run_scoped3A = tpu.sem_alloc : memref<!tpu.dma_semaphore, #tpu.memory_space<semaphore_mem>>
      %dma_start3A_338 = arith.constant 0 : i32
      %dma_start3A_339 = tpu.memref_slice %arg4[%mul3A_171, %dma_start3A_338] : memref<10112x16xf32, #tpu.memory_space<hbm>> -> memref<632x16xf32, #tpu.memory_space<hbm>>
      %dma_start3A_340 = arith.constant 0 : i32
      %dma_start3A_341 = tpu.memref_slice %arg4[%mul3A_171, %dma_start3A_340] : memref<10112x16xf32, #tpu.memory_space<hbm>> -> memref<632x16xf32, #tpu.memory_space<hbm>>
      tpu.enqueue_dma source(%dma_start3A_341 : memref<632x16xf32, #tpu.memory_space<hbm>>) target(%arg14 : memref<632x16xf32, #tpu.memory_space<vmem>>) target_semaphore(%run_scoped3A : memref<!tpu.dma_semaphore, #tpu.memory_space<semaphore_mem>>)
      %dma_wait3A_342 = arith.constant 0 : i32
      %dma_wait3A_343 = tpu.memref_slice %arg4[%mul3A_171, %dma_wait3A_342] : memref<10112x16xf32, #tpu.memory_space<hbm>> -> memref<632x16xf32, #tpu.memory_space<hbm>>
      %dma_wait3A_344 = arith.constant 0 : i32
      %dma_wait3A_345 = tpu.memref_slice %arg4[%mul3A_171, %dma_wait3A_344] : memref<10112x16xf32, #tpu.memory_space<hbm>> -> memref<632x16xf32, #tpu.memory_space<hbm>>
      tpu.wait_dma2 semaphore(%run_scoped3A : memref<!tpu.dma_semaphore, #tpu.memory_space<semaphore_mem>>) src(%dma_wait3A_345 : memref<632x16xf32, #tpu.memory_space<hbm>>) dst(%arg14 : memref<632x16xf32, #tpu.memory_space<vmem>>)
      tpu.yield
    }) : () -> ()
    %scan3A_172 = arith.constant 0 : i32
    %scan3A_173 = arith.constant 0 : i32
    %scan3A_174 = arith.constant 158 : i32
    %scan3A_175 = arith.addi %scan3A_173, %scan3A_174 : i32
    %scan3A_176 = arith.constant 1 : i32
    scf.for %scan3A_338 = %scan3A_173 to %scan3A_175 step %scan3A_176  : i32 {
      %mul3A_339 = arith.constant 4 : i32
      %mul3A_340 = arith.muli %scan3A_338, %mul3A_339 : i32
      %add3A_341 = arith.constant 0 : i32
      %add3A_342 = arith.addi %mul3A_340, %add3A_341 : i32
      %get3A = arith.index_cast %add3A_342 : i32 to index
      %get3A_343 = arith.constant 0 : index
      %get3A_344 = tpu.vector_load %arg13[%get3A, %get3A_343] {strides = array<i32>} : memref<632x16xf32, #tpu.memory_space<vmem>>, vector<1x16xf32>,
      %get3A_345 = vector.shape_cast %get3A_344 : vector<1x16xf32> to vector<16xf32>
      %get3A_346 = arith.index_cast %add3A_342 : i32 to index
      %get3A_347 = arith.constant 0 : index
      %get3A_348 = tpu.vector_load %arg14[%get3A_346, %get3A_347] {strides = array<i32>} : memref<632x16xf32, #tpu.memory_space<vmem>>, vector<1x16xf32>,
      %get3A_349 = vector.shape_cast %get3A_348 : vector<1x16xf32> to vector<16xf32>
      %get3A_350 = arith.index_cast %add3A_342 : i32 to index
      %get3A_351 = arith.constant 0 : index
      %get3A_352 = tpu.vector_load %arg12[%get3A_350, %get3A_351] {strides = array<i32>} : memref<632x16xf32, #tpu.memory_space<vmem>>, vector<1x16xf32>,
      %get3A_353 = vector.shape_cast %get3A_352 : vector<1x16xf32> to vector<16xf32>
      %mul3A_354 = arith.mulf %get3A_349, %get3A_353 : vector<16xf32>
      %sub3A = arith.subf %get3A_345, %mul3A_354 : vector<16xf32>
      %swap3A = arith.index_cast %add3A_342 : i32 to index
      %swap3A_355 = arith.constant 0 : index
      %swap3A_356 = tpu.vector_load %arg12[%swap3A, %swap3A_355] {strides = array<i32>} : memref<632x16xf32, #tpu.memory_space<vmem>>, vector<1x16xf32>,
      %swap3A_357 = vector.shape_cast %swap3A_356 : vector<1x16xf32> to vector<16xf32>
      %swap3A_358 = vector.shape_cast %sub3A : vector<16xf32> to vector<1x16xf32>
      tpu.vector_store %arg12[%swap3A, %swap3A_355], %swap3A_358 {strides = array<i32>} : memref<632x16xf32, #tpu.memory_space<vmem>>, vector<1x16xf32>,
      %mul3A_359 = arith.constant 4 : i32
      %mul3A_360 = arith.muli %scan3A_338, %mul3A_359 : i32
      %add3A_361 = arith.constant 1 : i32
      %add3A_362 = arith.addi %mul3A_360, %add3A_361 : i32
      %get3A_363 = arith.index_cast %add3A_362 : i32 to index
      %get3A_364 = arith.constant 0 : index
      %get3A_365 = tpu.vector_load %arg13[%get3A_363, %get3A_364] {strides = array<i32>} : memref<632x16xf32, #tpu.memory_space<vmem>>, vector<1x16xf32>,
      %get3A_366 = vector.shape_cast %get3A_365 : vector<1x16xf32> to vector<16xf32>
      %get3A_367 = arith.index_cast %add3A_362 : i32 to index
      %get3A_368 = arith.constant 0 : index
      %get3A_369 = tpu.vector_load %arg14[%get3A_367, %get3A_368] {strides = array<i32>} : memref<632x16xf32, #tpu.memory_space<vmem>>, vector<1x16xf32>,
      %get3A_370 = vector.shape_cast %get3A_369 : vector<1x16xf32> to vector<16xf32>
      %get3A_371 = arith.index_cast %add3A_362 : i32 to index
      %get3A_372 = arith.constant 0 : index
      %get3A_373 = tpu.vector_load %arg12[%get3A_371, %get3A_372] {strides = array<i32>} : memref<632x16xf32, #tpu.memory_space<vmem>>, vector<1x16xf32>,
      %get3A_374 = vector.shape_cast %get3A_373 : vector<1x16xf32> to vector<16xf32>
      %mul3A_375 = arith.mulf %get3A_370, %get3A_374 : vector<16xf32>
      %sub3A_376 = arith.subf %get3A_366, %mul3A_375 : vector<16xf32>
      %swap3A_377 = arith.index_cast %add3A_362 : i32 to index
      %swap3A_378 = arith.constant 0 : index
      %swap3A_379 = tpu.vector_load %arg12[%swap3A_377, %swap3A_378] {strides = array<i32>} : memref<632x16xf32, #tpu.memory_space<vmem>>, vector<1x16xf32>,
      %swap3A_380 = vector.shape_cast %swap3A_379 : vector<1x16xf32> to vector<16xf32>
      %swap3A_381 = vector.shape_cast %sub3A_376 : vector<16xf32> to vector<1x16xf32>
      tpu.vector_store %arg12[%swap3A_377, %swap3A_378], %swap3A_381 {strides = array<i32>} : memref<632x16xf32, #tpu.memory_space<vmem>>, vector<1x16xf32>,
      %mul3A_382 = arith.constant 4 : i32
      %mul3A_383 = arith.muli %scan3A_338, %mul3A_382 : i32
      %add3A_384 = arith.constant 2 : i32
      %add3A_385 = arith.addi %mul3A_383, %add3A_384 : i32
      %get3A_386 = arith.index_cast %add3A_385 : i32 to index
      %get3A_387 = arith.constant 0 : index
      %get3A_388 = tpu.vector_load %arg13[%get3A_386, %get3A_387] {strides = array<i32>} : memref<632x16xf32, #tpu.memory_space<vmem>>, vector<1x16xf32>,
      %get3A_389 = vector.shape_cast %get3A_388 : vector<1x16xf32> to vector<16xf32>
      %get3A_390 = arith.index_cast %add3A_385 : i32 to index
      %get3A_391 = arith.constant 0 : index
      %get3A_392 = tpu.vector_load %arg14[%get3A_390, %get3A_391] {strides = array<i32>} : memref<632x16xf32, #tpu.memory_space<vmem>>, vector<1x16xf32>,
      %get3A_393 = vector.shape_cast %get3A_392 : vector<1x16xf32> to vector<16xf32>
      %get3A_394 = arith.index_cast %add3A_385 : i32 to index
      %get3A_395 = arith.constant 0 : index
      %get3A_396 = tpu.vector_load %arg12[%get3A_394, %get3A_395] {strides = array<i32>} : memref<632x16xf32, #tpu.memory_space<vmem>>, vector<1x16xf32>,
      %get3A_397 = vector.shape_cast %get3A_396 : vector<1x16xf32> to vector<16xf32>
      %mul3A_398 = arith.mulf %get3A_393, %get3A_397 : vector<16xf32>
      %sub3A_399 = arith.subf %get3A_389, %mul3A_398 : vector<16xf32>
      %swap3A_400 = arith.index_cast %add3A_385 : i32 to index
      %swap3A_401 = arith.constant 0 : index
      %swap3A_402 = tpu.vector_load %arg12[%swap3A_400, %swap3A_401] {strides = array<i32>} : memref<632x16xf32, #tpu.memory_space<vmem>>, vector<1x16xf32>,
      %swap3A_403 = vector.shape_cast %swap3A_402 : vector<1x16xf32> to vector<16xf32>
      %swap3A_404 = vector.shape_cast %sub3A_399 : vector<16xf32> to vector<1x16xf32>
      tpu.vector_store %arg12[%swap3A_400, %swap3A_401], %swap3A_404 {strides = array<i32>} : memref<632x16xf32, #tpu.memory_space<vmem>>, vector<1x16xf32>,
      %mul3A_405 = arith.constant 4 : i32
      %mul3A_406 = arith.muli %scan3A_338, %mul3A_405 : i32
      %add3A_407 = arith.constant 3 : i32
      %add3A_408 = arith.addi %mul3A_406, %add3A_407 : i32
      %get3A_409 = arith.index_cast %add3A_408 : i32 to index
      %get3A_410 = arith.constant 0 : index
      %get3A_411 = tpu.vector_load %arg13[%get3A_409, %get3A_410] {strides = array<i32>} : memref<632x16xf32, #tpu.memory_space<vmem>>, vector<1x16xf32>,
      %get3A_412 = vector.shape_cast %get3A_411 : vector<1x16xf32> to vector<16xf32>
      %get3A_413 = arith.index_cast %add3A_408 : i32 to index
      %get3A_414 = arith.constant 0 : index
      %get3A_415 = tpu.vector_load %arg14[%get3A_413, %get3A_414] {strides = array<i32>} : memref<632x16xf32, #tpu.memory_space<vmem>>, vector<1x16xf32>,
      %get3A_416 = vector.shape_cast %get3A_415 : vector<1x16xf32> to vector<16xf32>
      %get3A_417 = arith.index_cast %add3A_408 : i32 to index
      %get3A_418 = arith.constant 0 : index
      %get3A_419 = tpu.vector_load %arg12[%get3A_417, %get3A_418] {strides = array<i32>} : memref<632x16xf32, #tpu.memory_space<vmem>>, vector<1x16xf32>,
      %get3A_420 = vector.shape_cast %get3A_419 : vector<1x16xf32> to vector<16xf32>
      %mul3A_421 = arith.mulf %get3A_416, %get3A_420 : vector<16xf32>
      %sub3A_422 = arith.subf %get3A_412, %mul3A_421 : vector<16xf32>
      %swap3A_423 = arith.index_cast %add3A_408 : i32 to index
      %swap3A_424 = arith.constant 0 : index
      %swap3A_425 = tpu.vector_load %arg12[%swap3A_423, %swap3A_424] {strides = array<i32>} : memref<632x16xf32, #tpu.memory_space<vmem>>, vector<1x16xf32>,
      %swap3A_426 = vector.shape_cast %swap3A_425 : vector<1x16xf32> to vector<16xf32>
      %swap3A_427 = vector.shape_cast %sub3A_422 : vector<16xf32> to vector<1x16xf32>
      tpu.vector_store %arg12[%swap3A_423, %swap3A_424], %swap3A_427 {strides = array<i32>} : memref<632x16xf32, #tpu.memory_space<vmem>>, vector<1x16xf32>,
    }
    %scan3A_177 = arith.constant 158 : i32
    %mul3A_178 = arith.constant 632 : i32
    %mul3A_179 = arith.muli %arg1, %mul3A_178 : i32
    "tpu.region"() ({
      %run_scoped3A = tpu.sem_alloc : memref<!tpu.dma_semaphore, #tpu.memory_space<semaphore_mem>>
      %dma_start3A_338 = arith.constant 0 : i32
      %dma_start3A_339 = tpu.memref_slice %arg15[%mul3A_179, %dma_start3A_338] : memref<10112x16xf32, #tpu.memory_space<vmem_shared>> -> memref<632x16xf32, #tpu.memory_space<vmem_shared>>
      %dma_start3A_340 = arith.constant 0 : i32
      %dma_start3A_341 = tpu.memref_slice %arg15[%mul3A_179, %dma_start3A_340] : memref<10112x16xf32, #tpu.memory_space<vmem_shared>> -> memref<632x16xf32, #tpu.memory_space<vmem_shared>>
      tpu.enqueue_dma source(%arg12 : memref<632x16xf32, #tpu.memory_space<vmem>>) target(%dma_start3A_341 : memref<632x16xf32, #tpu.memory_space<vmem_shared>>) target_semaphore(%run_scoped3A : memref<!tpu.dma_semaphore, #tpu.memory_space<semaphore_mem>>)
      %dma_wait3A_342 = arith.constant 0 : i32
      %dma_wait3A_343 = tpu.memref_slice %arg15[%mul3A_179, %dma_wait3A_342] : memref<10112x16xf32, #tpu.memory_space<vmem_shared>> -> memref<632x16xf32, #tpu.memory_space<vmem_shared>>
      %dma_wait3A_344 = arith.constant 0 : i32
      %dma_wait3A_345 = tpu.memref_slice %arg15[%mul3A_179, %dma_wait3A_344] : memref<10112x16xf32, #tpu.memory_space<vmem_shared>> -> memref<632x16xf32, #tpu.memory_space<vmem_shared>>
      tpu.wait_dma2 semaphore(%run_scoped3A : memref<!tpu.dma_semaphore, #tpu.memory_space<semaphore_mem>>) src(%arg12 : memref<632x16xf32, #tpu.memory_space<vmem>>) dst(%dma_wait3A_345 : memref<632x16xf32, #tpu.memory_space<vmem_shared>>)
      tpu.yield
    }) : () -> ()
    %mul3A_180 = arith.constant 632 : i32
    %mul3A_181 = arith.muli %arg1, %mul3A_180 : i32
    %mul3A_182 = arith.constant 632 : i32
    %mul3A_183 = arith.muli %arg1, %mul3A_182 : i32
    "tpu.region"() ({
      %run_scoped3A = tpu.sem_alloc : memref<!tpu.dma_semaphore, #tpu.memory_space<semaphore_mem>>
      %dma_start3A_338 = arith.constant 0 : i32
      %dma_start3A_339 = tpu.memref_slice %arg16[%mul3A_183, %dma_start3A_338] : memref<10112x16xf32, #tpu.memory_space<vmem_shared>> -> memref<632x16xf32, #tpu.memory_space<vmem_shared>>
      %dma_start3A_340 = arith.constant 0 : i32
      %dma_start3A_341 = tpu.memref_slice %arg7[%mul3A_181, %dma_start3A_340] : memref<10112x16xf32, #tpu.memory_space<hbm>> -> memref<632x16xf32, #tpu.memory_space<hbm>>
      tpu.enqueue_dma source(%dma_start3A_341 : memref<632x16xf32, #tpu.memory_space<hbm>>) target(%dma_start3A_339 : memref<632x16xf32, #tpu.memory_space<vmem_shared>>) target_semaphore(%run_scoped3A : memref<!tpu.dma_semaphore, #tpu.memory_space<semaphore_mem>>)
      %dma_wait3A_342 = arith.constant 0 : i32
      %dma_wait3A_343 = tpu.memref_slice %arg16[%mul3A_183, %dma_wait3A_342] : memref<10112x16xf32, #tpu.memory_space<vmem_shared>> -> memref<632x16xf32, #tpu.memory_space<vmem_shared>>
      %dma_wait3A_344 = arith.constant 0 : i32
      %dma_wait3A_345 = tpu.memref_slice %arg7[%mul3A_181, %dma_wait3A_344] : memref<10112x16xf32, #tpu.memory_space<hbm>> -> memref<632x16xf32, #tpu.memory_space<hbm>>
      tpu.wait_dma2 semaphore(%run_scoped3A : memref<!tpu.dma_semaphore, #tpu.memory_space<semaphore_mem>>) src(%dma_wait3A_345 : memref<632x16xf32, #tpu.memory_space<hbm>>) dst(%dma_wait3A_343 : memref<632x16xf32, #tpu.memory_space<vmem_shared>>)
      tpu.yield
    }) : () -> ()
    %barrier3A_184 = arith.constant 0 : index
    tpu.barrier barrier_id(%barrier3A_184)
    %mul3A_185 = arith.constant 80 : i32
    %mul3A_186 = arith.muli %arg0, %mul3A_185 : i32
    %add3A_187 = arith.constant 0 : i32
    %add3A_188 = arith.addi %mul3A_186, %add3A_187 : i32
    %dma_start3A_189 = arith.constant 0 : i32
    %dma_start3A_190 = arith.constant 0 : i32
    %dma_start3A_191 = arith.constant 0 : i32
    %dma_start3A_192 = tpu.memref_slice %arg11[%dma_start3A_189, %dma_start3A_190, %dma_start3A_191] : memref<8x128x16xf32, #tpu.memory_space<vmem>> -> memref<1x128x16xf32, #tpu.memory_space<vmem>>
    %dma_start3A_193 = tpu.memref_squeeze %dma_start3A_192 : memref<1x128x16xf32, #tpu.memory_space<vmem>> -> memref<128x16xf32, #tpu.memory_space<vmem>>
    %dma_start3A_194 = arith.constant 0 : i32
    %dma_start3A_195 = tpu.memref_slice %arg9[%add3A_188, %dma_start3A_194] : memref<160x128xi32, #tpu.memory_space<vmem>> -> memref<1x128xi32, #tpu.memory_space<vmem>>
    %dma_start3A_196 = tpu.memref_squeeze %dma_start3A_195 : memref<1x128xi32, #tpu.memory_space<vmem>> -> memref<128xi32, #tpu.memory_space<vmem>>
    %dma_start3A_197 = arith.constant 0 : i32
    %dma_start3A_198 = arith.constant 0 : i32
    %dma_start3A_199 = tpu.memref_slice %arg15[%dma_start3A_197, %dma_start3A_198] : memref<10112x16xf32, #tpu.memory_space<vmem_shared>> -> memref<10112x16xf32, #tpu.memory_space<vmem_shared>>
    tpu.enqueue_indirect_dma source(%dma_start3A_199 : memref<10112x16xf32, #tpu.memory_space<vmem_shared>>) target(%dma_start3A_193 : memref<128x16xf32, #tpu.memory_space<vmem>>) offsets(%dma_start3A_196 : memref<128xi32, #tpu.memory_space<vmem>>) semaphore(%arg17 : memref<!tpu.dma_semaphore, #tpu.memory_space<semaphore_mem>>)
    %add3A_200 = arith.constant 1 : i32
    %add3A_201 = arith.addi %mul3A_186, %add3A_200 : i32
    %dma_start3A_202 = arith.constant 1 : i32
    %dma_start3A_203 = arith.constant 0 : i32
    %dma_start3A_204 = arith.constant 0 : i32
    %dma_start3A_205 = tpu.memref_slice %arg11[%dma_start3A_202, %dma_start3A_203, %dma_start3A_204] : memref<8x128x16xf32, #tpu.memory_space<vmem>> -> memref<1x128x16xf32, #tpu.memory_space<vmem>>
    %dma_start3A_206 = tpu.memref_squeeze %dma_start3A_205 : memref<1x128x16xf32, #tpu.memory_space<vmem>> -> memref<128x16xf32, #tpu.memory_space<vmem>>
    %dma_start3A_207 = arith.constant 0 : i32
    %dma_start3A_208 = tpu.memref_slice %arg9[%add3A_201, %dma_start3A_207] : memref<160x128xi32, #tpu.memory_space<vmem>> -> memref<1x128xi32, #tpu.memory_space<vmem>>
    %dma_start3A_209 = tpu.memref_squeeze %dma_start3A_208 : memref<1x128xi32, #tpu.memory_space<vmem>> -> memref<128xi32, #tpu.memory_space<vmem>>
    %dma_start3A_210 = arith.constant 0 : i32
    %dma_start3A_211 = arith.constant 0 : i32
    %dma_start3A_212 = tpu.memref_slice %arg15[%dma_start3A_210, %dma_start3A_211] : memref<10112x16xf32, #tpu.memory_space<vmem_shared>> -> memref<10112x16xf32, #tpu.memory_space<vmem_shared>>
    tpu.enqueue_indirect_dma source(%dma_start3A_212 : memref<10112x16xf32, #tpu.memory_space<vmem_shared>>) target(%dma_start3A_206 : memref<128x16xf32, #tpu.memory_space<vmem>>) offsets(%dma_start3A_209 : memref<128xi32, #tpu.memory_space<vmem>>) semaphore(%arg18 : memref<!tpu.dma_semaphore, #tpu.memory_space<semaphore_mem>>)
    %add3A_213 = arith.constant 2 : i32
    %add3A_214 = arith.addi %mul3A_186, %add3A_213 : i32
    %dma_start3A_215 = arith.constant 2 : i32
    %dma_start3A_216 = arith.constant 0 : i32
    %dma_start3A_217 = arith.constant 0 : i32
    %dma_start3A_218 = tpu.memref_slice %arg11[%dma_start3A_215, %dma_start3A_216, %dma_start3A_217] : memref<8x128x16xf32, #tpu.memory_space<vmem>> -> memref<1x128x16xf32, #tpu.memory_space<vmem>>
    %dma_start3A_219 = tpu.memref_squeeze %dma_start3A_218 : memref<1x128x16xf32, #tpu.memory_space<vmem>> -> memref<128x16xf32, #tpu.memory_space<vmem>>
    %dma_start3A_220 = arith.constant 0 : i32
    %dma_start3A_221 = tpu.memref_slice %arg9[%add3A_214, %dma_start3A_220] : memref<160x128xi32, #tpu.memory_space<vmem>> -> memref<1x128xi32, #tpu.memory_space<vmem>>
    %dma_start3A_222 = tpu.memref_squeeze %dma_start3A_221 : memref<1x128xi32, #tpu.memory_space<vmem>> -> memref<128xi32, #tpu.memory_space<vmem>>
    %dma_start3A_223 = arith.constant 0 : i32
    %dma_start3A_224 = arith.constant 0 : i32
    %dma_start3A_225 = tpu.memref_slice %arg15[%dma_start3A_223, %dma_start3A_224] : memref<10112x16xf32, #tpu.memory_space<vmem_shared>> -> memref<10112x16xf32, #tpu.memory_space<vmem_shared>>
    tpu.enqueue_indirect_dma source(%dma_start3A_225 : memref<10112x16xf32, #tpu.memory_space<vmem_shared>>) target(%dma_start3A_219 : memref<128x16xf32, #tpu.memory_space<vmem>>) offsets(%dma_start3A_222 : memref<128xi32, #tpu.memory_space<vmem>>) semaphore(%arg19 : memref<!tpu.dma_semaphore, #tpu.memory_space<semaphore_mem>>)
    %add3A_226 = arith.constant 3 : i32
    %add3A_227 = arith.addi %mul3A_186, %add3A_226 : i32
    %dma_start3A_228 = arith.constant 3 : i32
    %dma_start3A_229 = arith.constant 0 : i32
    %dma_start3A_230 = arith.constant 0 : i32
    %dma_start3A_231 = tpu.memref_slice %arg11[%dma_start3A_228, %dma_start3A_229, %dma_start3A_230] : memref<8x128x16xf32, #tpu.memory_space<vmem>> -> memref<1x128x16xf32, #tpu.memory_space<vmem>>
    %dma_start3A_232 = tpu.memref_squeeze %dma_start3A_231 : memref<1x128x16xf32, #tpu.memory_space<vmem>> -> memref<128x16xf32, #tpu.memory_space<vmem>>
    %dma_start3A_233 = arith.constant 0 : i32
    %dma_start3A_234 = tpu.memref_slice %arg9[%add3A_227, %dma_start3A_233] : memref<160x128xi32, #tpu.memory_space<vmem>> -> memref<1x128xi32, #tpu.memory_space<vmem>>
    %dma_start3A_235 = tpu.memref_squeeze %dma_start3A_234 : memref<1x128xi32, #tpu.memory_space<vmem>> -> memref<128xi32, #tpu.memory_space<vmem>>
    %dma_start3A_236 = arith.constant 0 : i32
    %dma_start3A_237 = arith.constant 0 : i32
    %dma_start3A_238 = tpu.memref_slice %arg15[%dma_start3A_236, %dma_start3A_237] : memref<10112x16xf32, #tpu.memory_space<vmem_shared>> -> memref<10112x16xf32, #tpu.memory_space<vmem_shared>>
    tpu.enqueue_indirect_dma source(%dma_start3A_238 : memref<10112x16xf32, #tpu.memory_space<vmem_shared>>) target(%dma_start3A_232 : memref<128x16xf32, #tpu.memory_space<vmem>>) offsets(%dma_start3A_235 : memref<128xi32, #tpu.memory_space<vmem>>) semaphore(%arg20 : memref<!tpu.dma_semaphore, #tpu.memory_space<semaphore_mem>>)
    %scan3A_239 = arith.constant 0 : i32
    %scan3A_240 = arith.constant 0 : i32
    %scan3A_241 = arith.constant 10 : i32
    %scan3A_242 = arith.addi %scan3A_240, %scan3A_241 : i32
    %scan3A_243 = arith.constant 1 : i32
    scf.for %scan3A_338 = %scan3A_240 to %scan3A_242 step %scan3A_243  : i32 {
      %mul3A_339 = arith.constant 8 : i32
      %mul3A_340 = arith.muli %scan3A_338, %mul3A_339 : i32
      %add3A_341 = arith.constant 0 : i32
      %add3A_342 = arith.addi %mul3A_340, %add3A_341 : i32
      %add3A_343 = arith.addi %mul3A_186, %add3A_342 : i32
      %dma_wait3A_344 = arith.constant 0 : i32
      %dma_wait3A_345 = arith.constant 0 : i32
      %dma_wait3A_346 = arith.constant 0 : i32
      %dma_wait3A_347 = tpu.memref_slice %arg11[%dma_wait3A_344, %dma_wait3A_345, %dma_wait3A_346] : memref<8x128x16xf32, #tpu.memory_space<vmem>> -> memref<1x128x16xf32, #tpu.memory_space<vmem>>
      %dma_wait3A_348 = tpu.memref_squeeze %dma_wait3A_347 : memref<1x128x16xf32, #tpu.memory_space<vmem>> -> memref<128x16xf32, #tpu.memory_space<vmem>>
      %dma_wait3A_349 = arith.constant 0 : i32
      %dma_wait3A_350 = tpu.memref_slice %arg9[%add3A_343, %dma_wait3A_349] : memref<160x128xi32, #tpu.memory_space<vmem>> -> memref<1x128xi32, #tpu.memory_space<vmem>>
      %dma_wait3A_351 = tpu.memref_squeeze %dma_wait3A_350 : memref<1x128xi32, #tpu.memory_space<vmem>> -> memref<128xi32, #tpu.memory_space<vmem>>
      %dma_wait3A_352 = arith.constant 0 : i32
      %dma_wait3A_353 = arith.constant 0 : i32
      %dma_wait3A_354 = tpu.memref_slice %arg15[%dma_wait3A_352, %dma_wait3A_353] : memref<10112x16xf32, #tpu.memory_space<vmem_shared>> -> memref<10112x16xf32, #tpu.memory_space<vmem_shared>>
      tpu.wait_indirect_dma semaphore(%arg17 : memref<!tpu.dma_semaphore, #tpu.memory_space<semaphore_mem>>) src(%dma_wait3A_354 : memref<10112x16xf32, #tpu.memory_space<vmem_shared>>) dst(%dma_wait3A_348 : memref<128x16xf32, #tpu.memory_space<vmem>>)
      %add3A_355 = arith.addi %mul3A_186, %add3A_342 : i32
      %dma_start3A_356 = arith.constant 0 : i32
      %dma_start3A_357 = arith.constant 0 : i32
      %dma_start3A_358 = arith.constant 0 : i32
      %dma_start3A_359 = tpu.memref_slice %arg11[%dma_start3A_356, %dma_start3A_357, %dma_start3A_358] : memref<8x128x16xf32, #tpu.memory_space<vmem>> -> memref<1x128x16xf32, #tpu.memory_space<vmem>>
      %dma_start3A_360 = tpu.memref_squeeze %dma_start3A_359 : memref<1x128x16xf32, #tpu.memory_space<vmem>> -> memref<128x16xf32, #tpu.memory_space<vmem>>
      %dma_start3A_361 = arith.constant 0 : i32
      %dma_start3A_362 = tpu.memref_slice %arg10[%add3A_355, %dma_start3A_361] : memref<160x128xi32, #tpu.memory_space<vmem>> -> memref<1x128xi32, #tpu.memory_space<vmem>>
      %dma_start3A_363 = tpu.memref_squeeze %dma_start3A_362 : memref<1x128xi32, #tpu.memory_space<vmem>> -> memref<128xi32, #tpu.memory_space<vmem>>
      %dma_start3A_364 = arith.constant 0 : i32
      %dma_start3A_365 = arith.constant 0 : i32
      %dma_start3A_366 = tpu.memref_slice %arg16[%dma_start3A_364, %dma_start3A_365] : memref<10112x16xf32, #tpu.memory_space<vmem_shared>> -> memref<10112x16xf32, #tpu.memory_space<vmem_shared>>
      tpu.enqueue_indirect_dma source(%dma_start3A_360 : memref<128x16xf32, #tpu.memory_space<vmem>>) target(%dma_start3A_366 : memref<10112x16xf32, #tpu.memory_space<vmem_shared>>) offsets(%dma_start3A_363 : memref<128xi32, #tpu.memory_space<vmem>>) semaphore(%arg25 : memref<!tpu.dma_semaphore, #tpu.memory_space<semaphore_mem>>) {add = true}
      %add3A_367 = arith.constant 4 : i32
      %add3A_368 = arith.addi %add3A_342, %add3A_367 : i32
      %lt3A = arith.constant 80 : i32
      %lt3A_369 = arith.cmpi slt, %add3A_368, %lt3A : i32
      %convert_element_type3A = arith.extui %lt3A_369 : i1 to i32
      %cond3A = arith.constant 0 : i32
      %cond3A_370 = arith.cmpi ne, %convert_element_type3A, %cond3A : i32
      scf.if %cond3A_370 {
        %ge3A = arith.constant 4 : i32
        %ge3A_616 = arith.cmpi sge, %add3A_342, %ge3A : i32
        %convert_element_type3A_617 = arith.extui %ge3A_616 : i1 to i32
        %cond3A_618 = arith.constant 0 : i32
        %cond3A_619 = arith.cmpi ne, %convert_element_type3A_617, %cond3A_618 : i32
        scf.if %cond3A_619 {
          %dma_wait3A_634 = arith.constant 4 : i32
          %dma_wait3A_635 = arith.constant 0 : i32
          %dma_wait3A_636 = arith.constant 0 : i32
          %dma_wait3A_637 = tpu.memref_slice %arg11[%dma_wait3A_634, %dma_wait3A_635, %dma_wait3A_636] : memref<8x128x16xf32, #tpu.memory_space<vmem>> -> memref<1x128x16xf32, #tpu.memory_space<vmem>>
          %dma_wait3A_638 = tpu.memref_squeeze %dma_wait3A_637 : memref<1x128x16xf32, #tpu.memory_space<vmem>> -> memref<128x16xf32, #tpu.memory_space<vmem>>
          %dma_wait3A_639 = arith.constant 0 : i32
          %dma_wait3A_640 = tpu.memref_slice %arg10[%mul3A_186, %dma_wait3A_639] : memref<160x128xi32, #tpu.memory_space<vmem>> -> memref<1x128xi32, #tpu.memory_space<vmem>>
          %dma_wait3A_641 = tpu.memref_squeeze %dma_wait3A_640 : memref<1x128xi32, #tpu.memory_space<vmem>> -> memref<128xi32, #tpu.memory_space<vmem>>
          %dma_wait3A_642 = arith.constant 0 : i32
          %dma_wait3A_643 = arith.constant 0 : i32
          %dma_wait3A_644 = tpu.memref_slice %arg16[%dma_wait3A_642, %dma_wait3A_643] : memref<10112x16xf32, #tpu.memory_space<vmem_shared>> -> memref<10112x16xf32, #tpu.memory_space<vmem_shared>>
          tpu.wait_indirect_dma semaphore(%arg29 : memref<!tpu.dma_semaphore, #tpu.memory_space<semaphore_mem>>) src(%dma_wait3A_638 : memref<128x16xf32, #tpu.memory_space<vmem>>) dst(%dma_wait3A_644 : memref<10112x16xf32, #tpu.memory_space<vmem_shared>>)
        } else {
        }
        %add3A_620 = arith.addi %mul3A_186, %add3A_342 : i32
        %add3A_621 = arith.constant 4 : i32
        %add3A_622 = arith.addi %add3A_620, %add3A_621 : i32
        %dma_start3A_623 = arith.constant 4 : i32
        %dma_start3A_624 = arith.constant 0 : i32
        %dma_start3A_625 = arith.constant 0 : i32
        %dma_start3A_626 = tpu.memref_slice %arg11[%dma_start3A_623, %dma_start3A_624, %dma_start3A_625] : memref<8x128x16xf32, #tpu.memory_space<vmem>> -> memref<1x128x16xf32, #tpu.memory_space<vmem>>
        %dma_start3A_627 = tpu.memref_squeeze %dma_start3A_626 : memref<1x128x16xf32, #tpu.memory_space<vmem>> -> memref<128x16xf32, #tpu.memory_space<vmem>>
        %dma_start3A_628 = arith.constant 0 : i32
        %dma_start3A_629 = tpu.memref_slice %arg9[%add3A_622, %dma_start3A_628] : memref<160x128xi32, #tpu.memory_space<vmem>> -> memref<1x128xi32, #tpu.memory_space<vmem>>
        %dma_start3A_630 = tpu.memref_squeeze %dma_start3A_629 : memref<1x128xi32, #tpu.memory_space<vmem>> -> memref<128xi32, #tpu.memory_space<vmem>>
        %dma_start3A_631 = arith.constant 0 : i32
        %dma_start3A_632 = arith.constant 0 : i32
        %dma_start3A_633 = tpu.memref_slice %arg15[%dma_start3A_631, %dma_start3A_632] : memref<10112x16xf32, #tpu.memory_space<vmem_shared>> -> memref<10112x16xf32, #tpu.memory_space<vmem_shared>>
        tpu.enqueue_indirect_dma source(%dma_start3A_633 : memref<10112x16xf32, #tpu.memory_space<vmem_shared>>) target(%dma_start3A_627 : memref<128x16xf32, #tpu.memory_space<vmem>>) offsets(%dma_start3A_630 : memref<128xi32, #tpu.memory_space<vmem>>) semaphore(%arg21 : memref<!tpu.dma_semaphore, #tpu.memory_space<semaphore_mem>>)
      } else {
      }
      %mul3A_371 = arith.constant 8 : i32
      %mul3A_372 = arith.muli %scan3A_338, %mul3A_371 : i32
      %add3A_373 = arith.constant 1 : i32
      %add3A_374 = arith.addi %mul3A_372, %add3A_373 : i32
      %add3A_375 = arith.addi %mul3A_186, %add3A_374 : i32
      %dma_wait3A_376 = arith.constant 1 : i32
      %dma_wait3A_377 = arith.constant 0 : i32
      %dma_wait3A_378 = arith.constant 0 : i32
      %dma_wait3A_379 = tpu.memref_slice %arg11[%dma_wait3A_376, %dma_wait3A_377, %dma_wait3A_378] : memref<8x128x16xf32, #tpu.memory_space<vmem>> -> memref<1x128x16xf32, #tpu.memory_space<vmem>>
      %dma_wait3A_380 = tpu.memref_squeeze %dma_wait3A_379 : memref<1x128x16xf32, #tpu.memory_space<vmem>> -> memref<128x16xf32, #tpu.memory_space<vmem>>
      %dma_wait3A_381 = arith.constant 0 : i32
      %dma_wait3A_382 = tpu.memref_slice %arg9[%add3A_375, %dma_wait3A_381] : memref<160x128xi32, #tpu.memory_space<vmem>> -> memref<1x128xi32, #tpu.memory_space<vmem>>
      %dma_wait3A_383 = tpu.memref_squeeze %dma_wait3A_382 : memref<1x128xi32, #tpu.memory_space<vmem>> -> memref<128xi32, #tpu.memory_space<vmem>>
      %dma_wait3A_384 = arith.constant 0 : i32
      %dma_wait3A_385 = arith.constant 0 : i32
      %dma_wait3A_386 = tpu.memref_slice %arg15[%dma_wait3A_384, %dma_wait3A_385] : memref<10112x16xf32, #tpu.memory_space<vmem_shared>> -> memref<10112x16xf32, #tpu.memory_space<vmem_shared>>
      tpu.wait_indirect_dma semaphore(%arg18 : memref<!tpu.dma_semaphore, #tpu.memory_space<semaphore_mem>>) src(%dma_wait3A_386 : memref<10112x16xf32, #tpu.memory_space<vmem_shared>>) dst(%dma_wait3A_380 : memref<128x16xf32, #tpu.memory_space<vmem>>)
      %add3A_387 = arith.addi %mul3A_186, %add3A_374 : i32
      %dma_start3A_388 = arith.constant 1 : i32
      %dma_start3A_389 = arith.constant 0 : i32
      %dma_start3A_390 = arith.constant 0 : i32
      %dma_start3A_391 = tpu.memref_slice %arg11[%dma_start3A_388, %dma_start3A_389, %dma_start3A_390] : memref<8x128x16xf32, #tpu.memory_space<vmem>> -> memref<1x128x16xf32, #tpu.memory_space<vmem>>
      %dma_start3A_392 = tpu.memref_squeeze %dma_start3A_391 : memref<1x128x16xf32, #tpu.memory_space<vmem>> -> memref<128x16xf32, #tpu.memory_space<vmem>>
      %dma_start3A_393 = arith.constant 0 : i32
      %dma_start3A_394 = tpu.memref_slice %arg10[%add3A_387, %dma_start3A_393] : memref<160x128xi32, #tpu.memory_space<vmem>> -> memref<1x128xi32, #tpu.memory_space<vmem>>
      %dma_start3A_395 = tpu.memref_squeeze %dma_start3A_394 : memref<1x128xi32, #tpu.memory_space<vmem>> -> memref<128xi32, #tpu.memory_space<vmem>>
      %dma_start3A_396 = arith.constant 0 : i32
      %dma_start3A_397 = arith.constant 0 : i32
      %dma_start3A_398 = tpu.memref_slice %arg16[%dma_start3A_396, %dma_start3A_397] : memref<10112x16xf32, #tpu.memory_space<vmem_shared>> -> memref<10112x16xf32, #tpu.memory_space<vmem_shared>>
      tpu.enqueue_indirect_dma source(%dma_start3A_392 : memref<128x16xf32, #tpu.memory_space<vmem>>) target(%dma_start3A_398 : memref<10112x16xf32, #tpu.memory_space<vmem_shared>>) offsets(%dma_start3A_395 : memref<128xi32, #tpu.memory_space<vmem>>) semaphore(%arg26 : memref<!tpu.dma_semaphore, #tpu.memory_space<semaphore_mem>>) {add = true}
      %add3A_399 = arith.constant 4 : i32
      %add3A_400 = arith.addi %add3A_374, %add3A_399 : i32
      %lt3A_401 = arith.constant 80 : i32
      %lt3A_402 = arith.cmpi slt, %add3A_400, %lt3A_401 : i32
      %convert_element_type3A_403 = arith.extui %lt3A_402 : i1 to i32
      %cond3A_404 = arith.constant 0 : i32
      %cond3A_405 = arith.cmpi ne, %convert_element_type3A_403, %cond3A_404 : i32
      scf.if %cond3A_405 {
        %ge3A = arith.constant 4 : i32
        %ge3A_616 = arith.cmpi sge, %add3A_374, %ge3A : i32
        %convert_element_type3A_617 = arith.extui %ge3A_616 : i1 to i32
        %cond3A_618 = arith.constant 0 : i32
        %cond3A_619 = arith.cmpi ne, %convert_element_type3A_617, %cond3A_618 : i32
        scf.if %cond3A_619 {
          %dma_wait3A_634 = arith.constant 5 : i32
          %dma_wait3A_635 = arith.constant 0 : i32
          %dma_wait3A_636 = arith.constant 0 : i32
          %dma_wait3A_637 = tpu.memref_slice %arg11[%dma_wait3A_634, %dma_wait3A_635, %dma_wait3A_636] : memref<8x128x16xf32, #tpu.memory_space<vmem>> -> memref<1x128x16xf32, #tpu.memory_space<vmem>>
          %dma_wait3A_638 = tpu.memref_squeeze %dma_wait3A_637 : memref<1x128x16xf32, #tpu.memory_space<vmem>> -> memref<128x16xf32, #tpu.memory_space<vmem>>
          %dma_wait3A_639 = arith.constant 0 : i32
          %dma_wait3A_640 = tpu.memref_slice %arg10[%mul3A_186, %dma_wait3A_639] : memref<160x128xi32, #tpu.memory_space<vmem>> -> memref<1x128xi32, #tpu.memory_space<vmem>>
          %dma_wait3A_641 = tpu.memref_squeeze %dma_wait3A_640 : memref<1x128xi32, #tpu.memory_space<vmem>> -> memref<128xi32, #tpu.memory_space<vmem>>
          %dma_wait3A_642 = arith.constant 0 : i32
          %dma_wait3A_643 = arith.constant 0 : i32
          %dma_wait3A_644 = tpu.memref_slice %arg16[%dma_wait3A_642, %dma_wait3A_643] : memref<10112x16xf32, #tpu.memory_space<vmem_shared>> -> memref<10112x16xf32, #tpu.memory_space<vmem_shared>>
          tpu.wait_indirect_dma semaphore(%arg30 : memref<!tpu.dma_semaphore, #tpu.memory_space<semaphore_mem>>) src(%dma_wait3A_638 : memref<128x16xf32, #tpu.memory_space<vmem>>) dst(%dma_wait3A_644 : memref<10112x16xf32, #tpu.memory_space<vmem_shared>>)
        } else {
        }
        %add3A_620 = arith.addi %mul3A_186, %add3A_374 : i32
        %add3A_621 = arith.constant 4 : i32
        %add3A_622 = arith.addi %add3A_620, %add3A_621 : i32
        %dma_start3A_623 = arith.constant 5 : i32
        %dma_start3A_624 = arith.constant 0 : i32
        %dma_start3A_625 = arith.constant 0 : i32
        %dma_start3A_626 = tpu.memref_slice %arg11[%dma_start3A_623, %dma_start3A_624, %dma_start3A_625] : memref<8x128x16xf32, #tpu.memory_space<vmem>> -> memref<1x128x16xf32, #tpu.memory_space<vmem>>
        %dma_start3A_627 = tpu.memref_squeeze %dma_start3A_626 : memref<1x128x16xf32, #tpu.memory_space<vmem>> -> memref<128x16xf32, #tpu.memory_space<vmem>>
        %dma_start3A_628 = arith.constant 0 : i32
        %dma_start3A_629 = tpu.memref_slice %arg9[%add3A_622, %dma_start3A_628] : memref<160x128xi32, #tpu.memory_space<vmem>> -> memref<1x128xi32, #tpu.memory_space<vmem>>
        %dma_start3A_630 = tpu.memref_squeeze %dma_start3A_629 : memref<1x128xi32, #tpu.memory_space<vmem>> -> memref<128xi32, #tpu.memory_space<vmem>>
        %dma_start3A_631 = arith.constant 0 : i32
        %dma_start3A_632 = arith.constant 0 : i32
        %dma_start3A_633 = tpu.memref_slice %arg15[%dma_start3A_631, %dma_start3A_632] : memref<10112x16xf32, #tpu.memory_space<vmem_shared>> -> memref<10112x16xf32, #tpu.memory_space<vmem_shared>>
        tpu.enqueue_indirect_dma source(%dma_start3A_633 : memref<10112x16xf32, #tpu.memory_space<vmem_shared>>) target(%dma_start3A_627 : memref<128x16xf32, #tpu.memory_space<vmem>>) offsets(%dma_start3A_630 : memref<128xi32, #tpu.memory_space<vmem>>) semaphore(%arg22 : memref<!tpu.dma_semaphore, #tpu.memory_space<semaphore_mem>>)
      } else {
      }
      %mul3A_406 = arith.constant 8 : i32
      %mul3A_407 = arith.muli %scan3A_338, %mul3A_406 : i32
      %add3A_408 = arith.constant 2 : i32
      %add3A_409 = arith.addi %mul3A_407, %add3A_408 : i32
      %add3A_410 = arith.addi %mul3A_186, %add3A_409 : i32
      %dma_wait3A_411 = arith.constant 2 : i32
      %dma_wait3A_412 = arith.constant 0 : i32
      %dma_wait3A_413 = arith.constant 0 : i32
      %dma_wait3A_414 = tpu.memref_slice %arg11[%dma_wait3A_411, %dma_wait3A_412, %dma_wait3A_413] : memref<8x128x16xf32, #tpu.memory_space<vmem>> -> memref<1x128x16xf32, #tpu.memory_space<vmem>>
      %dma_wait3A_415 = tpu.memref_squeeze %dma_wait3A_414 : memref<1x128x16xf32, #tpu.memory_space<vmem>> -> memref<128x16xf32, #tpu.memory_space<vmem>>
      %dma_wait3A_416 = arith.constant 0 : i32
      %dma_wait3A_417 = tpu.memref_slice %arg9[%add3A_410, %dma_wait3A_416] : memref<160x128xi32, #tpu.memory_space<vmem>> -> memref<1x128xi32, #tpu.memory_space<vmem>>
      %dma_wait3A_418 = tpu.memref_squeeze %dma_wait3A_417 : memref<1x128xi32, #tpu.memory_space<vmem>> -> memref<128xi32, #tpu.memory_space<vmem>>
      %dma_wait3A_419 = arith.constant 0 : i32
      %dma_wait3A_420 = arith.constant 0 : i32
      %dma_wait3A_421 = tpu.memref_slice %arg15[%dma_wait3A_419, %dma_wait3A_420] : memref<10112x16xf32, #tpu.memory_space<vmem_shared>> -> memref<10112x16xf32, #tpu.memory_space<vmem_shared>>
      tpu.wait_indirect_dma semaphore(%arg19 : memref<!tpu.dma_semaphore, #tpu.memory_space<semaphore_mem>>) src(%dma_wait3A_421 : memref<10112x16xf32, #tpu.memory_space<vmem_shared>>) dst(%dma_wait3A_415 : memref<128x16xf32, #tpu.memory_space<vmem>>)
      %add3A_422 = arith.addi %mul3A_186, %add3A_409 : i32
      %dma_start3A_423 = arith.constant 2 : i32
      %dma_start3A_424 = arith.constant 0 : i32
      %dma_start3A_425 = arith.constant 0 : i32
      %dma_start3A_426 = tpu.memref_slice %arg11[%dma_start3A_423, %dma_start3A_424, %dma_start3A_425] : memref<8x128x16xf32, #tpu.memory_space<vmem>> -> memref<1x128x16xf32, #tpu.memory_space<vmem>>
      %dma_start3A_427 = tpu.memref_squeeze %dma_start3A_426 : memref<1x128x16xf32, #tpu.memory_space<vmem>> -> memref<128x16xf32, #tpu.memory_space<vmem>>
      %dma_start3A_428 = arith.constant 0 : i32
      %dma_start3A_429 = tpu.memref_slice %arg10[%add3A_422, %dma_start3A_428] : memref<160x128xi32, #tpu.memory_space<vmem>> -> memref<1x128xi32, #tpu.memory_space<vmem>>
      %dma_start3A_430 = tpu.memref_squeeze %dma_start3A_429 : memref<1x128xi32, #tpu.memory_space<vmem>> -> memref<128xi32, #tpu.memory_space<vmem>>
      %dma_start3A_431 = arith.constant 0 : i32
      %dma_start3A_432 = arith.constant 0 : i32
      %dma_start3A_433 = tpu.memref_slice %arg16[%dma_start3A_431, %dma_start3A_432] : memref<10112x16xf32, #tpu.memory_space<vmem_shared>> -> memref<10112x16xf32, #tpu.memory_space<vmem_shared>>
      tpu.enqueue_indirect_dma source(%dma_start3A_427 : memref<128x16xf32, #tpu.memory_space<vmem>>) target(%dma_start3A_433 : memref<10112x16xf32, #tpu.memory_space<vmem_shared>>) offsets(%dma_start3A_430 : memref<128xi32, #tpu.memory_space<vmem>>) semaphore(%arg27 : memref<!tpu.dma_semaphore, #tpu.memory_space<semaphore_mem>>) {add = true}
      %add3A_434 = arith.constant 4 : i32
      %add3A_435 = arith.addi %add3A_409, %add3A_434 : i32
      %lt3A_436 = arith.constant 80 : i32
      %lt3A_437 = arith.cmpi slt, %add3A_435, %lt3A_436 : i32
      %convert_element_type3A_438 = arith.extui %lt3A_437 : i1 to i32
      %cond3A_439 = arith.constant 0 : i32
      %cond3A_440 = arith.cmpi ne, %convert_element_type3A_438, %cond3A_439 : i32
      scf.if %cond3A_440 {
        %ge3A = arith.constant 4 : i32
        %ge3A_616 = arith.cmpi sge, %add3A_409, %ge3A : i32
        %convert_element_type3A_617 = arith.extui %ge3A_616 : i1 to i32
        %cond3A_618 = arith.constant 0 : i32
        %cond3A_619 = arith.cmpi ne, %convert_element_type3A_617, %cond3A_618 : i32
        scf.if %cond3A_619 {
          %dma_wait3A_634 = arith.constant 6 : i32
          %dma_wait3A_635 = arith.constant 0 : i32
          %dma_wait3A_636 = arith.constant 0 : i32
          %dma_wait3A_637 = tpu.memref_slice %arg11[%dma_wait3A_634, %dma_wait3A_635, %dma_wait3A_636] : memref<8x128x16xf32, #tpu.memory_space<vmem>> -> memref<1x128x16xf32, #tpu.memory_space<vmem>>
          %dma_wait3A_638 = tpu.memref_squeeze %dma_wait3A_637 : memref<1x128x16xf32, #tpu.memory_space<vmem>> -> memref<128x16xf32, #tpu.memory_space<vmem>>
          %dma_wait3A_639 = arith.constant 0 : i32
          %dma_wait3A_640 = tpu.memref_slice %arg10[%mul3A_186, %dma_wait3A_639] : memref<160x128xi32, #tpu.memory_space<vmem>> -> memref<1x128xi32, #tpu.memory_space<vmem>>
          %dma_wait3A_641 = tpu.memref_squeeze %dma_wait3A_640 : memref<1x128xi32, #tpu.memory_space<vmem>> -> memref<128xi32, #tpu.memory_space<vmem>>
          %dma_wait3A_642 = arith.constant 0 : i32
          %dma_wait3A_643 = arith.constant 0 : i32
          %dma_wait3A_644 = tpu.memref_slice %arg16[%dma_wait3A_642, %dma_wait3A_643] : memref<10112x16xf32, #tpu.memory_space<vmem_shared>> -> memref<10112x16xf32, #tpu.memory_space<vmem_shared>>
          tpu.wait_indirect_dma semaphore(%arg31 : memref<!tpu.dma_semaphore, #tpu.memory_space<semaphore_mem>>) src(%dma_wait3A_638 : memref<128x16xf32, #tpu.memory_space<vmem>>) dst(%dma_wait3A_644 : memref<10112x16xf32, #tpu.memory_space<vmem_shared>>)
        } else {
        }
        %add3A_620 = arith.addi %mul3A_186, %add3A_409 : i32
        %add3A_621 = arith.constant 4 : i32
        %add3A_622 = arith.addi %add3A_620, %add3A_621 : i32
        %dma_start3A_623 = arith.constant 6 : i32
        %dma_start3A_624 = arith.constant 0 : i32
        %dma_start3A_625 = arith.constant 0 : i32
        %dma_start3A_626 = tpu.memref_slice %arg11[%dma_start3A_623, %dma_start3A_624, %dma_start3A_625] : memref<8x128x16xf32, #tpu.memory_space<vmem>> -> memref<1x128x16xf32, #tpu.memory_space<vmem>>
        %dma_start3A_627 = tpu.memref_squeeze %dma_start3A_626 : memref<1x128x16xf32, #tpu.memory_space<vmem>> -> memref<128x16xf32, #tpu.memory_space<vmem>>
        %dma_start3A_628 = arith.constant 0 : i32
        %dma_start3A_629 = tpu.memref_slice %arg9[%add3A_622, %dma_start3A_628] : memref<160x128xi32, #tpu.memory_space<vmem>> -> memref<1x128xi32, #tpu.memory_space<vmem>>
        %dma_start3A_630 = tpu.memref_squeeze %dma_start3A_629 : memref<1x128xi32, #tpu.memory_space<vmem>> -> memref<128xi32, #tpu.memory_space<vmem>>
        %dma_start3A_631 = arith.constant 0 : i32
        %dma_start3A_632 = arith.constant 0 : i32
        %dma_start3A_633 = tpu.memref_slice %arg15[%dma_start3A_631, %dma_start3A_632] : memref<10112x16xf32, #tpu.memory_space<vmem_shared>> -> memref<10112x16xf32, #tpu.memory_space<vmem_shared>>
        tpu.enqueue_indirect_dma source(%dma_start3A_633 : memref<10112x16xf32, #tpu.memory_space<vmem_shared>>) target(%dma_start3A_627 : memref<128x16xf32, #tpu.memory_space<vmem>>) offsets(%dma_start3A_630 : memref<128xi32, #tpu.memory_space<vmem>>) semaphore(%arg23 : memref<!tpu.dma_semaphore, #tpu.memory_space<semaphore_mem>>)
      } else {
      }
      %mul3A_441 = arith.constant 8 : i32
      %mul3A_442 = arith.muli %scan3A_338, %mul3A_441 : i32
      %add3A_443 = arith.constant 3 : i32
      %add3A_444 = arith.addi %mul3A_442, %add3A_443 : i32
      %add3A_445 = arith.addi %mul3A_186, %add3A_444 : i32
      %dma_wait3A_446 = arith.constant 3 : i32
      %dma_wait3A_447 = arith.constant 0 : i32
      %dma_wait3A_448 = arith.constant 0 : i32
      %dma_wait3A_449 = tpu.memref_slice %arg11[%dma_wait3A_446, %dma_wait3A_447, %dma_wait3A_448] : memref<8x128x16xf32, #tpu.memory_space<vmem>> -> memref<1x128x16xf32, #tpu.memory_space<vmem>>
      %dma_wait3A_450 = tpu.memref_squeeze %dma_wait3A_449 : memref<1x128x16xf32, #tpu.memory_space<vmem>> -> memref<128x16xf32, #tpu.memory_space<vmem>>
      %dma_wait3A_451 = arith.constant 0 : i32
      %dma_wait3A_452 = tpu.memref_slice %arg9[%add3A_445, %dma_wait3A_451] : memref<160x128xi32, #tpu.memory_space<vmem>> -> memref<1x128xi32, #tpu.memory_space<vmem>>
      %dma_wait3A_453 = tpu.memref_squeeze %dma_wait3A_452 : memref<1x128xi32, #tpu.memory_space<vmem>> -> memref<128xi32, #tpu.memory_space<vmem>>
      %dma_wait3A_454 = arith.constant 0 : i32
      %dma_wait3A_455 = arith.constant 0 : i32
      %dma_wait3A_456 = tpu.memref_slice %arg15[%dma_wait3A_454, %dma_wait3A_455] : memref<10112x16xf32, #tpu.memory_space<vmem_shared>> -> memref<10112x16xf32, #tpu.memory_space<vmem_shared>>
      tpu.wait_indirect_dma semaphore(%arg20 : memref<!tpu.dma_semaphore, #tpu.memory_space<semaphore_mem>>) src(%dma_wait3A_456 : memref<10112x16xf32, #tpu.memory_space<vmem_shared>>) dst(%dma_wait3A_450 : memref<128x16xf32, #tpu.memory_space<vmem>>)
      %add3A_457 = arith.addi %mul3A_186, %add3A_444 : i32
      %dma_start3A_458 = arith.constant 3 : i32
      %dma_start3A_459 = arith.constant 0 : i32
      %dma_start3A_460 = arith.constant 0 : i32
      %dma_start3A_461 = tpu.memref_slice %arg11[%dma_start3A_458, %dma_start3A_459, %dma_start3A_460] : memref<8x128x16xf32, #tpu.memory_space<vmem>> -> memref<1x128x16xf32, #tpu.memory_space<vmem>>
      %dma_start3A_462 = tpu.memref_squeeze %dma_start3A_461 : memref<1x128x16xf32, #tpu.memory_space<vmem>> -> memref<128x16xf32, #tpu.memory_space<vmem>>
      %dma_start3A_463 = arith.constant 0 : i32
      %dma_start3A_464 = tpu.memref_slice %arg10[%add3A_457, %dma_start3A_463] : memref<160x128xi32, #tpu.memory_space<vmem>> -> memref<1x128xi32, #tpu.memory_space<vmem>>
      %dma_start3A_465 = tpu.memref_squeeze %dma_start3A_464 : memref<1x128xi32, #tpu.memory_space<vmem>> -> memref<128xi32, #tpu.memory_space<vmem>>
      %dma_start3A_466 = arith.constant 0 : i32
      %dma_start3A_467 = arith.constant 0 : i32
      %dma_start3A_468 = tpu.memref_slice %arg16[%dma_start3A_466, %dma_start3A_467] : memref<10112x16xf32, #tpu.memory_space<vmem_shared>> -> memref<10112x16xf32, #tpu.memory_space<vmem_shared>>
      tpu.enqueue_indirect_dma source(%dma_start3A_462 : memref<128x16xf32, #tpu.memory_space<vmem>>) target(%dma_start3A_468 : memref<10112x16xf32, #tpu.memory_space<vmem_shared>>) offsets(%dma_start3A_465 : memref<128xi32, #tpu.memory_space<vmem>>) semaphore(%arg28 : memref<!tpu.dma_semaphore, #tpu.memory_space<semaphore_mem>>) {add = true}
      %add3A_469 = arith.constant 4 : i32
      %add3A_470 = arith.addi %add3A_444, %add3A_469 : i32
      %lt3A_471 = arith.constant 80 : i32
      %lt3A_472 = arith.cmpi slt, %add3A_470, %lt3A_471 : i32
      %convert_element_type3A_473 = arith.extui %lt3A_472 : i1 to i32
      %cond3A_474 = arith.constant 0 : i32
      %cond3A_475 = arith.cmpi ne, %convert_element_type3A_473, %cond3A_474 : i32
      scf.if %cond3A_475 {
        %ge3A = arith.constant 4 : i32
        %ge3A_616 = arith.cmpi sge, %add3A_444, %ge3A : i32
        %convert_element_type3A_617 = arith.extui %ge3A_616 : i1 to i32
        %cond3A_618 = arith.constant 0 : i32
        %cond3A_619 = arith.cmpi ne, %convert_element_type3A_617, %cond3A_618 : i32
        scf.if %cond3A_619 {
          %dma_wait3A_634 = arith.constant 7 : i32
          %dma_wait3A_635 = arith.constant 0 : i32
          %dma_wait3A_636 = arith.constant 0 : i32
          %dma_wait3A_637 = tpu.memref_slice %arg11[%dma_wait3A_634, %dma_wait3A_635, %dma_wait3A_636] : memref<8x128x16xf32, #tpu.memory_space<vmem>> -> memref<1x128x16xf32, #tpu.memory_space<vmem>>
          %dma_wait3A_638 = tpu.memref_squeeze %dma_wait3A_637 : memref<1x128x16xf32, #tpu.memory_space<vmem>> -> memref<128x16xf32, #tpu.memory_space<vmem>>
          %dma_wait3A_639 = arith.constant 0 : i32
          %dma_wait3A_640 = tpu.memref_slice %arg10[%mul3A_186, %dma_wait3A_639] : memref<160x128xi32, #tpu.memory_space<vmem>> -> memref<1x128xi32, #tpu.memory_space<vmem>>
          %dma_wait3A_641 = tpu.memref_squeeze %dma_wait3A_640 : memref<1x128xi32, #tpu.memory_space<vmem>> -> memref<128xi32, #tpu.memory_space<vmem>>
          %dma_wait3A_642 = arith.constant 0 : i32
          %dma_wait3A_643 = arith.constant 0 : i32
          %dma_wait3A_644 = tpu.memref_slice %arg16[%dma_wait3A_642, %dma_wait3A_643] : memref<10112x16xf32, #tpu.memory_space<vmem_shared>> -> memref<10112x16xf32, #tpu.memory_space<vmem_shared>>
          tpu.wait_indirect_dma semaphore(%arg32 : memref<!tpu.dma_semaphore, #tpu.memory_space<semaphore_mem>>) src(%dma_wait3A_638 : memref<128x16xf32, #tpu.memory_space<vmem>>) dst(%dma_wait3A_644 : memref<10112x16xf32, #tpu.memory_space<vmem_shared>>)
        } else {
        }
        %add3A_620 = arith.addi %mul3A_186, %add3A_444 : i32
        %add3A_621 = arith.constant 4 : i32
        %add3A_622 = arith.addi %add3A_620, %add3A_621 : i32
        %dma_start3A_623 = arith.constant 7 : i32
        %dma_start3A_624 = arith.constant 0 : i32
        %dma_start3A_625 = arith.constant 0 : i32
        %dma_start3A_626 = tpu.memref_slice %arg11[%dma_start3A_623, %dma_start3A_624, %dma_start3A_625] : memref<8x128x16xf32, #tpu.memory_space<vmem>> -> memref<1x128x16xf32, #tpu.memory_space<vmem>>
        %dma_start3A_627 = tpu.memref_squeeze %dma_start3A_626 : memref<1x128x16xf32, #tpu.memory_space<vmem>> -> memref<128x16xf32, #tpu.memory_space<vmem>>
        %dma_start3A_628 = arith.constant 0 : i32
        %dma_start3A_629 = tpu.memref_slice %arg9[%add3A_622, %dma_start3A_628] : memref<160x128xi32, #tpu.memory_space<vmem>> -> memref<1x128xi32, #tpu.memory_space<vmem>>
        %dma_start3A_630 = tpu.memref_squeeze %dma_start3A_629 : memref<1x128xi32, #tpu.memory_space<vmem>> -> memref<128xi32, #tpu.memory_space<vmem>>
        %dma_start3A_631 = arith.constant 0 : i32
        %dma_start3A_632 = arith.constant 0 : i32
        %dma_start3A_633 = tpu.memref_slice %arg15[%dma_start3A_631, %dma_start3A_632] : memref<10112x16xf32, #tpu.memory_space<vmem_shared>> -> memref<10112x16xf32, #tpu.memory_space<vmem_shared>>
        tpu.enqueue_indirect_dma source(%dma_start3A_633 : memref<10112x16xf32, #tpu.memory_space<vmem_shared>>) target(%dma_start3A_627 : memref<128x16xf32, #tpu.memory_space<vmem>>) offsets(%dma_start3A_630 : memref<128xi32, #tpu.memory_space<vmem>>) semaphore(%arg24 : memref<!tpu.dma_semaphore, #tpu.memory_space<semaphore_mem>>)
      } else {
      }
      %mul3A_476 = arith.constant 8 : i32
      %mul3A_477 = arith.muli %scan3A_338, %mul3A_476 : i32
      %add3A_478 = arith.constant 4 : i32
      %add3A_479 = arith.addi %mul3A_477, %add3A_478 : i32
      %add3A_480 = arith.addi %mul3A_186, %add3A_479 : i32
      %dma_wait3A_481 = arith.constant 4 : i32
      %dma_wait3A_482 = arith.constant 0 : i32
      %dma_wait3A_483 = arith.constant 0 : i32
      %dma_wait3A_484 = tpu.memref_slice %arg11[%dma_wait3A_481, %dma_wait3A_482, %dma_wait3A_483] : memref<8x128x16xf32, #tpu.memory_space<vmem>> -> memref<1x128x16xf32, #tpu.memory_space<vmem>>
      %dma_wait3A_485 = tpu.memref_squeeze %dma_wait3A_484 : memref<1x128x16xf32, #tpu.memory_space<vmem>> -> memref<128x16xf32, #tpu.memory_space<vmem>>
      %dma_wait3A_486 = arith.constant 0 : i32
      %dma_wait3A_487 = tpu.memref_slice %arg9[%add3A_480, %dma_wait3A_486] : memref<160x128xi32, #tpu.memory_space<vmem>> -> memref<1x128xi32, #tpu.memory_space<vmem>>
      %dma_wait3A_488 = tpu.memref_squeeze %dma_wait3A_487 : memref<1x128xi32, #tpu.memory_space<vmem>> -> memref<128xi32, #tpu.memory_space<vmem>>
      %dma_wait3A_489 = arith.constant 0 : i32
      %dma_wait3A_490 = arith.constant 0 : i32
      %dma_wait3A_491 = tpu.memref_slice %arg15[%dma_wait3A_489, %dma_wait3A_490] : memref<10112x16xf32, #tpu.memory_space<vmem_shared>> -> memref<10112x16xf32, #tpu.memory_space<vmem_shared>>
      tpu.wait_indirect_dma semaphore(%arg21 : memref<!tpu.dma_semaphore, #tpu.memory_space<semaphore_mem>>) src(%dma_wait3A_491 : memref<10112x16xf32, #tpu.memory_space<vmem_shared>>) dst(%dma_wait3A_485 : memref<128x16xf32, #tpu.memory_space<vmem>>)
      %add3A_492 = arith.addi %mul3A_186, %add3A_479 : i32
      %dma_start3A_493 = arith.constant 4 : i32
      %dma_start3A_494 = arith.constant 0 : i32
      %dma_start3A_495 = arith.constant 0 : i32
      %dma_start3A_496 = tpu.memref_slice %arg11[%dma_start3A_493, %dma_start3A_494, %dma_start3A_495] : memref<8x128x16xf32, #tpu.memory_space<vmem>> -> memref<1x128x16xf32, #tpu.memory_space<vmem>>
      %dma_start3A_497 = tpu.memref_squeeze %dma_start3A_496 : memref<1x128x16xf32, #tpu.memory_space<vmem>> -> memref<128x16xf32, #tpu.memory_space<vmem>>
      %dma_start3A_498 = arith.constant 0 : i32
      %dma_start3A_499 = tpu.memref_slice %arg10[%add3A_492, %dma_start3A_498] : memref<160x128xi32, #tpu.memory_space<vmem>> -> memref<1x128xi32, #tpu.memory_space<vmem>>
      %dma_start3A_500 = tpu.memref_squeeze %dma_start3A_499 : memref<1x128xi32, #tpu.memory_space<vmem>> -> memref<128xi32, #tpu.memory_space<vmem>>
      %dma_start3A_501 = arith.constant 0 : i32
      %dma_start3A_502 = arith.constant 0 : i32
      %dma_start3A_503 = tpu.memref_slice %arg16[%dma_start3A_501, %dma_start3A_502] : memref<10112x16xf32, #tpu.memory_space<vmem_shared>> -> memref<10112x16xf32, #tpu.memory_space<vmem_shared>>
      tpu.enqueue_indirect_dma source(%dma_start3A_497 : memref<128x16xf32, #tpu.memory_space<vmem>>) target(%dma_start3A_503 : memref<10112x16xf32, #tpu.memory_space<vmem_shared>>) offsets(%dma_start3A_500 : memref<128xi32, #tpu.memory_space<vmem>>) semaphore(%arg29 : memref<!tpu.dma_semaphore, #tpu.memory_space<semaphore_mem>>) {add = true}
      %add3A_504 = arith.constant 4 : i32
      %add3A_505 = arith.addi %add3A_479, %add3A_504 : i32
      %lt3A_506 = arith.constant 80 : i32
      %lt3A_507 = arith.cmpi slt, %add3A_505, %lt3A_506 : i32
      %convert_element_type3A_508 = arith.extui %lt3A_507 : i1 to i32
      %cond3A_509 = arith.constant 0 : i32
      %cond3A_510 = arith.cmpi ne, %convert_element_type3A_508, %cond3A_509 : i32
      scf.if %cond3A_510 {
        %ge3A = arith.constant 4 : i32
        %ge3A_616 = arith.cmpi sge, %add3A_479, %ge3A : i32
        %convert_element_type3A_617 = arith.extui %ge3A_616 : i1 to i32
        %cond3A_618 = arith.constant 0 : i32
        %cond3A_619 = arith.cmpi ne, %convert_element_type3A_617, %cond3A_618 : i32
        scf.if %cond3A_619 {
          %dma_wait3A_634 = arith.constant 0 : i32
          %dma_wait3A_635 = arith.constant 0 : i32
          %dma_wait3A_636 = arith.constant 0 : i32
          %dma_wait3A_637 = tpu.memref_slice %arg11[%dma_wait3A_634, %dma_wait3A_635, %dma_wait3A_636] : memref<8x128x16xf32, #tpu.memory_space<vmem>> -> memref<1x128x16xf32, #tpu.memory_space<vmem>>
          %dma_wait3A_638 = tpu.memref_squeeze %dma_wait3A_637 : memref<1x128x16xf32, #tpu.memory_space<vmem>> -> memref<128x16xf32, #tpu.memory_space<vmem>>
          %dma_wait3A_639 = arith.constant 0 : i32
          %dma_wait3A_640 = tpu.memref_slice %arg10[%mul3A_186, %dma_wait3A_639] : memref<160x128xi32, #tpu.memory_space<vmem>> -> memref<1x128xi32, #tpu.memory_space<vmem>>
          %dma_wait3A_641 = tpu.memref_squeeze %dma_wait3A_640 : memref<1x128xi32, #tpu.memory_space<vmem>> -> memref<128xi32, #tpu.memory_space<vmem>>
          %dma_wait3A_642 = arith.constant 0 : i32
          %dma_wait3A_643 = arith.constant 0 : i32
          %dma_wait3A_644 = tpu.memref_slice %arg16[%dma_wait3A_642, %dma_wait3A_643] : memref<10112x16xf32, #tpu.memory_space<vmem_shared>> -> memref<10112x16xf32, #tpu.memory_space<vmem_shared>>
          tpu.wait_indirect_dma semaphore(%arg25 : memref<!tpu.dma_semaphore, #tpu.memory_space<semaphore_mem>>) src(%dma_wait3A_638 : memref<128x16xf32, #tpu.memory_space<vmem>>) dst(%dma_wait3A_644 : memref<10112x16xf32, #tpu.memory_space<vmem_shared>>)
        } else {
        }
        %add3A_620 = arith.addi %mul3A_186, %add3A_479 : i32
        %add3A_621 = arith.constant 4 : i32
        %add3A_622 = arith.addi %add3A_620, %add3A_621 : i32
        %dma_start3A_623 = arith.constant 0 : i32
        %dma_start3A_624 = arith.constant 0 : i32
        %dma_start3A_625 = arith.constant 0 : i32
        %dma_start3A_626 = tpu.memref_slice %arg11[%dma_start3A_623, %dma_start3A_624, %dma_start3A_625] : memref<8x128x16xf32, #tpu.memory_space<vmem>> -> memref<1x128x16xf32, #tpu.memory_space<vmem>>
        %dma_start3A_627 = tpu.memref_squeeze %dma_start3A_626 : memref<1x128x16xf32, #tpu.memory_space<vmem>> -> memref<128x16xf32, #tpu.memory_space<vmem>>
        %dma_start3A_628 = arith.constant 0 : i32
        %dma_start3A_629 = tpu.memref_slice %arg9[%add3A_622, %dma_start3A_628] : memref<160x128xi32, #tpu.memory_space<vmem>> -> memref<1x128xi32, #tpu.memory_space<vmem>>
        %dma_start3A_630 = tpu.memref_squeeze %dma_start3A_629 : memref<1x128xi32, #tpu.memory_space<vmem>> -> memref<128xi32, #tpu.memory_space<vmem>>
        %dma_start3A_631 = arith.constant 0 : i32
        %dma_start3A_632 = arith.constant 0 : i32
        %dma_start3A_633 = tpu.memref_slice %arg15[%dma_start3A_631, %dma_start3A_632] : memref<10112x16xf32, #tpu.memory_space<vmem_shared>> -> memref<10112x16xf32, #tpu.memory_space<vmem_shared>>
        tpu.enqueue_indirect_dma source(%dma_start3A_633 : memref<10112x16xf32, #tpu.memory_space<vmem_shared>>) target(%dma_start3A_627 : memref<128x16xf32, #tpu.memory_space<vmem>>) offsets(%dma_start3A_630 : memref<128xi32, #tpu.memory_space<vmem>>) semaphore(%arg17 : memref<!tpu.dma_semaphore, #tpu.memory_space<semaphore_mem>>)
      } else {
      }
      %mul3A_511 = arith.constant 8 : i32
      %mul3A_512 = arith.muli %scan3A_338, %mul3A_511 : i32
      %add3A_513 = arith.constant 5 : i32
      %add3A_514 = arith.addi %mul3A_512, %add3A_513 : i32
      %add3A_515 = arith.addi %mul3A_186, %add3A_514 : i32
      %dma_wait3A_516 = arith.constant 5 : i32
      %dma_wait3A_517 = arith.constant 0 : i32
      %dma_wait3A_518 = arith.constant 0 : i32
      %dma_wait3A_519 = tpu.memref_slice %arg11[%dma_wait3A_516, %dma_wait3A_517, %dma_wait3A_518] : memref<8x128x16xf32, #tpu.memory_space<vmem>> -> memref<1x128x16xf32, #tpu.memory_space<vmem>>
      %dma_wait3A_520 = tpu.memref_squeeze %dma_wait3A_519 : memref<1x128x16xf32, #tpu.memory_space<vmem>> -> memref<128x16xf32, #tpu.memory_space<vmem>>
      %dma_wait3A_521 = arith.constant 0 : i32
      %dma_wait3A_522 = tpu.memref_slice %arg9[%add3A_515, %dma_wait3A_521] : memref<160x128xi32, #tpu.memory_space<vmem>> -> memref<1x128xi32, #tpu.memory_space<vmem>>
      %dma_wait3A_523 = tpu.memref_squeeze %dma_wait3A_522 : memref<1x128xi32, #tpu.memory_space<vmem>> -> memref<128xi32, #tpu.memory_space<vmem>>
      %dma_wait3A_524 = arith.constant 0 : i32
      %dma_wait3A_525 = arith.constant 0 : i32
      %dma_wait3A_526 = tpu.memref_slice %arg15[%dma_wait3A_524, %dma_wait3A_525] : memref<10112x16xf32, #tpu.memory_space<vmem_shared>> -> memref<10112x16xf32, #tpu.memory_space<vmem_shared>>
      tpu.wait_indirect_dma semaphore(%arg22 : memref<!tpu.dma_semaphore, #tpu.memory_space<semaphore_mem>>) src(%dma_wait3A_526 : memref<10112x16xf32, #tpu.memory_space<vmem_shared>>) dst(%dma_wait3A_520 : memref<128x16xf32, #tpu.memory_space<vmem>>)
      %add3A_527 = arith.addi %mul3A_186, %add3A_514 : i32
      %dma_start3A_528 = arith.constant 5 : i32
      %dma_start3A_529 = arith.constant 0 : i32
      %dma_start3A_530 = arith.constant 0 : i32
      %dma_start3A_531 = tpu.memref_slice %arg11[%dma_start3A_528, %dma_start3A_529, %dma_start3A_530] : memref<8x128x16xf32, #tpu.memory_space<vmem>> -> memref<1x128x16xf32, #tpu.memory_space<vmem>>
      %dma_start3A_532 = tpu.memref_squeeze %dma_start3A_531 : memref<1x128x16xf32, #tpu.memory_space<vmem>> -> memref<128x16xf32, #tpu.memory_space<vmem>>
      %dma_start3A_533 = arith.constant 0 : i32
      %dma_start3A_534 = tpu.memref_slice %arg10[%add3A_527, %dma_start3A_533] : memref<160x128xi32, #tpu.memory_space<vmem>> -> memref<1x128xi32, #tpu.memory_space<vmem>>
      %dma_start3A_535 = tpu.memref_squeeze %dma_start3A_534 : memref<1x128xi32, #tpu.memory_space<vmem>> -> memref<128xi32, #tpu.memory_space<vmem>>
      %dma_start3A_536 = arith.constant 0 : i32
      %dma_start3A_537 = arith.constant 0 : i32
      %dma_start3A_538 = tpu.memref_slice %arg16[%dma_start3A_536, %dma_start3A_537] : memref<10112x16xf32, #tpu.memory_space<vmem_shared>> -> memref<10112x16xf32, #tpu.memory_space<vmem_shared>>
      tpu.enqueue_indirect_dma source(%dma_start3A_532 : memref<128x16xf32, #tpu.memory_space<vmem>>) target(%dma_start3A_538 : memref<10112x16xf32, #tpu.memory_space<vmem_shared>>) offsets(%dma_start3A_535 : memref<128xi32, #tpu.memory_space<vmem>>) semaphore(%arg30 : memref<!tpu.dma_semaphore, #tpu.memory_space<semaphore_mem>>) {add = true}
      %add3A_539 = arith.constant 4 : i32
      %add3A_540 = arith.addi %add3A_514, %add3A_539 : i32
      %lt3A_541 = arith.constant 80 : i32
      %lt3A_542 = arith.cmpi slt, %add3A_540, %lt3A_541 : i32
      %convert_element_type3A_543 = arith.extui %lt3A_542 : i1 to i32
      %cond3A_544 = arith.constant 0 : i32
      %cond3A_545 = arith.cmpi ne, %convert_element_type3A_543, %cond3A_544 : i32
      scf.if %cond3A_545 {
        %ge3A = arith.constant 4 : i32
        %ge3A_616 = arith.cmpi sge, %add3A_514, %ge3A : i32
        %convert_element_type3A_617 = arith.extui %ge3A_616 : i1 to i32
        %cond3A_618 = arith.constant 0 : i32
        %cond3A_619 = arith.cmpi ne, %convert_element_type3A_617, %cond3A_618 : i32
        scf.if %cond3A_619 {
          %dma_wait3A_634 = arith.constant 1 : i32
          %dma_wait3A_635 = arith.constant 0 : i32
          %dma_wait3A_636 = arith.constant 0 : i32
          %dma_wait3A_637 = tpu.memref_slice %arg11[%dma_wait3A_634, %dma_wait3A_635, %dma_wait3A_636] : memref<8x128x16xf32, #tpu.memory_space<vmem>> -> memref<1x128x16xf32, #tpu.memory_space<vmem>>
          %dma_wait3A_638 = tpu.memref_squeeze %dma_wait3A_637 : memref<1x128x16xf32, #tpu.memory_space<vmem>> -> memref<128x16xf32, #tpu.memory_space<vmem>>
          %dma_wait3A_639 = arith.constant 0 : i32
          %dma_wait3A_640 = tpu.memref_slice %arg10[%mul3A_186, %dma_wait3A_639] : memref<160x128xi32, #tpu.memory_space<vmem>> -> memref<1x128xi32, #tpu.memory_space<vmem>>
          %dma_wait3A_641 = tpu.memref_squeeze %dma_wait3A_640 : memref<1x128xi32, #tpu.memory_space<vmem>> -> memref<128xi32, #tpu.memory_space<vmem>>
          %dma_wait3A_642 = arith.constant 0 : i32
          %dma_wait3A_643 = arith.constant 0 : i32
          %dma_wait3A_644 = tpu.memref_slice %arg16[%dma_wait3A_642, %dma_wait3A_643] : memref<10112x16xf32, #tpu.memory_space<vmem_shared>> -> memref<10112x16xf32, #tpu.memory_space<vmem_shared>>
          tpu.wait_indirect_dma semaphore(%arg26 : memref<!tpu.dma_semaphore, #tpu.memory_space<semaphore_mem>>) src(%dma_wait3A_638 : memref<128x16xf32, #tpu.memory_space<vmem>>) dst(%dma_wait3A_644 : memref<10112x16xf32, #tpu.memory_space<vmem_shared>>)
        } else {
        }
        %add3A_620 = arith.addi %mul3A_186, %add3A_514 : i32
        %add3A_621 = arith.constant 4 : i32
        %add3A_622 = arith.addi %add3A_620, %add3A_621 : i32
        %dma_start3A_623 = arith.constant 1 : i32
        %dma_start3A_624 = arith.constant 0 : i32
        %dma_start3A_625 = arith.constant 0 : i32
        %dma_start3A_626 = tpu.memref_slice %arg11[%dma_start3A_623, %dma_start3A_624, %dma_start3A_625] : memref<8x128x16xf32, #tpu.memory_space<vmem>> -> memref<1x128x16xf32, #tpu.memory_space<vmem>>
        %dma_start3A_627 = tpu.memref_squeeze %dma_start3A_626 : memref<1x128x16xf32, #tpu.memory_space<vmem>> -> memref<128x16xf32, #tpu.memory_space<vmem>>
        %dma_start3A_628 = arith.constant 0 : i32
        %dma_start3A_629 = tpu.memref_slice %arg9[%add3A_622, %dma_start3A_628] : memref<160x128xi32, #tpu.memory_space<vmem>> -> memref<1x128xi32, #tpu.memory_space<vmem>>
        %dma_start3A_630 = tpu.memref_squeeze %dma_start3A_629 : memref<1x128xi32, #tpu.memory_space<vmem>> -> memref<128xi32, #tpu.memory_space<vmem>>
        %dma_start3A_631 = arith.constant 0 : i32
        %dma_start3A_632 = arith.constant 0 : i32
        %dma_start3A_633 = tpu.memref_slice %arg15[%dma_start3A_631, %dma_start3A_632] : memref<10112x16xf32, #tpu.memory_space<vmem_shared>> -> memref<10112x16xf32, #tpu.memory_space<vmem_shared>>
        tpu.enqueue_indirect_dma source(%dma_start3A_633 : memref<10112x16xf32, #tpu.memory_space<vmem_shared>>) target(%dma_start3A_627 : memref<128x16xf32, #tpu.memory_space<vmem>>) offsets(%dma_start3A_630 : memref<128xi32, #tpu.memory_space<vmem>>) semaphore(%arg18 : memref<!tpu.dma_semaphore, #tpu.memory_space<semaphore_mem>>)
      } else {
      }
      %mul3A_546 = arith.constant 8 : i32
      %mul3A_547 = arith.muli %scan3A_338, %mul3A_546 : i32
      %add3A_548 = arith.constant 6 : i32
      %add3A_549 = arith.addi %mul3A_547, %add3A_548 : i32
      %add3A_550 = arith.addi %mul3A_186, %add3A_549 : i32
      %dma_wait3A_551 = arith.constant 6 : i32
      %dma_wait3A_552 = arith.constant 0 : i32
      %dma_wait3A_553 = arith.constant 0 : i32
      %dma_wait3A_554 = tpu.memref_slice %arg11[%dma_wait3A_551, %dma_wait3A_552, %dma_wait3A_553] : memref<8x128x16xf32, #tpu.memory_space<vmem>> -> memref<1x128x16xf32, #tpu.memory_space<vmem>>
      %dma_wait3A_555 = tpu.memref_squeeze %dma_wait3A_554 : memref<1x128x16xf32, #tpu.memory_space<vmem>> -> memref<128x16xf32, #tpu.memory_space<vmem>>
      %dma_wait3A_556 = arith.constant 0 : i32
      %dma_wait3A_557 = tpu.memref_slice %arg9[%add3A_550, %dma_wait3A_556] : memref<160x128xi32, #tpu.memory_space<vmem>> -> memref<1x128xi32, #tpu.memory_space<vmem>>
      %dma_wait3A_558 = tpu.memref_squeeze %dma_wait3A_557 : memref<1x128xi32, #tpu.memory_space<vmem>> -> memref<128xi32, #tpu.memory_space<vmem>>
      %dma_wait3A_559 = arith.constant 0 : i32
      %dma_wait3A_560 = arith.constant 0 : i32
      %dma_wait3A_561 = tpu.memref_slice %arg15[%dma_wait3A_559, %dma_wait3A_560] : memref<10112x16xf32, #tpu.memory_space<vmem_shared>> -> memref<10112x16xf32, #tpu.memory_space<vmem_shared>>
      tpu.wait_indirect_dma semaphore(%arg23 : memref<!tpu.dma_semaphore, #tpu.memory_space<semaphore_mem>>) src(%dma_wait3A_561 : memref<10112x16xf32, #tpu.memory_space<vmem_shared>>) dst(%dma_wait3A_555 : memref<128x16xf32, #tpu.memory_space<vmem>>)
      %add3A_562 = arith.addi %mul3A_186, %add3A_549 : i32
      %dma_start3A_563 = arith.constant 6 : i32
      %dma_start3A_564 = arith.constant 0 : i32
      %dma_start3A_565 = arith.constant 0 : i32
      %dma_start3A_566 = tpu.memref_slice %arg11[%dma_start3A_563, %dma_start3A_564, %dma_start3A_565] : memref<8x128x16xf32, #tpu.memory_space<vmem>> -> memref<1x128x16xf32, #tpu.memory_space<vmem>>
      %dma_start3A_567 = tpu.memref_squeeze %dma_start3A_566 : memref<1x128x16xf32, #tpu.memory_space<vmem>> -> memref<128x16xf32, #tpu.memory_space<vmem>>
      %dma_start3A_568 = arith.constant 0 : i32
      %dma_start3A_569 = tpu.memref_slice %arg10[%add3A_562, %dma_start3A_568] : memref<160x128xi32, #tpu.memory_space<vmem>> -> memref<1x128xi32, #tpu.memory_space<vmem>>
      %dma_start3A_570 = tpu.memref_squeeze %dma_start3A_569 : memref<1x128xi32, #tpu.memory_space<vmem>> -> memref<128xi32, #tpu.memory_space<vmem>>
      %dma_start3A_571 = arith.constant 0 : i32
      %dma_start3A_572 = arith.constant 0 : i32
      %dma_start3A_573 = tpu.memref_slice %arg16[%dma_start3A_571, %dma_start3A_572] : memref<10112x16xf32, #tpu.memory_space<vmem_shared>> -> memref<10112x16xf32, #tpu.memory_space<vmem_shared>>
      tpu.enqueue_indirect_dma source(%dma_start3A_567 : memref<128x16xf32, #tpu.memory_space<vmem>>) target(%dma_start3A_573 : memref<10112x16xf32, #tpu.memory_space<vmem_shared>>) offsets(%dma_start3A_570 : memref<128xi32, #tpu.memory_space<vmem>>) semaphore(%arg31 : memref<!tpu.dma_semaphore, #tpu.memory_space<semaphore_mem>>) {add = true}
      %add3A_574 = arith.constant 4 : i32
      %add3A_575 = arith.addi %add3A_549, %add3A_574 : i32
      %lt3A_576 = arith.constant 80 : i32
      %lt3A_577 = arith.cmpi slt, %add3A_575, %lt3A_576 : i32
      %convert_element_type3A_578 = arith.extui %lt3A_577 : i1 to i32
      %cond3A_579 = arith.constant 0 : i32
      %cond3A_580 = arith.cmpi ne, %convert_element_type3A_578, %cond3A_579 : i32
      scf.if %cond3A_580 {
        %ge3A = arith.constant 4 : i32
        %ge3A_616 = arith.cmpi sge, %add3A_549, %ge3A : i32
        %convert_element_type3A_617 = arith.extui %ge3A_616 : i1 to i32
        %cond3A_618 = arith.constant 0 : i32
        %cond3A_619 = arith.cmpi ne, %convert_element_type3A_617, %cond3A_618 : i32
        scf.if %cond3A_619 {
          %dma_wait3A_634 = arith.constant 2 : i32
          %dma_wait3A_635 = arith.constant 0 : i32
          %dma_wait3A_636 = arith.constant 0 : i32
          %dma_wait3A_637 = tpu.memref_slice %arg11[%dma_wait3A_634, %dma_wait3A_635, %dma_wait3A_636] : memref<8x128x16xf32, #tpu.memory_space<vmem>> -> memref<1x128x16xf32, #tpu.memory_space<vmem>>
          %dma_wait3A_638 = tpu.memref_squeeze %dma_wait3A_637 : memref<1x128x16xf32, #tpu.memory_space<vmem>> -> memref<128x16xf32, #tpu.memory_space<vmem>>
          %dma_wait3A_639 = arith.constant 0 : i32
          %dma_wait3A_640 = tpu.memref_slice %arg10[%mul3A_186, %dma_wait3A_639] : memref<160x128xi32, #tpu.memory_space<vmem>> -> memref<1x128xi32, #tpu.memory_space<vmem>>
          %dma_wait3A_641 = tpu.memref_squeeze %dma_wait3A_640 : memref<1x128xi32, #tpu.memory_space<vmem>> -> memref<128xi32, #tpu.memory_space<vmem>>
          %dma_wait3A_642 = arith.constant 0 : i32
          %dma_wait3A_643 = arith.constant 0 : i32
          %dma_wait3A_644 = tpu.memref_slice %arg16[%dma_wait3A_642, %dma_wait3A_643] : memref<10112x16xf32, #tpu.memory_space<vmem_shared>> -> memref<10112x16xf32, #tpu.memory_space<vmem_shared>>
          tpu.wait_indirect_dma semaphore(%arg27 : memref<!tpu.dma_semaphore, #tpu.memory_space<semaphore_mem>>) src(%dma_wait3A_638 : memref<128x16xf32, #tpu.memory_space<vmem>>) dst(%dma_wait3A_644 : memref<10112x16xf32, #tpu.memory_space<vmem_shared>>)
        } else {
        }
        %add3A_620 = arith.addi %mul3A_186, %add3A_549 : i32
        %add3A_621 = arith.constant 4 : i32
        %add3A_622 = arith.addi %add3A_620, %add3A_621 : i32
        %dma_start3A_623 = arith.constant 2 : i32
        %dma_start3A_624 = arith.constant 0 : i32
        %dma_start3A_625 = arith.constant 0 : i32
        %dma_start3A_626 = tpu.memref_slice %arg11[%dma_start3A_623, %dma_start3A_624, %dma_start3A_625] : memref<8x128x16xf32, #tpu.memory_space<vmem>> -> memref<1x128x16xf32, #tpu.memory_space<vmem>>
        %dma_start3A_627 = tpu.memref_squeeze %dma_start3A_626 : memref<1x128x16xf32, #tpu.memory_space<vmem>> -> memref<128x16xf32, #tpu.memory_space<vmem>>
        %dma_start3A_628 = arith.constant 0 : i32
        %dma_start3A_629 = tpu.memref_slice %arg9[%add3A_622, %dma_start3A_628] : memref<160x128xi32, #tpu.memory_space<vmem>> -> memref<1x128xi32, #tpu.memory_space<vmem>>
        %dma_start3A_630 = tpu.memref_squeeze %dma_start3A_629 : memref<1x128xi32, #tpu.memory_space<vmem>> -> memref<128xi32, #tpu.memory_space<vmem>>
        %dma_start3A_631 = arith.constant 0 : i32
        %dma_start3A_632 = arith.constant 0 : i32
        %dma_start3A_633 = tpu.memref_slice %arg15[%dma_start3A_631, %dma_start3A_632] : memref<10112x16xf32, #tpu.memory_space<vmem_shared>> -> memref<10112x16xf32, #tpu.memory_space<vmem_shared>>
        tpu.enqueue_indirect_dma source(%dma_start3A_633 : memref<10112x16xf32, #tpu.memory_space<vmem_shared>>) target(%dma_start3A_627 : memref<128x16xf32, #tpu.memory_space<vmem>>) offsets(%dma_start3A_630 : memref<128xi32, #tpu.memory_space<vmem>>) semaphore(%arg19 : memref<!tpu.dma_semaphore, #tpu.memory_space<semaphore_mem>>)
      } else {
      }
      %mul3A_581 = arith.constant 8 : i32
      %mul3A_582 = arith.muli %scan3A_338, %mul3A_581 : i32
      %add3A_583 = arith.constant 7 : i32
      %add3A_584 = arith.addi %mul3A_582, %add3A_583 : i32
      %add3A_585 = arith.addi %mul3A_186, %add3A_584 : i32
      %dma_wait3A_586 = arith.constant 7 : i32
      %dma_wait3A_587 = arith.constant 0 : i32
      %dma_wait3A_588 = arith.constant 0 : i32
      %dma_wait3A_589 = tpu.memref_slice %arg11[%dma_wait3A_586, %dma_wait3A_587, %dma_wait3A_588] : memref<8x128x16xf32, #tpu.memory_space<vmem>> -> memref<1x128x16xf32, #tpu.memory_space<vmem>>
      %dma_wait3A_590 = tpu.memref_squeeze %dma_wait3A_589 : memref<1x128x16xf32, #tpu.memory_space<vmem>> -> memref<128x16xf32, #tpu.memory_space<vmem>>
      %dma_wait3A_591 = arith.constant 0 : i32
      %dma_wait3A_592 = tpu.memref_slice %arg9[%add3A_585, %dma_wait3A_591] : memref<160x128xi32, #tpu.memory_space<vmem>> -> memref<1x128xi32, #tpu.memory_space<vmem>>
      %dma_wait3A_593 = tpu.memref_squeeze %dma_wait3A_592 : memref<1x128xi32, #tpu.memory_space<vmem>> -> memref<128xi32, #tpu.memory_space<vmem>>
      %dma_wait3A_594 = arith.constant 0 : i32
      %dma_wait3A_595 = arith.constant 0 : i32
      %dma_wait3A_596 = tpu.memref_slice %arg15[%dma_wait3A_594, %dma_wait3A_595] : memref<10112x16xf32, #tpu.memory_space<vmem_shared>> -> memref<10112x16xf32, #tpu.memory_space<vmem_shared>>
      tpu.wait_indirect_dma semaphore(%arg24 : memref<!tpu.dma_semaphore, #tpu.memory_space<semaphore_mem>>) src(%dma_wait3A_596 : memref<10112x16xf32, #tpu.memory_space<vmem_shared>>) dst(%dma_wait3A_590 : memref<128x16xf32, #tpu.memory_space<vmem>>)
      %add3A_597 = arith.addi %mul3A_186, %add3A_584 : i32
      %dma_start3A_598 = arith.constant 7 : i32
      %dma_start3A_599 = arith.constant 0 : i32
      %dma_start3A_600 = arith.constant 0 : i32
      %dma_start3A_601 = tpu.memref_slice %arg11[%dma_start3A_598, %dma_start3A_599, %dma_start3A_600] : memref<8x128x16xf32, #tpu.memory_space<vmem>> -> memref<1x128x16xf32, #tpu.memory_space<vmem>>
      %dma_start3A_602 = tpu.memref_squeeze %dma_start3A_601 : memref<1x128x16xf32, #tpu.memory_space<vmem>> -> memref<128x16xf32, #tpu.memory_space<vmem>>
      %dma_start3A_603 = arith.constant 0 : i32
      %dma_start3A_604 = tpu.memref_slice %arg10[%add3A_597, %dma_start3A_603] : memref<160x128xi32, #tpu.memory_space<vmem>> -> memref<1x128xi32, #tpu.memory_space<vmem>>
      %dma_start3A_605 = tpu.memref_squeeze %dma_start3A_604 : memref<1x128xi32, #tpu.memory_space<vmem>> -> memref<128xi32, #tpu.memory_space<vmem>>
      %dma_start3A_606 = arith.constant 0 : i32
      %dma_start3A_607 = arith.constant 0 : i32
      %dma_start3A_608 = tpu.memref_slice %arg16[%dma_start3A_606, %dma_start3A_607] : memref<10112x16xf32, #tpu.memory_space<vmem_shared>> -> memref<10112x16xf32, #tpu.memory_space<vmem_shared>>
      tpu.enqueue_indirect_dma source(%dma_start3A_602 : memref<128x16xf32, #tpu.memory_space<vmem>>) target(%dma_start3A_608 : memref<10112x16xf32, #tpu.memory_space<vmem_shared>>) offsets(%dma_start3A_605 : memref<128xi32, #tpu.memory_space<vmem>>) semaphore(%arg32 : memref<!tpu.dma_semaphore, #tpu.memory_space<semaphore_mem>>) {add = true}
      %add3A_609 = arith.constant 4 : i32
      %add3A_610 = arith.addi %add3A_584, %add3A_609 : i32
      %lt3A_611 = arith.constant 80 : i32
      %lt3A_612 = arith.cmpi slt, %add3A_610, %lt3A_611 : i32
      %convert_element_type3A_613 = arith.extui %lt3A_612 : i1 to i32
      %cond3A_614 = arith.constant 0 : i32
      %cond3A_615 = arith.cmpi ne, %convert_element_type3A_613, %cond3A_614 : i32
      scf.if %cond3A_615 {
        %ge3A = arith.constant 4 : i32
        %ge3A_616 = arith.cmpi sge, %add3A_584, %ge3A : i32
        %convert_element_type3A_617 = arith.extui %ge3A_616 : i1 to i32
        %cond3A_618 = arith.constant 0 : i32
        %cond3A_619 = arith.cmpi ne, %convert_element_type3A_617, %cond3A_618 : i32
        scf.if %cond3A_619 {
          %dma_wait3A_634 = arith.constant 3 : i32
          %dma_wait3A_635 = arith.constant 0 : i32
          %dma_wait3A_636 = arith.constant 0 : i32
          %dma_wait3A_637 = tpu.memref_slice %arg11[%dma_wait3A_634, %dma_wait3A_635, %dma_wait3A_636] : memref<8x128x16xf32, #tpu.memory_space<vmem>> -> memref<1x128x16xf32, #tpu.memory_space<vmem>>
          %dma_wait3A_638 = tpu.memref_squeeze %dma_wait3A_637 : memref<1x128x16xf32, #tpu.memory_space<vmem>> -> memref<128x16xf32, #tpu.memory_space<vmem>>
          %dma_wait3A_639 = arith.constant 0 : i32
          %dma_wait3A_640 = tpu.memref_slice %arg10[%mul3A_186, %dma_wait3A_639] : memref<160x128xi32, #tpu.memory_space<vmem>> -> memref<1x128xi32, #tpu.memory_space<vmem>>
          %dma_wait3A_641 = tpu.memref_squeeze %dma_wait3A_640 : memref<1x128xi32, #tpu.memory_space<vmem>> -> memref<128xi32, #tpu.memory_space<vmem>>
          %dma_wait3A_642 = arith.constant 0 : i32
          %dma_wait3A_643 = arith.constant 0 : i32
          %dma_wait3A_644 = tpu.memref_slice %arg16[%dma_wait3A_642, %dma_wait3A_643] : memref<10112x16xf32, #tpu.memory_space<vmem_shared>> -> memref<10112x16xf32, #tpu.memory_space<vmem_shared>>
          tpu.wait_indirect_dma semaphore(%arg28 : memref<!tpu.dma_semaphore, #tpu.memory_space<semaphore_mem>>) src(%dma_wait3A_638 : memref<128x16xf32, #tpu.memory_space<vmem>>) dst(%dma_wait3A_644 : memref<10112x16xf32, #tpu.memory_space<vmem_shared>>)
        } else {
        }
        %add3A_620 = arith.addi %mul3A_186, %add3A_584 : i32
        %add3A_621 = arith.constant 4 : i32
        %add3A_622 = arith.addi %add3A_620, %add3A_621 : i32
        %dma_start3A_623 = arith.constant 3 : i32
        %dma_start3A_624 = arith.constant 0 : i32
        %dma_start3A_625 = arith.constant 0 : i32
        %dma_start3A_626 = tpu.memref_slice %arg11[%dma_start3A_623, %dma_start3A_624, %dma_start3A_625] : memref<8x128x16xf32, #tpu.memory_space<vmem>> -> memref<1x128x16xf32, #tpu.memory_space<vmem>>
        %dma_start3A_627 = tpu.memref_squeeze %dma_start3A_626 : memref<1x128x16xf32, #tpu.memory_space<vmem>> -> memref<128x16xf32, #tpu.memory_space<vmem>>
        %dma_start3A_628 = arith.constant 0 : i32
        %dma_start3A_629 = tpu.memref_slice %arg9[%add3A_622, %dma_start3A_628] : memref<160x128xi32, #tpu.memory_space<vmem>> -> memref<1x128xi32, #tpu.memory_space<vmem>>
        %dma_start3A_630 = tpu.memref_squeeze %dma_start3A_629 : memref<1x128xi32, #tpu.memory_space<vmem>> -> memref<128xi32, #tpu.memory_space<vmem>>
        %dma_start3A_631 = arith.constant 0 : i32
        %dma_start3A_632 = arith.constant 0 : i32
        %dma_start3A_633 = tpu.memref_slice %arg15[%dma_start3A_631, %dma_start3A_632] : memref<10112x16xf32, #tpu.memory_space<vmem_shared>> -> memref<10112x16xf32, #tpu.memory_space<vmem_shared>>
        tpu.enqueue_indirect_dma source(%dma_start3A_633 : memref<10112x16xf32, #tpu.memory_space<vmem_shared>>) target(%dma_start3A_627 : memref<128x16xf32, #tpu.memory_space<vmem>>) offsets(%dma_start3A_630 : memref<128xi32, #tpu.memory_space<vmem>>) semaphore(%arg20 : memref<!tpu.dma_semaphore, #tpu.memory_space<semaphore_mem>>)
      } else {
      }
    }
    %scan3A_244 = arith.constant 10 : i32
    %dma_wait3A_245 = arith.constant 0 : i32
    %dma_wait3A_246 = arith.constant 0 : i32
    %dma_wait3A_247 = arith.constant 0 : i32
    %dma_wait3A_248 = tpu.memref_slice %arg11[%dma_wait3A_245, %dma_wait3A_246, %dma_wait3A_247] : memref<8x128x16xf32, #tpu.memory_space<vmem>> -> memref<1x128x16xf32, #tpu.memory_space<vmem>>
    %dma_wait3A_249 = tpu.memref_squeeze %dma_wait3A_248 : memref<1x128x16xf32, #tpu.memory_space<vmem>> -> memref<128x16xf32, #tpu.memory_space<vmem>>
    %dma_wait3A_250 = arith.constant 0 : i32
    %dma_wait3A_251 = tpu.memref_slice %arg10[%mul3A_186, %dma_wait3A_250] : memref<160x128xi32, #tpu.memory_space<vmem>> -> memref<1x128xi32, #tpu.memory_space<vmem>>
    %dma_wait3A_252 = tpu.memref_squeeze %dma_wait3A_251 : memref<1x128xi32, #tpu.memory_space<vmem>> -> memref<128xi32, #tpu.memory_space<vmem>>
    %dma_wait3A_253 = arith.constant 0 : i32
    %dma_wait3A_254 = arith.constant 0 : i32
    %dma_wait3A_255 = tpu.memref_slice %arg16[%dma_wait3A_253, %dma_wait3A_254] : memref<10112x16xf32, #tpu.memory_space<vmem_shared>> -> memref<10112x16xf32, #tpu.memory_space<vmem_shared>>
    tpu.wait_indirect_dma semaphore(%arg25 : memref<!tpu.dma_semaphore, #tpu.memory_space<semaphore_mem>>) src(%dma_wait3A_249 : memref<128x16xf32, #tpu.memory_space<vmem>>) dst(%dma_wait3A_255 : memref<10112x16xf32, #tpu.memory_space<vmem_shared>>)
    %dma_wait3A_256 = arith.constant 1 : i32
    %dma_wait3A_257 = arith.constant 0 : i32
    %dma_wait3A_258 = arith.constant 0 : i32
    %dma_wait3A_259 = tpu.memref_slice %arg11[%dma_wait3A_256, %dma_wait3A_257, %dma_wait3A_258] : memref<8x128x16xf32, #tpu.memory_space<vmem>> -> memref<1x128x16xf32, #tpu.memory_space<vmem>>
    %dma_wait3A_260 = tpu.memref_squeeze %dma_wait3A_259 : memref<1x128x16xf32, #tpu.memory_space<vmem>> -> memref<128x16xf32, #tpu.memory_space<vmem>>
    %dma_wait3A_261 = arith.constant 0 : i32
    %dma_wait3A_262 = tpu.memref_slice %arg10[%mul3A_186, %dma_wait3A_261] : memref<160x128xi32, #tpu.memory_space<vmem>> -> memref<1x128xi32, #tpu.memory_space<vmem>>
    %dma_wait3A_263 = tpu.memref_squeeze %dma_wait3A_262 : memref<1x128xi32, #tpu.memory_space<vmem>> -> memref<128xi32, #tpu.memory_space<vmem>>
    %dma_wait3A_264 = arith.constant 0 : i32
    %dma_wait3A_265 = arith.constant 0 : i32
    %dma_wait3A_266 = tpu.memref_slice %arg16[%dma_wait3A_264, %dma_wait3A_265] : memref<10112x16xf32, #tpu.memory_space<vmem_shared>> -> memref<10112x16xf32, #tpu.memory_space<vmem_shared>>
    tpu.wait_indirect_dma semaphore(%arg26 : memref<!tpu.dma_semaphore, #tpu.memory_space<semaphore_mem>>) src(%dma_wait3A_260 : memref<128x16xf32, #tpu.memory_space<vmem>>) dst(%dma_wait3A_266 : memref<10112x16xf32, #tpu.memory_space<vmem_shared>>)
    %dma_wait3A_267 = arith.constant 2 : i32
    %dma_wait3A_268 = arith.constant 0 : i32
    %dma_wait3A_269 = arith.constant 0 : i32
    %dma_wait3A_270 = tpu.memref_slice %arg11[%dma_wait3A_267, %dma_wait3A_268, %dma_wait3A_269] : memref<8x128x16xf32, #tpu.memory_space<vmem>> -> memref<1x128x16xf32, #tpu.memory_space<vmem>>
    %dma_wait3A_271 = tpu.memref_squeeze %dma_wait3A_270 : memref<1x128x16xf32, #tpu.memory_space<vmem>> -> memref<128x16xf32, #tpu.memory_space<vmem>>
    %dma_wait3A_272 = arith.constant 0 : i32
    %dma_wait3A_273 = tpu.memref_slice %arg10[%mul3A_186, %dma_wait3A_272] : memref<160x128xi32, #tpu.memory_space<vmem>> -> memref<1x128xi32, #tpu.memory_space<vmem>>
    %dma_wait3A_274 = tpu.memref_squeeze %dma_wait3A_273 : memref<1x128xi32, #tpu.memory_space<vmem>> -> memref<128xi32, #tpu.memory_space<vmem>>
    %dma_wait3A_275 = arith.constant 0 : i32
    %dma_wait3A_276 = arith.constant 0 : i32
    %dma_wait3A_277 = tpu.memref_slice %arg16[%dma_wait3A_275, %dma_wait3A_276] : memref<10112x16xf32, #tpu.memory_space<vmem_shared>> -> memref<10112x16xf32, #tpu.memory_space<vmem_shared>>
    tpu.wait_indirect_dma semaphore(%arg27 : memref<!tpu.dma_semaphore, #tpu.memory_space<semaphore_mem>>) src(%dma_wait3A_271 : memref<128x16xf32, #tpu.memory_space<vmem>>) dst(%dma_wait3A_277 : memref<10112x16xf32, #tpu.memory_space<vmem_shared>>)
    %dma_wait3A_278 = arith.constant 3 : i32
    %dma_wait3A_279 = arith.constant 0 : i32
    %dma_wait3A_280 = arith.constant 0 : i32
    %dma_wait3A_281 = tpu.memref_slice %arg11[%dma_wait3A_278, %dma_wait3A_279, %dma_wait3A_280] : memref<8x128x16xf32, #tpu.memory_space<vmem>> -> memref<1x128x16xf32, #tpu.memory_space<vmem>>
    %dma_wait3A_282 = tpu.memref_squeeze %dma_wait3A_281 : memref<1x128x16xf32, #tpu.memory_space<vmem>> -> memref<128x16xf32, #tpu.memory_space<vmem>>
    %dma_wait3A_283 = arith.constant 0 : i32
    %dma_wait3A_284 = tpu.memref_slice %arg10[%mul3A_186, %dma_wait3A_283] : memref<160x128xi32, #tpu.memory_space<vmem>> -> memref<1x128xi32, #tpu.memory_space<vmem>>
    %dma_wait3A_285 = tpu.memref_squeeze %dma_wait3A_284 : memref<1x128xi32, #tpu.memory_space<vmem>> -> memref<128xi32, #tpu.memory_space<vmem>>
    %dma_wait3A_286 = arith.constant 0 : i32
    %dma_wait3A_287 = arith.constant 0 : i32
    %dma_wait3A_288 = tpu.memref_slice %arg16[%dma_wait3A_286, %dma_wait3A_287] : memref<10112x16xf32, #tpu.memory_space<vmem_shared>> -> memref<10112x16xf32, #tpu.memory_space<vmem_shared>>
    tpu.wait_indirect_dma semaphore(%arg28 : memref<!tpu.dma_semaphore, #tpu.memory_space<semaphore_mem>>) src(%dma_wait3A_282 : memref<128x16xf32, #tpu.memory_space<vmem>>) dst(%dma_wait3A_288 : memref<10112x16xf32, #tpu.memory_space<vmem_shared>>)
    %dma_wait3A_289 = arith.constant 4 : i32
    %dma_wait3A_290 = arith.constant 0 : i32
    %dma_wait3A_291 = arith.constant 0 : i32
    %dma_wait3A_292 = tpu.memref_slice %arg11[%dma_wait3A_289, %dma_wait3A_290, %dma_wait3A_291] : memref<8x128x16xf32, #tpu.memory_space<vmem>> -> memref<1x128x16xf32, #tpu.memory_space<vmem>>
    %dma_wait3A_293 = tpu.memref_squeeze %dma_wait3A_292 : memref<1x128x16xf32, #tpu.memory_space<vmem>> -> memref<128x16xf32, #tpu.memory_space<vmem>>
    %dma_wait3A_294 = arith.constant 0 : i32
    %dma_wait3A_295 = tpu.memref_slice %arg10[%mul3A_186, %dma_wait3A_294] : memref<160x128xi32, #tpu.memory_space<vmem>> -> memref<1x128xi32, #tpu.memory_space<vmem>>
    %dma_wait3A_296 = tpu.memref_squeeze %dma_wait3A_295 : memref<1x128xi32, #tpu.memory_space<vmem>> -> memref<128xi32, #tpu.memory_space<vmem>>
    %dma_wait3A_297 = arith.constant 0 : i32
    %dma_wait3A_298 = arith.constant 0 : i32
    %dma_wait3A_299 = tpu.memref_slice %arg16[%dma_wait3A_297, %dma_wait3A_298] : memref<10112x16xf32, #tpu.memory_space<vmem_shared>> -> memref<10112x16xf32, #tpu.memory_space<vmem_shared>>
    tpu.wait_indirect_dma semaphore(%arg29 : memref<!tpu.dma_semaphore, #tpu.memory_space<semaphore_mem>>) src(%dma_wait3A_293 : memref<128x16xf32, #tpu.memory_space<vmem>>) dst(%dma_wait3A_299 : memref<10112x16xf32, #tpu.memory_space<vmem_shared>>)
    %dma_wait3A_300 = arith.constant 5 : i32
    %dma_wait3A_301 = arith.constant 0 : i32
    %dma_wait3A_302 = arith.constant 0 : i32
    %dma_wait3A_303 = tpu.memref_slice %arg11[%dma_wait3A_300, %dma_wait3A_301, %dma_wait3A_302] : memref<8x128x16xf32, #tpu.memory_space<vmem>> -> memref<1x128x16xf32, #tpu.memory_space<vmem>>
    %dma_wait3A_304 = tpu.memref_squeeze %dma_wait3A_303 : memref<1x128x16xf32, #tpu.memory_space<vmem>> -> memref<128x16xf32, #tpu.memory_space<vmem>>
    %dma_wait3A_305 = arith.constant 0 : i32
    %dma_wait3A_306 = tpu.memref_slice %arg10[%mul3A_186, %dma_wait3A_305] : memref<160x128xi32, #tpu.memory_space<vmem>> -> memref<1x128xi32, #tpu.memory_space<vmem>>
    %dma_wait3A_307 = tpu.memref_squeeze %dma_wait3A_306 : memref<1x128xi32, #tpu.memory_space<vmem>> -> memref<128xi32, #tpu.memory_space<vmem>>
    %dma_wait3A_308 = arith.constant 0 : i32
    %dma_wait3A_309 = arith.constant 0 : i32
    %dma_wait3A_310 = tpu.memref_slice %arg16[%dma_wait3A_308, %dma_wait3A_309] : memref<10112x16xf32, #tpu.memory_space<vmem_shared>> -> memref<10112x16xf32, #tpu.memory_space<vmem_shared>>
    tpu.wait_indirect_dma semaphore(%arg30 : memref<!tpu.dma_semaphore, #tpu.memory_space<semaphore_mem>>) src(%dma_wait3A_304 : memref<128x16xf32, #tpu.memory_space<vmem>>) dst(%dma_wait3A_310 : memref<10112x16xf32, #tpu.memory_space<vmem_shared>>)
    %dma_wait3A_311 = arith.constant 6 : i32
    %dma_wait3A_312 = arith.constant 0 : i32
    %dma_wait3A_313 = arith.constant 0 : i32
    %dma_wait3A_314 = tpu.memref_slice %arg11[%dma_wait3A_311, %dma_wait3A_312, %dma_wait3A_313] : memref<8x128x16xf32, #tpu.memory_space<vmem>> -> memref<1x128x16xf32, #tpu.memory_space<vmem>>
    %dma_wait3A_315 = tpu.memref_squeeze %dma_wait3A_314 : memref<1x128x16xf32, #tpu.memory_space<vmem>> -> memref<128x16xf32, #tpu.memory_space<vmem>>
    %dma_wait3A_316 = arith.constant 0 : i32
    %dma_wait3A_317 = tpu.memref_slice %arg10[%mul3A_186, %dma_wait3A_316] : memref<160x128xi32, #tpu.memory_space<vmem>> -> memref<1x128xi32, #tpu.memory_space<vmem>>
    %dma_wait3A_318 = tpu.memref_squeeze %dma_wait3A_317 : memref<1x128xi32, #tpu.memory_space<vmem>> -> memref<128xi32, #tpu.memory_space<vmem>>
    %dma_wait3A_319 = arith.constant 0 : i32
    %dma_wait3A_320 = arith.constant 0 : i32
    %dma_wait3A_321 = tpu.memref_slice %arg16[%dma_wait3A_319, %dma_wait3A_320] : memref<10112x16xf32, #tpu.memory_space<vmem_shared>> -> memref<10112x16xf32, #tpu.memory_space<vmem_shared>>
    tpu.wait_indirect_dma semaphore(%arg31 : memref<!tpu.dma_semaphore, #tpu.memory_space<semaphore_mem>>) src(%dma_wait3A_315 : memref<128x16xf32, #tpu.memory_space<vmem>>) dst(%dma_wait3A_321 : memref<10112x16xf32, #tpu.memory_space<vmem_shared>>)
    %dma_wait3A_322 = arith.constant 7 : i32
    %dma_wait3A_323 = arith.constant 0 : i32
    %dma_wait3A_324 = arith.constant 0 : i32
    %dma_wait3A_325 = tpu.memref_slice %arg11[%dma_wait3A_322, %dma_wait3A_323, %dma_wait3A_324] : memref<8x128x16xf32, #tpu.memory_space<vmem>> -> memref<1x128x16xf32, #tpu.memory_space<vmem>>
    %dma_wait3A_326 = tpu.memref_squeeze %dma_wait3A_325 : memref<1x128x16xf32, #tpu.memory_space<vmem>> -> memref<128x16xf32, #tpu.memory_space<vmem>>
    %dma_wait3A_327 = arith.constant 0 : i32
    %dma_wait3A_328 = tpu.memref_slice %arg10[%mul3A_186, %dma_wait3A_327] : memref<160x128xi32, #tpu.memory_space<vmem>> -> memref<1x128xi32, #tpu.memory_space<vmem>>
    %dma_wait3A_329 = tpu.memref_squeeze %dma_wait3A_328 : memref<1x128xi32, #tpu.memory_space<vmem>> -> memref<128xi32, #tpu.memory_space<vmem>>
    %dma_wait3A_330 = arith.constant 0 : i32
    %dma_wait3A_331 = arith.constant 0 : i32
    %dma_wait3A_332 = tpu.memref_slice %arg16[%dma_wait3A_330, %dma_wait3A_331] : memref<10112x16xf32, #tpu.memory_space<vmem_shared>> -> memref<10112x16xf32, #tpu.memory_space<vmem_shared>>
    tpu.wait_indirect_dma semaphore(%arg32 : memref<!tpu.dma_semaphore, #tpu.memory_space<semaphore_mem>>) src(%dma_wait3A_326 : memref<128x16xf32, #tpu.memory_space<vmem>>) dst(%dma_wait3A_332 : memref<10112x16xf32, #tpu.memory_space<vmem_shared>>)
    %barrier3A_333 = arith.constant 0 : index
    tpu.barrier barrier_id(%barrier3A_333)
    %mul3A_334 = arith.constant 632 : i32
    %mul3A_335 = arith.muli %arg1, %mul3A_334 : i32
    %mul3A_336 = arith.constant 632 : i32
    %mul3A_337 = arith.muli %arg1, %mul3A_336 : i32
    "tpu.region"() ({
      %run_scoped3A = tpu.sem_alloc : memref<!tpu.dma_semaphore, #tpu.memory_space<semaphore_mem>>
      %dma_start3A_338 = arith.constant 0 : i32
      %dma_start3A_339 = tpu.memref_slice %arg8[%arg0, %mul3A_337, %dma_start3A_338] : memref<2x10112x16xf32, #tpu.memory_space<hbm>> -> memref<1x632x16xf32, #tpu.memory_space<hbm>>
      %dma_start3A_340 = tpu.memref_squeeze %dma_start3A_339 : memref<1x632x16xf32, #tpu.memory_space<hbm>> -> memref<632x16xf32, #tpu.memory_space<hbm>>
      %dma_start3A_341 = arith.constant 0 : i32
      %dma_start3A_342 = tpu.memref_slice %arg16[%mul3A_335, %dma_start3A_341] : memref<10112x16xf32, #tpu.memory_space<vmem_shared>> -> memref<632x16xf32, #tpu.memory_space<vmem_shared>>
      tpu.enqueue_dma source(%dma_start3A_342 : memref<632x16xf32, #tpu.memory_space<vmem_shared>>) target(%dma_start3A_340 : memref<632x16xf32, #tpu.memory_space<hbm>>) target_semaphore(%run_scoped3A : memref<!tpu.dma_semaphore, #tpu.memory_space<semaphore_mem>>)
      %dma_wait3A_343 = arith.constant 0 : i32
      %dma_wait3A_344 = tpu.memref_slice %arg8[%arg0, %mul3A_337, %dma_wait3A_343] : memref<2x10112x16xf32, #tpu.memory_space<hbm>> -> memref<1x632x16xf32, #tpu.memory_space<hbm>>
      %dma_wait3A_345 = tpu.memref_squeeze %dma_wait3A_344 : memref<1x632x16xf32, #tpu.memory_space<hbm>> -> memref<632x16xf32, #tpu.memory_space<hbm>>
      %dma_wait3A_346 = arith.constant 0 : i32
      %dma_wait3A_347 = tpu.memref_slice %arg16[%mul3A_335, %dma_wait3A_346] : memref<10112x16xf32, #tpu.memory_space<vmem_shared>> -> memref<632x16xf32, #tpu.memory_space<vmem_shared>>
      tpu.wait_dma2 semaphore(%run_scoped3A : memref<!tpu.dma_semaphore, #tpu.memory_space<semaphore_mem>>) src(%dma_wait3A_347 : memref<632x16xf32, #tpu.memory_space<vmem_shared>>) dst(%dma_wait3A_345 : memref<632x16xf32, #tpu.memory_space<hbm>>)
      tpu.yield
    }) : () -> ()
    return
  }
}

#map = affine_map<(d0, d1) -> (0, 0, 0)>
#map1 = affine_map<(d0, d1) -> (0, 0, 0, 0)>
module attributes {stable_mosaic.version = 14 : i64} {
  func.func @body(%arg0: i32, %arg1: i32, %arg2: memref<2x10112x32xf32, #tpu.memory_space<hbm>>, %arg3: memref<32x80x128xi32, #tpu.memory_space<hbm>>, %arg4: memref<32x80x128xi32, #tpu.memory_space<hbm>>, %arg5: memref<2x10112x32xf32, #tpu.memory_space<hbm>>, %arg6: memref<2x2x10112x32xf32, #tpu.memory_space<hbm>>, %arg7: memref<80x128xi32, #tpu.memory_space<vmem>>, %arg8: memref<80x128xi32, #tpu.memory_space<vmem>>, %arg9: memref<8x128x32xf32, #tpu.memory_space<vmem>>, %arg10: memref<10112x32xf32, #tpu.memory_space<vmem_shared>>, %arg11: memref<10112x32xf32, #tpu.memory_space<vmem_shared>>, %arg12: memref<!tpu.dma_semaphore, #tpu.memory_space<semaphore_mem>>, %arg13: memref<!tpu.dma_semaphore, #tpu.memory_space<semaphore_mem>>, %arg14: memref<!tpu.dma_semaphore, #tpu.memory_space<semaphore_mem>>, %arg15: memref<!tpu.dma_semaphore, #tpu.memory_space<semaphore_mem>>, %arg16: memref<!tpu.dma_semaphore, #tpu.memory_space<semaphore_mem>>, %arg17: memref<!tpu.dma_semaphore, #tpu.memory_space<semaphore_mem>>, %arg18: memref<!tpu.dma_semaphore, #tpu.memory_space<semaphore_mem>>, %arg19: memref<!tpu.dma_semaphore, #tpu.memory_space<semaphore_mem>>, %arg20: memref<!tpu.dma_semaphore, #tpu.memory_space<semaphore_mem>>, %arg21: memref<!tpu.dma_semaphore, #tpu.memory_space<semaphore_mem>>, %arg22: memref<!tpu.dma_semaphore, #tpu.memory_space<semaphore_mem>>, %arg23: memref<!tpu.dma_semaphore, #tpu.memory_space<semaphore_mem>>, %arg24: memref<!tpu.dma_semaphore, #tpu.memory_space<semaphore_mem>>, %arg25: memref<!tpu.dma_semaphore, #tpu.memory_space<semaphore_mem>>, %arg26: memref<!tpu.dma_semaphore, #tpu.memory_space<semaphore_mem>>, %arg27: memref<!tpu.dma_semaphore, #tpu.memory_space<semaphore_mem>>) attributes {dimension_semantics = [#tpu.dimension_semantics<core_parallel>, #tpu.dimension_semantics<subcore_parallel>], iteration_bounds = array<i64: 2, 16>, scalar_prefetch = 0 : i64, scratch_operands = 21 : i64, tpu.core_type = #tpu.core_type<sc_vector_subcore>, window_params = [{transform_indices = #map}, {transform_indices = #map}, {transform_indices = #map}, {transform_indices = #map}, {transform_indices = #map1}]} {
    %mul3A = arith.constant 16 : i32
    %mul3A_0 = arith.muli %arg0, %mul3A : i32
    %add3A = arith.addi %mul3A_0, %arg1 : i32
    "tpu.region"() ({
      %run_scoped3A = tpu.sem_alloc : memref<!tpu.dma_semaphore, #tpu.memory_space<semaphore_mem>>
      %dma_start3A = arith.constant 0 : i32
      %dma_start3A_6 = arith.constant 0 : i32
      %dma_start3A_7 = tpu.memref_slice %arg3[%add3A, %dma_start3A, %dma_start3A_6] : memref<32x80x128xi32, #tpu.memory_space<hbm>> -> memref<1x80x128xi32, #tpu.memory_space<hbm>>
      %dma_start3A_8 = tpu.memref_squeeze %dma_start3A_7 : memref<1x80x128xi32, #tpu.memory_space<hbm>> -> memref<80x128xi32, #tpu.memory_space<hbm>>
      %dma_start3A_9 = arith.constant 0 : i32
      %dma_start3A_10 = arith.constant 0 : i32
      %dma_start3A_11 = tpu.memref_slice %arg3[%add3A, %dma_start3A_9, %dma_start3A_10] : memref<32x80x128xi32, #tpu.memory_space<hbm>> -> memref<1x80x128xi32, #tpu.memory_space<hbm>>
      %dma_start3A_12 = tpu.memref_squeeze %dma_start3A_11 : memref<1x80x128xi32, #tpu.memory_space<hbm>> -> memref<80x128xi32, #tpu.memory_space<hbm>>
      tpu.enqueue_dma source(%dma_start3A_12 : memref<80x128xi32, #tpu.memory_space<hbm>>) target(%arg7 : memref<80x128xi32, #tpu.memory_space<vmem>>) target_semaphore(%run_scoped3A : memref<!tpu.dma_semaphore, #tpu.memory_space<semaphore_mem>>)
      %dma_wait3A = arith.constant 0 : i32
      %dma_wait3A_13 = arith.constant 0 : i32
      %dma_wait3A_14 = tpu.memref_slice %arg3[%add3A, %dma_wait3A, %dma_wait3A_13] : memref<32x80x128xi32, #tpu.memory_space<hbm>> -> memref<1x80x128xi32, #tpu.memory_space<hbm>>
      %dma_wait3A_15 = tpu.memref_squeeze %dma_wait3A_14 : memref<1x80x128xi32, #tpu.memory_space<hbm>> -> memref<80x128xi32, #tpu.memory_space<hbm>>
      %dma_wait3A_16 = arith.constant 0 : i32
      %dma_wait3A_17 = arith.constant 0 : i32
      %dma_wait3A_18 = tpu.memref_slice %arg3[%add3A, %dma_wait3A_16, %dma_wait3A_17] : memref<32x80x128xi32, #tpu.memory_space<hbm>> -> memref<1x80x128xi32, #tpu.memory_space<hbm>>
      %dma_wait3A_19 = tpu.memref_squeeze %dma_wait3A_18 : memref<1x80x128xi32, #tpu.memory_space<hbm>> -> memref<80x128xi32, #tpu.memory_space<hbm>>
      tpu.wait_dma2 semaphore(%run_scoped3A : memref<!tpu.dma_semaphore, #tpu.memory_space<semaphore_mem>>) src(%dma_wait3A_19 : memref<80x128xi32, #tpu.memory_space<hbm>>) dst(%arg7 : memref<80x128xi32, #tpu.memory_space<vmem>>)
      tpu.yield
    }) : () -> ()
    "tpu.region"() ({
      %run_scoped3A = tpu.sem_alloc : memref<!tpu.dma_semaphore, #tpu.memory_space<semaphore_mem>>
      %dma_start3A = arith.constant 0 : i32
      %dma_start3A_6 = arith.constant 0 : i32
      %dma_start3A_7 = tpu.memref_slice %arg4[%add3A, %dma_start3A, %dma_start3A_6] : memref<32x80x128xi32, #tpu.memory_space<hbm>> -> memref<1x80x128xi32, #tpu.memory_space<hbm>>
      %dma_start3A_8 = tpu.memref_squeeze %dma_start3A_7 : memref<1x80x128xi32, #tpu.memory_space<hbm>> -> memref<80x128xi32, #tpu.memory_space<hbm>>
      %dma_start3A_9 = arith.constant 0 : i32
      %dma_start3A_10 = arith.constant 0 : i32
      %dma_start3A_11 = tpu.memref_slice %arg4[%add3A, %dma_start3A_9, %dma_start3A_10] : memref<32x80x128xi32, #tpu.memory_space<hbm>> -> memref<1x80x128xi32, #tpu.memory_space<hbm>>
      %dma_start3A_12 = tpu.memref_squeeze %dma_start3A_11 : memref<1x80x128xi32, #tpu.memory_space<hbm>> -> memref<80x128xi32, #tpu.memory_space<hbm>>
      tpu.enqueue_dma source(%dma_start3A_12 : memref<80x128xi32, #tpu.memory_space<hbm>>) target(%arg8 : memref<80x128xi32, #tpu.memory_space<vmem>>) target_semaphore(%run_scoped3A : memref<!tpu.dma_semaphore, #tpu.memory_space<semaphore_mem>>)
      %dma_wait3A = arith.constant 0 : i32
      %dma_wait3A_13 = arith.constant 0 : i32
      %dma_wait3A_14 = tpu.memref_slice %arg4[%add3A, %dma_wait3A, %dma_wait3A_13] : memref<32x80x128xi32, #tpu.memory_space<hbm>> -> memref<1x80x128xi32, #tpu.memory_space<hbm>>
      %dma_wait3A_15 = tpu.memref_squeeze %dma_wait3A_14 : memref<1x80x128xi32, #tpu.memory_space<hbm>> -> memref<80x128xi32, #tpu.memory_space<hbm>>
      %dma_wait3A_16 = arith.constant 0 : i32
      %dma_wait3A_17 = arith.constant 0 : i32
      %dma_wait3A_18 = tpu.memref_slice %arg4[%add3A, %dma_wait3A_16, %dma_wait3A_17] : memref<32x80x128xi32, #tpu.memory_space<hbm>> -> memref<1x80x128xi32, #tpu.memory_space<hbm>>
      %dma_wait3A_19 = tpu.memref_squeeze %dma_wait3A_18 : memref<1x80x128xi32, #tpu.memory_space<hbm>> -> memref<80x128xi32, #tpu.memory_space<hbm>>
      tpu.wait_dma2 semaphore(%run_scoped3A : memref<!tpu.dma_semaphore, #tpu.memory_space<semaphore_mem>>) src(%dma_wait3A_19 : memref<80x128xi32, #tpu.memory_space<hbm>>) dst(%arg8 : memref<80x128xi32, #tpu.memory_space<vmem>>)
      tpu.yield
    }) : () -> ()
    %scan3A = arith.constant 0 : i32
    %scan3A_1 = arith.constant 0 : i32
    %scan3A_2 = arith.constant 2 : i32
    %scan3A_3 = arith.addi %scan3A_1, %scan3A_2 : i32
    %scan3A_4 = arith.constant 1 : i32
    scf.for %scan3A_6 = %scan3A_1 to %scan3A_3 step %scan3A_4  : i32 {
      %mul3A_7 = arith.constant 632 : i32
      %mul3A_8 = arith.muli %arg1, %mul3A_7 : i32
      %mul3A_9 = arith.constant 632 : i32
      %mul3A_10 = arith.muli %arg1, %mul3A_9 : i32
      "tpu.region"() ({
        %run_scoped3A = tpu.sem_alloc : memref<!tpu.dma_semaphore, #tpu.memory_space<semaphore_mem>>
        %dma_start3A_168 = arith.constant 0 : i32
        %dma_start3A_169 = tpu.memref_slice %arg10[%mul3A_10, %dma_start3A_168] : memref<10112x32xf32, #tpu.memory_space<vmem_shared>> -> memref<632x32xf32, #tpu.memory_space<vmem_shared>>
        %dma_start3A_170 = arith.constant 0 : i32
        %dma_start3A_171 = tpu.memref_slice %arg2[%scan3A_6, %mul3A_8, %dma_start3A_170] : memref<2x10112x32xf32, #tpu.memory_space<hbm>> -> memref<1x632x32xf32, #tpu.memory_space<hbm>>
        %dma_start3A_172 = tpu.memref_squeeze %dma_start3A_171 : memref<1x632x32xf32, #tpu.memory_space<hbm>> -> memref<632x32xf32, #tpu.memory_space<hbm>>
        tpu.enqueue_dma source(%dma_start3A_172 : memref<632x32xf32, #tpu.memory_space<hbm>>) target(%dma_start3A_169 : memref<632x32xf32, #tpu.memory_space<vmem_shared>>) target_semaphore(%run_scoped3A : memref<!tpu.dma_semaphore, #tpu.memory_space<semaphore_mem>>)
        %dma_wait3A_173 = arith.constant 0 : i32
        %dma_wait3A_174 = tpu.memref_slice %arg10[%mul3A_10, %dma_wait3A_173] : memref<10112x32xf32, #tpu.memory_space<vmem_shared>> -> memref<632x32xf32, #tpu.memory_space<vmem_shared>>
        %dma_wait3A_175 = arith.constant 0 : i32
        %dma_wait3A_176 = tpu.memref_slice %arg2[%scan3A_6, %mul3A_8, %dma_wait3A_175] : memref<2x10112x32xf32, #tpu.memory_space<hbm>> -> memref<1x632x32xf32, #tpu.memory_space<hbm>>
        %dma_wait3A_177 = tpu.memref_squeeze %dma_wait3A_176 : memref<1x632x32xf32, #tpu.memory_space<hbm>> -> memref<632x32xf32, #tpu.memory_space<hbm>>
        tpu.wait_dma2 semaphore(%run_scoped3A : memref<!tpu.dma_semaphore, #tpu.memory_space<semaphore_mem>>) src(%dma_wait3A_177 : memref<632x32xf32, #tpu.memory_space<hbm>>) dst(%dma_wait3A_174 : memref<632x32xf32, #tpu.memory_space<vmem_shared>>)
        tpu.yield
      }) : () -> ()
      %mul3A_11 = arith.constant 632 : i32
      %mul3A_12 = arith.muli %arg1, %mul3A_11 : i32
      %mul3A_13 = arith.constant 632 : i32
      %mul3A_14 = arith.muli %arg1, %mul3A_13 : i32
      "tpu.region"() ({
        %run_scoped3A = tpu.sem_alloc : memref<!tpu.dma_semaphore, #tpu.memory_space<semaphore_mem>>
        %dma_start3A_168 = arith.constant 0 : i32
        %dma_start3A_169 = tpu.memref_slice %arg11[%mul3A_14, %dma_start3A_168] : memref<10112x32xf32, #tpu.memory_space<vmem_shared>> -> memref<632x32xf32, #tpu.memory_space<vmem_shared>>
        %dma_start3A_170 = arith.constant 0 : i32
        %dma_start3A_171 = tpu.memref_slice %arg5[%scan3A_6, %mul3A_12, %dma_start3A_170] : memref<2x10112x32xf32, #tpu.memory_space<hbm>> -> memref<1x632x32xf32, #tpu.memory_space<hbm>>
        %dma_start3A_172 = tpu.memref_squeeze %dma_start3A_171 : memref<1x632x32xf32, #tpu.memory_space<hbm>> -> memref<632x32xf32, #tpu.memory_space<hbm>>
        tpu.enqueue_dma source(%dma_start3A_172 : memref<632x32xf32, #tpu.memory_space<hbm>>) target(%dma_start3A_169 : memref<632x32xf32, #tpu.memory_space<vmem_shared>>) target_semaphore(%run_scoped3A : memref<!tpu.dma_semaphore, #tpu.memory_space<semaphore_mem>>)
        %dma_wait3A_173 = arith.constant 0 : i32
        %dma_wait3A_174 = tpu.memref_slice %arg11[%mul3A_14, %dma_wait3A_173] : memref<10112x32xf32, #tpu.memory_space<vmem_shared>> -> memref<632x32xf32, #tpu.memory_space<vmem_shared>>
        %dma_wait3A_175 = arith.constant 0 : i32
        %dma_wait3A_176 = tpu.memref_slice %arg5[%scan3A_6, %mul3A_12, %dma_wait3A_175] : memref<2x10112x32xf32, #tpu.memory_space<hbm>> -> memref<1x632x32xf32, #tpu.memory_space<hbm>>
        %dma_wait3A_177 = tpu.memref_squeeze %dma_wait3A_176 : memref<1x632x32xf32, #tpu.memory_space<hbm>> -> memref<632x32xf32, #tpu.memory_space<hbm>>
        tpu.wait_dma2 semaphore(%run_scoped3A : memref<!tpu.dma_semaphore, #tpu.memory_space<semaphore_mem>>) src(%dma_wait3A_177 : memref<632x32xf32, #tpu.memory_space<hbm>>) dst(%dma_wait3A_174 : memref<632x32xf32, #tpu.memory_space<vmem_shared>>)
        tpu.yield
      }) : () -> ()
      %barrier3A = arith.constant 0 : index
      tpu.barrier barrier_id(%barrier3A)
      %dma_start3A = arith.constant 0 : i32
      %dma_start3A_15 = arith.constant 0 : i32
      %dma_start3A_16 = arith.constant 0 : i32
      %dma_start3A_17 = arith.constant 0 : i32
      %dma_start3A_18 = tpu.memref_slice %arg9[%dma_start3A_15, %dma_start3A_16, %dma_start3A_17] : memref<8x128x32xf32, #tpu.memory_space<vmem>> -> memref<1x128x32xf32, #tpu.memory_space<vmem>>
      %dma_start3A_19 = tpu.memref_squeeze %dma_start3A_18 : memref<1x128x32xf32, #tpu.memory_space<vmem>> -> memref<128x32xf32, #tpu.memory_space<vmem>>
      %dma_start3A_20 = arith.constant 0 : i32
      %dma_start3A_21 = tpu.memref_slice %arg7[%dma_start3A, %dma_start3A_20] : memref<80x128xi32, #tpu.memory_space<vmem>> -> memref<1x128xi32, #tpu.memory_space<vmem>>
      %dma_start3A_22 = tpu.memref_squeeze %dma_start3A_21 : memref<1x128xi32, #tpu.memory_space<vmem>> -> memref<128xi32, #tpu.memory_space<vmem>>
      %dma_start3A_23 = arith.constant 0 : i32
      %dma_start3A_24 = arith.constant 0 : i32
      %dma_start3A_25 = tpu.memref_slice %arg10[%dma_start3A_23, %dma_start3A_24] : memref<10112x32xf32, #tpu.memory_space<vmem_shared>> -> memref<10112x32xf32, #tpu.memory_space<vmem_shared>>
      tpu.enqueue_indirect_dma source(%dma_start3A_25 : memref<10112x32xf32, #tpu.memory_space<vmem_shared>>) target(%dma_start3A_19 : memref<128x32xf32, #tpu.memory_space<vmem>>) offsets(%dma_start3A_22 : memref<128xi32, #tpu.memory_space<vmem>>) semaphore(%arg12 : memref<!tpu.dma_semaphore, #tpu.memory_space<semaphore_mem>>)
      %dma_start3A_26 = arith.constant 1 : i32
      %dma_start3A_27 = arith.constant 1 : i32
      %dma_start3A_28 = arith.constant 0 : i32
      %dma_start3A_29 = arith.constant 0 : i32
      %dma_start3A_30 = tpu.memref_slice %arg9[%dma_start3A_27, %dma_start3A_28, %dma_start3A_29] : memref<8x128x32xf32, #tpu.memory_space<vmem>> -> memref<1x128x32xf32, #tpu.memory_space<vmem>>
      %dma_start3A_31 = tpu.memref_squeeze %dma_start3A_30 : memref<1x128x32xf32, #tpu.memory_space<vmem>> -> memref<128x32xf32, #tpu.memory_space<vmem>>
      %dma_start3A_32 = arith.constant 0 : i32
      %dma_start3A_33 = tpu.memref_slice %arg7[%dma_start3A_26, %dma_start3A_32] : memref<80x128xi32, #tpu.memory_space<vmem>> -> memref<1x128xi32, #tpu.memory_space<vmem>>
      %dma_start3A_34 = tpu.memref_squeeze %dma_start3A_33 : memref<1x128xi32, #tpu.memory_space<vmem>> -> memref<128xi32, #tpu.memory_space<vmem>>
      %dma_start3A_35 = arith.constant 0 : i32
      %dma_start3A_36 = arith.constant 0 : i32
      %dma_start3A_37 = tpu.memref_slice %arg10[%dma_start3A_35, %dma_start3A_36] : memref<10112x32xf32, #tpu.memory_space<vmem_shared>> -> memref<10112x32xf32, #tpu.memory_space<vmem_shared>>
      tpu.enqueue_indirect_dma source(%dma_start3A_37 : memref<10112x32xf32, #tpu.memory_space<vmem_shared>>) target(%dma_start3A_31 : memref<128x32xf32, #tpu.memory_space<vmem>>) offsets(%dma_start3A_34 : memref<128xi32, #tpu.memory_space<vmem>>) semaphore(%arg13 : memref<!tpu.dma_semaphore, #tpu.memory_space<semaphore_mem>>)
      %dma_start3A_38 = arith.constant 2 : i32
      %dma_start3A_39 = arith.constant 2 : i32
      %dma_start3A_40 = arith.constant 0 : i32
      %dma_start3A_41 = arith.constant 0 : i32
      %dma_start3A_42 = tpu.memref_slice %arg9[%dma_start3A_39, %dma_start3A_40, %dma_start3A_41] : memref<8x128x32xf32, #tpu.memory_space<vmem>> -> memref<1x128x32xf32, #tpu.memory_space<vmem>>
      %dma_start3A_43 = tpu.memref_squeeze %dma_start3A_42 : memref<1x128x32xf32, #tpu.memory_space<vmem>> -> memref<128x32xf32, #tpu.memory_space<vmem>>
      %dma_start3A_44 = arith.constant 0 : i32
      %dma_start3A_45 = tpu.memref_slice %arg7[%dma_start3A_38, %dma_start3A_44] : memref<80x128xi32, #tpu.memory_space<vmem>> -> memref<1x128xi32, #tpu.memory_space<vmem>>
      %dma_start3A_46 = tpu.memref_squeeze %dma_start3A_45 : memref<1x128xi32, #tpu.memory_space<vmem>> -> memref<128xi32, #tpu.memory_space<vmem>>
      %dma_start3A_47 = arith.constant 0 : i32
      %dma_start3A_48 = arith.constant 0 : i32
      %dma_start3A_49 = tpu.memref_slice %arg10[%dma_start3A_47, %dma_start3A_48] : memref<10112x32xf32, #tpu.memory_space<vmem_shared>> -> memref<10112x32xf32, #tpu.memory_space<vmem_shared>>
      tpu.enqueue_indirect_dma source(%dma_start3A_49 : memref<10112x32xf32, #tpu.memory_space<vmem_shared>>) target(%dma_start3A_43 : memref<128x32xf32, #tpu.memory_space<vmem>>) offsets(%dma_start3A_46 : memref<128xi32, #tpu.memory_space<vmem>>) semaphore(%arg14 : memref<!tpu.dma_semaphore, #tpu.memory_space<semaphore_mem>>)
      %dma_start3A_50 = arith.constant 3 : i32
      %dma_start3A_51 = arith.constant 3 : i32
      %dma_start3A_52 = arith.constant 0 : i32
      %dma_start3A_53 = arith.constant 0 : i32
      %dma_start3A_54 = tpu.memref_slice %arg9[%dma_start3A_51, %dma_start3A_52, %dma_start3A_53] : memref<8x128x32xf32, #tpu.memory_space<vmem>> -> memref<1x128x32xf32, #tpu.memory_space<vmem>>
      %dma_start3A_55 = tpu.memref_squeeze %dma_start3A_54 : memref<1x128x32xf32, #tpu.memory_space<vmem>> -> memref<128x32xf32, #tpu.memory_space<vmem>>
      %dma_start3A_56 = arith.constant 0 : i32
      %dma_start3A_57 = tpu.memref_slice %arg7[%dma_start3A_50, %dma_start3A_56] : memref<80x128xi32, #tpu.memory_space<vmem>> -> memref<1x128xi32, #tpu.memory_space<vmem>>
      %dma_start3A_58 = tpu.memref_squeeze %dma_start3A_57 : memref<1x128xi32, #tpu.memory_space<vmem>> -> memref<128xi32, #tpu.memory_space<vmem>>
      %dma_start3A_59 = arith.constant 0 : i32
      %dma_start3A_60 = arith.constant 0 : i32
      %dma_start3A_61 = tpu.memref_slice %arg10[%dma_start3A_59, %dma_start3A_60] : memref<10112x32xf32, #tpu.memory_space<vmem_shared>> -> memref<10112x32xf32, #tpu.memory_space<vmem_shared>>
      tpu.enqueue_indirect_dma source(%dma_start3A_61 : memref<10112x32xf32, #tpu.memory_space<vmem_shared>>) target(%dma_start3A_55 : memref<128x32xf32, #tpu.memory_space<vmem>>) offsets(%dma_start3A_58 : memref<128xi32, #tpu.memory_space<vmem>>) semaphore(%arg15 : memref<!tpu.dma_semaphore, #tpu.memory_space<semaphore_mem>>)
      %scan3A_62 = arith.constant 0 : i32
      %scan3A_63 = arith.constant 0 : i32
      %scan3A_64 = arith.constant 10 : i32
      %scan3A_65 = arith.addi %scan3A_63, %scan3A_64 : i32
      %scan3A_66 = arith.constant 1 : i32
      scf.for %scan3A_168 = %scan3A_63 to %scan3A_65 step %scan3A_66  : i32 {
        %mul3A_169 = arith.constant 8 : i32
        %mul3A_170 = arith.muli %scan3A_168, %mul3A_169 : i32
        %add3A_171 = arith.constant 0 : i32
        %add3A_172 = arith.addi %mul3A_170, %add3A_171 : i32
        %dma_wait3A_173 = arith.constant 0 : i32
        %dma_wait3A_174 = arith.constant 0 : i32
        %dma_wait3A_175 = arith.constant 0 : i32
        %dma_wait3A_176 = tpu.memref_slice %arg9[%dma_wait3A_173, %dma_wait3A_174, %dma_wait3A_175] : memref<8x128x32xf32, #tpu.memory_space<vmem>> -> memref<1x128x32xf32, #tpu.memory_space<vmem>>
        %dma_wait3A_177 = tpu.memref_squeeze %dma_wait3A_176 : memref<1x128x32xf32, #tpu.memory_space<vmem>> -> memref<128x32xf32, #tpu.memory_space<vmem>>
        %dma_wait3A_178 = arith.constant 0 : i32
        %dma_wait3A_179 = tpu.memref_slice %arg7[%add3A_172, %dma_wait3A_178] : memref<80x128xi32, #tpu.memory_space<vmem>> -> memref<1x128xi32, #tpu.memory_space<vmem>>
        %dma_wait3A_180 = tpu.memref_squeeze %dma_wait3A_179 : memref<1x128xi32, #tpu.memory_space<vmem>> -> memref<128xi32, #tpu.memory_space<vmem>>
        %dma_wait3A_181 = arith.constant 0 : i32
        %dma_wait3A_182 = arith.constant 0 : i32
        %dma_wait3A_183 = tpu.memref_slice %arg10[%dma_wait3A_181, %dma_wait3A_182] : memref<10112x32xf32, #tpu.memory_space<vmem_shared>> -> memref<10112x32xf32, #tpu.memory_space<vmem_shared>>
        tpu.wait_indirect_dma semaphore(%arg12 : memref<!tpu.dma_semaphore, #tpu.memory_space<semaphore_mem>>) src(%dma_wait3A_183 : memref<10112x32xf32, #tpu.memory_space<vmem_shared>>) dst(%dma_wait3A_177 : memref<128x32xf32, #tpu.memory_space<vmem>>)
        %dma_start3A_184 = arith.constant 0 : i32
        %dma_start3A_185 = arith.constant 0 : i32
        %dma_start3A_186 = arith.constant 0 : i32
        %dma_start3A_187 = tpu.memref_slice %arg9[%dma_start3A_184, %dma_start3A_185, %dma_start3A_186] : memref<8x128x32xf32, #tpu.memory_space<vmem>> -> memref<1x128x32xf32, #tpu.memory_space<vmem>>
        %dma_start3A_188 = tpu.memref_squeeze %dma_start3A_187 : memref<1x128x32xf32, #tpu.memory_space<vmem>> -> memref<128x32xf32, #tpu.memory_space<vmem>>
        %dma_start3A_189 = arith.constant 0 : i32
        %dma_start3A_190 = tpu.memref_slice %arg8[%add3A_172, %dma_start3A_189] : memref<80x128xi32, #tpu.memory_space<vmem>> -> memref<1x128xi32, #tpu.memory_space<vmem>>
        %dma_start3A_191 = tpu.memref_squeeze %dma_start3A_190 : memref<1x128xi32, #tpu.memory_space<vmem>> -> memref<128xi32, #tpu.memory_space<vmem>>
        %dma_start3A_192 = arith.constant 0 : i32
        %dma_start3A_193 = arith.constant 0 : i32
        %dma_start3A_194 = tpu.memref_slice %arg11[%dma_start3A_192, %dma_start3A_193] : memref<10112x32xf32, #tpu.memory_space<vmem_shared>> -> memref<10112x32xf32, #tpu.memory_space<vmem_shared>>
        tpu.enqueue_indirect_dma source(%dma_start3A_188 : memref<128x32xf32, #tpu.memory_space<vmem>>) target(%dma_start3A_194 : memref<10112x32xf32, #tpu.memory_space<vmem_shared>>) offsets(%dma_start3A_191 : memref<128xi32, #tpu.memory_space<vmem>>) semaphore(%arg20 : memref<!tpu.dma_semaphore, #tpu.memory_space<semaphore_mem>>) {add = true}
        %add3A_195 = arith.constant 4 : i32
        %add3A_196 = arith.addi %add3A_172, %add3A_195 : i32
        %lt3A = arith.constant 80 : i32
        %lt3A_197 = arith.cmpi slt, %add3A_196, %lt3A : i32
        %convert_element_type3A = arith.extui %lt3A_197 : i1 to i32
        %cond3A = arith.constant 0 : i32
        %cond3A_198 = arith.cmpi ne, %convert_element_type3A, %cond3A : i32
        scf.if %cond3A_198 {
          %ge3A = arith.constant 4 : i32
          %ge3A_430 = arith.cmpi sge, %add3A_172, %ge3A : i32
          %convert_element_type3A_431 = arith.extui %ge3A_430 : i1 to i32
          %cond3A_432 = arith.constant 0 : i32
          %cond3A_433 = arith.cmpi ne, %convert_element_type3A_431, %cond3A_432 : i32
          scf.if %cond3A_433 {
            %dma_wait3A_447 = arith.constant 4 : i32
            %dma_wait3A_448 = arith.constant 0 : i32
            %dma_wait3A_449 = arith.constant 0 : i32
            %dma_wait3A_450 = arith.constant 0 : i32
            %dma_wait3A_451 = tpu.memref_slice %arg9[%dma_wait3A_447, %dma_wait3A_449, %dma_wait3A_450] : memref<8x128x32xf32, #tpu.memory_space<vmem>> -> memref<1x128x32xf32, #tpu.memory_space<vmem>>
            %dma_wait3A_452 = tpu.memref_squeeze %dma_wait3A_451 : memref<1x128x32xf32, #tpu.memory_space<vmem>> -> memref<128x32xf32, #tpu.memory_space<vmem>>
            %dma_wait3A_453 = arith.constant 0 : i32
            %dma_wait3A_454 = tpu.memref_slice %arg8[%dma_wait3A_448, %dma_wait3A_453] : memref<80x128xi32, #tpu.memory_space<vmem>> -> memref<1x128xi32, #tpu.memory_space<vmem>>
            %dma_wait3A_455 = tpu.memref_squeeze %dma_wait3A_454 : memref<1x128xi32, #tpu.memory_space<vmem>> -> memref<128xi32, #tpu.memory_space<vmem>>
            %dma_wait3A_456 = arith.constant 0 : i32
            %dma_wait3A_457 = arith.constant 0 : i32
            %dma_wait3A_458 = tpu.memref_slice %arg11[%dma_wait3A_456, %dma_wait3A_457] : memref<10112x32xf32, #tpu.memory_space<vmem_shared>> -> memref<10112x32xf32, #tpu.memory_space<vmem_shared>>
            tpu.wait_indirect_dma semaphore(%arg24 : memref<!tpu.dma_semaphore, #tpu.memory_space<semaphore_mem>>) src(%dma_wait3A_452 : memref<128x32xf32, #tpu.memory_space<vmem>>) dst(%dma_wait3A_458 : memref<10112x32xf32, #tpu.memory_space<vmem_shared>>)
          } else {
          }
          %add3A_434 = arith.constant 4 : i32
          %add3A_435 = arith.addi %add3A_172, %add3A_434 : i32
          %dma_start3A_436 = arith.constant 4 : i32
          %dma_start3A_437 = arith.constant 0 : i32
          %dma_start3A_438 = arith.constant 0 : i32
          %dma_start3A_439 = tpu.memref_slice %arg9[%dma_start3A_436, %dma_start3A_437, %dma_start3A_438] : memref<8x128x32xf32, #tpu.memory_space<vmem>> -> memref<1x128x32xf32, #tpu.memory_space<vmem>>
          %dma_start3A_440 = tpu.memref_squeeze %dma_start3A_439 : memref<1x128x32xf32, #tpu.memory_space<vmem>> -> memref<128x32xf32, #tpu.memory_space<vmem>>
          %dma_start3A_441 = arith.constant 0 : i32
          %dma_start3A_442 = tpu.memref_slice %arg7[%add3A_435, %dma_start3A_441] : memref<80x128xi32, #tpu.memory_space<vmem>> -> memref<1x128xi32, #tpu.memory_space<vmem>>
          %dma_start3A_443 = tpu.memref_squeeze %dma_start3A_442 : memref<1x128xi32, #tpu.memory_space<vmem>> -> memref<128xi32, #tpu.memory_space<vmem>>
          %dma_start3A_444 = arith.constant 0 : i32
          %dma_start3A_445 = arith.constant 0 : i32
          %dma_start3A_446 = tpu.memref_slice %arg10[%dma_start3A_444, %dma_start3A_445] : memref<10112x32xf32, #tpu.memory_space<vmem_shared>> -> memref<10112x32xf32, #tpu.memory_space<vmem_shared>>
          tpu.enqueue_indirect_dma source(%dma_start3A_446 : memref<10112x32xf32, #tpu.memory_space<vmem_shared>>) target(%dma_start3A_440 : memref<128x32xf32, #tpu.memory_space<vmem>>) offsets(%dma_start3A_443 : memref<128xi32, #tpu.memory_space<vmem>>) semaphore(%arg16 : memref<!tpu.dma_semaphore, #tpu.memory_space<semaphore_mem>>)
        } else {
        }
        %mul3A_199 = arith.constant 8 : i32
        %mul3A_200 = arith.muli %scan3A_168, %mul3A_199 : i32
        %add3A_201 = arith.constant 1 : i32
        %add3A_202 = arith.addi %mul3A_200, %add3A_201 : i32
        %dma_wait3A_203 = arith.constant 1 : i32
        %dma_wait3A_204 = arith.constant 0 : i32
        %dma_wait3A_205 = arith.constant 0 : i32
        %dma_wait3A_206 = tpu.memref_slice %arg9[%dma_wait3A_203, %dma_wait3A_204, %dma_wait3A_205] : memref<8x128x32xf32, #tpu.memory_space<vmem>> -> memref<1x128x32xf32, #tpu.memory_space<vmem>>
        %dma_wait3A_207 = tpu.memref_squeeze %dma_wait3A_206 : memref<1x128x32xf32, #tpu.memory_space<vmem>> -> memref<128x32xf32, #tpu.memory_space<vmem>>
        %dma_wait3A_208 = arith.constant 0 : i32
        %dma_wait3A_209 = tpu.memref_slice %arg7[%add3A_202, %dma_wait3A_208] : memref<80x128xi32, #tpu.memory_space<vmem>> -> memref<1x128xi32, #tpu.memory_space<vmem>>
        %dma_wait3A_210 = tpu.memref_squeeze %dma_wait3A_209 : memref<1x128xi32, #tpu.memory_space<vmem>> -> memref<128xi32, #tpu.memory_space<vmem>>
        %dma_wait3A_211 = arith.constant 0 : i32
        %dma_wait3A_212 = arith.constant 0 : i32
        %dma_wait3A_213 = tpu.memref_slice %arg10[%dma_wait3A_211, %dma_wait3A_212] : memref<10112x32xf32, #tpu.memory_space<vmem_shared>> -> memref<10112x32xf32, #tpu.memory_space<vmem_shared>>
        tpu.wait_indirect_dma semaphore(%arg13 : memref<!tpu.dma_semaphore, #tpu.memory_space<semaphore_mem>>) src(%dma_wait3A_213 : memref<10112x32xf32, #tpu.memory_space<vmem_shared>>) dst(%dma_wait3A_207 : memref<128x32xf32, #tpu.memory_space<vmem>>)
        %dma_start3A_214 = arith.constant 1 : i32
        %dma_start3A_215 = arith.constant 0 : i32
        %dma_start3A_216 = arith.constant 0 : i32
        %dma_start3A_217 = tpu.memref_slice %arg9[%dma_start3A_214, %dma_start3A_215, %dma_start3A_216] : memref<8x128x32xf32, #tpu.memory_space<vmem>> -> memref<1x128x32xf32, #tpu.memory_space<vmem>>
        %dma_start3A_218 = tpu.memref_squeeze %dma_start3A_217 : memref<1x128x32xf32, #tpu.memory_space<vmem>> -> memref<128x32xf32, #tpu.memory_space<vmem>>
        %dma_start3A_219 = arith.constant 0 : i32
        %dma_start3A_220 = tpu.memref_slice %arg8[%add3A_202, %dma_start3A_219] : memref<80x128xi32, #tpu.memory_space<vmem>> -> memref<1x128xi32, #tpu.memory_space<vmem>>
        %dma_start3A_221 = tpu.memref_squeeze %dma_start3A_220 : memref<1x128xi32, #tpu.memory_space<vmem>> -> memref<128xi32, #tpu.memory_space<vmem>>
        %dma_start3A_222 = arith.constant 0 : i32
        %dma_start3A_223 = arith.constant 0 : i32
        %dma_start3A_224 = tpu.memref_slice %arg11[%dma_start3A_222, %dma_start3A_223] : memref<10112x32xf32, #tpu.memory_space<vmem_shared>> -> memref<10112x32xf32, #tpu.memory_space<vmem_shared>>
        tpu.enqueue_indirect_dma source(%dma_start3A_218 : memref<128x32xf32, #tpu.memory_space<vmem>>) target(%dma_start3A_224 : memref<10112x32xf32, #tpu.memory_space<vmem_shared>>) offsets(%dma_start3A_221 : memref<128xi32, #tpu.memory_space<vmem>>) semaphore(%arg21 : memref<!tpu.dma_semaphore, #tpu.memory_space<semaphore_mem>>) {add = true}
        %add3A_225 = arith.constant 4 : i32
        %add3A_226 = arith.addi %add3A_202, %add3A_225 : i32
        %lt3A_227 = arith.constant 80 : i32
        %lt3A_228 = arith.cmpi slt, %add3A_226, %lt3A_227 : i32
        %convert_element_type3A_229 = arith.extui %lt3A_228 : i1 to i32
        %cond3A_230 = arith.constant 0 : i32
        %cond3A_231 = arith.cmpi ne, %convert_element_type3A_229, %cond3A_230 : i32
        scf.if %cond3A_231 {
          %ge3A = arith.constant 4 : i32
          %ge3A_430 = arith.cmpi sge, %add3A_202, %ge3A : i32
          %convert_element_type3A_431 = arith.extui %ge3A_430 : i1 to i32
          %cond3A_432 = arith.constant 0 : i32
          %cond3A_433 = arith.cmpi ne, %convert_element_type3A_431, %cond3A_432 : i32
          scf.if %cond3A_433 {
            %dma_wait3A_447 = arith.constant 5 : i32
            %dma_wait3A_448 = arith.constant 0 : i32
            %dma_wait3A_449 = arith.constant 0 : i32
            %dma_wait3A_450 = arith.constant 0 : i32
            %dma_wait3A_451 = tpu.memref_slice %arg9[%dma_wait3A_447, %dma_wait3A_449, %dma_wait3A_450] : memref<8x128x32xf32, #tpu.memory_space<vmem>> -> memref<1x128x32xf32, #tpu.memory_space<vmem>>
            %dma_wait3A_452 = tpu.memref_squeeze %dma_wait3A_451 : memref<1x128x32xf32, #tpu.memory_space<vmem>> -> memref<128x32xf32, #tpu.memory_space<vmem>>
            %dma_wait3A_453 = arith.constant 0 : i32
            %dma_wait3A_454 = tpu.memref_slice %arg8[%dma_wait3A_448, %dma_wait3A_453] : memref<80x128xi32, #tpu.memory_space<vmem>> -> memref<1x128xi32, #tpu.memory_space<vmem>>
            %dma_wait3A_455 = tpu.memref_squeeze %dma_wait3A_454 : memref<1x128xi32, #tpu.memory_space<vmem>> -> memref<128xi32, #tpu.memory_space<vmem>>
            %dma_wait3A_456 = arith.constant 0 : i32
            %dma_wait3A_457 = arith.constant 0 : i32
            %dma_wait3A_458 = tpu.memref_slice %arg11[%dma_wait3A_456, %dma_wait3A_457] : memref<10112x32xf32, #tpu.memory_space<vmem_shared>> -> memref<10112x32xf32, #tpu.memory_space<vmem_shared>>
            tpu.wait_indirect_dma semaphore(%arg25 : memref<!tpu.dma_semaphore, #tpu.memory_space<semaphore_mem>>) src(%dma_wait3A_452 : memref<128x32xf32, #tpu.memory_space<vmem>>) dst(%dma_wait3A_458 : memref<10112x32xf32, #tpu.memory_space<vmem_shared>>)
          } else {
          }
          %add3A_434 = arith.constant 4 : i32
          %add3A_435 = arith.addi %add3A_202, %add3A_434 : i32
          %dma_start3A_436 = arith.constant 5 : i32
          %dma_start3A_437 = arith.constant 0 : i32
          %dma_start3A_438 = arith.constant 0 : i32
          %dma_start3A_439 = tpu.memref_slice %arg9[%dma_start3A_436, %dma_start3A_437, %dma_start3A_438] : memref<8x128x32xf32, #tpu.memory_space<vmem>> -> memref<1x128x32xf32, #tpu.memory_space<vmem>>
          %dma_start3A_440 = tpu.memref_squeeze %dma_start3A_439 : memref<1x128x32xf32, #tpu.memory_space<vmem>> -> memref<128x32xf32, #tpu.memory_space<vmem>>
          %dma_start3A_441 = arith.constant 0 : i32
          %dma_start3A_442 = tpu.memref_slice %arg7[%add3A_435, %dma_start3A_441] : memref<80x128xi32, #tpu.memory_space<vmem>> -> memref<1x128xi32, #tpu.memory_space<vmem>>
          %dma_start3A_443 = tpu.memref_squeeze %dma_start3A_442 : memref<1x128xi32, #tpu.memory_space<vmem>> -> memref<128xi32, #tpu.memory_space<vmem>>
          %dma_start3A_444 = arith.constant 0 : i32
          %dma_start3A_445 = arith.constant 0 : i32
          %dma_start3A_446 = tpu.memref_slice %arg10[%dma_start3A_444, %dma_start3A_445] : memref<10112x32xf32, #tpu.memory_space<vmem_shared>> -> memref<10112x32xf32, #tpu.memory_space<vmem_shared>>
          tpu.enqueue_indirect_dma source(%dma_start3A_446 : memref<10112x32xf32, #tpu.memory_space<vmem_shared>>) target(%dma_start3A_440 : memref<128x32xf32, #tpu.memory_space<vmem>>) offsets(%dma_start3A_443 : memref<128xi32, #tpu.memory_space<vmem>>) semaphore(%arg17 : memref<!tpu.dma_semaphore, #tpu.memory_space<semaphore_mem>>)
        } else {
        }
        %mul3A_232 = arith.constant 8 : i32
        %mul3A_233 = arith.muli %scan3A_168, %mul3A_232 : i32
        %add3A_234 = arith.constant 2 : i32
        %add3A_235 = arith.addi %mul3A_233, %add3A_234 : i32
        %dma_wait3A_236 = arith.constant 2 : i32
        %dma_wait3A_237 = arith.constant 0 : i32
        %dma_wait3A_238 = arith.constant 0 : i32
        %dma_wait3A_239 = tpu.memref_slice %arg9[%dma_wait3A_236, %dma_wait3A_237, %dma_wait3A_238] : memref<8x128x32xf32, #tpu.memory_space<vmem>> -> memref<1x128x32xf32, #tpu.memory_space<vmem>>
        %dma_wait3A_240 = tpu.memref_squeeze %dma_wait3A_239 : memref<1x128x32xf32, #tpu.memory_space<vmem>> -> memref<128x32xf32, #tpu.memory_space<vmem>>
        %dma_wait3A_241 = arith.constant 0 : i32
        %dma_wait3A_242 = tpu.memref_slice %arg7[%add3A_235, %dma_wait3A_241] : memref<80x128xi32, #tpu.memory_space<vmem>> -> memref<1x128xi32, #tpu.memory_space<vmem>>
        %dma_wait3A_243 = tpu.memref_squeeze %dma_wait3A_242 : memref<1x128xi32, #tpu.memory_space<vmem>> -> memref<128xi32, #tpu.memory_space<vmem>>
        %dma_wait3A_244 = arith.constant 0 : i32
        %dma_wait3A_245 = arith.constant 0 : i32
        %dma_wait3A_246 = tpu.memref_slice %arg10[%dma_wait3A_244, %dma_wait3A_245] : memref<10112x32xf32, #tpu.memory_space<vmem_shared>> -> memref<10112x32xf32, #tpu.memory_space<vmem_shared>>
        tpu.wait_indirect_dma semaphore(%arg14 : memref<!tpu.dma_semaphore, #tpu.memory_space<semaphore_mem>>) src(%dma_wait3A_246 : memref<10112x32xf32, #tpu.memory_space<vmem_shared>>) dst(%dma_wait3A_240 : memref<128x32xf32, #tpu.memory_space<vmem>>)
        %dma_start3A_247 = arith.constant 2 : i32
        %dma_start3A_248 = arith.constant 0 : i32
        %dma_start3A_249 = arith.constant 0 : i32
        %dma_start3A_250 = tpu.memref_slice %arg9[%dma_start3A_247, %dma_start3A_248, %dma_start3A_249] : memref<8x128x32xf32, #tpu.memory_space<vmem>> -> memref<1x128x32xf32, #tpu.memory_space<vmem>>
        %dma_start3A_251 = tpu.memref_squeeze %dma_start3A_250 : memref<1x128x32xf32, #tpu.memory_space<vmem>> -> memref<128x32xf32, #tpu.memory_space<vmem>>
        %dma_start3A_252 = arith.constant 0 : i32
        %dma_start3A_253 = tpu.memref_slice %arg8[%add3A_235, %dma_start3A_252] : memref<80x128xi32, #tpu.memory_space<vmem>> -> memref<1x128xi32, #tpu.memory_space<vmem>>
        %dma_start3A_254 = tpu.memref_squeeze %dma_start3A_253 : memref<1x128xi32, #tpu.memory_space<vmem>> -> memref<128xi32, #tpu.memory_space<vmem>>
        %dma_start3A_255 = arith.constant 0 : i32
        %dma_start3A_256 = arith.constant 0 : i32
        %dma_start3A_257 = tpu.memref_slice %arg11[%dma_start3A_255, %dma_start3A_256] : memref<10112x32xf32, #tpu.memory_space<vmem_shared>> -> memref<10112x32xf32, #tpu.memory_space<vmem_shared>>
        tpu.enqueue_indirect_dma source(%dma_start3A_251 : memref<128x32xf32, #tpu.memory_space<vmem>>) target(%dma_start3A_257 : memref<10112x32xf32, #tpu.memory_space<vmem_shared>>) offsets(%dma_start3A_254 : memref<128xi32, #tpu.memory_space<vmem>>) semaphore(%arg22 : memref<!tpu.dma_semaphore, #tpu.memory_space<semaphore_mem>>) {add = true}
        %add3A_258 = arith.constant 4 : i32
        %add3A_259 = arith.addi %add3A_235, %add3A_258 : i32
        %lt3A_260 = arith.constant 80 : i32
        %lt3A_261 = arith.cmpi slt, %add3A_259, %lt3A_260 : i32
        %convert_element_type3A_262 = arith.extui %lt3A_261 : i1 to i32
        %cond3A_263 = arith.constant 0 : i32
        %cond3A_264 = arith.cmpi ne, %convert_element_type3A_262, %cond3A_263 : i32
        scf.if %cond3A_264 {
          %ge3A = arith.constant 4 : i32
          %ge3A_430 = arith.cmpi sge, %add3A_235, %ge3A : i32
          %convert_element_type3A_431 = arith.extui %ge3A_430 : i1 to i32
          %cond3A_432 = arith.constant 0 : i32
          %cond3A_433 = arith.cmpi ne, %convert_element_type3A_431, %cond3A_432 : i32
          scf.if %cond3A_433 {
            %dma_wait3A_447 = arith.constant 6 : i32
            %dma_wait3A_448 = arith.constant 0 : i32
            %dma_wait3A_449 = arith.constant 0 : i32
            %dma_wait3A_450 = arith.constant 0 : i32
            %dma_wait3A_451 = tpu.memref_slice %arg9[%dma_wait3A_447, %dma_wait3A_449, %dma_wait3A_450] : memref<8x128x32xf32, #tpu.memory_space<vmem>> -> memref<1x128x32xf32, #tpu.memory_space<vmem>>
            %dma_wait3A_452 = tpu.memref_squeeze %dma_wait3A_451 : memref<1x128x32xf32, #tpu.memory_space<vmem>> -> memref<128x32xf32, #tpu.memory_space<vmem>>
            %dma_wait3A_453 = arith.constant 0 : i32
            %dma_wait3A_454 = tpu.memref_slice %arg8[%dma_wait3A_448, %dma_wait3A_453] : memref<80x128xi32, #tpu.memory_space<vmem>> -> memref<1x128xi32, #tpu.memory_space<vmem>>
            %dma_wait3A_455 = tpu.memref_squeeze %dma_wait3A_454 : memref<1x128xi32, #tpu.memory_space<vmem>> -> memref<128xi32, #tpu.memory_space<vmem>>
            %dma_wait3A_456 = arith.constant 0 : i32
            %dma_wait3A_457 = arith.constant 0 : i32
            %dma_wait3A_458 = tpu.memref_slice %arg11[%dma_wait3A_456, %dma_wait3A_457] : memref<10112x32xf32, #tpu.memory_space<vmem_shared>> -> memref<10112x32xf32, #tpu.memory_space<vmem_shared>>
            tpu.wait_indirect_dma semaphore(%arg26 : memref<!tpu.dma_semaphore, #tpu.memory_space<semaphore_mem>>) src(%dma_wait3A_452 : memref<128x32xf32, #tpu.memory_space<vmem>>) dst(%dma_wait3A_458 : memref<10112x32xf32, #tpu.memory_space<vmem_shared>>)
          } else {
          }
          %add3A_434 = arith.constant 4 : i32
          %add3A_435 = arith.addi %add3A_235, %add3A_434 : i32
          %dma_start3A_436 = arith.constant 6 : i32
          %dma_start3A_437 = arith.constant 0 : i32
          %dma_start3A_438 = arith.constant 0 : i32
          %dma_start3A_439 = tpu.memref_slice %arg9[%dma_start3A_436, %dma_start3A_437, %dma_start3A_438] : memref<8x128x32xf32, #tpu.memory_space<vmem>> -> memref<1x128x32xf32, #tpu.memory_space<vmem>>
          %dma_start3A_440 = tpu.memref_squeeze %dma_start3A_439 : memref<1x128x32xf32, #tpu.memory_space<vmem>> -> memref<128x32xf32, #tpu.memory_space<vmem>>
          %dma_start3A_441 = arith.constant 0 : i32
          %dma_start3A_442 = tpu.memref_slice %arg7[%add3A_435, %dma_start3A_441] : memref<80x128xi32, #tpu.memory_space<vmem>> -> memref<1x128xi32, #tpu.memory_space<vmem>>
          %dma_start3A_443 = tpu.memref_squeeze %dma_start3A_442 : memref<1x128xi32, #tpu.memory_space<vmem>> -> memref<128xi32, #tpu.memory_space<vmem>>
          %dma_start3A_444 = arith.constant 0 : i32
          %dma_start3A_445 = arith.constant 0 : i32
          %dma_start3A_446 = tpu.memref_slice %arg10[%dma_start3A_444, %dma_start3A_445] : memref<10112x32xf32, #tpu.memory_space<vmem_shared>> -> memref<10112x32xf32, #tpu.memory_space<vmem_shared>>
          tpu.enqueue_indirect_dma source(%dma_start3A_446 : memref<10112x32xf32, #tpu.memory_space<vmem_shared>>) target(%dma_start3A_440 : memref<128x32xf32, #tpu.memory_space<vmem>>) offsets(%dma_start3A_443 : memref<128xi32, #tpu.memory_space<vmem>>) semaphore(%arg18 : memref<!tpu.dma_semaphore, #tpu.memory_space<semaphore_mem>>)
        } else {
        }
        %mul3A_265 = arith.constant 8 : i32
        %mul3A_266 = arith.muli %scan3A_168, %mul3A_265 : i32
        %add3A_267 = arith.constant 3 : i32
        %add3A_268 = arith.addi %mul3A_266, %add3A_267 : i32
        %dma_wait3A_269 = arith.constant 3 : i32
        %dma_wait3A_270 = arith.constant 0 : i32
        %dma_wait3A_271 = arith.constant 0 : i32
        %dma_wait3A_272 = tpu.memref_slice %arg9[%dma_wait3A_269, %dma_wait3A_270, %dma_wait3A_271] : memref<8x128x32xf32, #tpu.memory_space<vmem>> -> memref<1x128x32xf32, #tpu.memory_space<vmem>>
        %dma_wait3A_273 = tpu.memref_squeeze %dma_wait3A_272 : memref<1x128x32xf32, #tpu.memory_space<vmem>> -> memref<128x32xf32, #tpu.memory_space<vmem>>
        %dma_wait3A_274 = arith.constant 0 : i32
        %dma_wait3A_275 = tpu.memref_slice %arg7[%add3A_268, %dma_wait3A_274] : memref<80x128xi32, #tpu.memory_space<vmem>> -> memref<1x128xi32, #tpu.memory_space<vmem>>
        %dma_wait3A_276 = tpu.memref_squeeze %dma_wait3A_275 : memref<1x128xi32, #tpu.memory_space<vmem>> -> memref<128xi32, #tpu.memory_space<vmem>>
        %dma_wait3A_277 = arith.constant 0 : i32
        %dma_wait3A_278 = arith.constant 0 : i32
        %dma_wait3A_279 = tpu.memref_slice %arg10[%dma_wait3A_277, %dma_wait3A_278] : memref<10112x32xf32, #tpu.memory_space<vmem_shared>> -> memref<10112x32xf32, #tpu.memory_space<vmem_shared>>
        tpu.wait_indirect_dma semaphore(%arg15 : memref<!tpu.dma_semaphore, #tpu.memory_space<semaphore_mem>>) src(%dma_wait3A_279 : memref<10112x32xf32, #tpu.memory_space<vmem_shared>>) dst(%dma_wait3A_273 : memref<128x32xf32, #tpu.memory_space<vmem>>)
        %dma_start3A_280 = arith.constant 3 : i32
        %dma_start3A_281 = arith.constant 0 : i32
        %dma_start3A_282 = arith.constant 0 : i32
        %dma_start3A_283 = tpu.memref_slice %arg9[%dma_start3A_280, %dma_start3A_281, %dma_start3A_282] : memref<8x128x32xf32, #tpu.memory_space<vmem>> -> memref<1x128x32xf32, #tpu.memory_space<vmem>>
        %dma_start3A_284 = tpu.memref_squeeze %dma_start3A_283 : memref<1x128x32xf32, #tpu.memory_space<vmem>> -> memref<128x32xf32, #tpu.memory_space<vmem>>
        %dma_start3A_285 = arith.constant 0 : i32
        %dma_start3A_286 = tpu.memref_slice %arg8[%add3A_268, %dma_start3A_285] : memref<80x128xi32, #tpu.memory_space<vmem>> -> memref<1x128xi32, #tpu.memory_space<vmem>>
        %dma_start3A_287 = tpu.memref_squeeze %dma_start3A_286 : memref<1x128xi32, #tpu.memory_space<vmem>> -> memref<128xi32, #tpu.memory_space<vmem>>
        %dma_start3A_288 = arith.constant 0 : i32
        %dma_start3A_289 = arith.constant 0 : i32
        %dma_start3A_290 = tpu.memref_slice %arg11[%dma_start3A_288, %dma_start3A_289] : memref<10112x32xf32, #tpu.memory_space<vmem_shared>> -> memref<10112x32xf32, #tpu.memory_space<vmem_shared>>
        tpu.enqueue_indirect_dma source(%dma_start3A_284 : memref<128x32xf32, #tpu.memory_space<vmem>>) target(%dma_start3A_290 : memref<10112x32xf32, #tpu.memory_space<vmem_shared>>) offsets(%dma_start3A_287 : memref<128xi32, #tpu.memory_space<vmem>>) semaphore(%arg23 : memref<!tpu.dma_semaphore, #tpu.memory_space<semaphore_mem>>) {add = true}
        %add3A_291 = arith.constant 4 : i32
        %add3A_292 = arith.addi %add3A_268, %add3A_291 : i32
        %lt3A_293 = arith.constant 80 : i32
        %lt3A_294 = arith.cmpi slt, %add3A_292, %lt3A_293 : i32
        %convert_element_type3A_295 = arith.extui %lt3A_294 : i1 to i32
        %cond3A_296 = arith.constant 0 : i32
        %cond3A_297 = arith.cmpi ne, %convert_element_type3A_295, %cond3A_296 : i32
        scf.if %cond3A_297 {
          %ge3A = arith.constant 4 : i32
          %ge3A_430 = arith.cmpi sge, %add3A_268, %ge3A : i32
          %convert_element_type3A_431 = arith.extui %ge3A_430 : i1 to i32
          %cond3A_432 = arith.constant 0 : i32
          %cond3A_433 = arith.cmpi ne, %convert_element_type3A_431, %cond3A_432 : i32
          scf.if %cond3A_433 {
            %dma_wait3A_447 = arith.constant 7 : i32
            %dma_wait3A_448 = arith.constant 0 : i32
            %dma_wait3A_449 = arith.constant 0 : i32
            %dma_wait3A_450 = arith.constant 0 : i32
            %dma_wait3A_451 = tpu.memref_slice %arg9[%dma_wait3A_447, %dma_wait3A_449, %dma_wait3A_450] : memref<8x128x32xf32, #tpu.memory_space<vmem>> -> memref<1x128x32xf32, #tpu.memory_space<vmem>>
            %dma_wait3A_452 = tpu.memref_squeeze %dma_wait3A_451 : memref<1x128x32xf32, #tpu.memory_space<vmem>> -> memref<128x32xf32, #tpu.memory_space<vmem>>
            %dma_wait3A_453 = arith.constant 0 : i32
            %dma_wait3A_454 = tpu.memref_slice %arg8[%dma_wait3A_448, %dma_wait3A_453] : memref<80x128xi32, #tpu.memory_space<vmem>> -> memref<1x128xi32, #tpu.memory_space<vmem>>
            %dma_wait3A_455 = tpu.memref_squeeze %dma_wait3A_454 : memref<1x128xi32, #tpu.memory_space<vmem>> -> memref<128xi32, #tpu.memory_space<vmem>>
            %dma_wait3A_456 = arith.constant 0 : i32
            %dma_wait3A_457 = arith.constant 0 : i32
            %dma_wait3A_458 = tpu.memref_slice %arg11[%dma_wait3A_456, %dma_wait3A_457] : memref<10112x32xf32, #tpu.memory_space<vmem_shared>> -> memref<10112x32xf32, #tpu.memory_space<vmem_shared>>
            tpu.wait_indirect_dma semaphore(%arg27 : memref<!tpu.dma_semaphore, #tpu.memory_space<semaphore_mem>>) src(%dma_wait3A_452 : memref<128x32xf32, #tpu.memory_space<vmem>>) dst(%dma_wait3A_458 : memref<10112x32xf32, #tpu.memory_space<vmem_shared>>)
          } else {
          }
          %add3A_434 = arith.constant 4 : i32
          %add3A_435 = arith.addi %add3A_268, %add3A_434 : i32
          %dma_start3A_436 = arith.constant 7 : i32
          %dma_start3A_437 = arith.constant 0 : i32
          %dma_start3A_438 = arith.constant 0 : i32
          %dma_start3A_439 = tpu.memref_slice %arg9[%dma_start3A_436, %dma_start3A_437, %dma_start3A_438] : memref<8x128x32xf32, #tpu.memory_space<vmem>> -> memref<1x128x32xf32, #tpu.memory_space<vmem>>
          %dma_start3A_440 = tpu.memref_squeeze %dma_start3A_439 : memref<1x128x32xf32, #tpu.memory_space<vmem>> -> memref<128x32xf32, #tpu.memory_space<vmem>>
          %dma_start3A_441 = arith.constant 0 : i32
          %dma_start3A_442 = tpu.memref_slice %arg7[%add3A_435, %dma_start3A_441] : memref<80x128xi32, #tpu.memory_space<vmem>> -> memref<1x128xi32, #tpu.memory_space<vmem>>
          %dma_start3A_443 = tpu.memref_squeeze %dma_start3A_442 : memref<1x128xi32, #tpu.memory_space<vmem>> -> memref<128xi32, #tpu.memory_space<vmem>>
          %dma_start3A_444 = arith.constant 0 : i32
          %dma_start3A_445 = arith.constant 0 : i32
          %dma_start3A_446 = tpu.memref_slice %arg10[%dma_start3A_444, %dma_start3A_445] : memref<10112x32xf32, #tpu.memory_space<vmem_shared>> -> memref<10112x32xf32, #tpu.memory_space<vmem_shared>>
          tpu.enqueue_indirect_dma source(%dma_start3A_446 : memref<10112x32xf32, #tpu.memory_space<vmem_shared>>) target(%dma_start3A_440 : memref<128x32xf32, #tpu.memory_space<vmem>>) offsets(%dma_start3A_443 : memref<128xi32, #tpu.memory_space<vmem>>) semaphore(%arg19 : memref<!tpu.dma_semaphore, #tpu.memory_space<semaphore_mem>>)
        } else {
        }
        %mul3A_298 = arith.constant 8 : i32
        %mul3A_299 = arith.muli %scan3A_168, %mul3A_298 : i32
        %add3A_300 = arith.constant 4 : i32
        %add3A_301 = arith.addi %mul3A_299, %add3A_300 : i32
        %dma_wait3A_302 = arith.constant 4 : i32
        %dma_wait3A_303 = arith.constant 0 : i32
        %dma_wait3A_304 = arith.constant 0 : i32
        %dma_wait3A_305 = tpu.memref_slice %arg9[%dma_wait3A_302, %dma_wait3A_303, %dma_wait3A_304] : memref<8x128x32xf32, #tpu.memory_space<vmem>> -> memref<1x128x32xf32, #tpu.memory_space<vmem>>
        %dma_wait3A_306 = tpu.memref_squeeze %dma_wait3A_305 : memref<1x128x32xf32, #tpu.memory_space<vmem>> -> memref<128x32xf32, #tpu.memory_space<vmem>>
        %dma_wait3A_307 = arith.constant 0 : i32
        %dma_wait3A_308 = tpu.memref_slice %arg7[%add3A_301, %dma_wait3A_307] : memref<80x128xi32, #tpu.memory_space<vmem>> -> memref<1x128xi32, #tpu.memory_space<vmem>>
        %dma_wait3A_309 = tpu.memref_squeeze %dma_wait3A_308 : memref<1x128xi32, #tpu.memory_space<vmem>> -> memref<128xi32, #tpu.memory_space<vmem>>
        %dma_wait3A_310 = arith.constant 0 : i32
        %dma_wait3A_311 = arith.constant 0 : i32
        %dma_wait3A_312 = tpu.memref_slice %arg10[%dma_wait3A_310, %dma_wait3A_311] : memref<10112x32xf32, #tpu.memory_space<vmem_shared>> -> memref<10112x32xf32, #tpu.memory_space<vmem_shared>>
        tpu.wait_indirect_dma semaphore(%arg16 : memref<!tpu.dma_semaphore, #tpu.memory_space<semaphore_mem>>) src(%dma_wait3A_312 : memref<10112x32xf32, #tpu.memory_space<vmem_shared>>) dst(%dma_wait3A_306 : memref<128x32xf32, #tpu.memory_space<vmem>>)
        %dma_start3A_313 = arith.constant 4 : i32
        %dma_start3A_314 = arith.constant 0 : i32
        %dma_start3A_315 = arith.constant 0 : i32
        %dma_start3A_316 = tpu.memref_slice %arg9[%dma_start3A_313, %dma_start3A_314, %dma_start3A_315] : memref<8x128x32xf32, #tpu.memory_space<vmem>> -> memref<1x128x32xf32, #tpu.memory_space<vmem>>
        %dma_start3A_317 = tpu.memref_squeeze %dma_start3A_316 : memref<1x128x32xf32, #tpu.memory_space<vmem>> -> memref<128x32xf32, #tpu.memory_space<vmem>>
        %dma_start3A_318 = arith.constant 0 : i32
        %dma_start3A_319 = tpu.memref_slice %arg8[%add3A_301, %dma_start3A_318] : memref<80x128xi32, #tpu.memory_space<vmem>> -> memref<1x128xi32, #tpu.memory_space<vmem>>
        %dma_start3A_320 = tpu.memref_squeeze %dma_start3A_319 : memref<1x128xi32, #tpu.memory_space<vmem>> -> memref<128xi32, #tpu.memory_space<vmem>>
        %dma_start3A_321 = arith.constant 0 : i32
        %dma_start3A_322 = arith.constant 0 : i32
        %dma_start3A_323 = tpu.memref_slice %arg11[%dma_start3A_321, %dma_start3A_322] : memref<10112x32xf32, #tpu.memory_space<vmem_shared>> -> memref<10112x32xf32, #tpu.memory_space<vmem_shared>>
        tpu.enqueue_indirect_dma source(%dma_start3A_317 : memref<128x32xf32, #tpu.memory_space<vmem>>) target(%dma_start3A_323 : memref<10112x32xf32, #tpu.memory_space<vmem_shared>>) offsets(%dma_start3A_320 : memref<128xi32, #tpu.memory_space<vmem>>) semaphore(%arg24 : memref<!tpu.dma_semaphore, #tpu.memory_space<semaphore_mem>>) {add = true}
        %add3A_324 = arith.constant 4 : i32
        %add3A_325 = arith.addi %add3A_301, %add3A_324 : i32
        %lt3A_326 = arith.constant 80 : i32
        %lt3A_327 = arith.cmpi slt, %add3A_325, %lt3A_326 : i32
        %convert_element_type3A_328 = arith.extui %lt3A_327 : i1 to i32
        %cond3A_329 = arith.constant 0 : i32
        %cond3A_330 = arith.cmpi ne, %convert_element_type3A_328, %cond3A_329 : i32
        scf.if %cond3A_330 {
          %ge3A = arith.constant 4 : i32
          %ge3A_430 = arith.cmpi sge, %add3A_301, %ge3A : i32
          %convert_element_type3A_431 = arith.extui %ge3A_430 : i1 to i32
          %cond3A_432 = arith.constant 0 : i32
          %cond3A_433 = arith.cmpi ne, %convert_element_type3A_431, %cond3A_432 : i32
          scf.if %cond3A_433 {
            %dma_wait3A_447 = arith.constant 0 : i32
            %dma_wait3A_448 = arith.constant 0 : i32
            %dma_wait3A_449 = arith.constant 0 : i32
            %dma_wait3A_450 = arith.constant 0 : i32
            %dma_wait3A_451 = tpu.memref_slice %arg9[%dma_wait3A_447, %dma_wait3A_449, %dma_wait3A_450] : memref<8x128x32xf32, #tpu.memory_space<vmem>> -> memref<1x128x32xf32, #tpu.memory_space<vmem>>
            %dma_wait3A_452 = tpu.memref_squeeze %dma_wait3A_451 : memref<1x128x32xf32, #tpu.memory_space<vmem>> -> memref<128x32xf32, #tpu.memory_space<vmem>>
            %dma_wait3A_453 = arith.constant 0 : i32
            %dma_wait3A_454 = tpu.memref_slice %arg8[%dma_wait3A_448, %dma_wait3A_453] : memref<80x128xi32, #tpu.memory_space<vmem>> -> memref<1x128xi32, #tpu.memory_space<vmem>>
            %dma_wait3A_455 = tpu.memref_squeeze %dma_wait3A_454 : memref<1x128xi32, #tpu.memory_space<vmem>> -> memref<128xi32, #tpu.memory_space<vmem>>
            %dma_wait3A_456 = arith.constant 0 : i32
            %dma_wait3A_457 = arith.constant 0 : i32
            %dma_wait3A_458 = tpu.memref_slice %arg11[%dma_wait3A_456, %dma_wait3A_457] : memref<10112x32xf32, #tpu.memory_space<vmem_shared>> -> memref<10112x32xf32, #tpu.memory_space<vmem_shared>>
            tpu.wait_indirect_dma semaphore(%arg20 : memref<!tpu.dma_semaphore, #tpu.memory_space<semaphore_mem>>) src(%dma_wait3A_452 : memref<128x32xf32, #tpu.memory_space<vmem>>) dst(%dma_wait3A_458 : memref<10112x32xf32, #tpu.memory_space<vmem_shared>>)
          } else {
          }
          %add3A_434 = arith.constant 4 : i32
          %add3A_435 = arith.addi %add3A_301, %add3A_434 : i32
          %dma_start3A_436 = arith.constant 0 : i32
          %dma_start3A_437 = arith.constant 0 : i32
          %dma_start3A_438 = arith.constant 0 : i32
          %dma_start3A_439 = tpu.memref_slice %arg9[%dma_start3A_436, %dma_start3A_437, %dma_start3A_438] : memref<8x128x32xf32, #tpu.memory_space<vmem>> -> memref<1x128x32xf32, #tpu.memory_space<vmem>>
          %dma_start3A_440 = tpu.memref_squeeze %dma_start3A_439 : memref<1x128x32xf32, #tpu.memory_space<vmem>> -> memref<128x32xf32, #tpu.memory_space<vmem>>
          %dma_start3A_441 = arith.constant 0 : i32
          %dma_start3A_442 = tpu.memref_slice %arg7[%add3A_435, %dma_start3A_441] : memref<80x128xi32, #tpu.memory_space<vmem>> -> memref<1x128xi32, #tpu.memory_space<vmem>>
          %dma_start3A_443 = tpu.memref_squeeze %dma_start3A_442 : memref<1x128xi32, #tpu.memory_space<vmem>> -> memref<128xi32, #tpu.memory_space<vmem>>
          %dma_start3A_444 = arith.constant 0 : i32
          %dma_start3A_445 = arith.constant 0 : i32
          %dma_start3A_446 = tpu.memref_slice %arg10[%dma_start3A_444, %dma_start3A_445] : memref<10112x32xf32, #tpu.memory_space<vmem_shared>> -> memref<10112x32xf32, #tpu.memory_space<vmem_shared>>
          tpu.enqueue_indirect_dma source(%dma_start3A_446 : memref<10112x32xf32, #tpu.memory_space<vmem_shared>>) target(%dma_start3A_440 : memref<128x32xf32, #tpu.memory_space<vmem>>) offsets(%dma_start3A_443 : memref<128xi32, #tpu.memory_space<vmem>>) semaphore(%arg12 : memref<!tpu.dma_semaphore, #tpu.memory_space<semaphore_mem>>)
        } else {
        }
        %mul3A_331 = arith.constant 8 : i32
        %mul3A_332 = arith.muli %scan3A_168, %mul3A_331 : i32
        %add3A_333 = arith.constant 5 : i32
        %add3A_334 = arith.addi %mul3A_332, %add3A_333 : i32
        %dma_wait3A_335 = arith.constant 5 : i32
        %dma_wait3A_336 = arith.constant 0 : i32
        %dma_wait3A_337 = arith.constant 0 : i32
        %dma_wait3A_338 = tpu.memref_slice %arg9[%dma_wait3A_335, %dma_wait3A_336, %dma_wait3A_337] : memref<8x128x32xf32, #tpu.memory_space<vmem>> -> memref<1x128x32xf32, #tpu.memory_space<vmem>>
        %dma_wait3A_339 = tpu.memref_squeeze %dma_wait3A_338 : memref<1x128x32xf32, #tpu.memory_space<vmem>> -> memref<128x32xf32, #tpu.memory_space<vmem>>
        %dma_wait3A_340 = arith.constant 0 : i32
        %dma_wait3A_341 = tpu.memref_slice %arg7[%add3A_334, %dma_wait3A_340] : memref<80x128xi32, #tpu.memory_space<vmem>> -> memref<1x128xi32, #tpu.memory_space<vmem>>
        %dma_wait3A_342 = tpu.memref_squeeze %dma_wait3A_341 : memref<1x128xi32, #tpu.memory_space<vmem>> -> memref<128xi32, #tpu.memory_space<vmem>>
        %dma_wait3A_343 = arith.constant 0 : i32
        %dma_wait3A_344 = arith.constant 0 : i32
        %dma_wait3A_345 = tpu.memref_slice %arg10[%dma_wait3A_343, %dma_wait3A_344] : memref<10112x32xf32, #tpu.memory_space<vmem_shared>> -> memref<10112x32xf32, #tpu.memory_space<vmem_shared>>
        tpu.wait_indirect_dma semaphore(%arg17 : memref<!tpu.dma_semaphore, #tpu.memory_space<semaphore_mem>>) src(%dma_wait3A_345 : memref<10112x32xf32, #tpu.memory_space<vmem_shared>>) dst(%dma_wait3A_339 : memref<128x32xf32, #tpu.memory_space<vmem>>)
        %dma_start3A_346 = arith.constant 5 : i32
        %dma_start3A_347 = arith.constant 0 : i32
        %dma_start3A_348 = arith.constant 0 : i32
        %dma_start3A_349 = tpu.memref_slice %arg9[%dma_start3A_346, %dma_start3A_347, %dma_start3A_348] : memref<8x128x32xf32, #tpu.memory_space<vmem>> -> memref<1x128x32xf32, #tpu.memory_space<vmem>>
        %dma_start3A_350 = tpu.memref_squeeze %dma_start3A_349 : memref<1x128x32xf32, #tpu.memory_space<vmem>> -> memref<128x32xf32, #tpu.memory_space<vmem>>
        %dma_start3A_351 = arith.constant 0 : i32
        %dma_start3A_352 = tpu.memref_slice %arg8[%add3A_334, %dma_start3A_351] : memref<80x128xi32, #tpu.memory_space<vmem>> -> memref<1x128xi32, #tpu.memory_space<vmem>>
        %dma_start3A_353 = tpu.memref_squeeze %dma_start3A_352 : memref<1x128xi32, #tpu.memory_space<vmem>> -> memref<128xi32, #tpu.memory_space<vmem>>
        %dma_start3A_354 = arith.constant 0 : i32
        %dma_start3A_355 = arith.constant 0 : i32
        %dma_start3A_356 = tpu.memref_slice %arg11[%dma_start3A_354, %dma_start3A_355] : memref<10112x32xf32, #tpu.memory_space<vmem_shared>> -> memref<10112x32xf32, #tpu.memory_space<vmem_shared>>
        tpu.enqueue_indirect_dma source(%dma_start3A_350 : memref<128x32xf32, #tpu.memory_space<vmem>>) target(%dma_start3A_356 : memref<10112x32xf32, #tpu.memory_space<vmem_shared>>) offsets(%dma_start3A_353 : memref<128xi32, #tpu.memory_space<vmem>>) semaphore(%arg25 : memref<!tpu.dma_semaphore, #tpu.memory_space<semaphore_mem>>) {add = true}
        %add3A_357 = arith.constant 4 : i32
        %add3A_358 = arith.addi %add3A_334, %add3A_357 : i32
        %lt3A_359 = arith.constant 80 : i32
        %lt3A_360 = arith.cmpi slt, %add3A_358, %lt3A_359 : i32
        %convert_element_type3A_361 = arith.extui %lt3A_360 : i1 to i32
        %cond3A_362 = arith.constant 0 : i32
        %cond3A_363 = arith.cmpi ne, %convert_element_type3A_361, %cond3A_362 : i32
        scf.if %cond3A_363 {
          %ge3A = arith.constant 4 : i32
          %ge3A_430 = arith.cmpi sge, %add3A_334, %ge3A : i32
          %convert_element_type3A_431 = arith.extui %ge3A_430 : i1 to i32
          %cond3A_432 = arith.constant 0 : i32
          %cond3A_433 = arith.cmpi ne, %convert_element_type3A_431, %cond3A_432 : i32
          scf.if %cond3A_433 {
            %dma_wait3A_447 = arith.constant 1 : i32
            %dma_wait3A_448 = arith.constant 0 : i32
            %dma_wait3A_449 = arith.constant 0 : i32
            %dma_wait3A_450 = arith.constant 0 : i32
            %dma_wait3A_451 = tpu.memref_slice %arg9[%dma_wait3A_447, %dma_wait3A_449, %dma_wait3A_450] : memref<8x128x32xf32, #tpu.memory_space<vmem>> -> memref<1x128x32xf32, #tpu.memory_space<vmem>>
            %dma_wait3A_452 = tpu.memref_squeeze %dma_wait3A_451 : memref<1x128x32xf32, #tpu.memory_space<vmem>> -> memref<128x32xf32, #tpu.memory_space<vmem>>
            %dma_wait3A_453 = arith.constant 0 : i32
            %dma_wait3A_454 = tpu.memref_slice %arg8[%dma_wait3A_448, %dma_wait3A_453] : memref<80x128xi32, #tpu.memory_space<vmem>> -> memref<1x128xi32, #tpu.memory_space<vmem>>
            %dma_wait3A_455 = tpu.memref_squeeze %dma_wait3A_454 : memref<1x128xi32, #tpu.memory_space<vmem>> -> memref<128xi32, #tpu.memory_space<vmem>>
            %dma_wait3A_456 = arith.constant 0 : i32
            %dma_wait3A_457 = arith.constant 0 : i32
            %dma_wait3A_458 = tpu.memref_slice %arg11[%dma_wait3A_456, %dma_wait3A_457] : memref<10112x32xf32, #tpu.memory_space<vmem_shared>> -> memref<10112x32xf32, #tpu.memory_space<vmem_shared>>
            tpu.wait_indirect_dma semaphore(%arg21 : memref<!tpu.dma_semaphore, #tpu.memory_space<semaphore_mem>>) src(%dma_wait3A_452 : memref<128x32xf32, #tpu.memory_space<vmem>>) dst(%dma_wait3A_458 : memref<10112x32xf32, #tpu.memory_space<vmem_shared>>)
          } else {
          }
          %add3A_434 = arith.constant 4 : i32
          %add3A_435 = arith.addi %add3A_334, %add3A_434 : i32
          %dma_start3A_436 = arith.constant 1 : i32
          %dma_start3A_437 = arith.constant 0 : i32
          %dma_start3A_438 = arith.constant 0 : i32
          %dma_start3A_439 = tpu.memref_slice %arg9[%dma_start3A_436, %dma_start3A_437, %dma_start3A_438] : memref<8x128x32xf32, #tpu.memory_space<vmem>> -> memref<1x128x32xf32, #tpu.memory_space<vmem>>
          %dma_start3A_440 = tpu.memref_squeeze %dma_start3A_439 : memref<1x128x32xf32, #tpu.memory_space<vmem>> -> memref<128x32xf32, #tpu.memory_space<vmem>>
          %dma_start3A_441 = arith.constant 0 : i32
          %dma_start3A_442 = tpu.memref_slice %arg7[%add3A_435, %dma_start3A_441] : memref<80x128xi32, #tpu.memory_space<vmem>> -> memref<1x128xi32, #tpu.memory_space<vmem>>
          %dma_start3A_443 = tpu.memref_squeeze %dma_start3A_442 : memref<1x128xi32, #tpu.memory_space<vmem>> -> memref<128xi32, #tpu.memory_space<vmem>>
          %dma_start3A_444 = arith.constant 0 : i32
          %dma_start3A_445 = arith.constant 0 : i32
          %dma_start3A_446 = tpu.memref_slice %arg10[%dma_start3A_444, %dma_start3A_445] : memref<10112x32xf32, #tpu.memory_space<vmem_shared>> -> memref<10112x32xf32, #tpu.memory_space<vmem_shared>>
          tpu.enqueue_indirect_dma source(%dma_start3A_446 : memref<10112x32xf32, #tpu.memory_space<vmem_shared>>) target(%dma_start3A_440 : memref<128x32xf32, #tpu.memory_space<vmem>>) offsets(%dma_start3A_443 : memref<128xi32, #tpu.memory_space<vmem>>) semaphore(%arg13 : memref<!tpu.dma_semaphore, #tpu.memory_space<semaphore_mem>>)
        } else {
        }
        %mul3A_364 = arith.constant 8 : i32
        %mul3A_365 = arith.muli %scan3A_168, %mul3A_364 : i32
        %add3A_366 = arith.constant 6 : i32
        %add3A_367 = arith.addi %mul3A_365, %add3A_366 : i32
        %dma_wait3A_368 = arith.constant 6 : i32
        %dma_wait3A_369 = arith.constant 0 : i32
        %dma_wait3A_370 = arith.constant 0 : i32
        %dma_wait3A_371 = tpu.memref_slice %arg9[%dma_wait3A_368, %dma_wait3A_369, %dma_wait3A_370] : memref<8x128x32xf32, #tpu.memory_space<vmem>> -> memref<1x128x32xf32, #tpu.memory_space<vmem>>
        %dma_wait3A_372 = tpu.memref_squeeze %dma_wait3A_371 : memref<1x128x32xf32, #tpu.memory_space<vmem>> -> memref<128x32xf32, #tpu.memory_space<vmem>>
        %dma_wait3A_373 = arith.constant 0 : i32
        %dma_wait3A_374 = tpu.memref_slice %arg7[%add3A_367, %dma_wait3A_373] : memref<80x128xi32, #tpu.memory_space<vmem>> -> memref<1x128xi32, #tpu.memory_space<vmem>>
        %dma_wait3A_375 = tpu.memref_squeeze %dma_wait3A_374 : memref<1x128xi32, #tpu.memory_space<vmem>> -> memref<128xi32, #tpu.memory_space<vmem>>
        %dma_wait3A_376 = arith.constant 0 : i32
        %dma_wait3A_377 = arith.constant 0 : i32
        %dma_wait3A_378 = tpu.memref_slice %arg10[%dma_wait3A_376, %dma_wait3A_377] : memref<10112x32xf32, #tpu.memory_space<vmem_shared>> -> memref<10112x32xf32, #tpu.memory_space<vmem_shared>>
        tpu.wait_indirect_dma semaphore(%arg18 : memref<!tpu.dma_semaphore, #tpu.memory_space<semaphore_mem>>) src(%dma_wait3A_378 : memref<10112x32xf32, #tpu.memory_space<vmem_shared>>) dst(%dma_wait3A_372 : memref<128x32xf32, #tpu.memory_space<vmem>>)
        %dma_start3A_379 = arith.constant 6 : i32
        %dma_start3A_380 = arith.constant 0 : i32
        %dma_start3A_381 = arith.constant 0 : i32
        %dma_start3A_382 = tpu.memref_slice %arg9[%dma_start3A_379, %dma_start3A_380, %dma_start3A_381] : memref<8x128x32xf32, #tpu.memory_space<vmem>> -> memref<1x128x32xf32, #tpu.memory_space<vmem>>
        %dma_start3A_383 = tpu.memref_squeeze %dma_start3A_382 : memref<1x128x32xf32, #tpu.memory_space<vmem>> -> memref<128x32xf32, #tpu.memory_space<vmem>>
        %dma_start3A_384 = arith.constant 0 : i32
        %dma_start3A_385 = tpu.memref_slice %arg8[%add3A_367, %dma_start3A_384] : memref<80x128xi32, #tpu.memory_space<vmem>> -> memref<1x128xi32, #tpu.memory_space<vmem>>
        %dma_start3A_386 = tpu.memref_squeeze %dma_start3A_385 : memref<1x128xi32, #tpu.memory_space<vmem>> -> memref<128xi32, #tpu.memory_space<vmem>>
        %dma_start3A_387 = arith.constant 0 : i32
        %dma_start3A_388 = arith.constant 0 : i32
        %dma_start3A_389 = tpu.memref_slice %arg11[%dma_start3A_387, %dma_start3A_388] : memref<10112x32xf32, #tpu.memory_space<vmem_shared>> -> memref<10112x32xf32, #tpu.memory_space<vmem_shared>>
        tpu.enqueue_indirect_dma source(%dma_start3A_383 : memref<128x32xf32, #tpu.memory_space<vmem>>) target(%dma_start3A_389 : memref<10112x32xf32, #tpu.memory_space<vmem_shared>>) offsets(%dma_start3A_386 : memref<128xi32, #tpu.memory_space<vmem>>) semaphore(%arg26 : memref<!tpu.dma_semaphore, #tpu.memory_space<semaphore_mem>>) {add = true}
        %add3A_390 = arith.constant 4 : i32
        %add3A_391 = arith.addi %add3A_367, %add3A_390 : i32
        %lt3A_392 = arith.constant 80 : i32
        %lt3A_393 = arith.cmpi slt, %add3A_391, %lt3A_392 : i32
        %convert_element_type3A_394 = arith.extui %lt3A_393 : i1 to i32
        %cond3A_395 = arith.constant 0 : i32
        %cond3A_396 = arith.cmpi ne, %convert_element_type3A_394, %cond3A_395 : i32
        scf.if %cond3A_396 {
          %ge3A = arith.constant 4 : i32
          %ge3A_430 = arith.cmpi sge, %add3A_367, %ge3A : i32
          %convert_element_type3A_431 = arith.extui %ge3A_430 : i1 to i32
          %cond3A_432 = arith.constant 0 : i32
          %cond3A_433 = arith.cmpi ne, %convert_element_type3A_431, %cond3A_432 : i32
          scf.if %cond3A_433 {
            %dma_wait3A_447 = arith.constant 2 : i32
            %dma_wait3A_448 = arith.constant 0 : i32
            %dma_wait3A_449 = arith.constant 0 : i32
            %dma_wait3A_450 = arith.constant 0 : i32
            %dma_wait3A_451 = tpu.memref_slice %arg9[%dma_wait3A_447, %dma_wait3A_449, %dma_wait3A_450] : memref<8x128x32xf32, #tpu.memory_space<vmem>> -> memref<1x128x32xf32, #tpu.memory_space<vmem>>
            %dma_wait3A_452 = tpu.memref_squeeze %dma_wait3A_451 : memref<1x128x32xf32, #tpu.memory_space<vmem>> -> memref<128x32xf32, #tpu.memory_space<vmem>>
            %dma_wait3A_453 = arith.constant 0 : i32
            %dma_wait3A_454 = tpu.memref_slice %arg8[%dma_wait3A_448, %dma_wait3A_453] : memref<80x128xi32, #tpu.memory_space<vmem>> -> memref<1x128xi32, #tpu.memory_space<vmem>>
            %dma_wait3A_455 = tpu.memref_squeeze %dma_wait3A_454 : memref<1x128xi32, #tpu.memory_space<vmem>> -> memref<128xi32, #tpu.memory_space<vmem>>
            %dma_wait3A_456 = arith.constant 0 : i32
            %dma_wait3A_457 = arith.constant 0 : i32
            %dma_wait3A_458 = tpu.memref_slice %arg11[%dma_wait3A_456, %dma_wait3A_457] : memref<10112x32xf32, #tpu.memory_space<vmem_shared>> -> memref<10112x32xf32, #tpu.memory_space<vmem_shared>>
            tpu.wait_indirect_dma semaphore(%arg22 : memref<!tpu.dma_semaphore, #tpu.memory_space<semaphore_mem>>) src(%dma_wait3A_452 : memref<128x32xf32, #tpu.memory_space<vmem>>) dst(%dma_wait3A_458 : memref<10112x32xf32, #tpu.memory_space<vmem_shared>>)
          } else {
          }
          %add3A_434 = arith.constant 4 : i32
          %add3A_435 = arith.addi %add3A_367, %add3A_434 : i32
          %dma_start3A_436 = arith.constant 2 : i32
          %dma_start3A_437 = arith.constant 0 : i32
          %dma_start3A_438 = arith.constant 0 : i32
          %dma_start3A_439 = tpu.memref_slice %arg9[%dma_start3A_436, %dma_start3A_437, %dma_start3A_438] : memref<8x128x32xf32, #tpu.memory_space<vmem>> -> memref<1x128x32xf32, #tpu.memory_space<vmem>>
          %dma_start3A_440 = tpu.memref_squeeze %dma_start3A_439 : memref<1x128x32xf32, #tpu.memory_space<vmem>> -> memref<128x32xf32, #tpu.memory_space<vmem>>
          %dma_start3A_441 = arith.constant 0 : i32
          %dma_start3A_442 = tpu.memref_slice %arg7[%add3A_435, %dma_start3A_441] : memref<80x128xi32, #tpu.memory_space<vmem>> -> memref<1x128xi32, #tpu.memory_space<vmem>>
          %dma_start3A_443 = tpu.memref_squeeze %dma_start3A_442 : memref<1x128xi32, #tpu.memory_space<vmem>> -> memref<128xi32, #tpu.memory_space<vmem>>
          %dma_start3A_444 = arith.constant 0 : i32
          %dma_start3A_445 = arith.constant 0 : i32
          %dma_start3A_446 = tpu.memref_slice %arg10[%dma_start3A_444, %dma_start3A_445] : memref<10112x32xf32, #tpu.memory_space<vmem_shared>> -> memref<10112x32xf32, #tpu.memory_space<vmem_shared>>
          tpu.enqueue_indirect_dma source(%dma_start3A_446 : memref<10112x32xf32, #tpu.memory_space<vmem_shared>>) target(%dma_start3A_440 : memref<128x32xf32, #tpu.memory_space<vmem>>) offsets(%dma_start3A_443 : memref<128xi32, #tpu.memory_space<vmem>>) semaphore(%arg14 : memref<!tpu.dma_semaphore, #tpu.memory_space<semaphore_mem>>)
        } else {
        }
        %mul3A_397 = arith.constant 8 : i32
        %mul3A_398 = arith.muli %scan3A_168, %mul3A_397 : i32
        %add3A_399 = arith.constant 7 : i32
        %add3A_400 = arith.addi %mul3A_398, %add3A_399 : i32
        %dma_wait3A_401 = arith.constant 7 : i32
        %dma_wait3A_402 = arith.constant 0 : i32
        %dma_wait3A_403 = arith.constant 0 : i32
        %dma_wait3A_404 = tpu.memref_slice %arg9[%dma_wait3A_401, %dma_wait3A_402, %dma_wait3A_403] : memref<8x128x32xf32, #tpu.memory_space<vmem>> -> memref<1x128x32xf32, #tpu.memory_space<vmem>>
        %dma_wait3A_405 = tpu.memref_squeeze %dma_wait3A_404 : memref<1x128x32xf32, #tpu.memory_space<vmem>> -> memref<128x32xf32, #tpu.memory_space<vmem>>
        %dma_wait3A_406 = arith.constant 0 : i32
        %dma_wait3A_407 = tpu.memref_slice %arg7[%add3A_400, %dma_wait3A_406] : memref<80x128xi32, #tpu.memory_space<vmem>> -> memref<1x128xi32, #tpu.memory_space<vmem>>
        %dma_wait3A_408 = tpu.memref_squeeze %dma_wait3A_407 : memref<1x128xi32, #tpu.memory_space<vmem>> -> memref<128xi32, #tpu.memory_space<vmem>>
        %dma_wait3A_409 = arith.constant 0 : i32
        %dma_wait3A_410 = arith.constant 0 : i32
        %dma_wait3A_411 = tpu.memref_slice %arg10[%dma_wait3A_409, %dma_wait3A_410] : memref<10112x32xf32, #tpu.memory_space<vmem_shared>> -> memref<10112x32xf32, #tpu.memory_space<vmem_shared>>
        tpu.wait_indirect_dma semaphore(%arg19 : memref<!tpu.dma_semaphore, #tpu.memory_space<semaphore_mem>>) src(%dma_wait3A_411 : memref<10112x32xf32, #tpu.memory_space<vmem_shared>>) dst(%dma_wait3A_405 : memref<128x32xf32, #tpu.memory_space<vmem>>)
        %dma_start3A_412 = arith.constant 7 : i32
        %dma_start3A_413 = arith.constant 0 : i32
        %dma_start3A_414 = arith.constant 0 : i32
        %dma_start3A_415 = tpu.memref_slice %arg9[%dma_start3A_412, %dma_start3A_413, %dma_start3A_414] : memref<8x128x32xf32, #tpu.memory_space<vmem>> -> memref<1x128x32xf32, #tpu.memory_space<vmem>>
        %dma_start3A_416 = tpu.memref_squeeze %dma_start3A_415 : memref<1x128x32xf32, #tpu.memory_space<vmem>> -> memref<128x32xf32, #tpu.memory_space<vmem>>
        %dma_start3A_417 = arith.constant 0 : i32
        %dma_start3A_418 = tpu.memref_slice %arg8[%add3A_400, %dma_start3A_417] : memref<80x128xi32, #tpu.memory_space<vmem>> -> memref<1x128xi32, #tpu.memory_space<vmem>>
        %dma_start3A_419 = tpu.memref_squeeze %dma_start3A_418 : memref<1x128xi32, #tpu.memory_space<vmem>> -> memref<128xi32, #tpu.memory_space<vmem>>
        %dma_start3A_420 = arith.constant 0 : i32
        %dma_start3A_421 = arith.constant 0 : i32
        %dma_start3A_422 = tpu.memref_slice %arg11[%dma_start3A_420, %dma_start3A_421] : memref<10112x32xf32, #tpu.memory_space<vmem_shared>> -> memref<10112x32xf32, #tpu.memory_space<vmem_shared>>
        tpu.enqueue_indirect_dma source(%dma_start3A_416 : memref<128x32xf32, #tpu.memory_space<vmem>>) target(%dma_start3A_422 : memref<10112x32xf32, #tpu.memory_space<vmem_shared>>) offsets(%dma_start3A_419 : memref<128xi32, #tpu.memory_space<vmem>>) semaphore(%arg27 : memref<!tpu.dma_semaphore, #tpu.memory_space<semaphore_mem>>) {add = true}
        %add3A_423 = arith.constant 4 : i32
        %add3A_424 = arith.addi %add3A_400, %add3A_423 : i32
        %lt3A_425 = arith.constant 80 : i32
        %lt3A_426 = arith.cmpi slt, %add3A_424, %lt3A_425 : i32
        %convert_element_type3A_427 = arith.extui %lt3A_426 : i1 to i32
        %cond3A_428 = arith.constant 0 : i32
        %cond3A_429 = arith.cmpi ne, %convert_element_type3A_427, %cond3A_428 : i32
        scf.if %cond3A_429 {
          %ge3A = arith.constant 4 : i32
          %ge3A_430 = arith.cmpi sge, %add3A_400, %ge3A : i32
          %convert_element_type3A_431 = arith.extui %ge3A_430 : i1 to i32
          %cond3A_432 = arith.constant 0 : i32
          %cond3A_433 = arith.cmpi ne, %convert_element_type3A_431, %cond3A_432 : i32
          scf.if %cond3A_433 {
            %dma_wait3A_447 = arith.constant 3 : i32
            %dma_wait3A_448 = arith.constant 0 : i32
            %dma_wait3A_449 = arith.constant 0 : i32
            %dma_wait3A_450 = arith.constant 0 : i32
            %dma_wait3A_451 = tpu.memref_slice %arg9[%dma_wait3A_447, %dma_wait3A_449, %dma_wait3A_450] : memref<8x128x32xf32, #tpu.memory_space<vmem>> -> memref<1x128x32xf32, #tpu.memory_space<vmem>>
            %dma_wait3A_452 = tpu.memref_squeeze %dma_wait3A_451 : memref<1x128x32xf32, #tpu.memory_space<vmem>> -> memref<128x32xf32, #tpu.memory_space<vmem>>
            %dma_wait3A_453 = arith.constant 0 : i32
            %dma_wait3A_454 = tpu.memref_slice %arg8[%dma_wait3A_448, %dma_wait3A_453] : memref<80x128xi32, #tpu.memory_space<vmem>> -> memref<1x128xi32, #tpu.memory_space<vmem>>
            %dma_wait3A_455 = tpu.memref_squeeze %dma_wait3A_454 : memref<1x128xi32, #tpu.memory_space<vmem>> -> memref<128xi32, #tpu.memory_space<vmem>>
            %dma_wait3A_456 = arith.constant 0 : i32
            %dma_wait3A_457 = arith.constant 0 : i32
            %dma_wait3A_458 = tpu.memref_slice %arg11[%dma_wait3A_456, %dma_wait3A_457] : memref<10112x32xf32, #tpu.memory_space<vmem_shared>> -> memref<10112x32xf32, #tpu.memory_space<vmem_shared>>
            tpu.wait_indirect_dma semaphore(%arg23 : memref<!tpu.dma_semaphore, #tpu.memory_space<semaphore_mem>>) src(%dma_wait3A_452 : memref<128x32xf32, #tpu.memory_space<vmem>>) dst(%dma_wait3A_458 : memref<10112x32xf32, #tpu.memory_space<vmem_shared>>)
          } else {
          }
          %add3A_434 = arith.constant 4 : i32
          %add3A_435 = arith.addi %add3A_400, %add3A_434 : i32
          %dma_start3A_436 = arith.constant 3 : i32
          %dma_start3A_437 = arith.constant 0 : i32
          %dma_start3A_438 = arith.constant 0 : i32
          %dma_start3A_439 = tpu.memref_slice %arg9[%dma_start3A_436, %dma_start3A_437, %dma_start3A_438] : memref<8x128x32xf32, #tpu.memory_space<vmem>> -> memref<1x128x32xf32, #tpu.memory_space<vmem>>
          %dma_start3A_440 = tpu.memref_squeeze %dma_start3A_439 : memref<1x128x32xf32, #tpu.memory_space<vmem>> -> memref<128x32xf32, #tpu.memory_space<vmem>>
          %dma_start3A_441 = arith.constant 0 : i32
          %dma_start3A_442 = tpu.memref_slice %arg7[%add3A_435, %dma_start3A_441] : memref<80x128xi32, #tpu.memory_space<vmem>> -> memref<1x128xi32, #tpu.memory_space<vmem>>
          %dma_start3A_443 = tpu.memref_squeeze %dma_start3A_442 : memref<1x128xi32, #tpu.memory_space<vmem>> -> memref<128xi32, #tpu.memory_space<vmem>>
          %dma_start3A_444 = arith.constant 0 : i32
          %dma_start3A_445 = arith.constant 0 : i32
          %dma_start3A_446 = tpu.memref_slice %arg10[%dma_start3A_444, %dma_start3A_445] : memref<10112x32xf32, #tpu.memory_space<vmem_shared>> -> memref<10112x32xf32, #tpu.memory_space<vmem_shared>>
          tpu.enqueue_indirect_dma source(%dma_start3A_446 : memref<10112x32xf32, #tpu.memory_space<vmem_shared>>) target(%dma_start3A_440 : memref<128x32xf32, #tpu.memory_space<vmem>>) offsets(%dma_start3A_443 : memref<128xi32, #tpu.memory_space<vmem>>) semaphore(%arg15 : memref<!tpu.dma_semaphore, #tpu.memory_space<semaphore_mem>>)
        } else {
        }
      }
      %scan3A_67 = arith.constant 10 : i32
      %dma_wait3A = arith.constant 0 : i32
      %dma_wait3A_68 = arith.constant 0 : i32
      %dma_wait3A_69 = arith.constant 0 : i32
      %dma_wait3A_70 = arith.constant 0 : i32
      %dma_wait3A_71 = tpu.memref_slice %arg9[%dma_wait3A, %dma_wait3A_69, %dma_wait3A_70] : memref<8x128x32xf32, #tpu.memory_space<vmem>> -> memref<1x128x32xf32, #tpu.memory_space<vmem>>
      %dma_wait3A_72 = tpu.memref_squeeze %dma_wait3A_71 : memref<1x128x32xf32, #tpu.memory_space<vmem>> -> memref<128x32xf32, #tpu.memory_space<vmem>>
      %dma_wait3A_73 = arith.constant 0 : i32
      %dma_wait3A_74 = tpu.memref_slice %arg8[%dma_wait3A_68, %dma_wait3A_73] : memref<80x128xi32, #tpu.memory_space<vmem>> -> memref<1x128xi32, #tpu.memory_space<vmem>>
      %dma_wait3A_75 = tpu.memref_squeeze %dma_wait3A_74 : memref<1x128xi32, #tpu.memory_space<vmem>> -> memref<128xi32, #tpu.memory_space<vmem>>
      %dma_wait3A_76 = arith.constant 0 : i32
      %dma_wait3A_77 = arith.constant 0 : i32
      %dma_wait3A_78 = tpu.memref_slice %arg11[%dma_wait3A_76, %dma_wait3A_77] : memref<10112x32xf32, #tpu.memory_space<vmem_shared>> -> memref<10112x32xf32, #tpu.memory_space<vmem_shared>>
      tpu.wait_indirect_dma semaphore(%arg20 : memref<!tpu.dma_semaphore, #tpu.memory_space<semaphore_mem>>) src(%dma_wait3A_72 : memref<128x32xf32, #tpu.memory_space<vmem>>) dst(%dma_wait3A_78 : memref<10112x32xf32, #tpu.memory_space<vmem_shared>>)
      %dma_wait3A_79 = arith.constant 1 : i32
      %dma_wait3A_80 = arith.constant 0 : i32
      %dma_wait3A_81 = arith.constant 0 : i32
      %dma_wait3A_82 = arith.constant 0 : i32
      %dma_wait3A_83 = tpu.memref_slice %arg9[%dma_wait3A_79, %dma_wait3A_81, %dma_wait3A_82] : memref<8x128x32xf32, #tpu.memory_space<vmem>> -> memref<1x128x32xf32, #tpu.memory_space<vmem>>
      %dma_wait3A_84 = tpu.memref_squeeze %dma_wait3A_83 : memref<1x128x32xf32, #tpu.memory_space<vmem>> -> memref<128x32xf32, #tpu.memory_space<vmem>>
      %dma_wait3A_85 = arith.constant 0 : i32
      %dma_wait3A_86 = tpu.memref_slice %arg8[%dma_wait3A_80, %dma_wait3A_85] : memref<80x128xi32, #tpu.memory_space<vmem>> -> memref<1x128xi32, #tpu.memory_space<vmem>>
      %dma_wait3A_87 = tpu.memref_squeeze %dma_wait3A_86 : memref<1x128xi32, #tpu.memory_space<vmem>> -> memref<128xi32, #tpu.memory_space<vmem>>
      %dma_wait3A_88 = arith.constant 0 : i32
      %dma_wait3A_89 = arith.constant 0 : i32
      %dma_wait3A_90 = tpu.memref_slice %arg11[%dma_wait3A_88, %dma_wait3A_89] : memref<10112x32xf32, #tpu.memory_space<vmem_shared>> -> memref<10112x32xf32, #tpu.memory_space<vmem_shared>>
      tpu.wait_indirect_dma semaphore(%arg21 : memref<!tpu.dma_semaphore, #tpu.memory_space<semaphore_mem>>) src(%dma_wait3A_84 : memref<128x32xf32, #tpu.memory_space<vmem>>) dst(%dma_wait3A_90 : memref<10112x32xf32, #tpu.memory_space<vmem_shared>>)
      %dma_wait3A_91 = arith.constant 2 : i32
      %dma_wait3A_92 = arith.constant 0 : i32
      %dma_wait3A_93 = arith.constant 0 : i32
      %dma_wait3A_94 = arith.constant 0 : i32
      %dma_wait3A_95 = tpu.memref_slice %arg9[%dma_wait3A_91, %dma_wait3A_93, %dma_wait3A_94] : memref<8x128x32xf32, #tpu.memory_space<vmem>> -> memref<1x128x32xf32, #tpu.memory_space<vmem>>
      %dma_wait3A_96 = tpu.memref_squeeze %dma_wait3A_95 : memref<1x128x32xf32, #tpu.memory_space<vmem>> -> memref<128x32xf32, #tpu.memory_space<vmem>>
      %dma_wait3A_97 = arith.constant 0 : i32
      %dma_wait3A_98 = tpu.memref_slice %arg8[%dma_wait3A_92, %dma_wait3A_97] : memref<80x128xi32, #tpu.memory_space<vmem>> -> memref<1x128xi32, #tpu.memory_space<vmem>>
      %dma_wait3A_99 = tpu.memref_squeeze %dma_wait3A_98 : memref<1x128xi32, #tpu.memory_space<vmem>> -> memref<128xi32, #tpu.memory_space<vmem>>
      %dma_wait3A_100 = arith.constant 0 : i32
      %dma_wait3A_101 = arith.constant 0 : i32
      %dma_wait3A_102 = tpu.memref_slice %arg11[%dma_wait3A_100, %dma_wait3A_101] : memref<10112x32xf32, #tpu.memory_space<vmem_shared>> -> memref<10112x32xf32, #tpu.memory_space<vmem_shared>>
      tpu.wait_indirect_dma semaphore(%arg22 : memref<!tpu.dma_semaphore, #tpu.memory_space<semaphore_mem>>) src(%dma_wait3A_96 : memref<128x32xf32, #tpu.memory_space<vmem>>) dst(%dma_wait3A_102 : memref<10112x32xf32, #tpu.memory_space<vmem_shared>>)
      %dma_wait3A_103 = arith.constant 3 : i32
      %dma_wait3A_104 = arith.constant 0 : i32
      %dma_wait3A_105 = arith.constant 0 : i32
      %dma_wait3A_106 = arith.constant 0 : i32
      %dma_wait3A_107 = tpu.memref_slice %arg9[%dma_wait3A_103, %dma_wait3A_105, %dma_wait3A_106] : memref<8x128x32xf32, #tpu.memory_space<vmem>> -> memref<1x128x32xf32, #tpu.memory_space<vmem>>
      %dma_wait3A_108 = tpu.memref_squeeze %dma_wait3A_107 : memref<1x128x32xf32, #tpu.memory_space<vmem>> -> memref<128x32xf32, #tpu.memory_space<vmem>>
      %dma_wait3A_109 = arith.constant 0 : i32
      %dma_wait3A_110 = tpu.memref_slice %arg8[%dma_wait3A_104, %dma_wait3A_109] : memref<80x128xi32, #tpu.memory_space<vmem>> -> memref<1x128xi32, #tpu.memory_space<vmem>>
      %dma_wait3A_111 = tpu.memref_squeeze %dma_wait3A_110 : memref<1x128xi32, #tpu.memory_space<vmem>> -> memref<128xi32, #tpu.memory_space<vmem>>
      %dma_wait3A_112 = arith.constant 0 : i32
      %dma_wait3A_113 = arith.constant 0 : i32
      %dma_wait3A_114 = tpu.memref_slice %arg11[%dma_wait3A_112, %dma_wait3A_113] : memref<10112x32xf32, #tpu.memory_space<vmem_shared>> -> memref<10112x32xf32, #tpu.memory_space<vmem_shared>>
      tpu.wait_indirect_dma semaphore(%arg23 : memref<!tpu.dma_semaphore, #tpu.memory_space<semaphore_mem>>) src(%dma_wait3A_108 : memref<128x32xf32, #tpu.memory_space<vmem>>) dst(%dma_wait3A_114 : memref<10112x32xf32, #tpu.memory_space<vmem_shared>>)
      %dma_wait3A_115 = arith.constant 4 : i32
      %dma_wait3A_116 = arith.constant 0 : i32
      %dma_wait3A_117 = arith.constant 0 : i32
      %dma_wait3A_118 = arith.constant 0 : i32
      %dma_wait3A_119 = tpu.memref_slice %arg9[%dma_wait3A_115, %dma_wait3A_117, %dma_wait3A_118] : memref<8x128x32xf32, #tpu.memory_space<vmem>> -> memref<1x128x32xf32, #tpu.memory_space<vmem>>
      %dma_wait3A_120 = tpu.memref_squeeze %dma_wait3A_119 : memref<1x128x32xf32, #tpu.memory_space<vmem>> -> memref<128x32xf32, #tpu.memory_space<vmem>>
      %dma_wait3A_121 = arith.constant 0 : i32
      %dma_wait3A_122 = tpu.memref_slice %arg8[%dma_wait3A_116, %dma_wait3A_121] : memref<80x128xi32, #tpu.memory_space<vmem>> -> memref<1x128xi32, #tpu.memory_space<vmem>>
      %dma_wait3A_123 = tpu.memref_squeeze %dma_wait3A_122 : memref<1x128xi32, #tpu.memory_space<vmem>> -> memref<128xi32, #tpu.memory_space<vmem>>
      %dma_wait3A_124 = arith.constant 0 : i32
      %dma_wait3A_125 = arith.constant 0 : i32
      %dma_wait3A_126 = tpu.memref_slice %arg11[%dma_wait3A_124, %dma_wait3A_125] : memref<10112x32xf32, #tpu.memory_space<vmem_shared>> -> memref<10112x32xf32, #tpu.memory_space<vmem_shared>>
      tpu.wait_indirect_dma semaphore(%arg24 : memref<!tpu.dma_semaphore, #tpu.memory_space<semaphore_mem>>) src(%dma_wait3A_120 : memref<128x32xf32, #tpu.memory_space<vmem>>) dst(%dma_wait3A_126 : memref<10112x32xf32, #tpu.memory_space<vmem_shared>>)
      %dma_wait3A_127 = arith.constant 5 : i32
      %dma_wait3A_128 = arith.constant 0 : i32
      %dma_wait3A_129 = arith.constant 0 : i32
      %dma_wait3A_130 = arith.constant 0 : i32
      %dma_wait3A_131 = tpu.memref_slice %arg9[%dma_wait3A_127, %dma_wait3A_129, %dma_wait3A_130] : memref<8x128x32xf32, #tpu.memory_space<vmem>> -> memref<1x128x32xf32, #tpu.memory_space<vmem>>
      %dma_wait3A_132 = tpu.memref_squeeze %dma_wait3A_131 : memref<1x128x32xf32, #tpu.memory_space<vmem>> -> memref<128x32xf32, #tpu.memory_space<vmem>>
      %dma_wait3A_133 = arith.constant 0 : i32
      %dma_wait3A_134 = tpu.memref_slice %arg8[%dma_wait3A_128, %dma_wait3A_133] : memref<80x128xi32, #tpu.memory_space<vmem>> -> memref<1x128xi32, #tpu.memory_space<vmem>>
      %dma_wait3A_135 = tpu.memref_squeeze %dma_wait3A_134 : memref<1x128xi32, #tpu.memory_space<vmem>> -> memref<128xi32, #tpu.memory_space<vmem>>
      %dma_wait3A_136 = arith.constant 0 : i32
      %dma_wait3A_137 = arith.constant 0 : i32
      %dma_wait3A_138 = tpu.memref_slice %arg11[%dma_wait3A_136, %dma_wait3A_137] : memref<10112x32xf32, #tpu.memory_space<vmem_shared>> -> memref<10112x32xf32, #tpu.memory_space<vmem_shared>>
      tpu.wait_indirect_dma semaphore(%arg25 : memref<!tpu.dma_semaphore, #tpu.memory_space<semaphore_mem>>) src(%dma_wait3A_132 : memref<128x32xf32, #tpu.memory_space<vmem>>) dst(%dma_wait3A_138 : memref<10112x32xf32, #tpu.memory_space<vmem_shared>>)
      %dma_wait3A_139 = arith.constant 6 : i32
      %dma_wait3A_140 = arith.constant 0 : i32
      %dma_wait3A_141 = arith.constant 0 : i32
      %dma_wait3A_142 = arith.constant 0 : i32
      %dma_wait3A_143 = tpu.memref_slice %arg9[%dma_wait3A_139, %dma_wait3A_141, %dma_wait3A_142] : memref<8x128x32xf32, #tpu.memory_space<vmem>> -> memref<1x128x32xf32, #tpu.memory_space<vmem>>
      %dma_wait3A_144 = tpu.memref_squeeze %dma_wait3A_143 : memref<1x128x32xf32, #tpu.memory_space<vmem>> -> memref<128x32xf32, #tpu.memory_space<vmem>>
      %dma_wait3A_145 = arith.constant 0 : i32
      %dma_wait3A_146 = tpu.memref_slice %arg8[%dma_wait3A_140, %dma_wait3A_145] : memref<80x128xi32, #tpu.memory_space<vmem>> -> memref<1x128xi32, #tpu.memory_space<vmem>>
      %dma_wait3A_147 = tpu.memref_squeeze %dma_wait3A_146 : memref<1x128xi32, #tpu.memory_space<vmem>> -> memref<128xi32, #tpu.memory_space<vmem>>
      %dma_wait3A_148 = arith.constant 0 : i32
      %dma_wait3A_149 = arith.constant 0 : i32
      %dma_wait3A_150 = tpu.memref_slice %arg11[%dma_wait3A_148, %dma_wait3A_149] : memref<10112x32xf32, #tpu.memory_space<vmem_shared>> -> memref<10112x32xf32, #tpu.memory_space<vmem_shared>>
      tpu.wait_indirect_dma semaphore(%arg26 : memref<!tpu.dma_semaphore, #tpu.memory_space<semaphore_mem>>) src(%dma_wait3A_144 : memref<128x32xf32, #tpu.memory_space<vmem>>) dst(%dma_wait3A_150 : memref<10112x32xf32, #tpu.memory_space<vmem_shared>>)
      %dma_wait3A_151 = arith.constant 7 : i32
      %dma_wait3A_152 = arith.constant 0 : i32
      %dma_wait3A_153 = arith.constant 0 : i32
      %dma_wait3A_154 = arith.constant 0 : i32
      %dma_wait3A_155 = tpu.memref_slice %arg9[%dma_wait3A_151, %dma_wait3A_153, %dma_wait3A_154] : memref<8x128x32xf32, #tpu.memory_space<vmem>> -> memref<1x128x32xf32, #tpu.memory_space<vmem>>
      %dma_wait3A_156 = tpu.memref_squeeze %dma_wait3A_155 : memref<1x128x32xf32, #tpu.memory_space<vmem>> -> memref<128x32xf32, #tpu.memory_space<vmem>>
      %dma_wait3A_157 = arith.constant 0 : i32
      %dma_wait3A_158 = tpu.memref_slice %arg8[%dma_wait3A_152, %dma_wait3A_157] : memref<80x128xi32, #tpu.memory_space<vmem>> -> memref<1x128xi32, #tpu.memory_space<vmem>>
      %dma_wait3A_159 = tpu.memref_squeeze %dma_wait3A_158 : memref<1x128xi32, #tpu.memory_space<vmem>> -> memref<128xi32, #tpu.memory_space<vmem>>
      %dma_wait3A_160 = arith.constant 0 : i32
      %dma_wait3A_161 = arith.constant 0 : i32
      %dma_wait3A_162 = tpu.memref_slice %arg11[%dma_wait3A_160, %dma_wait3A_161] : memref<10112x32xf32, #tpu.memory_space<vmem_shared>> -> memref<10112x32xf32, #tpu.memory_space<vmem_shared>>
      tpu.wait_indirect_dma semaphore(%arg27 : memref<!tpu.dma_semaphore, #tpu.memory_space<semaphore_mem>>) src(%dma_wait3A_156 : memref<128x32xf32, #tpu.memory_space<vmem>>) dst(%dma_wait3A_162 : memref<10112x32xf32, #tpu.memory_space<vmem_shared>>)
      %barrier3A_163 = arith.constant 0 : index
      tpu.barrier barrier_id(%barrier3A_163)
      %mul3A_164 = arith.constant 632 : i32
      %mul3A_165 = arith.muli %arg1, %mul3A_164 : i32
      %mul3A_166 = arith.constant 632 : i32
      %mul3A_167 = arith.muli %arg1, %mul3A_166 : i32
      "tpu.region"() ({
        %run_scoped3A = tpu.sem_alloc : memref<!tpu.dma_semaphore, #tpu.memory_space<semaphore_mem>>
        %dma_start3A_168 = arith.constant 0 : i32
        %dma_start3A_169 = tpu.memref_slice %arg6[%arg0, %scan3A_6, %mul3A_167, %dma_start3A_168] : memref<2x2x10112x32xf32, #tpu.memory_space<hbm>> -> memref<1x1x632x32xf32, #tpu.memory_space<hbm>>
        %dma_start3A_170 = tpu.memref_squeeze %dma_start3A_169 : memref<1x1x632x32xf32, #tpu.memory_space<hbm>> -> memref<632x32xf32, #tpu.memory_space<hbm>>
        %dma_start3A_171 = arith.constant 0 : i32
        %dma_start3A_172 = tpu.memref_slice %arg11[%mul3A_165, %dma_start3A_171] : memref<10112x32xf32, #tpu.memory_space<vmem_shared>> -> memref<632x32xf32, #tpu.memory_space<vmem_shared>>
        tpu.enqueue_dma source(%dma_start3A_172 : memref<632x32xf32, #tpu.memory_space<vmem_shared>>) target(%dma_start3A_170 : memref<632x32xf32, #tpu.memory_space<hbm>>) target_semaphore(%run_scoped3A : memref<!tpu.dma_semaphore, #tpu.memory_space<semaphore_mem>>)
        %dma_wait3A_173 = arith.constant 0 : i32
        %dma_wait3A_174 = tpu.memref_slice %arg6[%arg0, %scan3A_6, %mul3A_167, %dma_wait3A_173] : memref<2x2x10112x32xf32, #tpu.memory_space<hbm>> -> memref<1x1x632x32xf32, #tpu.memory_space<hbm>>
        %dma_wait3A_175 = tpu.memref_squeeze %dma_wait3A_174 : memref<1x1x632x32xf32, #tpu.memory_space<hbm>> -> memref<632x32xf32, #tpu.memory_space<hbm>>
        %dma_wait3A_176 = arith.constant 0 : i32
        %dma_wait3A_177 = tpu.memref_slice %arg11[%mul3A_165, %dma_wait3A_176] : memref<10112x32xf32, #tpu.memory_space<vmem_shared>> -> memref<632x32xf32, #tpu.memory_space<vmem_shared>>
        tpu.wait_dma2 semaphore(%run_scoped3A : memref<!tpu.dma_semaphore, #tpu.memory_space<semaphore_mem>>) src(%dma_wait3A_177 : memref<632x32xf32, #tpu.memory_space<vmem_shared>>) dst(%dma_wait3A_175 : memref<632x32xf32, #tpu.memory_space<hbm>>)
        tpu.yield
      }) : () -> ()
    }
    %scan3A_5 = arith.constant 2 : i32
    return
  }
}

module attributes {stable_mosaic.version = 14 : i64} {
  func.func @_mm1_body(%arg0: i32, %arg1: memref<1024x128xf32, #tpu.memory_space<vmem>>, %arg2: memref<128x192xf32, #tpu.memory_space<vmem>>, %arg3: memref<1024x192xf32, #tpu.memory_space<vmem>>) attributes {dimension_semantics = [#tpu.dimension_semantics<arbitrary>], iteration_bounds = array<i64: 10>, scalar_prefetch = 0 : i64, scratch_operands = 0 : i64, tpu.core_type = #tpu.core_type<tc>, window_params = [{transform_indices = @transform_0, window_bounds = array<i64: 1024, 128>}, {pipeline_mode = #tpu.pipeline_mode<synchronous>, transform_indices = @transform_1, window_bounds = array<i64: 128, 192>}, {transform_indices = @transform_2, window_bounds = array<i64: 1024, 192>}]} {
    %get3A = arith.constant 0 : index
    %get3A_0 = arith.constant 0 : index
    %get3A_1 = vector.load %arg1[%get3A, %get3A_0] : memref<1024x128xf32, #tpu.memory_space<vmem>>, vector<1024x128xf32>
    %get3A_2 = arith.constant 0 : index
    %get3A_3 = arith.constant 0 : index
    %get3A_4 = vector.load %arg2[%get3A_2, %get3A_3] : memref<128x192xf32, #tpu.memory_space<vmem>>, vector<128x192xf32>
    %dot_general3A = arith.constant dense<0.000000e+00> : vector<1024x192xf32>
    %dot_general3A_5 = tpu.matmul %get3A_1, %get3A_4, %dot_general3A {dimension_numbers = #tpu.dot_dimension_numbers<[1], [0], [0], [1], [0, 0, 1, 1], [], []>, transpose_lhs_hint = false} : vector<1024x128xf32>, vector<128x192xf32>, vector<1024x192xf32> -> vector<1024x192xf32>
    %swap3A = arith.constant 0 : index
    %swap3A_6 = arith.constant 0 : index
    %swap3A_7 = vector.load %arg3[%swap3A, %swap3A_6] : memref<1024x192xf32, #tpu.memory_space<vmem>>, vector<1024x192xf32>
    tpu.vector_store %arg3[%swap3A, %swap3A_6], %dot_general3A_5 {strides = array<i32>} : memref<1024x192xf32, #tpu.memory_space<vmem>>, vector<1024x192xf32>,
    return
  }
  func.func @transform_0(%arg0: i32) -> (i32, i32) {
    %c0_i32 = arith.constant 0 : i32
    %c0_i32_0 = arith.constant 0 : i32
    return %arg0, %c0_i32 : i32, i32
  }
  func.func @transform_1(%arg0: i32) -> (i32, i32) {
    %c0_i32 = arith.constant 0 : i32
    %c0_i32_0 = arith.constant 0 : i32
    %c0_i32_1 = arith.constant 0 : i32
    return %c0_i32, %c0_i32_0 : i32, i32
  }
  func.func @transform_2(%arg0: i32) -> (i32, i32) {
    %c0_i32 = arith.constant 0 : i32
    %c0_i32_0 = arith.constant 0 : i32
    return %arg0, %c0_i32 : i32, i32
  }
}

module attributes {stable_mosaic.version = 14 : i64} {
  func.func @_prep_body(%arg0: i32, %arg1: memref<1024x192xf32, #tpu.memory_space<vmem>>, %arg2: memref<2x1024x16xf32, #tpu.memory_space<vmem>>, %arg3: memref<2x1024x32xf32, #tpu.memory_space<vmem>>, %arg4: memref<2x1024x32xf32, #tpu.memory_space<vmem>>) attributes {dimension_semantics = [#tpu.dimension_semantics<arbitrary>], iteration_bounds = array<i64: 10>, scalar_prefetch = 0 : i64, scratch_operands = 0 : i64, tpu.core_type = #tpu.core_type<tc>, window_params = [{transform_indices = @transform_0, window_bounds = array<i64: 1024, 192>}, {transform_indices = @transform_1, window_bounds = array<i64: 2, 1024, 16>}, {transform_indices = @transform_2, window_bounds = array<i64: 2, 1024, 32>}, {transform_indices = @transform_3, window_bounds = array<i64: 2, 1024, 32>}]} {
    %get3A = arith.constant 0 : index
    %get3A_0 = arith.constant 0 : index
    %get3A_1 = arith.constant 0 : index
    %get3A_2 = vector.load %arg2[%get3A, %get3A_0, %get3A_1] : memref<2x1024x16xf32, #tpu.memory_space<vmem>>, vector<2x1024x16xf32>
    %slice3A = vector.extract_strided_slice %get3A_2 {offsets = [0, 0, 0], sizes = [1, 1024, 16], strides = [1, 1, 1]} : vector<2x1024x16xf32> to vector<1x1024x16xf32>
    %squeeze3A = vector.shape_cast %slice3A : vector<1x1024x16xf32> to vector<1024x16xf32>
    %slice3A_3 = vector.extract_strided_slice %get3A_2 {offsets = [1, 0, 0], sizes = [1, 1024, 16], strides = [1, 1, 1]} : vector<2x1024x16xf32> to vector<1x1024x16xf32>
    %squeeze3A_4 = vector.shape_cast %slice3A_3 : vector<1x1024x16xf32> to vector<1024x16xf32>
    %add3A = arith.addf %squeeze3A, %squeeze3A_4 : vector<1024x16xf32>
    %gt3A = arith.constant 0.000000e+00 : f32
    %gt3A_5 = vector.broadcast %gt3A : f32 to vector<1024x16xf32>
    %gt3A_6 = arith.cmpf ogt, %add3A, %gt3A_5 : vector<1024x16xf32>
    %max3A = arith.constant 9.99999996E-13 : f32
    %max3A_7 = vector.broadcast %max3A : f32 to vector<1024x16xf32>
    %max3A_8 = arith.maximumf %add3A, %max3A_7 : vector<1024x16xf32>
    %rsqrt3A = math.rsqrt %max3A_8 : vector<1024x16xf32>
    %jit3A = arith.constant 0.000000e+00 : f32
    %broadcast_in_dim3A = vector.broadcast %jit3A : f32 to vector<1024x16xf32>
    %select_n3A = arith.select %gt3A_6, %rsqrt3A, %broadcast_in_dim3A : vector<1024x16xi1>, vector<1024x16xf32>
    %slice3A_9 = vector.extract_strided_slice %select_n3A {offsets = [0, 0], sizes = [1024, 1], strides = [1, 1]} : vector<1024x16xf32> to vector<1024x1xf32>
    %get3A_10 = arith.constant 0 : index
    %get3A_11 = arith.constant 0 : index
    %get3A_12 = vector.load %arg1[%get3A_10, %get3A_11] : memref<1024x192xf32, #tpu.memory_space<vmem>>, vector<1024x192xf32>
    %slice3A_13 = vector.extract_strided_slice %get3A_12 {offsets = [0, 64], sizes = [1024, 32], strides = [1, 1]} : vector<1024x192xf32> to vector<1024x32xf32>
    %mul3A = vector.broadcast %slice3A_9 : vector<1024x1xf32> to vector<1024x32xf32>
    %mul3A_14 = arith.mulf %mul3A, %slice3A_13 : vector<1024x32xf32>
    %slice3A_15 = vector.extract_strided_slice %get3A_12 {offsets = [0, 96], sizes = [1024, 32], strides = [1, 1]} : vector<1024x192xf32> to vector<1024x32xf32>
    %mul3A_16 = vector.broadcast %slice3A_9 : vector<1024x1xf32> to vector<1024x32xf32>
    %mul3A_17 = arith.mulf %mul3A_16, %slice3A_15 : vector<1024x32xf32>
    %stack3A = vector.shape_cast %mul3A_14 : vector<1024x32xf32> to vector<1x1024x32xf32>
    %stack3A_18 = vector.shape_cast %mul3A_17 : vector<1024x32xf32> to vector<1x1024x32xf32>
    %stack3A_19 = tpu.concatenate %stack3A, %stack3A_18 in 0 : vector<1x1024x32xf32>, vector<1x1024x32xf32> -> vector<2x1024x32xf32>
    %swap3A = arith.constant 0 : index
    %swap3A_20 = arith.constant 0 : index
    %swap3A_21 = arith.constant 0 : index
    %swap3A_22 = vector.load %arg4[%swap3A, %swap3A_20, %swap3A_21] : memref<2x1024x32xf32, #tpu.memory_space<vmem>>, vector<2x1024x32xf32>
    tpu.vector_store %arg4[%swap3A, %swap3A_20, %swap3A_21], %stack3A_19 {strides = array<i32>} : memref<2x1024x32xf32, #tpu.memory_space<vmem>>, vector<2x1024x32xf32>,
    %slice3A_23 = vector.extract_strided_slice %get3A_12 {offsets = [0, 128], sizes = [1024, 32], strides = [1, 1]} : vector<1024x192xf32> to vector<1024x32xf32>
    %mul3A_24 = vector.broadcast %slice3A_9 : vector<1024x1xf32> to vector<1024x32xf32>
    %mul3A_25 = arith.mulf %mul3A_24, %slice3A_23 : vector<1024x32xf32>
    %slice3A_26 = vector.extract_strided_slice %get3A_12 {offsets = [0, 160], sizes = [1024, 32], strides = [1, 1]} : vector<1024x192xf32> to vector<1024x32xf32>
    %mul3A_27 = vector.broadcast %slice3A_9 : vector<1024x1xf32> to vector<1024x32xf32>
    %mul3A_28 = arith.mulf %mul3A_27, %slice3A_26 : vector<1024x32xf32>
    %stack3A_29 = vector.shape_cast %mul3A_25 : vector<1024x32xf32> to vector<1x1024x32xf32>
    %stack3A_30 = vector.shape_cast %mul3A_28 : vector<1024x32xf32> to vector<1x1024x32xf32>
    %stack3A_31 = tpu.concatenate %stack3A_29, %stack3A_30 in 0 : vector<1x1024x32xf32>, vector<1x1024x32xf32> -> vector<2x1024x32xf32>
    %swap3A_32 = arith.constant 0 : index
    %swap3A_33 = arith.constant 0 : index
    %swap3A_34 = arith.constant 0 : index
    %swap3A_35 = vector.load %arg3[%swap3A_32, %swap3A_33, %swap3A_34] : memref<2x1024x32xf32, #tpu.memory_space<vmem>>, vector<2x1024x32xf32>
    tpu.vector_store %arg3[%swap3A_32, %swap3A_33, %swap3A_34], %stack3A_31 {strides = array<i32>} : memref<2x1024x32xf32, #tpu.memory_space<vmem>>, vector<2x1024x32xf32>,
    return
  }
  func.func @transform_0(%arg0: i32) -> (i32, i32) {
    %c0_i32 = arith.constant 0 : i32
    %c0_i32_0 = arith.constant 0 : i32
    return %arg0, %c0_i32 : i32, i32
  }
  func.func @transform_1(%arg0: i32) -> (i32, i32, i32) {
    %c0_i32 = arith.constant 0 : i32
    %c0_i32_0 = arith.constant 0 : i32
    %c0_i32_1 = arith.constant 0 : i32
    return %c0_i32, %arg0, %c0_i32_0 : i32, i32, i32
  }
  func.func @transform_2(%arg0: i32) -> (i32, i32, i32) {
    %c0_i32 = arith.constant 0 : i32
    %c0_i32_0 = arith.constant 0 : i32
    %c0_i32_1 = arith.constant 0 : i32
    return %c0_i32, %arg0, %c0_i32_0 : i32, i32, i32
  }
  func.func @transform_3(%arg0: i32) -> (i32, i32, i32) {
    %c0_i32 = arith.constant 0 : i32
    %c0_i32_0 = arith.constant 0 : i32
    %c0_i32_1 = arith.constant 0 : i32
    return %c0_i32, %arg0, %c0_i32_0 : i32, i32, i32
  }
}

module attributes {stable_mosaic.version = 14 : i64} {
  func.func @_comb_body(%arg0: i32, %arg1: memref<2x2x1024x32xf32, #tpu.memory_space<vmem>>, %arg2: memref<2x1024x32xf32, #tpu.memory_space<vmem>>, %arg3: memref<2x1024x16xf32, #tpu.memory_space<vmem>>, %arg4: memref<2x1024x32xf32, #tpu.memory_space<vmem>>) attributes {dimension_semantics = [#tpu.dimension_semantics<arbitrary>], iteration_bounds = array<i64: 10>, scalar_prefetch = 0 : i64, scratch_operands = 0 : i64, tpu.core_type = #tpu.core_type<tc>, window_params = [{transform_indices = @transform_0, window_bounds = array<i64: 2, 2, 1024, 32>}, {transform_indices = @transform_1, window_bounds = array<i64: 2, 1024, 32>}, {transform_indices = @transform_2, window_bounds = array<i64: 2, 1024, 16>}, {transform_indices = @transform_3, window_bounds = array<i64: 2, 1024, 32>}]} {
    %get3A = arith.constant 0 : index
    %get3A_0 = arith.constant 0 : index
    %get3A_1 = arith.constant 0 : index
    %get3A_2 = vector.load %arg3[%get3A, %get3A_0, %get3A_1] : memref<2x1024x16xf32, #tpu.memory_space<vmem>>, vector<2x1024x16xf32>
    %slice3A = vector.extract_strided_slice %get3A_2 {offsets = [0, 0, 0], sizes = [1, 1024, 16], strides = [1, 1, 1]} : vector<2x1024x16xf32> to vector<1x1024x16xf32>
    %squeeze3A = vector.shape_cast %slice3A : vector<1x1024x16xf32> to vector<1024x16xf32>
    %slice3A_3 = vector.extract_strided_slice %get3A_2 {offsets = [1, 0, 0], sizes = [1, 1024, 16], strides = [1, 1, 1]} : vector<2x1024x16xf32> to vector<1x1024x16xf32>
    %squeeze3A_4 = vector.shape_cast %slice3A_3 : vector<1x1024x16xf32> to vector<1024x16xf32>
    %add3A = arith.addf %squeeze3A, %squeeze3A_4 : vector<1024x16xf32>
    %gt3A = arith.constant 0.000000e+00 : f32
    %gt3A_5 = vector.broadcast %gt3A : f32 to vector<1024x16xf32>
    %gt3A_6 = arith.cmpf ogt, %add3A, %gt3A_5 : vector<1024x16xf32>
    %max3A = arith.constant 9.99999996E-13 : f32
    %max3A_7 = vector.broadcast %max3A : f32 to vector<1024x16xf32>
    %max3A_8 = arith.maximumf %add3A, %max3A_7 : vector<1024x16xf32>
    %rsqrt3A = math.rsqrt %max3A_8 : vector<1024x16xf32>
    %jit3A = arith.constant 0.000000e+00 : f32
    %broadcast_in_dim3A = vector.broadcast %jit3A : f32 to vector<1024x16xf32>
    %select_n3A = arith.select %gt3A_6, %rsqrt3A, %broadcast_in_dim3A : vector<1024x16xi1>, vector<1024x16xf32>
    %slice3A_9 = vector.extract_strided_slice %select_n3A {offsets = [0, 0], sizes = [1024, 1], strides = [1, 1]} : vector<1024x16xf32> to vector<1024x1xf32>
    %mul3A = arith.mulf %slice3A_9, %slice3A_9 : vector<1024x1xf32>
    %broadcast_in_dim3A_10 = vector.shape_cast %mul3A : vector<1024x1xf32> to vector<1x1024x1xf32>
    %get3A_11 = arith.constant 0 : index
    %get3A_12 = arith.constant 0 : index
    %get3A_13 = arith.constant 0 : index
    %get3A_14 = vector.load %arg2[%get3A_11, %get3A_12, %get3A_13] : memref<2x1024x32xf32, #tpu.memory_space<vmem>>, vector<2x1024x32xf32>
    %mul3A_15 = arith.constant 2.000000e+00 : f32
    %mul3A_16 = vector.broadcast %mul3A_15 : f32 to vector<1x1024x1xf32>
    %mul3A_17 = arith.mulf %mul3A_16, %broadcast_in_dim3A_10 : vector<1x1024x1xf32>
    %get3A_18 = arith.constant 0 : index
    %get3A_19 = arith.constant 0 : index
    %get3A_20 = arith.constant 0 : index
    %get3A_21 = arith.constant 0 : index
    %get3A_22 = vector.load %arg1[%get3A_18, %get3A_19, %get3A_20, %get3A_21] : memref<2x2x1024x32xf32, #tpu.memory_space<vmem>>, vector<1x2x1024x32xf32>
    %get3A_23 = vector.shape_cast %get3A_22 : vector<1x2x1024x32xf32> to vector<2x1024x32xf32>
    %get3A_24 = arith.constant 1 : index
    %get3A_25 = arith.constant 0 : index
    %get3A_26 = arith.constant 0 : index
    %get3A_27 = arith.constant 0 : index
    %get3A_28 = vector.load %arg1[%get3A_24, %get3A_25, %get3A_26, %get3A_27] : memref<2x2x1024x32xf32, #tpu.memory_space<vmem>>, vector<1x2x1024x32xf32>
    %get3A_29 = vector.shape_cast %get3A_28 : vector<1x2x1024x32xf32> to vector<2x1024x32xf32>
    %add3A_30 = arith.addf %get3A_23, %get3A_29 : vector<2x1024x32xf32>
    %mul3A_31 = vector.broadcast %mul3A_17 : vector<1x1024x1xf32> to vector<2x1024x32xf32>
    %mul3A_32 = arith.mulf %mul3A_31, %add3A_30 : vector<2x1024x32xf32>
    %sub3A = arith.subf %get3A_14, %mul3A_32 : vector<2x1024x32xf32>
    %swap3A = arith.constant 0 : index
    %swap3A_33 = arith.constant 0 : index
    %swap3A_34 = arith.constant 0 : index
    %swap3A_35 = vector.load %arg4[%swap3A, %swap3A_33, %swap3A_34] : memref<2x1024x32xf32, #tpu.memory_space<vmem>>, vector<2x1024x32xf32>
    tpu.vector_store %arg4[%swap3A, %swap3A_33, %swap3A_34], %sub3A {strides = array<i32>} : memref<2x1024x32xf32, #tpu.memory_space<vmem>>, vector<2x1024x32xf32>,
    return
  }
  func.func @transform_0(%arg0: i32) -> (i32, i32, i32, i32) {
    %c0_i32 = arith.constant 0 : i32
    %c0_i32_0 = arith.constant 0 : i32
    %c0_i32_1 = arith.constant 0 : i32
    %c0_i32_2 = arith.constant 0 : i32
    return %c0_i32, %c0_i32_0, %arg0, %c0_i32_1 : i32, i32, i32, i32
  }
  func.func @transform_1(%arg0: i32) -> (i32, i32, i32) {
    %c0_i32 = arith.constant 0 : i32
    %c0_i32_0 = arith.constant 0 : i32
    %c0_i32_1 = arith.constant 0 : i32
    return %c0_i32, %arg0, %c0_i32_0 : i32, i32, i32
  }
  func.func @transform_2(%arg0: i32) -> (i32, i32, i32) {
    %c0_i32 = arith.constant 0 : i32
    %c0_i32_0 = arith.constant 0 : i32
    %c0_i32_1 = arith.constant 0 : i32
    return %c0_i32, %arg0, %c0_i32_0 : i32, i32, i32
  }
  func.func @transform_3(%arg0: i32) -> (i32, i32, i32) {
    %c0_i32 = arith.constant 0 : i32
    %c0_i32_0 = arith.constant 0 : i32
    %c0_i32_1 = arith.constant 0 : i32
    return %c0_i32, %arg0, %c0_i32_0 : i32, i32, i32
  }
}

module attributes {stable_mosaic.version = 14 : i64} {
  func.func @_layer2_body(%arg0: i32, %arg1: memref<1024x192xf32, #tpu.memory_space<vmem>>, %arg2: memref<2x2x1024x32xf32, #tpu.memory_space<vmem>>, %arg3: memref<2x1024x16xf32, #tpu.memory_space<vmem>>, %arg4: memref<1x64xf32, #tpu.memory_space<vmem>>, %arg5: memref<64x48xf32, #tpu.memory_space<vmem>>, %arg6: memref<1x16xf32, #tpu.memory_space<vmem>>, %arg7: memref<1024x16xf32, #tpu.memory_space<vmem>>, %arg8: memref<1024x16xf32, #tpu.memory_space<vmem>>, %arg9: memref<1024x16xf32, #tpu.memory_space<vmem>>, %arg10: memref<1024x16xf32, #tpu.memory_space<vmem>>) attributes {dimension_semantics = [#tpu.dimension_semantics<arbitrary>], iteration_bounds = array<i64: 10>, scalar_prefetch = 0 : i64, scratch_operands = 0 : i64, tpu.core_type = #tpu.core_type<tc>, window_params = [{transform_indices = @transform_0, window_bounds = array<i64: 1024, 192>}, {transform_indices = @transform_1, window_bounds = array<i64: 2, 2, 1024, 32>}, {transform_indices = @transform_2, window_bounds = array<i64: 2, 1024, 16>}, {pipeline_mode = #tpu.pipeline_mode<synchronous>, transform_indices = @transform_3, window_bounds = array<i64: 1, 64>}, {pipeline_mode = #tpu.pipeline_mode<synchronous>, transform_indices = @transform_4, window_bounds = array<i64: 64, 48>}, {pipeline_mode = #tpu.pipeline_mode<synchronous>, transform_indices = @transform_5, window_bounds = array<i64: 1, 16>}, {transform_indices = @transform_6, window_bounds = array<i64: 1024, 16>}, {transform_indices = @transform_7, window_bounds = array<i64: 1024, 16>}, {transform_indices = @transform_8, window_bounds = array<i64: 1024, 16>}, {transform_indices = @transform_9, window_bounds = array<i64: 1024, 16>}]} {
    %get3A = arith.constant 0 : index
    %get3A_0 = arith.constant 0 : index
    %get3A_1 = arith.constant 0 : index
    %get3A_2 = vector.load %arg3[%get3A, %get3A_0, %get3A_1] : memref<2x1024x16xf32, #tpu.memory_space<vmem>>, vector<2x1024x16xf32>
    %slice3A = vector.extract_strided_slice %get3A_2 {offsets = [0, 0, 0], sizes = [1, 1024, 16], strides = [1, 1, 1]} : vector<2x1024x16xf32> to vector<1x1024x16xf32>
    %squeeze3A = vector.shape_cast %slice3A : vector<1x1024x16xf32> to vector<1024x16xf32>
    %slice3A_3 = vector.extract_strided_slice %get3A_2 {offsets = [1, 0, 0], sizes = [1, 1024, 16], strides = [1, 1, 1]} : vector<2x1024x16xf32> to vector<1x1024x16xf32>
    %squeeze3A_4 = vector.shape_cast %slice3A_3 : vector<1x1024x16xf32> to vector<1024x16xf32>
    %add3A = arith.addf %squeeze3A, %squeeze3A_4 : vector<1024x16xf32>
    %gt3A = arith.constant 0.000000e+00 : f32
    %gt3A_5 = vector.broadcast %gt3A : f32 to vector<1024x16xf32>
    %gt3A_6 = arith.cmpf ogt, %add3A, %gt3A_5 : vector<1024x16xf32>
    %max3A = arith.constant 9.99999996E-13 : f32
    %max3A_7 = vector.broadcast %max3A : f32 to vector<1024x16xf32>
    %max3A_8 = arith.maximumf %add3A, %max3A_7 : vector<1024x16xf32>
    %rsqrt3A = math.rsqrt %max3A_8 : vector<1024x16xf32>
    %jit3A = arith.constant 0.000000e+00 : f32
    %broadcast_in_dim3A = vector.broadcast %jit3A : f32 to vector<1024x16xf32>
    %select_n3A = arith.select %gt3A_6, %rsqrt3A, %broadcast_in_dim3A : vector<1024x16xi1>, vector<1024x16xf32>
    %slice3A_9 = vector.extract_strided_slice %select_n3A {offsets = [0, 0], sizes = [1024, 1], strides = [1, 1]} : vector<1024x16xf32> to vector<1024x1xf32>
    %get3A_10 = arith.constant 0 : index
    %get3A_11 = arith.constant 0 : index
    %get3A_12 = vector.load %arg1[%get3A_10, %get3A_11] : memref<1024x192xf32, #tpu.memory_space<vmem>>, vector<1024x64xf32>
    %get3A_13 = arith.constant 0 : index
    %get3A_14 = arith.constant 0 : index
    %get3A_15 = arith.constant 0 : index
    %get3A_16 = arith.constant 0 : index
    %get3A_17 = vector.load %arg2[%get3A_13, %get3A_14, %get3A_15, %get3A_16] : memref<2x2x1024x32xf32, #tpu.memory_space<vmem>>, vector<1x2x1024x32xf32>
    %get3A_18 = vector.shape_cast %get3A_17 : vector<1x2x1024x32xf32> to vector<2x1024x32xf32>
    %get3A_19 = arith.constant 1 : index
    %get3A_20 = arith.constant 0 : index
    %get3A_21 = arith.constant 0 : index
    %get3A_22 = arith.constant 0 : index
    %get3A_23 = vector.load %arg2[%get3A_19, %get3A_20, %get3A_21, %get3A_22] : memref<2x2x1024x32xf32, #tpu.memory_space<vmem>>, vector<1x2x1024x32xf32>
    %get3A_24 = vector.shape_cast %get3A_23 : vector<1x2x1024x32xf32> to vector<2x1024x32xf32>
    %add3A_25 = arith.addf %get3A_18, %get3A_24 : vector<2x1024x32xf32>
    %slice3A_26 = vector.extract_strided_slice %add3A_25 {offsets = [0, 0, 0], sizes = [1, 1024, 32], strides = [1, 1, 1]} : vector<2x1024x32xf32> to vector<1x1024x32xf32>
    %squeeze3A_27 = vector.shape_cast %slice3A_26 : vector<1x1024x32xf32> to vector<1024x32xf32>
    %slice3A_28 = vector.extract_strided_slice %add3A_25 {offsets = [1, 0, 0], sizes = [1, 1024, 32], strides = [1, 1, 1]} : vector<2x1024x32xf32> to vector<1x1024x32xf32>
    %squeeze3A_29 = vector.shape_cast %slice3A_28 : vector<1x1024x32xf32> to vector<1024x32xf32>
    %concatenate3A = tpu.concatenate %squeeze3A_27, %squeeze3A_29 in 1 : vector<1024x32xf32>, vector<1024x32xf32> -> vector<1024x64xf32>
    %get3A_30 = arith.constant 0 : index
    %get3A_31 = arith.constant 0 : index
    %get3A_32 = vector.load %arg4[%get3A_30, %get3A_31] : memref<1x64xf32, #tpu.memory_space<vmem>>, vector<1x64xf32>
    %add3A_33 = vector.broadcast %get3A_32 : vector<1x64xf32> to vector<1024x64xf32>
    %add3A_34 = arith.addf %get3A_12, %add3A_33 : vector<1024x64xf32>
    %mul3A = vector.broadcast %slice3A_9 : vector<1024x1xf32> to vector<1024x64xf32>
    %mul3A_35 = arith.mulf %mul3A, %concatenate3A : vector<1024x64xf32>
    %sub3A = arith.subf %add3A_34, %mul3A_35 : vector<1024x64xf32>
    %max3A_36 = arith.constant 0.000000e+00 : f32
    %max3A_37 = vector.broadcast %max3A_36 : f32 to vector<1024x64xf32>
    %max3A_38 = arith.maximumf %sub3A, %max3A_37 : vector<1024x64xf32>
    %get3A_39 = arith.constant 0 : index
    %get3A_40 = arith.constant 0 : index
    %get3A_41 = vector.load %arg5[%get3A_39, %get3A_40] : memref<64x48xf32, #tpu.memory_space<vmem>>, vector<64x48xf32>
    %dot_general3A = arith.constant dense<0.000000e+00> : vector<1024x48xf32>
    %dot_general3A_42 = tpu.matmul %max3A_38, %get3A_41, %dot_general3A {dimension_numbers = #tpu.dot_dimension_numbers<[1], [0], [0], [1], [0, 0, 1, 1], [], []>, transpose_lhs_hint = false} : vector<1024x64xf32>, vector<64x48xf32>, vector<1024x48xf32> -> vector<1024x48xf32>
    %slice3A_43 = vector.extract_strided_slice %dot_general3A_42 {offsets = [0, 0], sizes = [1024, 16], strides = [1, 1]} : vector<1024x48xf32> to vector<1024x16xf32>
    %get3A_44 = arith.constant 0 : index
    %get3A_45 = arith.constant 0 : index
    %get3A_46 = vector.load %arg6[%get3A_44, %get3A_45] : memref<1x16xf32, #tpu.memory_space<vmem>>, vector<1x16xf32>
    %add3A_47 = vector.broadcast %get3A_46 : vector<1x16xf32> to vector<1024x16xf32>
    %add3A_48 = arith.addf %slice3A_43, %add3A_47 : vector<1024x16xf32>
    %swap3A = arith.constant 0 : index
    %swap3A_49 = arith.constant 0 : index
    %swap3A_50 = vector.load %arg7[%swap3A, %swap3A_49] : memref<1024x16xf32, #tpu.memory_space<vmem>>, vector<1024x16xf32>
    tpu.vector_store %arg7[%swap3A, %swap3A_49], %add3A_48 {strides = array<i32>} : memref<1024x16xf32, #tpu.memory_space<vmem>>, vector<1024x16xf32>,
    %slice3A_51 = vector.extract_strided_slice %dot_general3A_42 {offsets = [0, 16], sizes = [1024, 16], strides = [1, 1]} : vector<1024x48xf32> to vector<1024x16xf32>
    %mul3A_52 = vector.broadcast %slice3A_9 : vector<1024x1xf32> to vector<1024x16xf32>
    %mul3A_53 = arith.mulf %mul3A_52, %slice3A_51 : vector<1024x16xf32>
    %swap3A_54 = arith.constant 0 : index
    %swap3A_55 = arith.constant 0 : index
    %swap3A_56 = vector.load %arg8[%swap3A_54, %swap3A_55] : memref<1024x16xf32, #tpu.memory_space<vmem>>, vector<1024x16xf32>
    tpu.vector_store %arg8[%swap3A_54, %swap3A_55], %mul3A_53 {strides = array<i32>} : memref<1024x16xf32, #tpu.memory_space<vmem>>, vector<1024x16xf32>,
    %slice3A_57 = vector.extract_strided_slice %dot_general3A_42 {offsets = [0, 32], sizes = [1024, 16], strides = [1, 1]} : vector<1024x48xf32> to vector<1024x16xf32>
    %mul3A_58 = vector.broadcast %slice3A_9 : vector<1024x1xf32> to vector<1024x16xf32>
    %mul3A_59 = arith.mulf %mul3A_58, %slice3A_57 : vector<1024x16xf32>
    %swap3A_60 = arith.constant 0 : index
    %swap3A_61 = arith.constant 0 : index
    %swap3A_62 = vector.load %arg9[%swap3A_60, %swap3A_61] : memref<1024x16xf32, #tpu.memory_space<vmem>>, vector<1024x16xf32>
    tpu.vector_store %arg9[%swap3A_60, %swap3A_61], %mul3A_59 {strides = array<i32>} : memref<1024x16xf32, #tpu.memory_space<vmem>>, vector<1024x16xf32>,
    %mul3A_63 = arith.constant 2.000000e+00 : f32
    %mul3A_64 = vector.broadcast %mul3A_63 : f32 to vector<1024x1xf32>
    %mul3A_65 = arith.mulf %mul3A_64, %slice3A_9 : vector<1024x1xf32>
    %mul3A_66 = arith.mulf %mul3A_65, %slice3A_9 : vector<1024x1xf32>
    %broadcast_in_dim3A_67 = vector.shape_cast %mul3A_66 : vector<1024x1xf32> to vector<1024x1xf32>
    %broadcast_in_dim3A_68 = vector.broadcast %broadcast_in_dim3A_67 : vector<1024x1xf32> to vector<1024x16xf32>
    %swap3A_69 = arith.constant 0 : index
    %swap3A_70 = arith.constant 0 : index
    %swap3A_71 = vector.load %arg10[%swap3A_69, %swap3A_70] : memref<1024x16xf32, #tpu.memory_space<vmem>>, vector<1024x16xf32>
    tpu.vector_store %arg10[%swap3A_69, %swap3A_70], %broadcast_in_dim3A_68 {strides = array<i32>} : memref<1024x16xf32, #tpu.memory_space<vmem>>, vector<1024x16xf32>,
    return
  }
  func.func @transform_0(%arg0: i32) -> (i32, i32) {
    %c0_i32 = arith.constant 0 : i32
    %c0_i32_0 = arith.constant 0 : i32
    return %arg0, %c0_i32 : i32, i32
  }
  func.func @transform_1(%arg0: i32) -> (i32, i32, i32, i32) {
    %c0_i32 = arith.constant 0 : i32
    %c0_i32_0 = arith.constant 0 : i32
    %c0_i32_1 = arith.constant 0 : i32
    %c0_i32_2 = arith.constant 0 : i32
    return %c0_i32, %c0_i32_0, %arg0, %c0_i32_1 : i32, i32, i32, i32
  }
  func.func @transform_2(%arg0: i32) -> (i32, i32, i32) {
    %c0_i32 = arith.constant 0 : i32
    %c0_i32_0 = arith.constant 0 : i32
    %c0_i32_1 = arith.constant 0 : i32
    return %c0_i32, %arg0, %c0_i32_0 : i32, i32, i32
  }
  func.func @transform_3(%arg0: i32) -> (i32, i32) {
    %c0_i32 = arith.constant 0 : i32
    %c0_i32_0 = arith.constant 0 : i32
    %c0_i32_1 = arith.constant 0 : i32
    return %c0_i32, %c0_i32_0 : i32, i32
  }
  func.func @transform_4(%arg0: i32) -> (i32, i32) {
    %c0_i32 = arith.constant 0 : i32
    %c0_i32_0 = arith.constant 0 : i32
    %c0_i32_1 = arith.constant 0 : i32
    return %c0_i32, %c0_i32_0 : i32, i32
  }
  func.func @transform_5(%arg0: i32) -> (i32, i32) {
    %c0_i32 = arith.constant 0 : i32
    %c0_i32_0 = arith.constant 0 : i32
    %c0_i32_1 = arith.constant 0 : i32
    return %c0_i32, %c0_i32_0 : i32, i32
  }
  func.func @transform_6(%arg0: i32) -> (i32, i32) {
    %c0_i32 = arith.constant 0 : i32
    %c0_i32_0 = arith.constant 0 : i32
    return %arg0, %c0_i32 : i32, i32
  }
  func.func @transform_7(%arg0: i32) -> (i32, i32) {
    %c0_i32 = arith.constant 0 : i32
    %c0_i32_0 = arith.constant 0 : i32
    return %arg0, %c0_i32 : i32, i32
  }
  func.func @transform_8(%arg0: i32) -> (i32, i32) {
    %c0_i32 = arith.constant 0 : i32
    %c0_i32_0 = arith.constant 0 : i32
    return %arg0, %c0_i32 : i32, i32
  }
  func.func @transform_9(%arg0: i32) -> (i32, i32) {
    %c0_i32 = arith.constant 0 : i32
    %c0_i32_0 = arith.constant 0 : i32
    return %arg0, %c0_i32 : i32, i32
  }
}

module attributes {stable_mosaic.version = 14 : i64} {
  func.func @_final_body(%arg0: i32, %arg1: memref<1024x16xf32, #tpu.memory_space<vmem>>, %arg2: memref<2x1024x16xf32, #tpu.memory_space<vmem>>, %arg3: memref<2x1024x16xf32, #tpu.memory_space<vmem>>, %arg4: memref<1024x16xf32, #tpu.memory_space<vmem>>) attributes {dimension_semantics = [#tpu.dimension_semantics<arbitrary>], iteration_bounds = array<i64: 10>, scalar_prefetch = 0 : i64, scratch_operands = 0 : i64, tpu.core_type = #tpu.core_type<tc>, window_params = [{transform_indices = @transform_0, window_bounds = array<i64: 1024, 16>}, {transform_indices = @transform_1, window_bounds = array<i64: 2, 1024, 16>}, {transform_indices = @transform_2, window_bounds = array<i64: 2, 1024, 16>}, {transform_indices = @transform_3, window_bounds = array<i64: 1024, 16>}]} {
    %get3A = arith.constant 0 : index
    %get3A_0 = arith.constant 0 : index
    %get3A_1 = arith.constant 0 : index
    %get3A_2 = vector.load %arg3[%get3A, %get3A_0, %get3A_1] : memref<2x1024x16xf32, #tpu.memory_space<vmem>>, vector<2x1024x16xf32>
    %slice3A = vector.extract_strided_slice %get3A_2 {offsets = [0, 0, 0], sizes = [1, 1024, 16], strides = [1, 1, 1]} : vector<2x1024x16xf32> to vector<1x1024x16xf32>
    %squeeze3A = vector.shape_cast %slice3A : vector<1x1024x16xf32> to vector<1024x16xf32>
    %slice3A_3 = vector.extract_strided_slice %get3A_2 {offsets = [1, 0, 0], sizes = [1, 1024, 16], strides = [1, 1, 1]} : vector<2x1024x16xf32> to vector<1x1024x16xf32>
    %squeeze3A_4 = vector.shape_cast %slice3A_3 : vector<1x1024x16xf32> to vector<1024x16xf32>
    %add3A = arith.addf %squeeze3A, %squeeze3A_4 : vector<1024x16xf32>
    %gt3A = arith.constant 0.000000e+00 : f32
    %gt3A_5 = vector.broadcast %gt3A : f32 to vector<1024x16xf32>
    %gt3A_6 = arith.cmpf ogt, %add3A, %gt3A_5 : vector<1024x16xf32>
    %max3A = arith.constant 9.99999996E-13 : f32
    %max3A_7 = vector.broadcast %max3A : f32 to vector<1024x16xf32>
    %max3A_8 = arith.maximumf %add3A, %max3A_7 : vector<1024x16xf32>
    %rsqrt3A = math.rsqrt %max3A_8 : vector<1024x16xf32>
    %jit3A = arith.constant 0.000000e+00 : f32
    %broadcast_in_dim3A = vector.broadcast %jit3A : f32 to vector<1024x16xf32>
    %select_n3A = arith.select %gt3A_6, %rsqrt3A, %broadcast_in_dim3A : vector<1024x16xi1>, vector<1024x16xf32>
    %slice3A_9 = vector.extract_strided_slice %select_n3A {offsets = [0, 0], sizes = [1024, 1], strides = [1, 1]} : vector<1024x16xf32> to vector<1024x1xf32>
    %get3A_10 = arith.constant 0 : index
    %get3A_11 = arith.constant 0 : index
    %get3A_12 = vector.load %arg1[%get3A_10, %get3A_11] : memref<1024x16xf32, #tpu.memory_space<vmem>>, vector<1024x16xf32>
    %get3A_13 = arith.constant 0 : index
    %get3A_14 = arith.constant 0 : index
    %get3A_15 = arith.constant 0 : index
    %get3A_16 = vector.load %arg2[%get3A_13, %get3A_14, %get3A_15] : memref<2x1024x16xf32, #tpu.memory_space<vmem>>, vector<1x1024x16xf32>
    %get3A_17 = vector.shape_cast %get3A_16 : vector<1x1024x16xf32> to vector<1024x16xf32>
    %get3A_18 = arith.constant 1 : index
    %get3A_19 = arith.constant 0 : index
    %get3A_20 = arith.constant 0 : index
    %get3A_21 = vector.load %arg2[%get3A_18, %get3A_19, %get3A_20] : memref<2x1024x16xf32, #tpu.memory_space<vmem>>, vector<1x1024x16xf32>
    %get3A_22 = vector.shape_cast %get3A_21 : vector<1x1024x16xf32> to vector<1024x16xf32>
    %add3A_23 = arith.addf %get3A_17, %get3A_22 : vector<1024x16xf32>
    %mul3A = vector.broadcast %slice3A_9 : vector<1024x1xf32> to vector<1024x16xf32>
    %mul3A_24 = arith.mulf %mul3A, %add3A_23 : vector<1024x16xf32>
    %sub3A = arith.subf %get3A_12, %mul3A_24 : vector<1024x16xf32>
    %swap3A = arith.constant 0 : index
    %swap3A_25 = arith.constant 0 : index
    %swap3A_26 = vector.load %arg4[%swap3A, %swap3A_25] : memref<1024x16xf32, #tpu.memory_space<vmem>>, vector<1024x16xf32>
    tpu.vector_store %arg4[%swap3A, %swap3A_25], %sub3A {strides = array<i32>} : memref<1024x16xf32, #tpu.memory_space<vmem>>, vector<1024x16xf32>,
    return
  }
  func.func @transform_0(%arg0: i32) -> (i32, i32) {
    %c0_i32 = arith.constant 0 : i32
    %c0_i32_0 = arith.constant 0 : i32
    return %arg0, %c0_i32 : i32, i32
  }
  func.func @transform_1(%arg0: i32) -> (i32, i32, i32) {
    %c0_i32 = arith.constant 0 : i32
    %c0_i32_0 = arith.constant 0 : i32
    %c0_i32_1 = arith.constant 0 : i32
    return %c0_i32, %arg0, %c0_i32_0 : i32, i32, i32
  }
  func.func @transform_2(%arg0: i32) -> (i32, i32, i32) {
    %c0_i32 = arith.constant 0 : i32
    %c0_i32_0 = arith.constant 0 : i32
    %c0_i32_1 = arith.constant 0 : i32
    return %c0_i32, %arg0, %c0_i32_0 : i32, i32, i32
  }
  func.func @transform_3(%arg0: i32) -> (i32, i32) {
    %c0_i32 = arith.constant 0 : i32
    %c0_i32_0 = arith.constant 0 : i32
    return %arg0, %c0_i32 : i32, i32
  }
}

</mosaic_0001>

<sc_bundles>
// kernel: kernel.11.cloned.1.call-start
scs
__scs_entry_jumppad:
0x0: {  	(pc) =	sbr.rel $0x88, $3  }
0x1: {  	(tag) =	ssettag $0x0;
	lr =	simm.s32 $0x1  }
0x2: {  	[smem:$0x3F9B] =	sst lr;
	_ =	strace $0xD0000000  }
0x3: {  	_ = 	snop  }
0x4: {  	_ = 	snop  }
0x5: {  	_ = 	snop  }
0x6: {  	_ = 	snop  }
0x7: {  	_ = 	snop  }
__scs_overlays_trampoline_lowered:
0x8: {  	[smem:$0x3FAA] =	sst s0  }
0x9: {  	[smem:$0x3FAB] =	sst s1  }
0xa: {  	[smem:$0x3FAC] =	sst s2  }
0xb: {  	[smem:$0x3FAD] =	sst s3  }
0xc: {  	[smem:$0x3FAE] =	sst s4  }
0xd: {  	[smem:$0x3FAF] =	sst s5  }
0xe: {  	[smem:$0x3FB0] =	sst s6  }
0xf: {  	[smem:$0x3FB1] =	sst s7  }
0x10: {  	[smem:$0x3FB2] =	sst s8  }
0x11: {  	[smem:$0x3FB3] =	sst s9;
	s0 =	simm.s32 @!p0 $0x0  }
0x12: {  	s1 =	sld [smem:$0x3F99];
	s0 =	simm.s32 @p0 $0x1  }
0x13: {  	[smem:$0x3FB4] =	sst s0;
	s0 =	simm.s32 @!p1 $0x0  }
0x14: {  	s2 =	sld [smem:$0x3F98];
	s0 =	simm.s32 @p1 $0x1  }
0x15: {  	[smem:$0x3FB5] =	sst s0;
	s0 =	simm.s32 @!p2 $0x0  }
0x16: {  	s3 =	sld [smem:$0x3FDB];
	s0 =	simm.s32 @p2 $0x1  }
0x17: {  	s4 =	simm.s32 $0x1BF5;
	[smem:$0x3FB7] =	sst s0  }
0x18: {  	s0 =	sld [smem:$0x3F9A];
	_ =	swait.ge [sflag:s4], $0x0  }
0x19: {  	s7 =	sld [smem:$0x3F9B]  }
0x1a: {  	s8 =	sadd.s32 $0xFFFFE003, lr  }
0x1b: {  	s9 =	sadd.s32 $0xFFFFFEF7, lr;
	s5 =	simm.s32 $0xFFFFFFFF;
	p2 =	slt.u32 s8, $0xFFFFF086  }
0x1c: {  	p1 =	slt.u32 s9, $0xF7A;
	s5 =	simm.s32 @!p2 $0x0  }
0x1d: {  	s5 =	simm.s32 @p1 $0x1;
	p0 =	seq.s32 s7, s2  }
0x1e: {  	s7 =	smul.u32 @!p0 $0xF7A, s2;
	p2 =	seq.s32 @!p0 s5, $0x0  }
0x1f: {  	s9 =	smul.u32 $0xF7A, s1;
	s8 =	simm.s32 @!p0 $0x1BF5;
	p2 =	por !p2, p0  }
0x20: {  	[sflag:s8] =	ssyncset.s32 @!p0 $0xFFFFF086;
	s6 =	sadd.s32 @!p0 s3, s7;
	s7 =	simm.s32 @!p0 $0x108  }
0x21: {  	s3 =	sadd.s32 s3, s9;
	s6 =	sadd.s32 @!p0 $0x88, s6;
	s7 =	simm.s32 @p2 $0x1082  }
0x22: {  	[simem:s7], [sflag:s8] =	dma.local @!p0 [hbm:s6], $0xF7A  }
0x23: {  	s9 =	sor.u32 $0xD0000000, s2;
	s6 =	simm.s32 $0x108;
	_ =	swait.ge @!p0 [sflag:s8], $0x0  }
0x24: {  	s3 =	sadd.s32 $0x88, s3;
	s6 =	simm.s32 @!p1 $0x1082;
	[sflag:s4] =	ssyncset.s32 $0xFFFFF086  }
0x25: {  	[simem:s6], [sflag:s4] =	dma.local [hbm:s3], $0xF7A  }
0x26: {  	[smem:$0x3F9B] =	sst s1;
	(tag) =	ssettag s2;
	_ =	strace s9  }
0x27: {  	s1 =	sld [smem:$0x3FAB]  }
0x28: {  	s2 =	sld [smem:$0x3FAC]  }
0x29: {  	s4 =	sld [smem:$0x3FAE]  }
0x2a: {  	p0 =	seq.s32 s5, $0x0;
	s5 =	sld [smem:$0x3FAF]  }
0x2b: {  	s6 =	sld [smem:$0x3FB0]  }
0x2c: {  	s7 =	sld [smem:$0x3FB1]  }
0x2d: {  	s3 =	simm.s32 $0x108;
	s8 =	sld [smem:$0x3FB2]  }
0x2e: {  	s3 =	simm.s32 @!p0 $0x1082;
	s9 =	sld [smem:$0x3FB3]  }
0x2f: {  	lr =	sadd.s32 s0, s3;
	s0 =	sld [smem:$0x3FAA]  }
0x30: {  	s3 =	sld [smem:$0x3FAD]  }
0x31: {  	[smem:$0x3FB6] =	sst s10  }
0x32: {  	s10 =	sld [smem:$0x3FB4];
	_ =	sdelay $0x3  }
0x33: {  	p0 =	seq.s32 s10, $0x1;
	s10 =	sld [smem:$0x3FB6];
	_ =	sdelay $0x3  }
0x34: {  	[smem:$0x3FB6] =	sst s10  }
0x35: {  	s10 =	sld [smem:$0x3FB5];
	_ =	sdelay $0x3  }
0x36: {  	p1 =	seq.s32 s10, $0x1;
	s10 =	sld [smem:$0x3FB6];
	_ =	sdelay $0x3  }
0x37: {  	[smem:$0x3FB6] =	sst s10  }
0x38: {  	s10 =	sld [smem:$0x3FB7]  }
0x39: {  	_ = 	snop;
	(pc) =	sbr.ind lr, $3  }
0x3a: {  	_ = 	snop  }
0x3b: {  	_ = 	snop  }
0x3c: {  	p2 =	seq.s32 s10, $0x1;
	s10 =	sld [smem:$0x3FB6]  }
0x3d: {  	_ =	shalt  }
0x3e: {  	_ =	shalt  }
0x3f: {  	_ =	shalt  }
0x40: {  	_ =	shalt  }
0x41: {  	_ =	shalt  }
0x42: {  	_ =	shalt  }
0x43: {  	_ =	shalt  }
0x44: {  	_ =	shalt  }
0x45: {  	_ =	shalt  }
0x46: {  	_ =	shalt  }
0x47: {  	_ =	shalt  }
0x48: {  	_ =	shalt  }
0x49: {  	_ =	shalt  }
0x4a: {  	_ =	shalt  }
0x4b: {  	_ =	shalt  }
0x4c: {  	_ =	shalt  }
0x4d: {  	_ =	shalt  }
0x4e: {  	_ =	shalt  }
0x4f: {  	_ =	shalt  }
0x50: {  	_ =	shalt  }
0x51: {  	_ =	shalt  }
0x52: {  	_ =	shalt  }
0x53: {  	_ =	shalt  }
0x54: {  	_ =	shalt  }
0x55: {  	_ =	shalt  }
0x56: {  	_ =	shalt  }
0x57: {  	_ =	shalt  }
0x58: {  	_ =	shalt  }
0x59: {  	_ =	shalt  }
0x5a: {  	_ =	shalt  }
0x5b: {  	_ =	shalt  }
0x5c: {  	_ =	shalt  }
0x5d: {  	_ =	shalt  }
0x5e: {  	_ =	shalt  }
0x5f: {  	_ =	shalt  }
0x60: {  	_ =	shalt  }
0x61: {  	_ =	shalt  }
0x62: {  	_ =	shalt  }
0x63: {  	_ =	shalt  }
0x64: {  	_ =	shalt  }
0x65: {  	_ =	shalt  }
0x66: {  	_ =	shalt  }
0x67: {  	_ =	shalt  }
0x68: {  	_ =	shalt  }
0x69: {  	_ =	shalt  }
0x6a: {  	_ =	shalt  }
0x6b: {  	_ =	shalt  }
0x6c: {  	_ =	shalt  }
0x6d: {  	_ =	shalt  }
0x6e: {  	_ =	shalt  }
0x6f: {  	_ =	shalt  }
0x70: {  	_ =	shalt  }
0x71: {  	_ =	shalt  }
0x72: {  	_ =	shalt  }
0x73: {  	_ =	shalt  }
0x74: {  	_ =	shalt  }
0x75: {  	_ =	shalt  }
0x76: {  	_ =	shalt  }
0x77: {  	_ =	shalt  }
0x78: {  	_ =	shalt  }
0x79: {  	_ =	shalt  }
0x7a: {  	_ =	shalt  }
0x7b: {  	_ =	shalt  }
0x7c: {  	_ =	shalt  }
0x7d: {  	_ =	shalt  }
0x7e: {  	_ =	shalt  }
0x7f: {  	_ =	shalt  }
0x80: {  	_ =	shalt  }
0x81: {  	_ =	shalt  }
0x82: {  	_ =	shalt  }
0x83: {  	_ =	shalt  }
0x84: {  	_ =	shalt  }
0x85: {  	_ =	shalt  }
0x86: {  	_ =	shalt  }
0x87: {  	_ =	shalt  }
.Lfunc_end0:
.L_simem_size_0:
called_computation_lowered:
.L_overlay_start_0:
0x88: {  	s2 =	sld [smem:$0x3FD9]  }
0x89: {  	s3 =	sld [smem:$0x3FFE];
	_ =	sdelay $0x1  }
0x8a: {  	s1 =	srdreg.scid  }
0x8b: {  	s0 =	sand.u32 $0x1, s1  }
0x8c: {  	s14 =	sshll.u32 s0, $0xA;
	s2 =	sadd.s32 s3, s2  }
0x8d: {  	s2 =	sadd.s32 s2, s14  }
0x8e: {  	[smem:$0x3FC2] =	sst s2  }
0x8f: {  	_ = 	snop  }
0x90: {  	s2 =	sld [smem:$0x3FD0];
	_ =	sdelay $0x2  }
0x91: {  	s15 =	simm.s32 $0xA;
	s4 =	simm.s32 $0x10  }
0x92: {  	[smem:s4], [sflag:s15] =	dma.local [hbm:s2], $0x1  }
0x93: {  	_ =	swait.eq [sflag:s15], $0x1  }
0x94: {  	[sflag:s15] =	ssyncset.done $0x0  }
0x95: {  	s16 =	sld [smem:$0x10];
	[sflag:s15] =	ssyncadd.s32 $0xFFFFFFFF  }
0x96: {  	s17 =	sld [smem:$0x11];
	(tm) =	ssettm $0x1  }
0x97: {  	s18 =	sld [smem:$0x3FFB];
	_ =	sdelay $0x3  }
0x98: {  	_ =	strace s18  }
0x99: {  	s4 =	sld [smem:$0x3FFC];
	_ =	sdelay $0x3  }
0x9a: {  	_ =	strace s4  }
0x9b: {  	s4 =	sld [smem:$0x3FFD];
	_ =	sdelay $0x3  }
0x9c: {  	_ =	strace s4  }
0x9d: {  	_ =	strace $0x8FFFFFFF  }
0x9e: {  	s19 =	sld [smem:$0x3FDB];
	_ =	sdelay $0x1  }
0x9f: {  	s5 =	simm.s32 $_scs_section_size  }
0xa0: {  	s6 =	simm.s32 $_size__tile_overlayer_lowered;
	s7 =	simm.s32 $_tile_overlayer_lowered  }
0xa1: {  	s22 =	simm.s32 $0x1BFF;
	s21 =	sshll.u32 s7, $0x1;
	s4 =	sadd.s32 s5, s19  }
0xa2: {  	s8 =	simm.s32 $0x0;
	s20 =	sshll.u32 s6, $0x1;
	s6 =	sadd.s32 s21, s4  }
0xa3: {  	[timem:s8], [sflag:s22] =	dma.local [hbm:s6], s20  }
0xa4: {  	_ =	swait.ge [sflag:s22], s20  }
0xa5: {  	s5 =	ssub.s32 $0x0, s20;
	[sflag:s22] =	ssyncset.done $0x0  }
0xa6: {  	[sflag:s22] =	ssyncadd.s32 s5;
	_ =	sdelay $0x1  }
0xa7: {  	s23 =	simm.s32 $0x1B8B  }
0xa8: {  	_ =	swait.ge [sflag:s23], $0x1  }
0xa9: {  	[sflag:s23] =	ssyncset.done $0x0  }
0xaa: {  	s25 =	simm.s32 $0x1B8E;
	s24 =	sld [smem:$0x3FFE];
	[sflag:s23] =	ssyncadd.s32 $0xFFFFFFFF  }
0xab: {  	s26 =	simm.s32 $execute0_lowered;
	[smem:$0x3FD2] =	sst s25  }
0xac: {  	s6 =	sshll.u32 s26, $0x1;
	_ =	strace $0x80000046;
	[dreg:$0x1] =	wrdreg $0xFFFFFFFF  }
0xad: {  	s28 =	simm.s32 $_size_execute0_lowered;
	s4 =	sadd.s32 s4, s6;
	[dreg:$0x0] =	wrdreg $0x0  }
0xae: {  	s6 =	sshll.u32 s28, $0x1;
	[dreg:$0x2] =	wrdreg s4  }
0xaf: {  	[dreg:$0x3] =	wrdreg s6  }
0xb0: {  	[dreg:$0x4] =	wrdreg $0xC0  }
0xb1: {  	_ =	task [dreg:s8], $0x5FFFF  }
0xb2: {  	[dreg:$0x1] =	wrdreg $0xFFFFFFFF  }
0xb3: {  	[dreg:$0x0] =	wrdreg $0x60  }
0xb4: {  	[dreg:$0x2] =	wrdreg s17  }
0xb5: {  	[dreg:$0x3] =	wrdreg s24  }
0xb6: {  	[dreg:$0x4] =	wrdreg s16  }
0xb7: {  	[dreg:$0x5] =	wrdreg $0x30000  }
0xb8: {  	[dreg:$0x6] =	wrdreg $0x9  }
0xb9: {  	_ =	task.clear_ibuf [dreg:s8], $0x7FFFF;
	_ =	strace $0x90000046  }
0xba: {  	s29 =	simm.s32 $0x9;
	_ =	strace $0x80000048  }
0xbb: {  	_ =	swait.ge [sflag:s29], $0x1  }
0xbc: {  	[sflag:s29] =	ssyncadd.s32 $0xFFFFFFFF  }
0xbd: {  	_ =	strace $0x90000048  }
0xbe: {  	_ =	sfence  }
0xbf: {  	s30 =	sld [smem:$0x0];
	_ =	sdelay $0x2  }
0xc0: {  	s31 =	sshll.u32 s1, $0xD;
	s1 =	sshrl.u32 s1, $0x2  }
0xc1: {  	s3 =	sand.u32 $0x4000, s31;
	s1 =	sadd.s32 s1, s30  }
0xc2: {  	s0 =	sor.u32 s3, s0;
	s1 =	sshll.u32 s1, $0x11  }
0xc3: {  	s0 =	sor.u32 s1, s0  }
0xc4: {  	s0 =	sadd.s32 $0x8F2B, s0  }
0xc5: {  	[sflag:s0] =	ssyncadd.remote.s32 $0x1  }
0xc6: {  	_ =	sfence.sel $0xFFFF  }
0xc7: {  	[dreg:$0x0] =	wrdreg $0xFFFFFFFF;
	(pc) =	sbr.abs _section_cstart, $3  }
0xc8: {  	[dreg:$0x1] =	wrdreg $0xFFFFFFFF  }
0xc9: {  	_ =	task.clear_ibuf [dreg:s8], $0x2FFFF;
	_ =	strace $0x9FFFFFFF  }
0xca: {  	(tm) =	ssettm $0x7FFFFFFF  }
0xcb: {  	_ =	shalt  }
tec
execute0_lowered:
.L_overlay_start_1:
0x0: {  	(tag) =	ssettag $0x1  }
0x1: {  	s5 =	rddreg [dreg:$0x0]  }
0x2: {  	s6 =	rddreg [dreg:$0x1]  }
0x3: {  	s7 =	rddreg [dreg:$0x2];
	s1 =	srdreg.scid  }
0x4: {  	s0 =	stileid.u32;
	s2 =	rddreg [dreg:$0x3];
	s3 =	simm.s32 $0x0  }
0x5: {  	s13 =	simm.s32 $0x80;
	s14 =	simm.s32 $0x1;
	s15 =	simm.s32 $0x0  }
0x6: {  	s4 =	sand.u32 $0x1, s1;
	s8 =	smul.u32 $0x2780, s0;
	s1 =	rddreg [dreg:$0x4]  }
0x7: {  	[smem:$0x7FF] =	sst s3;
	s31 =	sshll.u32 s0, $0x6;
	s9 =	smul.u32 $0x27800, s4  }
0x8: {  	s10 =	sshll.u32 s4, $0x4;
	_ =	strace $0x80000047;
	s11 =	ssub.s32 $0x2, s4  }
0x9: {  	s4 =	sadd.s32 $0xC00, s6;
	s10 =	sor.u32 s0, s10;
	s29 =	sshrl.u32 s11, $0x1  }
0xa: {  	s30 =	sshrl.u32 s8, $0x3;
	s12 =	sadd.s32 s8, s2;
	s9 =	sadd.s32 s8, s9  }
0xb: {  	s10 =	smul.u32 $0x500, s10;
	s11 =	ssub.s32 s11, s29;
	s12 =	sshrl.u32 s12, $0x3  }
0xc: {  	s9 =	sshrl.u32 s9, $0x3;
	s8 =	smax.u32 s11, $0x1;
	s11 =	sor.u32 $0x1C02, s31  }
0xd: {  	s9 =	sadd.s32 s9, s6;
	s5 =	sadd.s32 s5, s10;
	s6 =	sadd.s32 s7, s30  }
0xe: {  	s10 =	simm.s32 $0x2800;
	s7 =	sadd.s32 $0xE00, s9;
	s9 =	simm.s32 $0x2  }
.LBB2_1:
0xf: {  	[tilespmem:s3], [sflag:$0x2] =	stream.linear.gather [hbm4b:s5+s3], $0x2800, $0x38;
	[tilespmem:$0x5780] =	vst v63  }
0x10: {  	_ =	swait.ge [sflag:s9], $0x2800  }
0x11: {  	[sflag:s9] =	ssyncset.done $0x0  }
0x12: {  	[sflag:s9] =	ssyncadd.s32 $0xFFFFD800  }
0x13: {  	[tilespmem:s10], [sflag:$0x2] =	stream.linear.gather [hbm4b:s4+s3], $0x800, $0x38;
	[tilespmem:$0x5780] =	vst v63  }
0x14: {  	_ =	swait.ge [sflag:s9], $0x800  }
0x15: {  	[sflag:s9] =	ssyncset.done $0x0  }
0x16: {  	[sflag:s9] =	ssyncadd.s32 $0xFFFFF800  }
0x17: {  	[spmem:s12], [sflag:s11] =	dma.local [hbm:s6], $0x4F0  }
0x18: {  	_ =	swait.ge [sflag:s9], $0x4F0  }
0x19: {  	[sflag:s9] =	ssyncset.done $0x0  }
0x1a: {  	[sflag:s9] =	ssyncadd.s32 $0xFFFFFB10  }
0x1b: {  	s16 =	simm.s32 $0x0;
	[bflag:$0x0] =	sbarrier.arrive $0xFFFF  }
0x1c: {  	[spmem:s2] =	stream.indirect.scatter.add.f32 [tilespmem:s10], [sflag:$0x1], $0x10, s16, s13, $0xb8;
	[tilespmem:$0x5780] =	vst v63  }
0x1d: {  	_ =	swait.ge [sflag:s14], $0x800  }
0x1e: {  	s16 =	simm.s32 $0x200;
	[sflag:s14] =	ssyncset.done $0x0  }
.LBB2_2:
0x1f: {  	s17 =	sshra.s32 s16, $0x2;
	[sflag:s14] =	ssyncadd.s32 $0xFFFFF800;
	p0 =	sne.s32 s16, $0x9E00  }
0x20: {  	[spmem:s2] =	stream.indirect.scatter.add.f32 [tilespmem:s10], [sflag:$0x1], $0x10, s17, s13, $0xb8;
	[tilespmem:$0x5780] =	vst v63  }
.Ltmp0:
0x21: {  	_ = 	snop;
	(pc) =	sbr.rel @p0 .LBB2_2-.Ltmp0, $4  }
0x22: {  	_ = 	snop  }
0x23: {  	s16 =	sadd.s32 $0x200, s16  }
0x24: {  	_ =	swait.ge [sflag:s14], $0x800  }
0x25: {  	[sflag:s14] =	ssyncset.done $0x0  }
0x26: {  	s15 =	sadd.s32 $0x1, s15  }
0x27: {  	[sflag:s14] =	ssyncadd.s32 $0xFFFFF800;
	p0 =	sne.s32 s15, s8  }
.Ltmp1:
0x28: {  	[bflag:$0x0] =	sbarrier.arrive $0xFFFF;
	(pc) =	sbr.rel @p0 .LBB2_1-.Ltmp1, $4  }
0x29: {  	[hbm:s7], [sflag:s11] =	dma.local [spmem:s12], $0x4F0  }
0x2a: {  	_ =	swait.ge [sflag:s9], $0x4F0  }
0x2b: {  	[sflag:s9] =	ssyncset.done $0x0  }
0x2c: {  	[sflag:s9] =	ssyncadd.s32 $0xFFFFFB10  }
0x2d: {  	_ =	sfence.sel $0x180000  }
0x2e: {  	[bflag:$0x0] =	sbarrier.arrive $0xFFFF  }
0x2f: {  	p0 =	sne.s32 s0, $0x0;
	_ =	strace $0x90000047  }
0x30: {  	s0 =	sadd.s32 @!p0 $0x100000, s1;
	[bflag:$0x2] =	sbarrier.arrive $0xFFFF  }
0x31: {  	[sflag:s0] =	ssyncadd.tile.s32 @!p0 $0x1;
	_ =	shalt  }
.Lfunc_end2:
_tile_overlayer_lowered:
.L_overlay_start_2:
0x32: {  	(tag) =	ssettag $0x2  }
0x33: {  	s0 =	rddreg [dreg:$0x0];
	s2 =	stileid.u32  }
0x34: {  	s1 =	rddreg [dreg:$0x1];
	p0 =	sne.s32 s2, $0x0  }
0x35: {  	s3 =	rddreg [dreg:$0x2];
	[bflag:$0x3] =	sbarrier.arrive $0xFFFF;
	s2 =	simm.s32 @!p0 $0x1C02  }
0x36: {  	[timem:s3], [sflag:s2] =	dma.local @!p0 [hbm:s0], s1  }
0x37: {  	s0 =	simm.s32 @!p0 $0x2  }
0x38: {  	_ =	swait.ge @!p0 [sflag:s0], s1  }
0x39: {  	s1 =	ssub.s32 @!p0 $0x0, s1;
	[sflag:s0] =	ssyncset.done @!p0 $0x0  }
0x3a: {  	[sflag:s0] =	ssyncadd.s32 @!p0 s1  }
0x3b: {  	[bflag:$0x3] =	sbarrier.arrive $0xFFFF  }
0x3c: {  	_ =	shalt  }

// kernel: kernel.14.cloned.1.call-start
scs
__scs_entry_jumppad:
0x0: {  	(pc) =	sbr.rel $0x88, $3  }
0x1: {  	(tag) =	ssettag $0x0;
	lr =	simm.s32 $0x1  }
0x2: {  	[smem:$0x3F9B] =	sst lr;
	_ =	strace $0xD0000000  }
0x3: {  	_ = 	snop  }
0x4: {  	_ = 	snop  }
0x5: {  	_ = 	snop  }
0x6: {  	_ = 	snop  }
0x7: {  	_ = 	snop  }
__scs_overlays_trampoline_lowered:
0x8: {  	[smem:$0x3FAA] =	sst s0  }
0x9: {  	[smem:$0x3FAB] =	sst s1  }
0xa: {  	[smem:$0x3FAC] =	sst s2  }
0xb: {  	[smem:$0x3FAD] =	sst s3  }
0xc: {  	[smem:$0x3FAE] =	sst s4  }
0xd: {  	[smem:$0x3FAF] =	sst s5  }
0xe: {  	[smem:$0x3FB0] =	sst s6  }
0xf: {  	[smem:$0x3FB1] =	sst s7  }
0x10: {  	[smem:$0x3FB2] =	sst s8  }
0x11: {  	[smem:$0x3FB3] =	sst s9;
	s0 =	simm.s32 @!p0 $0x0  }
0x12: {  	s1 =	sld [smem:$0x3F99];
	s0 =	simm.s32 @p0 $0x1  }
0x13: {  	[smem:$0x3FB4] =	sst s0;
	s0 =	simm.s32 @!p1 $0x0  }
0x14: {  	s2 =	sld [smem:$0x3F98];
	s0 =	simm.s32 @p1 $0x1  }
0x15: {  	[smem:$0x3FB5] =	sst s0;
	s0 =	simm.s32 @!p2 $0x0  }
0x16: {  	s3 =	sld [smem:$0x3FDB];
	s0 =	simm.s32 @p2 $0x1  }
0x17: {  	s4 =	simm.s32 $0x1BF5;
	[smem:$0x3FB7] =	sst s0  }
0x18: {  	s0 =	sld [smem:$0x3F9A];
	_ =	swait.ge [sflag:s4], $0x0  }
0x19: {  	s7 =	sld [smem:$0x3F9B]  }
0x1a: {  	s8 =	sadd.s32 $0xFFFFE003, lr  }
0x1b: {  	s9 =	sadd.s32 $0xFFFFFEF7, lr;
	s5 =	simm.s32 $0xFFFFFFFF;
	p2 =	slt.u32 s8, $0xFFFFF086  }
0x1c: {  	p1 =	slt.u32 s9, $0xF7A;
	s5 =	simm.s32 @!p2 $0x0  }
0x1d: {  	s5 =	simm.s32 @p1 $0x1;
	p0 =	seq.s32 s7, s2  }
0x1e: {  	s7 =	smul.u32 @!p0 $0xF7A, s2;
	p2 =	seq.s32 @!p0 s5, $0x0  }
0x1f: {  	s9 =	smul.u32 $0xF7A, s1;
	s8 =	simm.s32 @!p0 $0x1BF5;
	p2 =	por !p2, p0  }
0x20: {  	[sflag:s8] =	ssyncset.s32 @!p0 $0xFFFFF086;
	s6 =	sadd.s32 @!p0 s3, s7;
	s7 =	simm.s32 @!p0 $0x108  }
0x21: {  	s3 =	sadd.s32 s3, s9;
	s6 =	sadd.s32 @!p0 $0x88, s6;
	s7 =	simm.s32 @p2 $0x1082  }
0x22: {  	[simem:s7], [sflag:s8] =	dma.local @!p0 [hbm:s6], $0xF7A  }
0x23: {  	s9 =	sor.u32 $0xD0000000, s2;
	s6 =	simm.s32 $0x108;
	_ =	swait.ge @!p0 [sflag:s8], $0x0  }
0x24: {  	s3 =	sadd.s32 $0x88, s3;
	s6 =	simm.s32 @!p1 $0x1082;
	[sflag:s4] =	ssyncset.s32 $0xFFFFF086  }
0x25: {  	[simem:s6], [sflag:s4] =	dma.local [hbm:s3], $0xF7A  }
0x26: {  	[smem:$0x3F9B] =	sst s1;
	(tag) =	ssettag s2;
	_ =	strace s9  }
0x27: {  	s1 =	sld [smem:$0x3FAB]  }
0x28: {  	s2 =	sld [smem:$0x3FAC]  }
0x29: {  	s4 =	sld [smem:$0x3FAE]  }
0x2a: {  	p0 =	seq.s32 s5, $0x0;
	s5 =	sld [smem:$0x3FAF]  }
0x2b: {  	s6 =	sld [smem:$0x3FB0]  }
0x2c: {  	s7 =	sld [smem:$0x3FB1]  }
0x2d: {  	s3 =	simm.s32 $0x108;
	s8 =	sld [smem:$0x3FB2]  }
0x2e: {  	s3 =	simm.s32 @!p0 $0x1082;
	s9 =	sld [smem:$0x3FB3]  }
0x2f: {  	lr =	sadd.s32 s0, s3;
	s0 =	sld [smem:$0x3FAA]  }
0x30: {  	s3 =	sld [smem:$0x3FAD]  }
0x31: {  	[smem:$0x3FB6] =	sst s10  }
0x32: {  	s10 =	sld [smem:$0x3FB4];
	_ =	sdelay $0x3  }
0x33: {  	p0 =	seq.s32 s10, $0x1;
	s10 =	sld [smem:$0x3FB6];
	_ =	sdelay $0x3  }
0x34: {  	[smem:$0x3FB6] =	sst s10  }
0x35: {  	s10 =	sld [smem:$0x3FB5];
	_ =	sdelay $0x3  }
0x36: {  	p1 =	seq.s32 s10, $0x1;
	s10 =	sld [smem:$0x3FB6];
	_ =	sdelay $0x3  }
0x37: {  	[smem:$0x3FB6] =	sst s10  }
0x38: {  	s10 =	sld [smem:$0x3FB7]  }
0x39: {  	_ = 	snop;
	(pc) =	sbr.ind lr, $3  }
0x3a: {  	_ = 	snop  }
0x3b: {  	_ = 	snop  }
0x3c: {  	p2 =	seq.s32 s10, $0x1;
	s10 =	sld [smem:$0x3FB6]  }
0x3d: {  	_ =	shalt  }
0x3e: {  	_ =	shalt  }
0x3f: {  	_ =	shalt  }
0x40: {  	_ =	shalt  }
0x41: {  	_ =	shalt  }
0x42: {  	_ =	shalt  }
0x43: {  	_ =	shalt  }
0x44: {  	_ =	shalt  }
0x45: {  	_ =	shalt  }
0x46: {  	_ =	shalt  }
0x47: {  	_ =	shalt  }
0x48: {  	_ =	shalt  }
0x49: {  	_ =	shalt  }
0x4a: {  	_ =	shalt  }
0x4b: {  	_ =	shalt  }
0x4c: {  	_ =	shalt  }
0x4d: {  	_ =	shalt  }
0x4e: {  	_ =	shalt  }
0x4f: {  	_ =	shalt  }
0x50: {  	_ =	shalt  }
0x51: {  	_ =	shalt  }
0x52: {  	_ =	shalt  }
0x53: {  	_ =	shalt  }
0x54: {  	_ =	shalt  }
0x55: {  	_ =	shalt  }
0x56: {  	_ =	shalt  }
0x57: {  	_ =	shalt  }
0x58: {  	_ =	shalt  }
0x59: {  	_ =	shalt  }
0x5a: {  	_ =	shalt  }
0x5b: {  	_ =	shalt  }
0x5c: {  	_ =	shalt  }
0x5d: {  	_ =	shalt  }
0x5e: {  	_ =	shalt  }
0x5f: {  	_ =	shalt  }
0x60: {  	_ =	shalt  }
0x61: {  	_ =	shalt  }
0x62: {  	_ =	shalt  }
0x63: {  	_ =	shalt  }
0x64: {  	_ =	shalt  }
0x65: {  	_ =	shalt  }
0x66: {  	_ =	shalt  }
0x67: {  	_ =	shalt  }
0x68: {  	_ =	shalt  }
0x69: {  	_ =	shalt  }
0x6a: {  	_ =	shalt  }
0x6b: {  	_ =	shalt  }
0x6c: {  	_ =	shalt  }
0x6d: {  	_ =	shalt  }
0x6e: {  	_ =	shalt  }
0x6f: {  	_ =	shalt  }
0x70: {  	_ =	shalt  }
0x71: {  	_ =	shalt  }
0x72: {  	_ =	shalt  }
0x73: {  	_ =	shalt  }
0x74: {  	_ =	shalt  }
0x75: {  	_ =	shalt  }
0x76: {  	_ =	shalt  }
0x77: {  	_ =	shalt  }
0x78: {  	_ =	shalt  }
0x79: {  	_ =	shalt  }
0x7a: {  	_ =	shalt  }
0x7b: {  	_ =	shalt  }
0x7c: {  	_ =	shalt  }
0x7d: {  	_ =	shalt  }
0x7e: {  	_ =	shalt  }
0x7f: {  	_ =	shalt  }
0x80: {  	_ =	shalt  }
0x81: {  	_ =	shalt  }
0x82: {  	_ =	shalt  }
0x83: {  	_ =	shalt  }
0x84: {  	_ =	shalt  }
0x85: {  	_ =	shalt  }
0x86: {  	_ =	shalt  }
0x87: {  	_ =	shalt  }
.Lfunc_end0:
.L_simem_size_0:
called_computation.1_lowered:
.L_overlay_start_0:
0x88: {  	s2 =	sld [smem:$0x3FD9]  }
0x89: {  	s3 =	sld [smem:$0x3FFE];
	_ =	sdelay $0x1  }
0x8a: {  	s1 =	srdreg.scid  }
0x8b: {  	s0 =	sand.u32 $0x1, s1  }
0x8c: {  	s14 =	sshll.u32 s0, $0xA;
	s2 =	sadd.s32 s3, s2  }
0x8d: {  	s2 =	sadd.s32 s2, s14  }
0x8e: {  	[smem:$0x3FC2] =	sst s2  }
0x8f: {  	_ = 	snop  }
0x90: {  	s2 =	sld [smem:$0x3FD0];
	_ =	sdelay $0x2  }
0x91: {  	s15 =	simm.s32 $0xA;
	s4 =	simm.s32 $0x10  }
0x92: {  	[smem:s4], [sflag:s15] =	dma.local [hbm:s2], $0x1  }
0x93: {  	_ =	swait.eq [sflag:s15], $0x1  }
0x94: {  	[sflag:s15] =	ssyncset.done $0x0  }
0x95: {  	[sflag:s15] =	ssyncadd.s32 $0xFFFFFFFF  }
0x96: {  	s16 =	sld [smem:$0x11];
	(tm) =	ssettm $0x1  }
0x97: {  	s17 =	sld [smem:$0x3FFB];
	_ =	sdelay $0x3  }
0x98: {  	_ =	strace s17  }
0x99: {  	s3 =	sld [smem:$0x3FFC];
	_ =	sdelay $0x3  }
0x9a: {  	_ =	strace s3  }
0x9b: {  	s3 =	sld [smem:$0x3FFD];
	_ =	sdelay $0x3  }
0x9c: {  	_ =	strace s3  }
0x9d: {  	_ =	strace $0x8FFFFFFF  }
0x9e: {  	s18 =	sld [smem:$0x3FDB];
	_ =	sdelay $0x1  }
0x9f: {  	s19 =	simm.s32 $_scs_section_size  }
0xa0: {  	s5 =	simm.s32 $_size__tile_overlayer_lowered;
	s6 =	simm.s32 $_tile_overlayer_lowered  }
0xa1: {  	s22 =	simm.s32 $0x1BFF;
	s21 =	sshll.u32 s6, $0x1;
	s3 =	sadd.s32 s19, s18  }
0xa2: {  	s7 =	simm.s32 $0x0;
	s20 =	sshll.u32 s5, $0x1;
	s5 =	sadd.s32 s21, s3  }
0xa3: {  	[timem:s7], [sflag:s22] =	dma.local [hbm:s5], s20  }
0xa4: {  	_ =	swait.ge [sflag:s22], s20  }
0xa5: {  	s4 =	ssub.s32 $0x0, s20;
	[sflag:s22] =	ssyncset.done $0x0  }
0xa6: {  	[sflag:s22] =	ssyncadd.s32 s4;
	_ =	sdelay $0x1  }
0xa7: {  	s23 =	simm.s32 $0x1B8B  }
0xa8: {  	_ =	swait.ge [sflag:s23], $0x1  }
0xa9: {  	[sflag:s23] =	ssyncset.done $0x0  }
0xaa: {  	s25 =	simm.s32 $0x1B8E;
	s24 =	sld [smem:$0x3FFE];
	[sflag:s23] =	ssyncadd.s32 $0xFFFFFFFF  }
0xab: {  	s26 =	simm.s32 $execute0_lowered;
	[smem:$0x3FD2] =	sst s25  }
0xac: {  	s5 =	sshll.u32 s26, $0x1;
	_ =	strace $0x80000049;
	[dreg:$0x1] =	wrdreg $0xFFFFFFFF  }
0xad: {  	s28 =	simm.s32 $_size_execute0_lowered;
	s3 =	sadd.s32 s3, s5;
	[dreg:$0x0] =	wrdreg $0x0  }
0xae: {  	s5 =	sshll.u32 s28, $0x1;
	[dreg:$0x2] =	wrdreg s3  }
0xaf: {  	[dreg:$0x3] =	wrdreg s5  }
0xb0: {  	[dreg:$0x4] =	wrdreg $0xC0  }
0xb1: {  	_ =	task [dreg:s7], $0x5FFFF  }
0xb2: {  	[dreg:$0x1] =	wrdreg $0xFFFFFFFF  }
0xb3: {  	[dreg:$0x0] =	wrdreg $0x60  }
0xb4: {  	[dreg:$0x2] =	wrdreg s24  }
0xb5: {  	[dreg:$0x3] =	wrdreg s16  }
0xb6: {  	[dreg:$0x4] =	wrdreg $0xD0000  }
0xb7: {  	[dreg:$0x5] =	wrdreg $0x11F000  }
0xb8: {  	[dreg:$0x6] =	wrdreg $0x9  }
0xb9: {  	_ =	task.clear_ibuf [dreg:s7], $0x7FFFF;
	_ =	strace $0x90000049  }
0xba: {  	s29 =	simm.s32 $0x9;
	_ =	strace $0x8000004B  }
0xbb: {  	_ =	swait.ge [sflag:s29], $0x1  }
0xbc: {  	[sflag:s29] =	ssyncadd.s32 $0xFFFFFFFF  }
0xbd: {  	_ =	strace $0x9000004B  }
0xbe: {  	_ =	sfence  }
0xbf: {  	s30 =	sld [smem:$0x0];
	_ =	sdelay $0x2  }
0xc0: {  	s31 =	sshll.u32 s1, $0xD;
	s1 =	sshrl.u32 s1, $0x2  }
0xc1: {  	s3 =	sand.u32 $0x4000, s31;
	s1 =	sadd.s32 s1, s30  }
0xc2: {  	s0 =	sor.u32 s3, s0;
	s1 =	sshll.u32 s1, $0x11  }
0xc3: {  	s0 =	sor.u32 s1, s0  }
0xc4: {  	s0 =	sadd.s32 $0x8F2B, s0  }
0xc5: {  	[sflag:s0] =	ssyncadd.remote.s32 $0x1  }
0xc6: {  	_ =	sfence.sel $0xFFFF  }
0xc7: {  	[dreg:$0x0] =	wrdreg $0xFFFFFFFF;
	(pc) =	sbr.abs _section_cstart, $3  }
0xc8: {  	[dreg:$0x1] =	wrdreg $0xFFFFFFFF  }
0xc9: {  	_ =	task.clear_ibuf [dreg:s7], $0x2FFFF;
	_ =	strace $0x9FFFFFFF  }
0xca: {  	(tm) =	ssettm $0x7FFFFFFF  }
0xcb: {  	_ =	shalt  }
tec
execute0_lowered:
.L_overlay_start_1:
0x0: {  	(tag) =	ssettag $0x1  }
0x1: {  	s0 =	rddreg [dreg:$0x0]  }
0x2: {  	s1 =	rddreg [dreg:$0x1];
	s3 =	srdreg.scid  }
0x3: {  	s2 =	rddreg [dreg:$0x2];
	s9 =	stileid.u32;
	s6 =	simm.s32 $0x0  }
0x4: {  	s13 =	simm.s32 $0x11;
	s28 =	simm.s32 $0x2;
	s29 =	simm.s32 $0xA000  }
0x5: {  	s30 =	simm.s32 $0x3;
	s4 =	sand.u32 $0x1, s3;
	s3 =	rddreg [dreg:$0x3]  }
0x6: {  	s31 =	simm.s32 $0xB000;
	s14 =	simm.s32 $0x5;
	[smem:$0x7FF] =	sst s6  }
0x7: {  	s18 =	sadd.s32 $0xB2C00, s0;
	s8 =	sadd.s32 $0xC6800, s0;
	s10 =	smul.u32 $0x4F00, s9  }
0x8: {  	s25 =	sshll.u32 s9, $0x6;
	s6 =	simm.s32 $0x0;
	s5 =	sshll.u32 s4, $0x4  }
0x9: {  	_ =	strace $0x8000004A;
	[dreg:$0x5] =	wrdreg s18;
	s7 =	ssub.s32 $0x2, s4  }
0xa: {  	[dreg:$0x6] =	wrdreg s8;
	s4 =	smul.u32 $0x9E000, s4;
	s15 =	sor.u32 $0x1C11, s25  }
0xb: {  	s18 =	simm.s32 $0x80;
	s25 =	simm.s32 $0x1;
	s8 =	simm.s32 $0x10  }
0xc: {  	s5 =	sor.u32 s9, s5;
	s20 =	sshrl.u32 s7, $0x1;
	s23 =	sadd.s32 s10, s2  }
0xd: {  	s24 =	sadd.s32 s10, s3;
	[dreg:$0x7] =	wrdreg s10;
	s9 =	simm.s32 $0x8  }
0xe: {  	s5 =	smul.u32 $0x500, s5;
	s21 =	ssub.s32 s7, s20;
	s4 =	sadd.s32 s10, s4  }
0xf: {  	s26 =	sshrl.u32 s23, $0x3;
	s17 =	sshrl.u32 s24, $0x3;
	s20 =	simm.s32 $0x6000  }
0x10: {  	s24 =	simm.s32 $0x8000;
	s23 =	simm.s32 $0xC;
	[dreg:$0xb] =	wrdreg s4  }
0x11: {  	[dreg:$0xd] =	wrdreg s26;
	s19 =	sadd.s32 s5, s0;
	s0 =	sadd.s32 $0xDA400, s0  }
.Ltmp0:
0x12: {  	s1 =	sadd.s32 s1, s5;
	[dreg:$0x8] =	wrdreg s0;
	(pc) =	sbr.rel .LBB2_1-.Ltmp0, $4  }
0x13: {  	s26 =	simm.s32 $0x9000;
	s4 =	simm.s32 $0x7;
	[dreg:$0x9] =	wrdreg s1  }
0x14: {  	s22 =	sadd.s32 $0xAC00, s19;
	s0 =	smax.u32 s21, $0x1;
	s19 =	simm.s32 $0x5000  }
0x15: {  	s1 =	simm.s32 $0xC000;
	s21 =	simm.s32 $0xB;
	[dreg:$0xa] =	wrdreg s22  }
0x16: {  	[dreg:$0xc] =	wrdreg s0;
	s22 =	simm.s32 $0x7000;
	s0 =	simm.s32 $0x4  }
.LBB2_6:
0x17: {  	s6 =	rddreg [dreg:$0xe]  }
0x18: {  	s5 =	rddreg [dreg:$0xc];
	s6 =	sadd.s32 $0x1, s6  }
0x19: {  	p0 =	sne.s32 s6, s5  }
.Ltmp1:
0x1a: {  	_ = 	snop;
	(pc) =	sbr.rel @!p0 .LBB2_7-.Ltmp1, $1  }
0x1b: {  	_ =	sdelay $0x3  }
.LBB2_1:
0x1c: {  	[dreg:$0xe] =	wrdreg s6  }
0x1d: {  	s5 =	simm.s32 $0x0;
	s12 =	rddreg [dreg:$0x9]  }
0x1e: {  	[tilespmem:s5], [sflag:$0x11] =	stream.linear.gather [hbm4b:s12+s5], $0x2800, $0x38;
	[tilespmem:$0x16E00] =	vst v63  }
0x1f: {  	_ =	swait.ge [sflag:s13], $0x2800  }
0x20: {  	s7 =	simm.s32 $0x2800;
	[sflag:s13] =	ssyncset.done $0x0  }
.Ltmp2:
0x21: {  	s16 =	rddreg [dreg:$0xa];
	[sflag:s13] =	ssyncadd.s32 $0xFFFFD800;
	(pc) =	sbr.rel .LBB2_2-.Ltmp2, $4  }
0x22: {  	[tilespmem:s7], [sflag:$0x11] =	stream.linear.gather [hbm4b:s16+s5], $0x2800, $0x38;
	[tilespmem:$0x16E00] =	vst v63  }
0x23: {  	_ =	swait.ge [sflag:s13], $0x2800  }
0x24: {  	[sflag:s13] =	ssyncset.done $0x0  }
0x25: {  	p1 =	por $0x1, $0x1;
	s11 =	simm.s32 $0x0;
	[sflag:s13] =	ssyncadd.s32 $0xFFFFD800  }
.LBB2_5:
0x26: {  	_ =	swait.ge [sflag:s9], $0x1000  }
0x27: {  	[sflag:s9] =	ssyncset.done $0x0  }
0x28: {  	s5 =	simm.s32 $0x9;
	[sflag:s9] =	ssyncadd.s32 $0xFFFFF000  }
0x29: {  	[spmem:s3] =	stream.indirect.scatter.add.f32 [tilespmem:s1], [sflag:$0x10], $0x20, s12, s18, $0xb8;
	[tilespmem:$0x16E00] =	vst v63  }
0x2a: {  	_ =	swait.ge [sflag:s5], $0x1000  }
0x2b: {  	[sflag:s5] =	ssyncset.done $0x0  }
0x2c: {  	s6 =	simm.s32 $0xA;
	[sflag:s5] =	ssyncadd.s32 $0xFFFFF000  }
0x2d: {  	_ =	swait.ge [sflag:s6], $0x1000  }
0x2e: {  	[sflag:s6] =	ssyncset.done $0x0  }
0x2f: {  	[sflag:s6] =	ssyncadd.s32 $0xFFFFF000  }
0x30: {  	_ =	swait.ge [sflag:s21], $0x1000  }
0x31: {  	[sflag:s21] =	ssyncset.done $0x0  }
0x32: {  	[sflag:s21] =	ssyncadd.s32 $0xFFFFF000  }
0x33: {  	_ =	swait.ge [sflag:s23], $0x1000  }
0x34: {  	[sflag:s23] =	ssyncset.done $0x0  }
0x35: {  	s7 =	simm.s32 $0xD;
	[sflag:s23] =	ssyncadd.s32 $0xFFFFF000  }
0x36: {  	_ =	swait.ge [sflag:s7], $0x1000  }
0x37: {  	[sflag:s7] =	ssyncset.done $0x0  }
0x38: {  	s10 =	simm.s32 $0xE;
	[sflag:s7] =	ssyncadd.s32 $0xFFFFF000  }
0x39: {  	_ =	swait.ge [sflag:s10], $0x1000  }
0x3a: {  	[sflag:s10] =	ssyncset.done $0x0  }
0x3b: {  	s12 =	simm.s32 $0xF;
	[sflag:s10] =	ssyncadd.s32 $0xFFFFF000  }
0x3c: {  	_ =	swait.ge [sflag:s12], $0x1000  }
0x3d: {  	[sflag:s12] =	ssyncset.done $0x0  }
0x3e: {  	[sflag:s12] =	ssyncadd.s32 $0xFFFFF000  }
0x3f: {  	_ =	swait.ge [sflag:s8], $0x1000  }
0x40: {  	[sflag:s8] =	ssyncset.done $0x0  }
0x41: {  	s16 =	rddreg [dreg:$0xb];
	[sflag:s8] =	ssyncadd.s32 $0xFFFFF000  }
0x42: {  	s5 =	sadd.s32 s11, s16;
	[bflag:$0x0] =	sbarrier.arrive $0xFFFF  }
0x43: {  	s5 =	sshrl.u32 s5, $0x3;
	s6 =	rddreg [dreg:$0x8]  }
.Ltmp3:
0x44: {  	s5 =	sadd.s32 s6, s5;
	(pc) =	sbr.rel @!p0 .LBB2_6-.Ltmp3, $4  }
0x45: {  	[hbm:s5], [sflag:s15] =	dma.local [spmem:s17], $0x9E0  }
0x46: {  	_ =	swait.ge [sflag:s13], $0x9E0  }
0x47: {  	[sflag:s13] =	ssyncset.done $0x0  }
0x48: {  	p1 =	por $0x0, $0x0;
	s11 =	simm.s32 $0x4F000;
	[sflag:s13] =	ssyncadd.s32 $0xFFFFF620  }
.LBB2_2:
0x49: {  	s5 =	rddreg [dreg:$0x7]  }
0x4a: {  	s10 =	sadd.s32 s5, s11  }
0x4b: {  	s16 =	rddreg [dreg:$0x5];
	s10 =	sshrl.u32 s10, $0x3  }
0x4c: {  	s6 =	rddreg [dreg:$0xd];
	s12 =	sadd.s32 s16, s10  }
0x4d: {  	[spmem:s6], [sflag:s15] =	dma.local [hbm:s12], $0x9E0  }
0x4e: {  	_ =	swait.ge [sflag:s13], $0x9E0  }
0x4f: {  	[sflag:s13] =	ssyncset.done $0x0;
	s7 =	rddreg [dreg:$0x6]  }
0x50: {  	[sflag:s13] =	ssyncadd.s32 $0xFFFFF620;
	s10 =	sadd.s32 s7, s10  }
0x51: {  	[spmem:s17], [sflag:s15] =	dma.local [hbm:s10], $0x9E0  }
0x52: {  	_ =	swait.ge [sflag:s13], $0x9E0  }
0x53: {  	[sflag:s13] =	ssyncset.done $0x0  }
0x54: {  	[sflag:s13] =	ssyncadd.s32 $0xFFFFF620  }
0x55: {  	s16 =	simm.s32 $0x0;
	[bflag:$0x0] =	sbarrier.arrive $0xFFFF  }
0x56: {  	[tilespmem:s19], [sflag:$0x1] =	stream.indirect.gather [spmem:s2], $0x20, s16, s18, $0xb8;
	[tilespmem:$0x16E00] =	vst v63  }
0x57: {  	_ = 	snop  }
0x58: {  	[tilespmem:s20], [sflag:$0x2] =	stream.indirect.gather [spmem:s2], $0x20, s18, s18, $0xb8;
	[tilespmem:$0x16E00] =	vst v63  }
0x59: {  	s10 =	simm.s32 $0x100  }
0x5a: {  	[tilespmem:s22], [sflag:$0x3] =	stream.indirect.gather [spmem:s2], $0x20, s10, s18, $0xb8;
	[tilespmem:$0x16E00] =	vst v63  }
0x5b: {  	p0 =	por p1, p1;
	s12 =	simm.s32 $0x180  }
0x5c: {  	[tilespmem:s24], [sflag:$0x4] =	stream.indirect.gather [spmem:s2], $0x20, s12, s18, $0xb8;
	[tilespmem:$0x16E00] =	vst v63  }
.LBB2_3:
0x5d: {  	_ =	swait.ge [sflag:s25], $0x1000  }
0x5e: {  	s10 =	sshra.s32 s16, $0x2;
	[sflag:s25] =	ssyncset.done $0x0  }
0x5f: {  	p1 =	seq.s32 s16, $0x0;
	s12 =	sadd.s32 $0x2800, s10;
	[sflag:s25] =	ssyncadd.s32 $0xFFFFF000  }
0x60: {  	[spmem:s3] =	stream.indirect.scatter.add.f32 [tilespmem:s19], [sflag:$0x9], $0x20, s12, s18, $0xb8;
	[tilespmem:$0x16E00] =	vst v63  }
0x61: {  	s12 =	simm.s32 @!p1 $0xD  }
0x62: {  	_ =	swait.ge @!p1 [sflag:s12], $0x1000  }
0x63: {  	[sflag:s12] =	ssyncset.done @!p1 $0x0  }
0x64: {  	s6 =	sadd.s32 $0x200, s10;
	[sflag:s12] =	ssyncadd.s32 @!p1 $0xFFFFF000  }
0x65: {  	[tilespmem:s26], [sflag:$0x5] =	stream.indirect.gather [spmem:s2], $0x20, s6, s18, $0xb8;
	[tilespmem:$0x16E00] =	vst v63  }
0x66: {  	_ =	swait.ge [sflag:s28], $0x1000  }
0x67: {  	[sflag:s28] =	ssyncset.done $0x0  }
0x68: {  	s7 =	sadd.s32 $0x2880, s10;
	s12 =	simm.s32 @!p1 $0xE;
	[sflag:s28] =	ssyncadd.s32 $0xFFFFF000  }
0x69: {  	[spmem:s3] =	stream.indirect.scatter.add.f32 [tilespmem:s20], [sflag:$0xA], $0x20, s7, s18, $0xb8;
	[tilespmem:$0x16E00] =	vst v63  }
0x6a: {  	_ =	swait.ge @!p1 [sflag:s12], $0x1000  }
0x6b: {  	[sflag:s12] =	ssyncset.done @!p1 $0x0  }
0x6c: {  	s5 =	sadd.s32 $0x280, s10;
	[sflag:s12] =	ssyncadd.s32 @!p1 $0xFFFFF000  }
0x6d: {  	[tilespmem:s29], [sflag:$0x6] =	stream.indirect.gather [spmem:s2], $0x20, s5, s18, $0xb8;
	[tilespmem:$0x16E00] =	vst v63  }
0x6e: {  	_ =	swait.ge [sflag:s30], $0x1000  }
0x6f: {  	[sflag:s30] =	ssyncset.done $0x0  }
0x70: {  	s6 =	sadd.s32 $0x2900, s10;
	s12 =	simm.s32 @!p1 $0xF;
	[sflag:s30] =	ssyncadd.s32 $0xFFFFF000  }
0x71: {  	[spmem:s3] =	stream.indirect.scatter.add.f32 [tilespmem:s22], [sflag:$0xB], $0x20, s6, s18, $0xb8;
	[tilespmem:$0x16E00] =	vst v63  }
0x72: {  	_ =	swait.ge @!p1 [sflag:s12], $0x1000  }
0x73: {  	[sflag:s12] =	ssyncset.done @!p1 $0x0  }
0x74: {  	s7 =	sadd.s32 $0x300, s10;
	[sflag:s12] =	ssyncadd.s32 @!p1 $0xFFFFF000  }
0x75: {  	[tilespmem:s31], [sflag:$0x7] =	stream.indirect.gather [spmem:s2], $0x20, s7, s18, $0xb8;
	[tilespmem:$0x16E00] =	vst v63  }
0x76: {  	_ =	swait.ge [sflag:s0], $0x1000  }
0x77: {  	[sflag:s0] =	ssyncset.done $0x0  }
0x78: {  	s5 =	sadd.s32 $0x2980, s10;
	s12 =	simm.s32 @!p1 $0x10;
	[sflag:s0] =	ssyncadd.s32 $0xFFFFF000  }
0x79: {  	[spmem:s3] =	stream.indirect.scatter.add.f32 [tilespmem:s24], [sflag:$0xC], $0x20, s5, s18, $0xb8;
	[tilespmem:$0x16E00] =	vst v63  }
0x7a: {  	_ =	swait.ge @!p1 [sflag:s12], $0x1000  }
0x7b: {  	[sflag:s12] =	ssyncset.done @!p1 $0x0  }
0x7c: {  	s6 =	sadd.s32 $0x380, s10;
	[sflag:s12] =	ssyncadd.s32 @!p1 $0xFFFFF000  }
0x7d: {  	[tilespmem:s1], [sflag:$0x8] =	stream.indirect.gather [spmem:s2], $0x20, s6, s18, $0xb8;
	[tilespmem:$0x16E00] =	vst v63  }
0x7e: {  	_ =	swait.ge [sflag:s14], $0x1000  }
0x7f: {  	p1 =	seq.s32 s16, $0x9000;
	[sflag:s14] =	ssyncset.done $0x0  }
0x80: {  	s7 =	sadd.s32 $0x2A00, s10;
	s12 =	simm.s32 @p1 $0x6;
	[sflag:s14] =	ssyncadd.s32 $0xFFFFF000  }
0x81: {  	[spmem:s3] =	stream.indirect.scatter.add.f32 [tilespmem:s26], [sflag:$0xD], $0x20, s7, s18, $0xb8;
	[tilespmem:$0x16E00] =	vst v63  }
0x82: {  	_ =	swait.ge @p1 [sflag:s12], $0x1000  }
0x83: {  	[sflag:s12] =	ssyncset.done @p1 $0x0  }
0x84: {  	[sflag:s12] =	ssyncadd.s32 @p1 $0xFFFFF000;
	s12 =	sshra.s32 @p1 s16, $0x2  }
0x85: {  	s5 =	simm.s32 @p1 $0x80;
	s6 =	simm.s32 @p1 $0xA000;
	s12 =	sadd.s32 @p1 $0x2A80, s12  }
0x86: {  	[spmem:s3] =	stream.indirect.scatter.add.f32 @p1 [tilespmem:s6], [sflag:$0xE], $0x20, s12, s5, $0xb8;
	[tilespmem:$0x16E00] =	vst v63  }
0x87: {  	s5 =	simm.s32 @!p1 $0x9  }
0x88: {  	_ =	swait.ge @!p1 [sflag:s5], $0x1000  }
0x89: {  	[sflag:s5] =	ssyncset.done @!p1 $0x0  }
0x8a: {  	[sflag:s5] =	ssyncadd.s32 @!p1 $0xFFFFF000;
	s5 =	sshra.s32 @!p1 s16, $0x2  }
0x8b: {  	s7 =	simm.s32 @!p1 $0x5000;
	s12 =	simm.s32 @!p1 $0x80;
	s6 =	sadd.s32 @!p1 $0x400, s5  }
0x8c: {  	[tilespmem:s7], [sflag:$0x1] =	stream.indirect.gather @!p1 [spmem:s2], $0x20, s6, s12, $0xb8;
	[tilespmem:$0x16E00] =	vst v63  }
0x8d: {  	s6 =	simm.s32 @!p1 $0x6  }
0x8e: {  	_ =	swait.ge @!p1 [sflag:s6], $0x1000  }
0x8f: {  	[sflag:s6] =	ssyncset.done @!p1 $0x0  }
0x90: {  	s7 =	simm.s32 @!p1 $0xA000;
	[sflag:s6] =	ssyncadd.s32 @!p1 $0xFFFFF000;
	s6 =	sadd.s32 @!p1 $0x2A80, s5  }
0x91: {  	[spmem:s3] =	stream.indirect.scatter.add.f32 @!p1 [tilespmem:s7], [sflag:$0xE], $0x20, s6, s12, $0xb8;
	[tilespmem:$0x16E00] =	vst v63  }
0x92: {  	s6 =	simm.s32 @!p1 $0xA  }
0x93: {  	_ =	swait.ge @!p1 [sflag:s6], $0x1000  }
0x94: {  	[sflag:s6] =	ssyncset.done @!p1 $0x0  }
0x95: {  	s5 =	sadd.s32 @!p1 $0x480, s5;
	[sflag:s6] =	ssyncadd.s32 @!p1 $0xFFFFF000;
	s6 =	simm.s32 @!p1 $0x6000  }
0x96: {  	[tilespmem:s6], [sflag:$0x2] =	stream.indirect.gather @!p1 [spmem:s2], $0x20, s5, s12, $0xb8;
	[tilespmem:$0x16E00] =	vst v63  }
.Ltmp4:
0x97: {  	_ =	swait.ge [sflag:s4], $0x1000;
	(pc) =	sbr.rel @p1 .LBB2_5-.Ltmp4, $4  }
0x98: {  	[sflag:s4] =	ssyncset.done $0x0  }
0x99: {  	s12 =	sadd.s32 $0x2B00, s10;
	[sflag:s4] =	ssyncadd.s32 $0xFFFFF000  }
0x9a: {  	[spmem:s3] =	stream.indirect.scatter.add.f32 [tilespmem:s31], [sflag:$0xF], $0x20, s12, s18, $0xb8;
	[tilespmem:$0x16E00] =	vst v63  }
0x9b: {  	s12 =	sadd.s32 $0x2B80, s10  }
0x9c: {  	_ =	swait.ge [sflag:s21], $0x1000  }
0x9d: {  	[sflag:s21] =	ssyncset.done $0x0  }
0x9e: {  	s5 =	sadd.s32 $0x500, s10;
	[sflag:s21] =	ssyncadd.s32 $0xFFFFF000  }
0x9f: {  	[tilespmem:s22], [sflag:$0x3] =	stream.indirect.gather [spmem:s2], $0x20, s5, s18, $0xb8;
	[tilespmem:$0x16E00] =	vst v63  }
0xa0: {  	_ =	swait.ge [sflag:s9], $0x1000  }
0xa1: {  	[sflag:s9] =	ssyncset.done $0x0  }
0xa2: {  	[sflag:s9] =	ssyncadd.s32 $0xFFFFF000  }
0xa3: {  	[spmem:s3] =	stream.indirect.scatter.add.f32 [tilespmem:s1], [sflag:$0x10], $0x20, s12, s18, $0xb8;
	[tilespmem:$0x16E00] =	vst v63  }
.Ltmp5:
0xa4: {  	_ = 	snop;
	(pc) =	sbr.rel .LBB2_3-.Ltmp5, $4  }
0xa5: {  	_ =	swait.ge [sflag:s23], $0x1000  }
0xa6: {  	[sflag:s23] =	ssyncset.done $0x0  }
0xa7: {  	s16 =	sadd.s32 $0x1000, s16;
	s12 =	sadd.s32 $0x580, s10;
	[sflag:s23] =	ssyncadd.s32 $0xFFFFF000  }
0xa8: {  	[tilespmem:s24], [sflag:$0x4] =	stream.indirect.gather [spmem:s2], $0x20, s12, s18, $0xb8;
	[tilespmem:$0x16E00] =	vst v63  }
.LBB2_7:
0xa9: {  	_ =	sfence.sel $0x180000  }
0xaa: {  	[bflag:$0x0] =	sbarrier.arrive $0xFFFF  }
0xab: {  	_ =	strace $0x9000004A  }
0xac: {  	s0 =	stileid.u32;
	[bflag:$0x2] =	sbarrier.arrive $0xFFFF  }
0xad: {  	p0 =	sne.s32 s0, $0x0;
	s0 =	rddreg [dreg:$0x4]  }
0xae: {  	s0 =	sadd.s32 @!p0 $0x100000, s0  }
0xaf: {  	[sflag:s0] =	ssyncadd.tile.s32 @!p0 $0x1;
	_ =	shalt  }
.Lfunc_end2:
_tile_overlayer_lowered:
.L_overlay_start_2:
0xb0: {  	(tag) =	ssettag $0x2  }
0xb1: {  	s0 =	rddreg [dreg:$0x0];
	s2 =	stileid.u32  }
0xb2: {  	s1 =	rddreg [dreg:$0x1];
	p0 =	sne.s32 s2, $0x0  }
0xb3: {  	s3 =	rddreg [dreg:$0x2];
	[bflag:$0x3] =	sbarrier.arrive $0xFFFF;
	s2 =	simm.s32 @!p0 $0x1C11  }
0xb4: {  	[timem:s3], [sflag:s2] =	dma.local @!p0 [hbm:s0], s1  }
0xb5: {  	s0 =	simm.s32 @!p0 $0x11  }
0xb6: {  	_ =	swait.ge @!p0 [sflag:s0], s1  }
0xb7: {  	s1 =	ssub.s32 @!p0 $0x0, s1;
	[sflag:s0] =	ssyncset.done @!p0 $0x0  }
0xb8: {  	[sflag:s0] =	ssyncadd.s32 @!p0 s1  }
0xb9: {  	[bflag:$0x3] =	sbarrier.arrive $0xFFFF  }
0xba: {  	_ =	shalt  }

// kernel: kernel.17.cloned.1.call-start
scs
__scs_entry_jumppad:
0x0: {  	(pc) =	sbr.rel $0x88, $3  }
0x1: {  	(tag) =	ssettag $0x0;
	lr =	simm.s32 $0x1  }
0x2: {  	[smem:$0x3F9B] =	sst lr;
	_ =	strace $0xD0000000  }
0x3: {  	_ = 	snop  }
0x4: {  	_ = 	snop  }
0x5: {  	_ = 	snop  }
0x6: {  	_ = 	snop  }
0x7: {  	_ = 	snop  }
__scs_overlays_trampoline_lowered:
0x8: {  	[smem:$0x3FAA] =	sst s0  }
0x9: {  	[smem:$0x3FAB] =	sst s1  }
0xa: {  	[smem:$0x3FAC] =	sst s2  }
0xb: {  	[smem:$0x3FAD] =	sst s3  }
0xc: {  	[smem:$0x3FAE] =	sst s4  }
0xd: {  	[smem:$0x3FAF] =	sst s5  }
0xe: {  	[smem:$0x3FB0] =	sst s6  }
0xf: {  	[smem:$0x3FB1] =	sst s7  }
0x10: {  	[smem:$0x3FB2] =	sst s8  }
0x11: {  	[smem:$0x3FB3] =	sst s9;
	s0 =	simm.s32 @!p0 $0x0  }
0x12: {  	s1 =	sld [smem:$0x3F99];
	s0 =	simm.s32 @p0 $0x1  }
0x13: {  	[smem:$0x3FB4] =	sst s0;
	s0 =	simm.s32 @!p1 $0x0  }
0x14: {  	s2 =	sld [smem:$0x3F98];
	s0 =	simm.s32 @p1 $0x1  }
0x15: {  	[smem:$0x3FB5] =	sst s0;
	s0 =	simm.s32 @!p2 $0x0  }
0x16: {  	s3 =	sld [smem:$0x3FDB];
	s0 =	simm.s32 @p2 $0x1  }
0x17: {  	s4 =	simm.s32 $0x1BF5;
	[smem:$0x3FB7] =	sst s0  }
0x18: {  	s0 =	sld [smem:$0x3F9A];
	_ =	swait.ge [sflag:s4], $0x0  }
0x19: {  	s7 =	sld [smem:$0x3F9B]  }
0x1a: {  	s8 =	sadd.s32 $0xFFFFE003, lr  }
0x1b: {  	s9 =	sadd.s32 $0xFFFFFEF7, lr;
	s5 =	simm.s32 $0xFFFFFFFF;
	p2 =	slt.u32 s8, $0xFFFFF086  }
0x1c: {  	p1 =	slt.u32 s9, $0xF7A;
	s5 =	simm.s32 @!p2 $0x0  }
0x1d: {  	s5 =	simm.s32 @p1 $0x1;
	p0 =	seq.s32 s7, s2  }
0x1e: {  	s7 =	smul.u32 @!p0 $0xF7A, s2;
	p2 =	seq.s32 @!p0 s5, $0x0  }
0x1f: {  	s9 =	smul.u32 $0xF7A, s1;
	s8 =	simm.s32 @!p0 $0x1BF5;
	p2 =	por !p2, p0  }
0x20: {  	[sflag:s8] =	ssyncset.s32 @!p0 $0xFFFFF086;
	s6 =	sadd.s32 @!p0 s3, s7;
	s7 =	simm.s32 @!p0 $0x108  }
0x21: {  	s3 =	sadd.s32 s3, s9;
	s6 =	sadd.s32 @!p0 $0x88, s6;
	s7 =	simm.s32 @p2 $0x1082  }
0x22: {  	[simem:s7], [sflag:s8] =	dma.local @!p0 [hbm:s6], $0xF7A  }
0x23: {  	s9 =	sor.u32 $0xD0000000, s2;
	s6 =	simm.s32 $0x108;
	_ =	swait.ge @!p0 [sflag:s8], $0x0  }
0x24: {  	s3 =	sadd.s32 $0x88, s3;
	s6 =	simm.s32 @!p1 $0x1082;
	[sflag:s4] =	ssyncset.s32 $0xFFFFF086  }
0x25: {  	[simem:s6], [sflag:s4] =	dma.local [hbm:s3], $0xF7A  }
0x26: {  	[smem:$0x3F9B] =	sst s1;
	(tag) =	ssettag s2;
	_ =	strace s9  }
0x27: {  	s1 =	sld [smem:$0x3FAB]  }
0x28: {  	s2 =	sld [smem:$0x3FAC]  }
0x29: {  	s4 =	sld [smem:$0x3FAE]  }
0x2a: {  	p0 =	seq.s32 s5, $0x0;
	s5 =	sld [smem:$0x3FAF]  }
0x2b: {  	s6 =	sld [smem:$0x3FB0]  }
0x2c: {  	s7 =	sld [smem:$0x3FB1]  }
0x2d: {  	s3 =	simm.s32 $0x108;
	s8 =	sld [smem:$0x3FB2]  }
0x2e: {  	s3 =	simm.s32 @!p0 $0x1082;
	s9 =	sld [smem:$0x3FB3]  }
0x2f: {  	lr =	sadd.s32 s0, s3;
	s0 =	sld [smem:$0x3FAA]  }
0x30: {  	s3 =	sld [smem:$0x3FAD]  }
0x31: {  	[smem:$0x3FB6] =	sst s10  }
0x32: {  	s10 =	sld [smem:$0x3FB4];
	_ =	sdelay $0x3  }
0x33: {  	p0 =	seq.s32 s10, $0x1;
	s10 =	sld [smem:$0x3FB6];
	_ =	sdelay $0x3  }
0x34: {  	[smem:$0x3FB6] =	sst s10  }
0x35: {  	s10 =	sld [smem:$0x3FB5];
	_ =	sdelay $0x3  }
0x36: {  	p1 =	seq.s32 s10, $0x1;
	s10 =	sld [smem:$0x3FB6];
	_ =	sdelay $0x3  }
0x37: {  	[smem:$0x3FB6] =	sst s10  }
0x38: {  	s10 =	sld [smem:$0x3FB7]  }
0x39: {  	_ = 	snop;
	(pc) =	sbr.ind lr, $3  }
0x3a: {  	_ = 	snop  }
0x3b: {  	_ = 	snop  }
0x3c: {  	p2 =	seq.s32 s10, $0x1;
	s10 =	sld [smem:$0x3FB6]  }
0x3d: {  	_ =	shalt  }
0x3e: {  	_ =	shalt  }
0x3f: {  	_ =	shalt  }
0x40: {  	_ =	shalt  }
0x41: {  	_ =	shalt  }
0x42: {  	_ =	shalt  }
0x43: {  	_ =	shalt  }
0x44: {  	_ =	shalt  }
0x45: {  	_ =	shalt  }
0x46: {  	_ =	shalt  }
0x47: {  	_ =	shalt  }
0x48: {  	_ =	shalt  }
0x49: {  	_ =	shalt  }
0x4a: {  	_ =	shalt  }
0x4b: {  	_ =	shalt  }
0x4c: {  	_ =	shalt  }
0x4d: {  	_ =	shalt  }
0x4e: {  	_ =	shalt  }
0x4f: {  	_ =	shalt  }
0x50: {  	_ =	shalt  }
0x51: {  	_ =	shalt  }
0x52: {  	_ =	shalt  }
0x53: {  	_ =	shalt  }
0x54: {  	_ =	shalt  }
0x55: {  	_ =	shalt  }
0x56: {  	_ =	shalt  }
0x57: {  	_ =	shalt  }
0x58: {  	_ =	shalt  }
0x59: {  	_ =	shalt  }
0x5a: {  	_ =	shalt  }
0x5b: {  	_ =	shalt  }
0x5c: {  	_ =	shalt  }
0x5d: {  	_ =	shalt  }
0x5e: {  	_ =	shalt  }
0x5f: {  	_ =	shalt  }
0x60: {  	_ =	shalt  }
0x61: {  	_ =	shalt  }
0x62: {  	_ =	shalt  }
0x63: {  	_ =	shalt  }
0x64: {  	_ =	shalt  }
0x65: {  	_ =	shalt  }
0x66: {  	_ =	shalt  }
0x67: {  	_ =	shalt  }
0x68: {  	_ =	shalt  }
0x69: {  	_ =	shalt  }
0x6a: {  	_ =	shalt  }
0x6b: {  	_ =	shalt  }
0x6c: {  	_ =	shalt  }
0x6d: {  	_ =	shalt  }
0x6e: {  	_ =	shalt  }
0x6f: {  	_ =	shalt  }
0x70: {  	_ =	shalt  }
0x71: {  	_ =	shalt  }
0x72: {  	_ =	shalt  }
0x73: {  	_ =	shalt  }
0x74: {  	_ =	shalt  }
0x75: {  	_ =	shalt  }
0x76: {  	_ =	shalt  }
0x77: {  	_ =	shalt  }
0x78: {  	_ =	shalt  }
0x79: {  	_ =	shalt  }
0x7a: {  	_ =	shalt  }
0x7b: {  	_ =	shalt  }
0x7c: {  	_ =	shalt  }
0x7d: {  	_ =	shalt  }
0x7e: {  	_ =	shalt  }
0x7f: {  	_ =	shalt  }
0x80: {  	_ =	shalt  }
0x81: {  	_ =	shalt  }
0x82: {  	_ =	shalt  }
0x83: {  	_ =	shalt  }
0x84: {  	_ =	shalt  }
0x85: {  	_ =	shalt  }
0x86: {  	_ =	shalt  }
0x87: {  	_ =	shalt  }
.Lfunc_end0:
.L_simem_size_0:
called_computation.2_lowered:
.L_overlay_start_0:
0x88: {  	s2 =	sld [smem:$0x3FD9]  }
0x89: {  	s3 =	sld [smem:$0x3FFE];
	_ =	sdelay $0x1  }
0x8a: {  	s1 =	srdreg.scid  }
0x8b: {  	s0 =	sand.u32 $0x1, s1  }
0x8c: {  	s14 =	sshll.u32 s0, $0xA;
	s2 =	sadd.s32 s3, s2  }
0x8d: {  	s2 =	sadd.s32 s2, s14  }
0x8e: {  	[smem:$0x3FC2] =	sst s2  }
0x8f: {  	_ = 	snop  }
0x90: {  	s2 =	sld [smem:$0x3FD0];
	_ =	sdelay $0x2  }
0x91: {  	s15 =	simm.s32 $0xA;
	s4 =	simm.s32 $0x10  }
0x92: {  	[smem:s4], [sflag:s15] =	dma.local [hbm:s2], $0x1  }
0x93: {  	_ =	swait.eq [sflag:s15], $0x1  }
0x94: {  	[sflag:s15] =	ssyncset.done $0x0  }
0x95: {  	[sflag:s15] =	ssyncadd.s32 $0xFFFFFFFF  }
0x96: {  	s16 =	sld [smem:$0x11];
	(tm) =	ssettm $0x1  }
0x97: {  	s17 =	sld [smem:$0x3FFB];
	_ =	sdelay $0x3  }
0x98: {  	_ =	strace s17  }
0x99: {  	s3 =	sld [smem:$0x3FFC];
	_ =	sdelay $0x3  }
0x9a: {  	_ =	strace s3  }
0x9b: {  	s3 =	sld [smem:$0x3FFD];
	_ =	sdelay $0x3  }
0x9c: {  	_ =	strace s3  }
0x9d: {  	_ =	strace $0x8FFFFFFF  }
0x9e: {  	s18 =	sld [smem:$0x3FDB];
	_ =	sdelay $0x1  }
0x9f: {  	s19 =	simm.s32 $_scs_section_size  }
0xa0: {  	s5 =	simm.s32 $_size__tile_overlayer_lowered;
	s6 =	simm.s32 $_tile_overlayer_lowered  }
0xa1: {  	s22 =	simm.s32 $0x1BFF;
	s21 =	sshll.u32 s6, $0x1;
	s3 =	sadd.s32 s19, s18  }
0xa2: {  	s7 =	simm.s32 $0x0;
	s20 =	sshll.u32 s5, $0x1;
	s5 =	sadd.s32 s21, s3  }
0xa3: {  	[timem:s7], [sflag:s22] =	dma.local [hbm:s5], s20  }
0xa4: {  	_ =	swait.ge [sflag:s22], s20  }
0xa5: {  	s4 =	ssub.s32 $0x0, s20;
	[sflag:s22] =	ssyncset.done $0x0  }
0xa6: {  	[sflag:s22] =	ssyncadd.s32 s4;
	_ =	sdelay $0x1  }
0xa7: {  	s23 =	simm.s32 $0x1B8B  }
0xa8: {  	_ =	swait.ge [sflag:s23], $0x1  }
0xa9: {  	[sflag:s23] =	ssyncset.done $0x0  }
0xaa: {  	s25 =	simm.s32 $0x1B8E;
	s24 =	sld [smem:$0x3FFE];
	[sflag:s23] =	ssyncadd.s32 $0xFFFFFFFF  }
0xab: {  	s26 =	simm.s32 $execute0_lowered;
	[smem:$0x3FD2] =	sst s25  }
0xac: {  	s5 =	sshll.u32 s26, $0x1;
	_ =	strace $0x8000004C;
	[dreg:$0x1] =	wrdreg $0xFFFFFFFF  }
0xad: {  	s28 =	simm.s32 $_size_execute0_lowered;
	s3 =	sadd.s32 s3, s5;
	[dreg:$0x0] =	wrdreg $0x0  }
0xae: {  	s5 =	sshll.u32 s28, $0x1;
	[dreg:$0x2] =	wrdreg s3  }
0xaf: {  	[dreg:$0x3] =	wrdreg s5  }
0xb0: {  	[dreg:$0x4] =	wrdreg $0xC0  }
0xb1: {  	_ =	task [dreg:s7], $0x5FFFF  }
0xb2: {  	[dreg:$0x1] =	wrdreg $0xFFFFFFFF  }
0xb3: {  	[dreg:$0x0] =	wrdreg $0x60  }
0xb4: {  	[dreg:$0x2] =	wrdreg s24  }
0xb5: {  	[dreg:$0x3] =	wrdreg s16  }
0xb6: {  	[dreg:$0x4] =	wrdreg $0xD0000  }
0xb7: {  	[dreg:$0x5] =	wrdreg $0x11F000  }
0xb8: {  	[dreg:$0x6] =	wrdreg $0x9  }
0xb9: {  	_ =	task.clear_ibuf [dreg:s7], $0x7FFFF;
	_ =	strace $0x9000004C  }
0xba: {  	s29 =	simm.s32 $0x9;
	_ =	strace $0x8000004E  }
0xbb: {  	_ =	swait.ge [sflag:s29], $0x1  }
0xbc: {  	[sflag:s29] =	ssyncadd.s32 $0xFFFFFFFF  }
0xbd: {  	_ =	strace $0x9000004E  }
0xbe: {  	_ =	sfence  }
0xbf: {  	s30 =	sld [smem:$0x0];
	_ =	sdelay $0x2  }
0xc0: {  	s31 =	sshll.u32 s1, $0xD;
	s1 =	sshrl.u32 s1, $0x2  }
0xc1: {  	s3 =	sand.u32 $0x4000, s31;
	s1 =	sadd.s32 s1, s30  }
0xc2: {  	s0 =	sor.u32 s3, s0;
	s1 =	sshll.u32 s1, $0x11  }
0xc3: {  	s0 =	sor.u32 s1, s0  }
0xc4: {  	s0 =	sadd.s32 $0x8F2B, s0  }
0xc5: {  	[sflag:s0] =	ssyncadd.remote.s32 $0x1  }
0xc6: {  	_ =	sfence.sel $0xFFFF  }
0xc7: {  	[dreg:$0x0] =	wrdreg $0xFFFFFFFF;
	(pc) =	sbr.abs _section_cstart, $3  }
0xc8: {  	[dreg:$0x1] =	wrdreg $0xFFFFFFFF  }
0xc9: {  	_ =	task.clear_ibuf [dreg:s7], $0x2FFFF;
	_ =	strace $0x9FFFFFFF  }
0xca: {  	(tm) =	ssettm $0x7FFFFFFF  }
0xcb: {  	_ =	shalt  }
tec
execute0_lowered:
.L_overlay_start_1:
0x0: {  	(tag) =	ssettag $0x1  }
0x1: {  	s0 =	rddreg [dreg:$0x0]  }
0x2: {  	s1 =	rddreg [dreg:$0x1];
	s3 =	srdreg.scid  }
0x3: {  	s2 =	rddreg [dreg:$0x2];
	s9 =	stileid.u32;
	s6 =	simm.s32 $0x0  }
0x4: {  	s13 =	simm.s32 $0x11;
	s28 =	simm.s32 $0x2;
	s29 =	simm.s32 $0xA000  }
0x5: {  	s30 =	simm.s32 $0x3;
	s4 =	sand.u32 $0x1, s3;
	s3 =	rddreg [dreg:$0x3]  }
0x6: {  	s31 =	simm.s32 $0xB000;
	s14 =	simm.s32 $0x5;
	[smem:$0x7FF] =	sst s6  }
0x7: {  	s18 =	sadd.s32 $0xB2C00, s0;
	s8 =	sadd.s32 $0xC6800, s0;
	s10 =	smul.u32 $0x4F00, s9  }
0x8: {  	s25 =	sshll.u32 s9, $0x6;
	s6 =	simm.s32 $0x0;
	s5 =	sshll.u32 s4, $0x4  }
0x9: {  	_ =	strace $0x8000004D;
	[dreg:$0x5] =	wrdreg s18;
	s7 =	ssub.s32 $0x2, s4  }
0xa: {  	[dreg:$0x6] =	wrdreg s8;
	s4 =	smul.u32 $0x9E000, s4;
	s15 =	sor.u32 $0x1C11, s25  }
0xb: {  	s18 =	simm.s32 $0x80;
	s25 =	simm.s32 $0x1;
	s8 =	simm.s32 $0x10  }
0xc: {  	s5 =	sor.u32 s9, s5;
	s20 =	sshrl.u32 s7, $0x1;
	s23 =	sadd.s32 s10, s2  }
0xd: {  	s24 =	sadd.s32 s10, s3;
	[dreg:$0x7] =	wrdreg s10;
	s9 =	simm.s32 $0x8  }
0xe: {  	s5 =	smul.u32 $0x500, s5;
	s21 =	ssub.s32 s7, s20;
	s4 =	sadd.s32 s10, s4  }
0xf: {  	s26 =	sshrl.u32 s23, $0x3;
	s17 =	sshrl.u32 s24, $0x3;
	s20 =	simm.s32 $0x6000  }
0x10: {  	s24 =	simm.s32 $0x8000;
	s23 =	simm.s32 $0xC;
	[dreg:$0xb] =	wrdreg s4  }
0x11: {  	[dreg:$0xd] =	wrdreg s26;
	s19 =	sadd.s32 s5, s0;
	s0 =	sadd.s32 $0xDA400, s0  }
.Ltmp0:
0x12: {  	s1 =	sadd.s32 s1, s5;
	[dreg:$0x8] =	wrdreg s0;
	(pc) =	sbr.rel .LBB2_1-.Ltmp0, $4  }
0x13: {  	s26 =	simm.s32 $0x9000;
	s4 =	simm.s32 $0x7;
	[dreg:$0x9] =	wrdreg s1  }
0x14: {  	s22 =	sadd.s32 $0xAC00, s19;
	s0 =	smax.u32 s21, $0x1;
	s19 =	simm.s32 $0x5000  }
0x15: {  	s1 =	simm.s32 $0xC000;
	s21 =	simm.s32 $0xB;
	[dreg:$0xa] =	wrdreg s22  }
0x16: {  	[dreg:$0xc] =	wrdreg s0;
	s22 =	simm.s32 $0x7000;
	s0 =	simm.s32 $0x4  }
.LBB2_6:
0x17: {  	s6 =	rddreg [dreg:$0xe]  }
0x18: {  	s5 =	rddreg [dreg:$0xc];
	s6 =	sadd.s32 $0x1, s6  }
0x19: {  	p0 =	sne.s32 s6, s5  }
.Ltmp1:
0x1a: {  	_ = 	snop;
	(pc) =	sbr.rel @!p0 .LBB2_7-.Ltmp1, $1  }
0x1b: {  	_ =	sdelay $0x3  }
.LBB2_1:
0x1c: {  	[dreg:$0xe] =	wrdreg s6  }
0x1d: {  	s5 =	simm.s32 $0x0;
	s12 =	rddreg [dreg:$0x9]  }
0x1e: {  	[tilespmem:s5], [sflag:$0x11] =	stream.linear.gather [hbm4b:s12+s5], $0x2800, $0x38;
	[tilespmem:$0x16E00] =	vst v63  }
0x1f: {  	_ =	swait.ge [sflag:s13], $0x2800  }
0x20: {  	s7 =	simm.s32 $0x2800;
	[sflag:s13] =	ssyncset.done $0x0  }
.Ltmp2:
0x21: {  	s16 =	rddreg [dreg:$0xa];
	[sflag:s13] =	ssyncadd.s32 $0xFFFFD800;
	(pc) =	sbr.rel .LBB2_2-.Ltmp2, $4  }
0x22: {  	[tilespmem:s7], [sflag:$0x11] =	stream.linear.gather [hbm4b:s16+s5], $0x2800, $0x38;
	[tilespmem:$0x16E00] =	vst v63  }
0x23: {  	_ =	swait.ge [sflag:s13], $0x2800  }
0x24: {  	[sflag:s13] =	ssyncset.done $0x0  }
0x25: {  	p1 =	por $0x1, $0x1;
	s11 =	simm.s32 $0x0;
	[sflag:s13] =	ssyncadd.s32 $0xFFFFD800  }
.LBB2_5:
0x26: {  	_ =	swait.ge [sflag:s9], $0x1000  }
0x27: {  	[sflag:s9] =	ssyncset.done $0x0  }
0x28: {  	s5 =	simm.s32 $0x9;
	[sflag:s9] =	ssyncadd.s32 $0xFFFFF000  }
0x29: {  	[spmem:s3] =	stream.indirect.scatter.add.f32 [tilespmem:s1], [sflag:$0x10], $0x20, s12, s18, $0xb8;
	[tilespmem:$0x16E00] =	vst v63  }
0x2a: {  	_ =	swait.ge [sflag:s5], $0x1000  }
0x2b: {  	[sflag:s5] =	ssyncset.done $0x0  }
0x2c: {  	s6 =	simm.s32 $0xA;
	[sflag:s5] =	ssyncadd.s32 $0xFFFFF000  }
0x2d: {  	_ =	swait.ge [sflag:s6], $0x1000  }
0x2e: {  	[sflag:s6] =	ssyncset.done $0x0  }
0x2f: {  	[sflag:s6] =	ssyncadd.s32 $0xFFFFF000  }
0x30: {  	_ =	swait.ge [sflag:s21], $0x1000  }
0x31: {  	[sflag:s21] =	ssyncset.done $0x0  }
0x32: {  	[sflag:s21] =	ssyncadd.s32 $0xFFFFF000  }
0x33: {  	_ =	swait.ge [sflag:s23], $0x1000  }
0x34: {  	[sflag:s23] =	ssyncset.done $0x0  }
0x35: {  	s7 =	simm.s32 $0xD;
	[sflag:s23] =	ssyncadd.s32 $0xFFFFF000  }
0x36: {  	_ =	swait.ge [sflag:s7], $0x1000  }
0x37: {  	[sflag:s7] =	ssyncset.done $0x0  }
0x38: {  	s10 =	simm.s32 $0xE;
	[sflag:s7] =	ssyncadd.s32 $0xFFFFF000  }
0x39: {  	_ =	swait.ge [sflag:s10], $0x1000  }
0x3a: {  	[sflag:s10] =	ssyncset.done $0x0  }
0x3b: {  	s12 =	simm.s32 $0xF;
	[sflag:s10] =	ssyncadd.s32 $0xFFFFF000  }
0x3c: {  	_ =	swait.ge [sflag:s12], $0x1000  }
0x3d: {  	[sflag:s12] =	ssyncset.done $0x0  }
0x3e: {  	[sflag:s12] =	ssyncadd.s32 $0xFFFFF000  }
0x3f: {  	_ =	swait.ge [sflag:s8], $0x1000  }
0x40: {  	[sflag:s8] =	ssyncset.done $0x0  }
0x41: {  	s16 =	rddreg [dreg:$0xb];
	[sflag:s8] =	ssyncadd.s32 $0xFFFFF000  }
0x42: {  	s5 =	sadd.s32 s11, s16;
	[bflag:$0x0] =	sbarrier.arrive $0xFFFF  }
0x43: {  	s5 =	sshrl.u32 s5, $0x3;
	s6 =	rddreg [dreg:$0x8]  }
.Ltmp3:
0x44: {  	s5 =	sadd.s32 s6, s5;
	(pc) =	sbr.rel @!p0 .LBB2_6-.Ltmp3, $4  }
0x45: {  	[hbm:s5], [sflag:s15] =	dma.local [spmem:s17], $0x9E0  }
0x46: {  	_ =	swait.ge [sflag:s13], $0x9E0  }
0x47: {  	[sflag:s13] =	ssyncset.done $0x0  }
0x48: {  	p1 =	por $0x0, $0x0;
	s11 =	simm.s32 $0x4F000;
	[sflag:s13] =	ssyncadd.s32 $0xFFFFF620  }
.LBB2_2:
0x49: {  	s5 =	rddreg [dreg:$0x7]  }
0x4a: {  	s10 =	sadd.s32 s5, s11  }
0x4b: {  	s16 =	rddreg [dreg:$0x5];
	s10 =	sshrl.u32 s10, $0x3  }
0x4c: {  	s6 =	rddreg [dreg:$0xd];
	s12 =	sadd.s32 s16, s10  }
0x4d: {  	[spmem:s6], [sflag:s15] =	dma.local [hbm:s12], $0x9E0  }
0x4e: {  	_ =	swait.ge [sflag:s13], $0x9E0  }
0x4f: {  	[sflag:s13] =	ssyncset.done $0x0;
	s7 =	rddreg [dreg:$0x6]  }
0x50: {  	[sflag:s13] =	ssyncadd.s32 $0xFFFFF620;
	s10 =	sadd.s32 s7, s10  }
0x51: {  	[spmem:s17], [sflag:s15] =	dma.local [hbm:s10], $0x9E0  }
0x52: {  	_ =	swait.ge [sflag:s13], $0x9E0  }
0x53: {  	[sflag:s13] =	ssyncset.done $0x0  }
0x54: {  	[sflag:s13] =	ssyncadd.s32 $0xFFFFF620  }
0x55: {  	s16 =	simm.s32 $0x0;
	[bflag:$0x0] =	sbarrier.arrive $0xFFFF  }
0x56: {  	[tilespmem:s19], [sflag:$0x1] =	stream.indirect.gather [spmem:s2], $0x20, s16, s18, $0xb8;
	[tilespmem:$0x16E00] =	vst v63  }
0x57: {  	_ = 	snop  }
0x58: {  	[tilespmem:s20], [sflag:$0x2] =	stream.indirect.gather [spmem:s2], $0x20, s18, s18, $0xb8;
	[tilespmem:$0x16E00] =	vst v63  }
0x59: {  	s10 =	simm.s32 $0x100  }
0x5a: {  	[tilespmem:s22], [sflag:$0x3] =	stream.indirect.gather [spmem:s2], $0x20, s10, s18, $0xb8;
	[tilespmem:$0x16E00] =	vst v63  }
0x5b: {  	p0 =	por p1, p1;
	s12 =	simm.s32 $0x180  }
0x5c: {  	[tilespmem:s24], [sflag:$0x4] =	stream.indirect.gather [spmem:s2], $0x20, s12, s18, $0xb8;
	[tilespmem:$0x16E00] =	vst v63  }
.LBB2_3:
0x5d: {  	_ =	swait.ge [sflag:s25], $0x1000  }
0x5e: {  	s10 =	sshra.s32 s16, $0x2;
	[sflag:s25] =	ssyncset.done $0x0  }
0x5f: {  	p1 =	seq.s32 s16, $0x0;
	s12 =	sadd.s32 $0x2800, s10;
	[sflag:s25] =	ssyncadd.s32 $0xFFFFF000  }
0x60: {  	[spmem:s3] =	stream.indirect.scatter.add.f32 [tilespmem:s19], [sflag:$0x9], $0x20, s12, s18, $0xb8;
	[tilespmem:$0x16E00] =	vst v63  }
0x61: {  	s12 =	simm.s32 @!p1 $0xD  }
0x62: {  	_ =	swait.ge @!p1 [sflag:s12], $0x1000  }
0x63: {  	[sflag:s12] =	ssyncset.done @!p1 $0x0  }
0x64: {  	s6 =	sadd.s32 $0x200, s10;
	[sflag:s12] =	ssyncadd.s32 @!p1 $0xFFFFF000  }
0x65: {  	[tilespmem:s26], [sflag:$0x5] =	stream.indirect.gather [spmem:s2], $0x20, s6, s18, $0xb8;
	[tilespmem:$0x16E00] =	vst v63  }
0x66: {  	_ =	swait.ge [sflag:s28], $0x1000  }
0x67: {  	[sflag:s28] =	ssyncset.done $0x0  }
0x68: {  	s7 =	sadd.s32 $0x2880, s10;
	s12 =	simm.s32 @!p1 $0xE;
	[sflag:s28] =	ssyncadd.s32 $0xFFFFF000  }
0x69: {  	[spmem:s3] =	stream.indirect.scatter.add.f32 [tilespmem:s20], [sflag:$0xA], $0x20, s7, s18, $0xb8;
	[tilespmem:$0x16E00] =	vst v63  }
0x6a: {  	_ =	swait.ge @!p1 [sflag:s12], $0x1000  }
0x6b: {  	[sflag:s12] =	ssyncset.done @!p1 $0x0  }
0x6c: {  	s5 =	sadd.s32 $0x280, s10;
	[sflag:s12] =	ssyncadd.s32 @!p1 $0xFFFFF000  }
0x6d: {  	[tilespmem:s29], [sflag:$0x6] =	stream.indirect.gather [spmem:s2], $0x20, s5, s18, $0xb8;
	[tilespmem:$0x16E00] =	vst v63  }
0x6e: {  	_ =	swait.ge [sflag:s30], $0x1000  }
0x6f: {  	[sflag:s30] =	ssyncset.done $0x0  }
0x70: {  	s6 =	sadd.s32 $0x2900, s10;
	s12 =	simm.s32 @!p1 $0xF;
	[sflag:s30] =	ssyncadd.s32 $0xFFFFF000  }
0x71: {  	[spmem:s3] =	stream.indirect.scatter.add.f32 [tilespmem:s22], [sflag:$0xB], $0x20, s6, s18, $0xb8;
	[tilespmem:$0x16E00] =	vst v63  }
0x72: {  	_ =	swait.ge @!p1 [sflag:s12], $0x1000  }
0x73: {  	[sflag:s12] =	ssyncset.done @!p1 $0x0  }
0x74: {  	s7 =	sadd.s32 $0x300, s10;
	[sflag:s12] =	ssyncadd.s32 @!p1 $0xFFFFF000  }
0x75: {  	[tilespmem:s31], [sflag:$0x7] =	stream.indirect.gather [spmem:s2], $0x20, s7, s18, $0xb8;
	[tilespmem:$0x16E00] =	vst v63  }
0x76: {  	_ =	swait.ge [sflag:s0], $0x1000  }
0x77: {  	[sflag:s0] =	ssyncset.done $0x0  }
0x78: {  	s5 =	sadd.s32 $0x2980, s10;
	s12 =	simm.s32 @!p1 $0x10;
	[sflag:s0] =	ssyncadd.s32 $0xFFFFF000  }
0x79: {  	[spmem:s3] =	stream.indirect.scatter.add.f32 [tilespmem:s24], [sflag:$0xC], $0x20, s5, s18, $0xb8;
	[tilespmem:$0x16E00] =	vst v63  }
0x7a: {  	_ =	swait.ge @!p1 [sflag:s12], $0x1000  }
0x7b: {  	[sflag:s12] =	ssyncset.done @!p1 $0x0  }
0x7c: {  	s6 =	sadd.s32 $0x380, s10;
	[sflag:s12] =	ssyncadd.s32 @!p1 $0xFFFFF000  }
0x7d: {  	[tilespmem:s1], [sflag:$0x8] =	stream.indirect.gather [spmem:s2], $0x20, s6, s18, $0xb8;
	[tilespmem:$0x16E00] =	vst v63  }
0x7e: {  	_ =	swait.ge [sflag:s14], $0x1000  }
0x7f: {  	p1 =	seq.s32 s16, $0x9000;
	[sflag:s14] =	ssyncset.done $0x0  }
0x80: {  	s7 =	sadd.s32 $0x2A00, s10;
	s12 =	simm.s32 @p1 $0x6;
	[sflag:s14] =	ssyncadd.s32 $0xFFFFF000  }
0x81: {  	[spmem:s3] =	stream.indirect.scatter.add.f32 [tilespmem:s26], [sflag:$0xD], $0x20, s7, s18, $0xb8;
	[tilespmem:$0x16E00] =	vst v63  }
0x82: {  	_ =	swait.ge @p1 [sflag:s12], $0x1000  }
0x83: {  	[sflag:s12] =	ssyncset.done @p1 $0x0  }
0x84: {  	[sflag:s12] =	ssyncadd.s32 @p1 $0xFFFFF000;
	s12 =	sshra.s32 @p1 s16, $0x2  }
0x85: {  	s5 =	simm.s32 @p1 $0x80;
	s6 =	simm.s32 @p1 $0xA000;
	s12 =	sadd.s32 @p1 $0x2A80, s12  }
0x86: {  	[spmem:s3] =	stream.indirect.scatter.add.f32 @p1 [tilespmem:s6], [sflag:$0xE], $0x20, s12, s5, $0xb8;
	[tilespmem:$0x16E00] =	vst v63  }
0x87: {  	s5 =	simm.s32 @!p1 $0x9  }
0x88: {  	_ =	swait.ge @!p1 [sflag:s5], $0x1000  }
0x89: {  	[sflag:s5] =	ssyncset.done @!p1 $0x0  }
0x8a: {  	[sflag:s5] =	ssyncadd.s32 @!p1 $0xFFFFF000;
	s5 =	sshra.s32 @!p1 s16, $0x2  }
0x8b: {  	s7 =	simm.s32 @!p1 $0x5000;
	s12 =	simm.s32 @!p1 $0x80;
	s6 =	sadd.s32 @!p1 $0x400, s5  }
0x8c: {  	[tilespmem:s7], [sflag:$0x1] =	stream.indirect.gather @!p1 [spmem:s2], $0x20, s6, s12, $0xb8;
	[tilespmem:$0x16E00] =	vst v63  }
0x8d: {  	s6 =	simm.s32 @!p1 $0x6  }
0x8e: {  	_ =	swait.ge @!p1 [sflag:s6], $0x1000  }
0x8f: {  	[sflag:s6] =	ssyncset.done @!p1 $0x0  }
0x90: {  	s7 =	simm.s32 @!p1 $0xA000;
	[sflag:s6] =	ssyncadd.s32 @!p1 $0xFFFFF000;
	s6 =	sadd.s32 @!p1 $0x2A80, s5  }
0x91: {  	[spmem:s3] =	stream.indirect.scatter.add.f32 @!p1 [tilespmem:s7], [sflag:$0xE], $0x20, s6, s12, $0xb8;
	[tilespmem:$0x16E00] =	vst v63  }
0x92: {  	s6 =	simm.s32 @!p1 $0xA  }
0x93: {  	_ =	swait.ge @!p1 [sflag:s6], $0x1000  }
0x94: {  	[sflag:s6] =	ssyncset.done @!p1 $0x0  }
0x95: {  	s5 =	sadd.s32 @!p1 $0x480, s5;
	[sflag:s6] =	ssyncadd.s32 @!p1 $0xFFFFF000;
	s6 =	simm.s32 @!p1 $0x6000  }
0x96: {  	[tilespmem:s6], [sflag:$0x2] =	stream.indirect.gather @!p1 [spmem:s2], $0x20, s5, s12, $0xb8;
	[tilespmem:$0x16E00] =	vst v63  }
.Ltmp4:
0x97: {  	_ =	swait.ge [sflag:s4], $0x1000;
	(pc) =	sbr.rel @p1 .LBB2_5-.Ltmp4, $4  }
0x98: {  	[sflag:s4] =	ssyncset.done $0x0  }
0x99: {  	s12 =	sadd.s32 $0x2B00, s10;
	[sflag:s4] =	ssyncadd.s32 $0xFFFFF000  }
0x9a: {  	[spmem:s3] =	stream.indirect.scatter.add.f32 [tilespmem:s31], [sflag:$0xF], $0x20, s12, s18, $0xb8;
	[tilespmem:$0x16E00] =	vst v63  }
0x9b: {  	s12 =	sadd.s32 $0x2B80, s10  }
0x9c: {  	_ =	swait.ge [sflag:s21], $0x1000  }
0x9d: {  	[sflag:s21] =	ssyncset.done $0x0  }
0x9e: {  	s5 =	sadd.s32 $0x500, s10;
	[sflag:s21] =	ssyncadd.s32 $0xFFFFF000  }
0x9f: {  	[tilespmem:s22], [sflag:$0x3] =	stream.indirect.gather [spmem:s2], $0x20, s5, s18, $0xb8;
	[tilespmem:$0x16E00] =	vst v63  }
0xa0: {  	_ =	swait.ge [sflag:s9], $0x1000  }
0xa1: {  	[sflag:s9] =	ssyncset.done $0x0  }
0xa2: {  	[sflag:s9] =	ssyncadd.s32 $0xFFFFF000  }
0xa3: {  	[spmem:s3] =	stream.indirect.scatter.add.f32 [tilespmem:s1], [sflag:$0x10], $0x20, s12, s18, $0xb8;
	[tilespmem:$0x16E00] =	vst v63  }
.Ltmp5:
0xa4: {  	_ = 	snop;
	(pc) =	sbr.rel .LBB2_3-.Ltmp5, $4  }
0xa5: {  	_ =	swait.ge [sflag:s23], $0x1000  }
0xa6: {  	[sflag:s23] =	ssyncset.done $0x0  }
0xa7: {  	s16 =	sadd.s32 $0x1000, s16;
	s12 =	sadd.s32 $0x580, s10;
	[sflag:s23] =	ssyncadd.s32 $0xFFFFF000  }
0xa8: {  	[tilespmem:s24], [sflag:$0x4] =	stream.indirect.gather [spmem:s2], $0x20, s12, s18, $0xb8;
	[tilespmem:$0x16E00] =	vst v63  }
.LBB2_7:
0xa9: {  	_ =	sfence.sel $0x180000  }
0xaa: {  	[bflag:$0x0] =	sbarrier.arrive $0xFFFF  }
0xab: {  	_ =	strace $0x9000004D  }
0xac: {  	s0 =	stileid.u32;
	[bflag:$0x2] =	sbarrier.arrive $0xFFFF  }
0xad: {  	p0 =	sne.s32 s0, $0x0;
	s0 =	rddreg [dreg:$0x4]  }
0xae: {  	s0 =	sadd.s32 @!p0 $0x100000, s0  }
0xaf: {  	[sflag:s0] =	ssyncadd.tile.s32 @!p0 $0x1;
	_ =	shalt  }
.Lfunc_end2:
_tile_overlayer_lowered:
.L_overlay_start_2:
0xb0: {  	(tag) =	ssettag $0x2  }
0xb1: {  	s0 =	rddreg [dreg:$0x0];
	s2 =	stileid.u32  }
0xb2: {  	s1 =	rddreg [dreg:$0x1];
	p0 =	sne.s32 s2, $0x0  }
0xb3: {  	s3 =	rddreg [dreg:$0x2];
	[bflag:$0x3] =	sbarrier.arrive $0xFFFF;
	s2 =	simm.s32 @!p0 $0x1C11  }
0xb4: {  	[timem:s3], [sflag:s2] =	dma.local @!p0 [hbm:s0], s1  }
0xb5: {  	s0 =	simm.s32 @!p0 $0x11  }
0xb6: {  	_ =	swait.ge @!p0 [sflag:s0], s1  }
0xb7: {  	s1 =	ssub.s32 @!p0 $0x0, s1;
	[sflag:s0] =	ssyncset.done @!p0 $0x0  }
0xb8: {  	[sflag:s0] =	ssyncadd.s32 @!p0 s1  }
0xb9: {  	[bflag:$0x3] =	sbarrier.arrive $0xFFFF  }
0xba: {  	_ =	shalt  }

// kernel: kernel.20.cloned.1.call-start
scs
__scs_entry_jumppad:
0x0: {  	(pc) =	sbr.rel $0x88, $3  }
0x1: {  	(tag) =	ssettag $0x0;
	lr =	simm.s32 $0x1  }
0x2: {  	[smem:$0x3F9B] =	sst lr;
	_ =	strace $0xD0000000  }
0x3: {  	_ = 	snop  }
0x4: {  	_ = 	snop  }
0x5: {  	_ = 	snop  }
0x6: {  	_ = 	snop  }
0x7: {  	_ = 	snop  }
__scs_overlays_trampoline_lowered:
0x8: {  	[smem:$0x3FAA] =	sst s0  }
0x9: {  	[smem:$0x3FAB] =	sst s1  }
0xa: {  	[smem:$0x3FAC] =	sst s2  }
0xb: {  	[smem:$0x3FAD] =	sst s3  }
0xc: {  	[smem:$0x3FAE] =	sst s4  }
0xd: {  	[smem:$0x3FAF] =	sst s5  }
0xe: {  	[smem:$0x3FB0] =	sst s6  }
0xf: {  	[smem:$0x3FB1] =	sst s7  }
0x10: {  	[smem:$0x3FB2] =	sst s8  }
0x11: {  	[smem:$0x3FB3] =	sst s9;
	s0 =	simm.s32 @!p0 $0x0  }
0x12: {  	s1 =	sld [smem:$0x3F99];
	s0 =	simm.s32 @p0 $0x1  }
0x13: {  	[smem:$0x3FB4] =	sst s0;
	s0 =	simm.s32 @!p1 $0x0  }
0x14: {  	s2 =	sld [smem:$0x3F98];
	s0 =	simm.s32 @p1 $0x1  }
0x15: {  	[smem:$0x3FB5] =	sst s0;
	s0 =	simm.s32 @!p2 $0x0  }
0x16: {  	s3 =	sld [smem:$0x3FDB];
	s0 =	simm.s32 @p2 $0x1  }
0x17: {  	s4 =	simm.s32 $0x1BF5;
	[smem:$0x3FB7] =	sst s0  }
0x18: {  	s0 =	sld [smem:$0x3F9A];
	_ =	swait.ge [sflag:s4], $0x0  }
0x19: {  	s7 =	sld [smem:$0x3F9B]  }
0x1a: {  	s8 =	sadd.s32 $0xFFFFE003, lr  }
0x1b: {  	s9 =	sadd.s32 $0xFFFFFEF7, lr;
	s5 =	simm.s32 $0xFFFFFFFF;
	p2 =	slt.u32 s8, $0xFFFFF086  }
0x1c: {  	p1 =	slt.u32 s9, $0xF7A;
	s5 =	simm.s32 @!p2 $0x0  }
0x1d: {  	s5 =	simm.s32 @p1 $0x1;
	p0 =	seq.s32 s7, s2  }
0x1e: {  	s7 =	smul.u32 @!p0 $0xF7A, s2;
	p2 =	seq.s32 @!p0 s5, $0x0  }
0x1f: {  	s9 =	smul.u32 $0xF7A, s1;
	s8 =	simm.s32 @!p0 $0x1BF5;
	p2 =	por !p2, p0  }
0x20: {  	[sflag:s8] =	ssyncset.s32 @!p0 $0xFFFFF086;
	s6 =	sadd.s32 @!p0 s3, s7;
	s7 =	simm.s32 @!p0 $0x108  }
0x21: {  	s3 =	sadd.s32 s3, s9;
	s6 =	sadd.s32 @!p0 $0x88, s6;
	s7 =	simm.s32 @p2 $0x1082  }
0x22: {  	[simem:s7], [sflag:s8] =	dma.local @!p0 [hbm:s6], $0xF7A  }
0x23: {  	s9 =	sor.u32 $0xD0000000, s2;
	s6 =	simm.s32 $0x108;
	_ =	swait.ge @!p0 [sflag:s8], $0x0  }
0x24: {  	s3 =	sadd.s32 $0x88, s3;
	s6 =	simm.s32 @!p1 $0x1082;
	[sflag:s4] =	ssyncset.s32 $0xFFFFF086  }
0x25: {  	[simem:s6], [sflag:s4] =	dma.local [hbm:s3], $0xF7A  }
0x26: {  	[smem:$0x3F9B] =	sst s1;
	(tag) =	ssettag s2;
	_ =	strace s9  }
0x27: {  	s1 =	sld [smem:$0x3FAB]  }
0x28: {  	s2 =	sld [smem:$0x3FAC]  }
0x29: {  	s4 =	sld [smem:$0x3FAE]  }
0x2a: {  	p0 =	seq.s32 s5, $0x0;
	s5 =	sld [smem:$0x3FAF]  }
0x2b: {  	s6 =	sld [smem:$0x3FB0]  }
0x2c: {  	s7 =	sld [smem:$0x3FB1]  }
0x2d: {  	s3 =	simm.s32 $0x108;
	s8 =	sld [smem:$0x3FB2]  }
0x2e: {  	s3 =	simm.s32 @!p0 $0x1082;
	s9 =	sld [smem:$0x3FB3]  }
0x2f: {  	lr =	sadd.s32 s0, s3;
	s0 =	sld [smem:$0x3FAA]  }
0x30: {  	s3 =	sld [smem:$0x3FAD]  }
0x31: {  	[smem:$0x3FB6] =	sst s10  }
0x32: {  	s10 =	sld [smem:$0x3FB4];
	_ =	sdelay $0x3  }
0x33: {  	p0 =	seq.s32 s10, $0x1;
	s10 =	sld [smem:$0x3FB6];
	_ =	sdelay $0x3  }
0x34: {  	[smem:$0x3FB6] =	sst s10  }
0x35: {  	s10 =	sld [smem:$0x3FB5];
	_ =	sdelay $0x3  }
0x36: {  	p1 =	seq.s32 s10, $0x1;
	s10 =	sld [smem:$0x3FB6];
	_ =	sdelay $0x3  }
0x37: {  	[smem:$0x3FB6] =	sst s10  }
0x38: {  	s10 =	sld [smem:$0x3FB7]  }
0x39: {  	_ = 	snop;
	(pc) =	sbr.ind lr, $3  }
0x3a: {  	_ = 	snop  }
0x3b: {  	_ = 	snop  }
0x3c: {  	p2 =	seq.s32 s10, $0x1;
	s10 =	sld [smem:$0x3FB6]  }
0x3d: {  	_ =	shalt  }
0x3e: {  	_ =	shalt  }
0x3f: {  	_ =	shalt  }
0x40: {  	_ =	shalt  }
0x41: {  	_ =	shalt  }
0x42: {  	_ =	shalt  }
0x43: {  	_ =	shalt  }
0x44: {  	_ =	shalt  }
0x45: {  	_ =	shalt  }
0x46: {  	_ =	shalt  }
0x47: {  	_ =	shalt  }
0x48: {  	_ =	shalt  }
0x49: {  	_ =	shalt  }
0x4a: {  	_ =	shalt  }
0x4b: {  	_ =	shalt  }
0x4c: {  	_ =	shalt  }
0x4d: {  	_ =	shalt  }
0x4e: {  	_ =	shalt  }
0x4f: {  	_ =	shalt  }
0x50: {  	_ =	shalt  }
0x51: {  	_ =	shalt  }
0x52: {  	_ =	shalt  }
0x53: {  	_ =	shalt  }
0x54: {  	_ =	shalt  }
0x55: {  	_ =	shalt  }
0x56: {  	_ =	shalt  }
0x57: {  	_ =	shalt  }
0x58: {  	_ =	shalt  }
0x59: {  	_ =	shalt  }
0x5a: {  	_ =	shalt  }
0x5b: {  	_ =	shalt  }
0x5c: {  	_ =	shalt  }
0x5d: {  	_ =	shalt  }
0x5e: {  	_ =	shalt  }
0x5f: {  	_ =	shalt  }
0x60: {  	_ =	shalt  }
0x61: {  	_ =	shalt  }
0x62: {  	_ =	shalt  }
0x63: {  	_ =	shalt  }
0x64: {  	_ =	shalt  }
0x65: {  	_ =	shalt  }
0x66: {  	_ =	shalt  }
0x67: {  	_ =	shalt  }
0x68: {  	_ =	shalt  }
0x69: {  	_ =	shalt  }
0x6a: {  	_ =	shalt  }
0x6b: {  	_ =	shalt  }
0x6c: {  	_ =	shalt  }
0x6d: {  	_ =	shalt  }
0x6e: {  	_ =	shalt  }
0x6f: {  	_ =	shalt  }
0x70: {  	_ =	shalt  }
0x71: {  	_ =	shalt  }
0x72: {  	_ =	shalt  }
0x73: {  	_ =	shalt  }
0x74: {  	_ =	shalt  }
0x75: {  	_ =	shalt  }
0x76: {  	_ =	shalt  }
0x77: {  	_ =	shalt  }
0x78: {  	_ =	shalt  }
0x79: {  	_ =	shalt  }
0x7a: {  	_ =	shalt  }
0x7b: {  	_ =	shalt  }
0x7c: {  	_ =	shalt  }
0x7d: {  	_ =	shalt  }
0x7e: {  	_ =	shalt  }
0x7f: {  	_ =	shalt  }
0x80: {  	_ =	shalt  }
0x81: {  	_ =	shalt  }
0x82: {  	_ =	shalt  }
0x83: {  	_ =	shalt  }
0x84: {  	_ =	shalt  }
0x85: {  	_ =	shalt  }
0x86: {  	_ =	shalt  }
0x87: {  	_ =	shalt  }
.Lfunc_end0:
.L_simem_size_0:
called_computation.3_lowered:
.L_overlay_start_0:
0x88: {  	s2 =	sld [smem:$0x3FD9]  }
0x89: {  	s3 =	sld [smem:$0x3FFE];
	_ =	sdelay $0x1  }
0x8a: {  	s1 =	srdreg.scid  }
0x8b: {  	s0 =	sand.u32 $0x1, s1  }
0x8c: {  	s14 =	sshll.u32 s0, $0xA;
	s2 =	sadd.s32 s3, s2  }
0x8d: {  	s2 =	sadd.s32 s2, s14  }
0x8e: {  	[smem:$0x3FC2] =	sst s2  }
0x8f: {  	_ = 	snop  }
0x90: {  	s2 =	sld [smem:$0x3FD0];
	_ =	sdelay $0x2  }
0x91: {  	s15 =	simm.s32 $0xA;
	s4 =	simm.s32 $0x10  }
0x92: {  	[smem:s4], [sflag:s15] =	dma.local [hbm:s2], $0x1  }
0x93: {  	_ =	swait.eq [sflag:s15], $0x1  }
0x94: {  	[sflag:s15] =	ssyncset.done $0x0  }
0x95: {  	s16 =	sld [smem:$0x10];
	[sflag:s15] =	ssyncadd.s32 $0xFFFFFFFF  }
0x96: {  	s17 =	sld [smem:$0x11];
	(tm) =	ssettm $0x1  }
0x97: {  	s18 =	sld [smem:$0x3FFB];
	_ =	sdelay $0x3  }
0x98: {  	_ =	strace s18  }
0x99: {  	s4 =	sld [smem:$0x3FFC];
	_ =	sdelay $0x3  }
0x9a: {  	_ =	strace s4  }
0x9b: {  	s4 =	sld [smem:$0x3FFD];
	_ =	sdelay $0x3  }
0x9c: {  	_ =	strace s4  }
0x9d: {  	_ =	strace $0x8FFFFFFF  }
0x9e: {  	s19 =	sld [smem:$0x3FDB];
	_ =	sdelay $0x1  }
0x9f: {  	s5 =	simm.s32 $_scs_section_size  }
0xa0: {  	s6 =	simm.s32 $_size__tile_overlayer_lowered;
	s7 =	simm.s32 $_tile_overlayer_lowered  }
0xa1: {  	s22 =	simm.s32 $0x1BFF;
	s21 =	sshll.u32 s7, $0x1;
	s4 =	sadd.s32 s5, s19  }
0xa2: {  	s8 =	simm.s32 $0x0;
	s20 =	sshll.u32 s6, $0x1;
	s6 =	sadd.s32 s21, s4  }
0xa3: {  	[timem:s8], [sflag:s22] =	dma.local [hbm:s6], s20  }
0xa4: {  	_ =	swait.ge [sflag:s22], s20  }
0xa5: {  	s5 =	ssub.s32 $0x0, s20;
	[sflag:s22] =	ssyncset.done $0x0  }
0xa6: {  	[sflag:s22] =	ssyncadd.s32 s5;
	_ =	sdelay $0x1  }
0xa7: {  	s23 =	simm.s32 $0x1B8B  }
0xa8: {  	_ =	swait.ge [sflag:s23], $0x1  }
0xa9: {  	[sflag:s23] =	ssyncset.done $0x0  }
0xaa: {  	s25 =	simm.s32 $0x1B8E;
	s24 =	sld [smem:$0x3FFE];
	[sflag:s23] =	ssyncadd.s32 $0xFFFFFFFF  }
0xab: {  	s26 =	simm.s32 $execute0_lowered;
	[smem:$0x3FD2] =	sst s25  }
0xac: {  	s6 =	sshll.u32 s26, $0x1;
	_ =	strace $0x8000004F;
	[dreg:$0x1] =	wrdreg $0xFFFFFFFF  }
0xad: {  	s28 =	simm.s32 $_size_execute0_lowered;
	s4 =	sadd.s32 s4, s6;
	[dreg:$0x0] =	wrdreg $0x0  }
0xae: {  	s6 =	sshll.u32 s28, $0x1;
	[dreg:$0x2] =	wrdreg s4  }
0xaf: {  	[dreg:$0x3] =	wrdreg s6  }
0xb0: {  	[dreg:$0x4] =	wrdreg $0xC0  }
0xb1: {  	_ =	task [dreg:s8], $0x5FFFF  }
0xb2: {  	[dreg:$0x1] =	wrdreg $0xFFFFFFFF  }
0xb3: {  	[dreg:$0x0] =	wrdreg $0x60  }
0xb4: {  	[dreg:$0x2] =	wrdreg s24  }
0xb5: {  	[dreg:$0x3] =	wrdreg s17  }
0xb6: {  	[dreg:$0x4] =	wrdreg s16  }
0xb7: {  	[dreg:$0x5] =	wrdreg $0x156800  }
0xb8: {  	[dreg:$0x6] =	wrdreg $0x17E000  }
0xb9: {  	[dreg:$0x7] =	wrdreg $0x9  }
0xba: {  	_ =	task.clear_ibuf [dreg:s8], $0x8FFFF;
	_ =	strace $0x9000004F  }
0xbb: {  	s29 =	simm.s32 $0x9;
	_ =	strace $0x80000051  }
0xbc: {  	_ =	swait.ge [sflag:s29], $0x1  }
0xbd: {  	[sflag:s29] =	ssyncadd.s32 $0xFFFFFFFF  }
0xbe: {  	_ =	strace $0x90000051  }
0xbf: {  	_ =	sfence  }
0xc0: {  	s30 =	sld [smem:$0x0];
	_ =	sdelay $0x2  }
0xc1: {  	s31 =	sshll.u32 s1, $0xD;
	s1 =	sshrl.u32 s1, $0x2  }
0xc2: {  	s3 =	sand.u32 $0x4000, s31;
	s1 =	sadd.s32 s1, s30  }
0xc3: {  	s0 =	sor.u32 s3, s0;
	s1 =	sshll.u32 s1, $0x11  }
0xc4: {  	s0 =	sor.u32 s1, s0  }
0xc5: {  	s0 =	sadd.s32 $0x8F2B, s0  }
0xc6: {  	[sflag:s0] =	ssyncadd.remote.s32 $0x1  }
0xc7: {  	_ =	sfence.sel $0xFFFF  }
0xc8: {  	[dreg:$0x0] =	wrdreg $0xFFFFFFFF;
	(pc) =	sbr.abs _section_cstart, $3  }
0xc9: {  	[dreg:$0x1] =	wrdreg $0xFFFFFFFF  }
0xca: {  	_ =	task.clear_ibuf [dreg:s8], $0x2FFFF;
	_ =	strace $0x9FFFFFFF  }
0xcb: {  	(tm) =	ssettm $0x7FFFFFFF  }
tec
execute0_lowered:
.L_overlay_start_1:
0x0: {  	(tag) =	ssettag $0x1  }
0x1: {  	s0 =	rddreg [dreg:$0x0]  }
0x2: {  	s1 =	rddreg [dreg:$0x1]  }
0x3: {  	s4 =	rddreg [dreg:$0x2]  }
0x4: {  	s2 =	rddreg [dreg:$0x3]  }
0x5: {  	s3 =	rddreg [dreg:$0x4]  }
0x6: {  	s14 =	stileid.u32;
	s5 =	srdreg.scid;
	s7 =	simm.s32 $0x0  }
0x7: {  	s29 =	simm.s32 $0x80;
	s30 =	simm.s32 $0xA000;
	s6 =	smul.u32 $0x2780, s14  }
0x8: {  	s31 =	simm.s32 $0xA800;
	s28 =	simm.s32 $0xB800;
	s10 =	smul.u32 $0x5000, s14  }
0x9: {  	s5 =	sand.u32 $0x1, s5;
	[smem:$0x7FF] =	sst s7;
	s14 =	smul.u32 $0xA00, s14  }
0xa: {  	s11 =	sadd.s32 $0xAC00, s0;
	s25 =	smul.u32 $0x27800, s5;
	_ =	strace $0x80000050  }
0xb: {  	s12 =	ssub.s32 $0x2, s5;
	s17 =	smul.u32 $0xA000, s5;
	s5 =	simm.s32 $0xC800  }
0xc: {  	s8 =	sshrl.u32 s6, $0x3;
	s13 =	sshrl.u32 s12, $0x1;
	s10 =	sshrl.u32 s10, $0x3  }
0xd: {  	s15 =	sadd.s32 s11, s14;
	s24 =	sadd.s32 s6, s2;
	s19 =	sadd.s32 s6, s3  }
0xe: {  	s9 =	sadd.s32 s8, s0;
	s7 =	sadd.s32 s6, s25;
	s26 =	ssub.s32 s12, s13  }
0xf: {  	s10 =	sadd.s32 $0x500, s10;
	s13 =	sadd.s32 s1, s14;
	[dreg:$0x8] =	wrdreg s15  }
0x10: {  	[dreg:$0xc] =	wrdreg s19;
	s4 =	sadd.s32 s4, s8;
	s15 =	sshrl.u32 s17, $0x2  }
0x11: {  	s12 =	simm.s32 $0x11;
	s6 =	simm.s32 $0x3;
	[dreg:$0xa] =	wrdreg s24  }
0x12: {  	s8 =	simm.s32 $0x4;
	s14 =	simm.s32 $0x7;
	[dreg:$0x6] =	wrdreg s13  }
0x13: {  	s7 =	sshrl.u32 s7, $0x3;
	s1 =	sadd.s32 s1, s10;
	[dreg:$0xd] =	wrdreg s4  }
0x14: {  	s16 =	sadd.s32 s11, s10;
	s18 =	sadd.s32 $0x14C00, s9;
	[dreg:$0x7] =	wrdreg s1  }
0x15: {  	s20 =	sadd.s32 $0x5C00, s9;
	s21 =	sadd.s32 $0xC00, s9;
	[dreg:$0x9] =	wrdreg s16  }
0x16: {  	s22 =	sor.u32 $0x100, s15;
	s23 =	sor.u32 $0x180, s15;
	[dreg:$0xb] =	wrdreg s18  }
0x17: {  	s19 =	sadd.s32 $0x5000, s15;
	s25 =	sadd.s32 $0x7780, s15;
	[dreg:$0xe] =	wrdreg s20  }
0x18: {  	s26 =	smax.u32 s26, $0x1;
	s10 =	simm.s32 $0xD800;
	[dreg:$0xf] =	wrdreg s21  }
0x19: {  	s13 =	simm.s32 $0x5;
	s9 =	simm.s32 $0x0;
	[dreg:$0x11] =	wrdreg s22  }
0x1a: {  	s0 =	sadd.s32 s7, s0;
	s1 =	sor.u32 $0x80, s15;
	[dreg:$0x12] =	wrdreg s23  }
.Ltmp0:
0x1b: {  	s20 =	sadd.s32 $0x7680, s15;
	[dreg:$0x13] =	wrdreg s25;
	(pc) =	sbr.rel .LBB2_1-.Ltmp0, $4  }
0x1c: {  	[dreg:$0x15] =	wrdreg s26;
	s25 =	simm.s32 $0xB000;
	s26 =	simm.s32 $0xC000  }
0x1d: {  	s7 =	simm.s32 $0xD000;
	s16 =	simm.s32 $0x8;
	s21 =	simm.s32 $0xB  }
0x1e: {  	s22 =	simm.s32 $0xC;
	[dreg:$0x10] =	wrdreg s1;
	s0 =	sadd.s32 $0x19C00, s0  }
0x1f: {  	s1 =	simm.s32 $0x2;
	[dreg:$0x14] =	wrdreg s0;
	s0 =	simm.s32 $0x1  }
.LBB2_9:
0x20: {  	_ =	swait.ge [sflag:s16], $0x800  }
0x21: {  	[sflag:s16] =	ssyncset.done $0x0  }
0x22: {  	s23 =	simm.s32 $0x9;
	s4 =	rddreg [dreg:$0x13];
	[sflag:s16] =	ssyncadd.s32 $0xFFFFF800  }
0x23: {  	[spmem:s3] =	stream.indirect.scatter.add.f32 [tilespmem:s10], [sflag:$0x10], $0x10, s4, s29, $0xb8;
	[tilespmem:$0x1A580] =	vst v63  }
0x24: {  	_ =	swait.ge [sflag:s23], $0x800  }
0x25: {  	[sflag:s23] =	ssyncset.done $0x0  }
0x26: {  	s24 =	simm.s32 $0xA;
	[sflag:s23] =	ssyncadd.s32 $0xFFFFF800  }
0x27: {  	_ =	swait.ge [sflag:s24], $0x800  }
0x28: {  	[sflag:s24] =	ssyncset.done $0x0  }
0x29: {  	[sflag:s24] =	ssyncadd.s32 $0xFFFFF800  }
0x2a: {  	_ =	swait.ge [sflag:s21], $0x800  }
0x2b: {  	[sflag:s21] =	ssyncset.done $0x0  }
0x2c: {  	[sflag:s21] =	ssyncadd.s32 $0xFFFFF800  }
0x2d: {  	_ =	swait.ge [sflag:s22], $0x800  }
0x2e: {  	[sflag:s22] =	ssyncset.done $0x0  }
0x2f: {  	s9 =	simm.s32 $0xD;
	[sflag:s22] =	ssyncadd.s32 $0xFFFFF800  }
0x30: {  	_ =	swait.ge [sflag:s9], $0x800  }
0x31: {  	[sflag:s9] =	ssyncset.done $0x0  }
0x32: {  	s11 =	simm.s32 $0xE;
	[sflag:s9] =	ssyncadd.s32 $0xFFFFF800  }
0x33: {  	_ =	swait.ge [sflag:s11], $0x800  }
0x34: {  	[sflag:s11] =	ssyncset.done $0x0  }
0x35: {  	s12 =	simm.s32 $0xF;
	[sflag:s11] =	ssyncadd.s32 $0xFFFFF800  }
0x36: {  	_ =	swait.ge [sflag:s12], $0x800  }
0x37: {  	[sflag:s12] =	ssyncset.done $0x0  }
0x38: {  	s17 =	simm.s32 $0x10;
	[sflag:s12] =	ssyncadd.s32 $0xFFFFF800  }
0x39: {  	_ =	swait.ge [sflag:s17], $0x800  }
0x3a: {  	[sflag:s17] =	ssyncset.done $0x0  }
0x3b: {  	[sflag:s17] =	ssyncadd.s32 $0xFFFFF800  }
0x3c: {  	[bflag:$0x0] =	sbarrier.arrive $0xFFFF  }
0x3d: {  	s18 =	rddreg [dreg:$0x14]  }
0x3e: {  	s9 =	rddreg [dreg:$0x17]  }
0x3f: {  	s12 =	simm.s32 $0x11;
	s11 =	rddreg [dreg:$0x18]  }
0x40: {  	[hbm:s18], [sflag:s9] =	dma.local [spmem:s11], $0x4F0  }
0x41: {  	_ =	swait.ge [sflag:s12], $0x4F0  }
0x42: {  	s23 =	rddreg [dreg:$0x16]  }
0x43: {  	s24 =	rddreg [dreg:$0x15];
	s9 =	sadd.s32 $0x1, s23  }
0x44: {  	p0 =	sne.s32 s9, s24  }
.Ltmp1:
0x45: {  	_ = 	snop;
	(pc) =	sbr.rel @!p0 .LBB2_10-.Ltmp1, $3  }
0x46: {  	_ =	sdelay $0x1  }
0x47: {  	[sflag:s12] =	ssyncset.done $0x0  }
0x48: {  	[sflag:s12] =	ssyncadd.s32 $0xFFFFFB10;
	s24 =	rddreg [dreg:$0xa]  }
.LBB2_1:
0x49: {  	[dreg:$0x16] =	wrdreg s9  }
0x4a: {  	s11 =	simm.s32 $0x0;
	s4 =	rddreg [dreg:$0x6]  }
0x4b: {  	[tilespmem:s11], [sflag:$0x11] =	stream.linear.gather [hbm4b:s4+s11], $0x2800, $0x38;
	[tilespmem:$0x1A580] =	vst v63  }
0x4c: {  	_ =	swait.ge [sflag:s12], $0x2800  }
0x4d: {  	[sflag:s12] =	ssyncset.done $0x0  }
0x4e: {  	s23 =	simm.s32 $0x2800;
	s18 =	rddreg [dreg:$0x7];
	[sflag:s12] =	ssyncadd.s32 $0xFFFFD800  }
0x4f: {  	[tilespmem:s23], [sflag:$0x11] =	stream.linear.gather [hbm4b:s18+s11], $0x2800, $0x38;
	[tilespmem:$0x1A580] =	vst v63  }
0x50: {  	_ =	swait.ge [sflag:s12], $0x2800  }
0x51: {  	[sflag:s12] =	ssyncset.done $0x0  }
0x52: {  	s17 =	simm.s32 $0x5000;
	s9 =	rddreg [dreg:$0x8];
	[sflag:s12] =	ssyncadd.s32 $0xFFFFD800  }
0x53: {  	[tilespmem:s17], [sflag:$0x11] =	stream.linear.gather [hbm4b:s9+s11], $0x2800, $0x38;
	[tilespmem:$0x1A580] =	vst v63  }
0x54: {  	_ =	swait.ge [sflag:s12], $0x2800  }
0x55: {  	s23 =	simm.s32 $0x7800;
	[sflag:s12] =	ssyncset.done $0x0  }
0x56: {  	s9 =	stileid.u32;
	s18 =	rddreg [dreg:$0x9];
	[sflag:s12] =	ssyncadd.s32 $0xFFFFD800  }
0x57: {  	[tilespmem:s23], [sflag:$0x11] =	stream.linear.gather [hbm4b:s18+s11], $0x2800, $0x38;
	[tilespmem:$0x1A580] =	vst v63  }
0x58: {  	s17 =	sshll.u32 s9, $0x6;
	_ =	swait.ge [sflag:s12], $0x2800  }
0x59: {  	s17 =	sor.u32 $0x1C11, s17;
	[sflag:s12] =	ssyncset.done $0x0  }
0x5a: {  	s18 =	sshrl.u32 s24, $0x3;
	s23 =	rddreg [dreg:$0xb];
	[sflag:s12] =	ssyncadd.s32 $0xFFFFD800  }
0x5b: {  	[spmem:s18], [sflag:s17] =	dma.local [hbm:s23], $0x4F0  }
0x5c: {  	_ =	swait.ge [sflag:s12], $0x4F0;
	[dreg:$0x17] =	wrdreg s17  }
0x5d: {  	s9 =	rddreg [dreg:$0xc]  }
0x5e: {  	[sflag:s12] =	ssyncset.done $0x0;
	s23 =	rddreg [dreg:$0xd];
	s18 =	sshrl.u32 s9, $0x3  }
0x5f: {  	[sflag:s12] =	ssyncadd.s32 $0xFFFFFB10;
	[dreg:$0x18] =	wrdreg s18  }
0x60: {  	[spmem:s18], [sflag:s17] =	dma.local [hbm:s23], $0x4F0  }
0x61: {  	_ =	swait.ge [sflag:s12], $0x4F0  }
0x62: {  	[sflag:s12] =	ssyncset.done $0x0  }
0x63: {  	[sflag:s12] =	ssyncadd.s32 $0xFFFFFB10  }
0x64: {  	[bflag:$0x0] =	sbarrier.arrive $0xFFFF  }
0x65: {  	[tilespmem:s30], [sflag:$0x1] =	stream.indirect.gather [spmem:s2], $0x10, s11, s29, $0xb8;
	[tilespmem:$0x1A580] =	vst v63  }
0x66: {  	_ = 	snop  }
0x67: {  	[tilespmem:s31], [sflag:$0x2] =	stream.indirect.gather [spmem:s2], $0x10, s29, s29, $0xb8;
	[tilespmem:$0x1A580] =	vst v63  }
0x68: {  	s18 =	simm.s32 $0x100  }
0x69: {  	[tilespmem:s25], [sflag:$0x3] =	stream.indirect.gather [spmem:s2], $0x10, s18, s29, $0xb8;
	[tilespmem:$0x1A580] =	vst v63  }
0x6a: {  	s23 =	simm.s32 $0x180  }
0x6b: {  	[tilespmem:s28], [sflag:$0x4] =	stream.indirect.gather [spmem:s2], $0x10, s23, s29, $0xb8;
	[tilespmem:$0x1A580] =	vst v63  }
0x6c: {  	s23 =	simm.s32 $0x0  }
.LBB2_2:
0x6d: {  	_ =	swait.ge [sflag:s0], $0x800  }
0x6e: {  	s9 =	sshra.s32 s23, $0x2;
	[sflag:s0] =	ssyncset.done $0x0  }
0x6f: {  	p0 =	seq.s32 s23, $0x0;
	s11 =	sadd.s32 $0x5000, s9;
	[sflag:s0] =	ssyncadd.s32 $0xFFFFF800  }
0x70: {  	[spmem:s3] =	stream.indirect.scatter.add.f32 [tilespmem:s30], [sflag:$0x9], $0x10, s11, s29, $0xb8;
	[tilespmem:$0x1A580] =	vst v63  }
0x71: {  	s11 =	simm.s32 @!p0 $0xD  }
0x72: {  	_ =	swait.ge @!p0 [sflag:s11], $0x800  }
0x73: {  	[sflag:s11] =	ssyncset.done @!p0 $0x0  }
0x74: {  	s18 =	sadd.s32 $0x200, s9;
	[sflag:s11] =	ssyncadd.s32 @!p0 $0xFFFFF800  }
0x75: {  	[tilespmem:s26], [sflag:$0x5] =	stream.indirect.gather [spmem:s2], $0x10, s18, s29, $0xb8;
	[tilespmem:$0x1A580] =	vst v63  }
0x76: {  	_ =	swait.ge [sflag:s1], $0x800  }
0x77: {  	[sflag:s1] =	ssyncset.done $0x0  }
0x78: {  	s4 =	sadd.s32 $0x5080, s9;
	s11 =	simm.s32 @!p0 $0xE;
	[sflag:s1] =	ssyncadd.s32 $0xFFFFF800  }
0x79: {  	[spmem:s3] =	stream.indirect.scatter.add.f32 [tilespmem:s31], [sflag:$0xA], $0x10, s4, s29, $0xb8;
	[tilespmem:$0x1A580] =	vst v63  }
0x7a: {  	_ =	swait.ge @!p0 [sflag:s11], $0x800  }
0x7b: {  	[sflag:s11] =	ssyncset.done @!p0 $0x0  }
0x7c: {  	s12 =	sadd.s32 $0x280, s9;
	[sflag:s11] =	ssyncadd.s32 @!p0 $0xFFFFF800  }
0x7d: {  	[tilespmem:s5], [sflag:$0x6] =	stream.indirect.gather [spmem:s2], $0x10, s12, s29, $0xb8;
	[tilespmem:$0x1A580] =	vst v63  }
0x7e: {  	_ =	swait.ge [sflag:s6], $0x800  }
0x7f: {  	[sflag:s6] =	ssyncset.done $0x0  }
0x80: {  	s17 =	sadd.s32 $0x5100, s9;
	s11 =	simm.s32 @!p0 $0xF;
	[sflag:s6] =	ssyncadd.s32 $0xFFFFF800  }
0x81: {  	[spmem:s3] =	stream.indirect.scatter.add.f32 [tilespmem:s25], [sflag:$0xB], $0x10, s17, s29, $0xb8;
	[tilespmem:$0x1A580] =	vst v63  }
0x82: {  	_ =	swait.ge @!p0 [sflag:s11], $0x800  }
0x83: {  	[sflag:s11] =	ssyncset.done @!p0 $0x0  }
0x84: {  	s18 =	sadd.s32 $0x300, s9;
	[sflag:s11] =	ssyncadd.s32 @!p0 $0xFFFFF800  }
0x85: {  	[tilespmem:s7], [sflag:$0x7] =	stream.indirect.gather [spmem:s2], $0x10, s18, s29, $0xb8;
	[tilespmem:$0x1A580] =	vst v63  }
0x86: {  	_ =	swait.ge [sflag:s8], $0x800  }
0x87: {  	[sflag:s8] =	ssyncset.done $0x0  }
0x88: {  	s4 =	sadd.s32 $0x5180, s9;
	s11 =	simm.s32 @!p0 $0x10;
	[sflag:s8] =	ssyncadd.s32 $0xFFFFF800  }
0x89: {  	[spmem:s3] =	stream.indirect.scatter.add.f32 [tilespmem:s28], [sflag:$0xC], $0x10, s4, s29, $0xb8;
	[tilespmem:$0x1A580] =	vst v63  }
0x8a: {  	_ =	swait.ge @!p0 [sflag:s11], $0x800  }
0x8b: {  	[sflag:s11] =	ssyncset.done @!p0 $0x0  }
0x8c: {  	s12 =	sadd.s32 $0x380, s9;
	[sflag:s11] =	ssyncadd.s32 @!p0 $0xFFFFF800  }
0x8d: {  	[tilespmem:s10], [sflag:$0x8] =	stream.indirect.gather [spmem:s2], $0x10, s12, s29, $0xb8;
	[tilespmem:$0x1A580] =	vst v63  }
0x8e: {  	_ =	swait.ge [sflag:s13], $0x800  }
0x8f: {  	p0 =	seq.s32 s23, $0x13000;
	[sflag:s13] =	ssyncset.done $0x0  }
0x90: {  	s17 =	sadd.s32 $0x5200, s9;
	s11 =	simm.s32 @p0 $0x6;
	[sflag:s13] =	ssyncadd.s32 $0xFFFFF800  }
0x91: {  	[spmem:s3] =	stream.indirect.scatter.add.f32 [tilespmem:s26], [sflag:$0xD], $0x10, s17, s29, $0xb8;
	[tilespmem:$0x1A580] =	vst v63  }
0x92: {  	_ =	swait.ge @p0 [sflag:s11], $0x800  }
0x93: {  	[sflag:s11] =	ssyncset.done @p0 $0x0  }
0x94: {  	[sflag:s11] =	ssyncadd.s32 @p0 $0xFFFFF800;
	s11 =	sshra.s32 @p0 s23, $0x2  }
0x95: {  	s12 =	simm.s32 @p0 $0x80;
	s18 =	simm.s32 @p0 $0xC800;
	s11 =	sadd.s32 @p0 $0x5280, s11  }
0x96: {  	[spmem:s3] =	stream.indirect.scatter.add.f32 @p0 [tilespmem:s18], [sflag:$0xE], $0x10, s11, s12, $0xb8;
	[tilespmem:$0x1A580] =	vst v63  }
0x97: {  	s11 =	simm.s32 @!p0 $0x9  }
0x98: {  	_ =	swait.ge @!p0 [sflag:s11], $0x800  }
0x99: {  	[sflag:s11] =	ssyncset.done @!p0 $0x0  }
0x9a: {  	[sflag:s11] =	ssyncadd.s32 @!p0 $0xFFFFF800;
	s11 =	sshra.s32 @!p0 s23, $0x2  }
0x9b: {  	s17 =	simm.s32 @!p0 $0xA000;
	s18 =	simm.s32 @!p0 $0x80;
	s12 =	sadd.s32 @!p0 $0x400, s11  }
0x9c: {  	[tilespmem:s17], [sflag:$0x1] =	stream.indirect.gather @!p0 [spmem:s2], $0x10, s12, s18, $0xb8;
	[tilespmem:$0x1A580] =	vst v63  }
0x9d: {  	s12 =	simm.s32 @!p0 $0x6  }
0x9e: {  	_ =	swait.ge @!p0 [sflag:s12], $0x800  }
0x9f: {  	[sflag:s12] =	ssyncset.done @!p0 $0x0  }
0xa0: {  	s17 =	simm.s32 @!p0 $0xC800;
	[sflag:s12] =	ssyncadd.s32 @!p0 $0xFFFFF800;
	s12 =	sadd.s32 @!p0 $0x5280, s11  }
0xa1: {  	[spmem:s3] =	stream.indirect.scatter.add.f32 @!p0 [tilespmem:s17], [sflag:$0xE], $0x10, s12, s18, $0xb8;
	[tilespmem:$0x1A580] =	vst v63  }
0xa2: {  	s12 =	simm.s32 @!p0 $0xA  }
0xa3: {  	_ =	swait.ge @!p0 [sflag:s12], $0x800  }
0xa4: {  	[sflag:s12] =	ssyncset.done @!p0 $0x0  }
0xa5: {  	s11 =	sadd.s32 @!p0 $0x480, s11;
	[sflag:s12] =	ssyncadd.s32 @!p0 $0xFFFFF800;
	s12 =	simm.s32 @!p0 $0xA800  }
0xa6: {  	[tilespmem:s12], [sflag:$0x2] =	stream.indirect.gather @!p0 [spmem:s2], $0x10, s11, s18, $0xb8;
	[tilespmem:$0x1A580] =	vst v63  }
.Ltmp2:
0xa7: {  	_ = 	snop;
	(pc) =	sbr.rel @p0 .LBB2_4-.Ltmp2, $4  }
0xa8: {  	_ =	swait.ge [sflag:s14], $0x800  }
0xa9: {  	[sflag:s14] =	ssyncset.done $0x0  }
0xaa: {  	s18 =	sadd.s32 $0x5300, s9;
	s11 =	sadd.s32 $0x5380, s9;
	[sflag:s14] =	ssyncadd.s32 $0xFFFFF800  }
0xab: {  	[spmem:s3] =	stream.indirect.scatter.add.f32 [tilespmem:s7], [sflag:$0xF], $0x10, s18, s29, $0xb8;
	[tilespmem:$0x1A580] =	vst v63  }
0xac: {  	_ =	swait.ge [sflag:s21], $0x800  }
0xad: {  	[sflag:s21] =	ssyncset.done $0x0  }
0xae: {  	s12 =	sadd.s32 $0x500, s9;
	[sflag:s21] =	ssyncadd.s32 $0xFFFFF800  }
0xaf: {  	[tilespmem:s25], [sflag:$0x3] =	stream.indirect.gather [spmem:s2], $0x10, s12, s29, $0xb8;
	[tilespmem:$0x1A580] =	vst v63  }
0xb0: {  	_ =	swait.ge [sflag:s16], $0x800  }
0xb1: {  	[sflag:s16] =	ssyncset.done $0x0  }
0xb2: {  	[sflag:s16] =	ssyncadd.s32 $0xFFFFF800  }
0xb3: {  	[spmem:s3] =	stream.indirect.scatter.add.f32 [tilespmem:s10], [sflag:$0x10], $0x10, s11, s29, $0xb8;
	[tilespmem:$0x1A580] =	vst v63  }
.Ltmp3:
0xb4: {  	_ = 	snop;
	(pc) =	sbr.rel .LBB2_2-.Ltmp3, $4  }
0xb5: {  	_ =	swait.ge [sflag:s22], $0x800  }
0xb6: {  	[sflag:s22] =	ssyncset.done $0x0  }
0xb7: {  	s18 =	sadd.s32 $0x580, s9;
	s23 =	sadd.s32 $0x1000, s23;
	[sflag:s22] =	ssyncadd.s32 $0xFFFFF800  }
0xb8: {  	[tilespmem:s28], [sflag:$0x4] =	stream.indirect.gather [spmem:s2], $0x10, s18, s29, $0xb8;
	[tilespmem:$0x1A580] =	vst v63  }
.LBB2_4:
0xb9: {  	_ =	swait.ge [sflag:s16], $0x800  }
0xba: {  	[sflag:s16] =	ssyncset.done $0x0  }
0xbb: {  	s4 =	simm.s32 $0x9;
	[sflag:s16] =	ssyncadd.s32 $0xFFFFF800  }
0xbc: {  	[spmem:s3] =	stream.indirect.scatter.add.f32 [tilespmem:s10], [sflag:$0x10], $0x10, s11, s29, $0xb8;
	[tilespmem:$0x1A580] =	vst v63  }
0xbd: {  	_ =	swait.ge [sflag:s4], $0x800  }
0xbe: {  	[sflag:s4] =	ssyncset.done $0x0  }
0xbf: {  	s9 =	simm.s32 $0xA;
	[sflag:s4] =	ssyncadd.s32 $0xFFFFF800  }
0xc0: {  	_ =	swait.ge [sflag:s9], $0x800  }
0xc1: {  	[sflag:s9] =	ssyncset.done $0x0  }
0xc2: {  	[sflag:s9] =	ssyncadd.s32 $0xFFFFF800  }
0xc3: {  	_ =	swait.ge [sflag:s21], $0x800  }
0xc4: {  	[sflag:s21] =	ssyncset.done $0x0  }
0xc5: {  	[sflag:s21] =	ssyncadd.s32 $0xFFFFF800  }
0xc6: {  	_ =	swait.ge [sflag:s22], $0x800  }
0xc7: {  	[sflag:s22] =	ssyncset.done $0x0  }
0xc8: {  	s11 =	simm.s32 $0xD;
	[sflag:s22] =	ssyncadd.s32 $0xFFFFF800  }
0xc9: {  	_ =	swait.ge [sflag:s11], $0x800  }
0xca: {  	[sflag:s11] =	ssyncset.done $0x0  }
0xcb: {  	s12 =	simm.s32 $0xE;
	[sflag:s11] =	ssyncadd.s32 $0xFFFFF800  }
0xcc: {  	_ =	swait.ge [sflag:s12], $0x800  }
0xcd: {  	[sflag:s12] =	ssyncset.done $0x0  }
0xce: {  	s17 =	simm.s32 $0xF;
	[sflag:s12] =	ssyncadd.s32 $0xFFFFF800  }
0xcf: {  	_ =	swait.ge [sflag:s17], $0x800  }
0xd0: {  	[sflag:s17] =	ssyncset.done $0x0  }
0xd1: {  	s18 =	simm.s32 $0x10;
	[sflag:s17] =	ssyncadd.s32 $0xFFFFF800  }
0xd2: {  	_ =	swait.ge [sflag:s18], $0x800  }
0xd3: {  	[sflag:s18] =	ssyncset.done $0x0  }
0xd4: {  	[sflag:s18] =	ssyncadd.s32 $0xFFFFF800  }
0xd5: {  	[bflag:$0x0] =	sbarrier.arrive $0xFFFF  }
0xd6: {  	s9 =	simm.s32 $0xE000;
	s17 =	simm.s32 $0x11;
	s23 =	rddreg [dreg:$0xc]  }
0xd7: {  	[tilespmem:s9], [sflag:$0x11] =	stream.linear.gather [spmem:s23], $0x2780, $0x38;
	[tilespmem:$0x1A580] =	vst v63  }
0xd8: {  	_ =	swait.ge [sflag:s17], $0x2780  }
0xd9: {  	s12 =	simm.s32 $0x10780;
	[sflag:s17] =	ssyncset.done $0x0  }
0xda: {  	s9 =	simm.s32 $0x0;
	s11 =	rddreg [dreg:$0xe];
	[sflag:s17] =	ssyncadd.s32 $0xFFFFD880  }
0xdb: {  	[tilespmem:s12], [sflag:$0x11] =	stream.linear.gather [hbm4b:s11+s9], $0x2780, $0x38;
	[tilespmem:$0x1A580] =	vst v63  }
0xdc: {  	_ =	swait.ge [sflag:s17], $0x2780  }
0xdd: {  	[sflag:s17] =	ssyncset.done $0x0  }
0xde: {  	s23 =	simm.s32 $0x12F00;
	s18 =	rddreg [dreg:$0xf];
	[sflag:s17] =	ssyncadd.s32 $0xFFFFD880  }
0xdf: {  	[tilespmem:s23], [sflag:$0x11] =	stream.linear.gather [hbm4b:s18+s9], $0x2780, $0x38;
	[tilespmem:$0x1A580] =	vst v63  }
0xe0: {  	_ =	swait.ge [sflag:s17], $0x2780  }
0xe1: {  	[sflag:s17] =	ssyncset.done $0x0  }
0xe2: {  	s9 =	simm.s32 $0x0;
	[sflag:s17] =	ssyncadd.s32 $0xFFFFD880  }
0xe3: {  	v5 =	vld [tilespmem:s9+$0x10780]  }
0xe4: {  	v4 =	vld [tilespmem:s9+$0x10790]  }
0xe5: {  	v3 =	vld [tilespmem:s9+$0x12F00]  }
0xe6: {  	v2 =	vld [tilespmem:s9+$0x12F10]  }
0xe7: {  	v1 =	vld [tilespmem:s9+$0x12F20]  }
0xe8: {  	v0 =	vld [tilespmem:s9+$0x12F30]  }
0xe9: {  	v7 =	vld [tilespmem:s9+$0xE000]  }
0xea: {  	v8 =	vld [tilespmem:s9+$0xE010]  }
0xeb: {  	s11 =	simm.s32 $0x100;
	v6 =	vld [tilespmem:s9+$0xE020]  }
.LBB2_5:
0xec: {  	p0 =	sne.s32 s11, $0x9D00;
	v9 =	vld [tilespmem:s9+$0xE030]  }
0xed: {  	v10 =	vld [tilespmem:s9+$0x107A0]  }
0xee: {  	s12 =	sshra.s32 s11, $0x2;
	v3 =	vmul.f32 v7, v3;
	v7 =	vld [tilespmem:s9+$0x107B0]  }
0xef: {  	v11 =	vld [tilespmem:s12+$0x10780];
	v2 =	vmul.f32 v8, v2  }
0xf0: {  	v8 =	vld [tilespmem:s12+$0x10790];
	v5 =	vsub.f32 v5, v3;
	v1 =	vmul.f32 v6, v1  }
0xf1: {  	v3 =	vld [tilespmem:s12+$0x12F00];
	v4 =	vsub.f32 v4, v2;
	v0 =	vmul.f32 v9, v0  }
0xf2: {  	v2 =	vld [tilespmem:s12+$0x12F10];
	[tilespmem:s9+$0xE000] =	vst v5;
	v6 =	vsub.f32 v10, v1  }
.Ltmp4:
0xf3: {  	v1 =	vld [tilespmem:s12+$0x12F20];
	[tilespmem:s9+$0xE010] =	vst v4;
	v9 =	vsub.f32 v7, v0;
	(pc) =	sbr.rel @p0 .LBB2_5-.Ltmp4, $4  }
0xf4: {  	v0 =	vld [tilespmem:s12+$0x12F30];
	[tilespmem:s9+$0xE020] =	vst v6;
	v5 =	vmov v11  }
0xf5: {  	v7 =	vld [tilespmem:s12+$0xE000];
	[tilespmem:s9+$0xE030] =	vst v9;
	v4 =	vmov v8;
	s9 =	smov.u32 s12  }
0xf6: {  	v8 =	vld [tilespmem:s9+$0xE010]  }
0xf7: {  	s11 =	sadd.s32 $0x100, s11;
	v6 =	vld [tilespmem:s9+$0xE020]  }
0xf8: {  	v9 =	vld [tilespmem:s9+$0xE030]  }
0xf9: {  	v10 =	vld [tilespmem:s9+$0x107A0]  }
0xfa: {  	v63 =	vld [tilespmem:s9+$0x107B0];
	v3 =	vmul.f32 v7, v3  }
0xfb: {  	v2 =	vmul.f32 v8, v2  }
0xfc: {  	v3 =	vsub.f32 v5, v3;
	v1 =	vmul.f32 v6, v1  }
0xfd: {  	v2 =	vsub.f32 v4, v2;
	v0 =	vmul.f32 v9, v0  }
0xfe: {  	[tilespmem:s9+$0xE000] =	vst v3;
	v1 =	vsub.f32 v10, v1  }
0xff: {  	[tilespmem:s9+$0xE010] =	vst v2;
	v0 =	vsub.f32 v63, v0  }
0x100: {  	[tilespmem:s9+$0xE020] =	vst v1  }
0x101: {  	s4 =	simm.s32 $0xE000;
	[tilespmem:s9+$0xE030] =	vst v0  }
0x102: {  	[spmem:s24] =	stream.linear.scatter [tilespmem:s4], [sflag:$0x11], $0x2780, $0x38;
	[tilespmem:$0x1A580] =	vst v63  }
0x103: {  	_ =	swait.ge [sflag:s17], $0x2780  }
0x104: {  	s9 =	rddreg [dreg:$0xd]  }
0x105: {  	[sflag:s17] =	ssyncset.done $0x0;
	s12 =	rddreg [dreg:$0x17]  }
0x106: {  	s11 =	rddreg [dreg:$0x18];
	[sflag:s17] =	ssyncadd.s32 $0xFFFFD880  }
0x107: {  	[spmem:s11], [sflag:s12] =	dma.local [hbm:s9], $0x4F0  }
0x108: {  	_ =	swait.ge [sflag:s17], $0x4F0  }
0x109: {  	[sflag:s17] =	ssyncset.done $0x0  }
0x10a: {  	[sflag:s17] =	ssyncadd.s32 $0xFFFFFB10  }
0x10b: {  	[bflag:$0x0] =	sbarrier.arrive $0xFFFF  }
0x10c: {  	[tilespmem:s30], [sflag:$0x1] =	stream.indirect.gather [spmem:s2], $0x10, s15, s29, $0xb8;
	[tilespmem:$0x1A580] =	vst v63  }
0x10d: {  	s18 =	rddreg [dreg:$0x10]  }
0x10e: {  	[tilespmem:s31], [sflag:$0x2] =	stream.indirect.gather [spmem:s2], $0x10, s18, s29, $0xb8;
	[tilespmem:$0x1A580] =	vst v63  }
0x10f: {  	s23 =	rddreg [dreg:$0x11]  }
0x110: {  	[tilespmem:s25], [sflag:$0x3] =	stream.indirect.gather [spmem:s2], $0x10, s23, s29, $0xb8;
	[tilespmem:$0x1A580] =	vst v63  }
0x111: {  	s24 =	rddreg [dreg:$0x12];
	s23 =	simm.s32 $0x0  }
0x112: {  	[tilespmem:s28], [sflag:$0x4] =	stream.indirect.gather [spmem:s2], $0x10, s24, s29, $0xb8;
	[tilespmem:$0x1A580] =	vst v63  }
.LBB2_7:
0x113: {  	_ =	swait.ge [sflag:s0], $0x800  }
0x114: {  	s11 =	sshra.s32 s23, $0x2;
	p0 =	seq.s32 s23, $0x0;
	[sflag:s0] =	ssyncset.done $0x0  }
0x115: {  	s9 =	sadd.s32 s11, s19;
	s12 =	simm.s32 @!p0 $0xD;
	[sflag:s0] =	ssyncadd.s32 $0xFFFFF800  }
0x116: {  	[spmem:s3] =	stream.indirect.scatter.add.f32 [tilespmem:s30], [sflag:$0x9], $0x10, s9, s29, $0xb8;
	[tilespmem:$0x1A580] =	vst v63  }
0x117: {  	_ =	swait.ge @!p0 [sflag:s12], $0x800  }
0x118: {  	s11 =	sadd.s32 s11, s15;
	[sflag:s12] =	ssyncset.done @!p0 $0x0  }
0x119: {  	s24 =	sadd.s32 $0x200, s11;
	[sflag:s12] =	ssyncadd.s32 @!p0 $0xFFFFF800  }
0x11a: {  	[tilespmem:s26], [sflag:$0x5] =	stream.indirect.gather [spmem:s2], $0x10, s24, s29, $0xb8;
	[tilespmem:$0x1A580] =	vst v63  }
0x11b: {  	_ =	swait.ge [sflag:s1], $0x800  }
0x11c: {  	[sflag:s1] =	ssyncset.done $0x0  }
0x11d: {  	s4 =	sadd.s32 $0x80, s9;
	s12 =	simm.s32 @!p0 $0xE;
	[sflag:s1] =	ssyncadd.s32 $0xFFFFF800  }
0x11e: {  	[spmem:s3] =	stream.indirect.scatter.add.f32 [tilespmem:s31], [sflag:$0xA], $0x10, s4, s29, $0xb8;
	[tilespmem:$0x1A580] =	vst v63  }
0x11f: {  	_ =	swait.ge @!p0 [sflag:s12], $0x800  }
0x120: {  	[sflag:s12] =	ssyncset.done @!p0 $0x0  }
0x121: {  	s17 =	sadd.s32 $0x280, s11;
	[sflag:s12] =	ssyncadd.s32 @!p0 $0xFFFFF800  }
0x122: {  	[tilespmem:s5], [sflag:$0x6] =	stream.indirect.gather [spmem:s2], $0x10, s17, s29, $0xb8;
	[tilespmem:$0x1A580] =	vst v63  }
0x123: {  	_ =	swait.ge [sflag:s6], $0x800  }
0x124: {  	[sflag:s6] =	ssyncset.done $0x0  }
0x125: {  	s18 =	sadd.s32 $0x100, s9;
	s12 =	simm.s32 @!p0 $0xF;
	[sflag:s6] =	ssyncadd.s32 $0xFFFFF800  }
0x126: {  	[spmem:s3] =	stream.indirect.scatter.add.f32 [tilespmem:s25], [sflag:$0xB], $0x10, s18, s29, $0xb8;
	[tilespmem:$0x1A580] =	vst v63  }
0x127: {  	_ =	swait.ge @!p0 [sflag:s12], $0x800  }
0x128: {  	[sflag:s12] =	ssyncset.done @!p0 $0x0  }
0x129: {  	s24 =	sadd.s32 $0x300, s11;
	[sflag:s12] =	ssyncadd.s32 @!p0 $0xFFFFF800  }
0x12a: {  	[tilespmem:s7], [sflag:$0x7] =	stream.indirect.gather [spmem:s2], $0x10, s24, s29, $0xb8;
	[tilespmem:$0x1A580] =	vst v63  }
0x12b: {  	_ =	swait.ge [sflag:s8], $0x800  }
0x12c: {  	[sflag:s8] =	ssyncset.done $0x0  }
0x12d: {  	s4 =	sadd.s32 $0x180, s9;
	s12 =	simm.s32 @!p0 $0x10;
	[sflag:s8] =	ssyncadd.s32 $0xFFFFF800  }
0x12e: {  	[spmem:s3] =	stream.indirect.scatter.add.f32 [tilespmem:s28], [sflag:$0xC], $0x10, s4, s29, $0xb8;
	[tilespmem:$0x1A580] =	vst v63  }
0x12f: {  	_ =	swait.ge @!p0 [sflag:s12], $0x800  }
0x130: {  	[sflag:s12] =	ssyncset.done @!p0 $0x0  }
0x131: {  	s17 =	sadd.s32 $0x380, s11;
	[sflag:s12] =	ssyncadd.s32 @!p0 $0xFFFFF800  }
0x132: {  	[tilespmem:s10], [sflag:$0x8] =	stream.indirect.gather [spmem:s2], $0x10, s17, s29, $0xb8;
	[tilespmem:$0x1A580] =	vst v63  }
0x133: {  	_ =	swait.ge [sflag:s13], $0x800  }
0x134: {  	p0 =	seq.s32 s23, $0x9000;
	[sflag:s13] =	ssyncset.done $0x0  }
0x135: {  	s18 =	sadd.s32 $0x200, s9;
	s12 =	simm.s32 @p0 $0x6;
	[sflag:s13] =	ssyncadd.s32 $0xFFFFF800  }
0x136: {  	[spmem:s3] =	stream.indirect.scatter.add.f32 [tilespmem:s26], [sflag:$0xD], $0x10, s18, s29, $0xb8;
	[tilespmem:$0x1A580] =	vst v63  }
0x137: {  	_ =	swait.ge @p0 [sflag:s12], $0x800  }
0x138: {  	[sflag:s12] =	ssyncset.done @p0 $0x0  }
0x139: {  	s17 =	simm.s32 @p0 $0xC800;
	[sflag:s12] =	ssyncadd.s32 @p0 $0xFFFFF800;
	s12 =	simm.s32 @p0 $0x80  }
0x13a: {  	[spmem:s3] =	stream.indirect.scatter.add.f32 @p0 [tilespmem:s17], [sflag:$0xE], $0x10, s20, s12, $0xb8;
	[tilespmem:$0x1A580] =	vst v63  }
0x13b: {  	s12 =	simm.s32 @!p0 $0x9  }
0x13c: {  	_ =	swait.ge @!p0 [sflag:s12], $0x800  }
0x13d: {  	s17 =	sshra.s32 @!p0 s23, $0x2;
	[sflag:s12] =	ssyncset.done @!p0 $0x0  }
0x13e: {  	[sflag:s12] =	ssyncadd.s32 @!p0 $0xFFFFF800;
	s12 =	sadd.s32 @!p0 s17, s15  }
0x13f: {  	s4 =	simm.s32 @!p0 $0x80;
	s24 =	simm.s32 @!p0 $0xA000;
	s18 =	sadd.s32 @!p0 $0x400, s12  }
0x140: {  	[tilespmem:s24], [sflag:$0x1] =	stream.indirect.gather @!p0 [spmem:s2], $0x10, s18, s4, $0xb8;
	[tilespmem:$0x1A580] =	vst v63  }
0x141: {  	s18 =	simm.s32 @!p0 $0x6  }
0x142: {  	_ =	swait.ge @!p0 [sflag:s18], $0x800  }
0x143: {  	s17 =	sadd.s32 @!p0 s17, s19;
	[sflag:s18] =	ssyncset.done @!p0 $0x0  }
0x144: {  	s17 =	sadd.s32 @!p0 $0x280, s17;
	[sflag:s18] =	ssyncadd.s32 @!p0 $0xFFFFF800;
	s18 =	simm.s32 @!p0 $0xC800  }
0x145: {  	[spmem:s3] =	stream.indirect.scatter.add.f32 @!p0 [tilespmem:s18], [sflag:$0xE], $0x10, s17, s4, $0xb8;
	[tilespmem:$0x1A580] =	vst v63  }
0x146: {  	s17 =	simm.s32 @!p0 $0xA  }
0x147: {  	_ =	swait.ge @!p0 [sflag:s17], $0x800  }
0x148: {  	[sflag:s17] =	ssyncset.done @!p0 $0x0  }
0x149: {  	s12 =	sadd.s32 @!p0 $0x480, s12;
	[sflag:s17] =	ssyncadd.s32 @!p0 $0xFFFFF800;
	s17 =	simm.s32 @!p0 $0xA800  }
0x14a: {  	[tilespmem:s17], [sflag:$0x2] =	stream.indirect.gather @!p0 [spmem:s2], $0x10, s12, s4, $0xb8;
	[tilespmem:$0x1A580] =	vst v63  }
.Ltmp5:
0x14b: {  	_ = 	snop;
	(pc) =	sbr.rel @p0 .LBB2_9-.Ltmp5, $4  }
0x14c: {  	_ =	swait.ge [sflag:s14], $0x800  }
0x14d: {  	[sflag:s14] =	ssyncset.done $0x0  }
0x14e: {  	s24 =	sadd.s32 $0x300, s9;
	[sflag:s14] =	ssyncadd.s32 $0xFFFFF800  }
0x14f: {  	[spmem:s3] =	stream.indirect.scatter.add.f32 [tilespmem:s7], [sflag:$0xF], $0x10, s24, s29, $0xb8;
	[tilespmem:$0x1A580] =	vst v63  }
0x150: {  	_ =	swait.ge [sflag:s21], $0x800  }
0x151: {  	[sflag:s21] =	ssyncset.done $0x0  }
0x152: {  	s4 =	sadd.s32 $0x500, s11;
	[sflag:s21] =	ssyncadd.s32 $0xFFFFF800  }
0x153: {  	[tilespmem:s25], [sflag:$0x3] =	stream.indirect.gather [spmem:s2], $0x10, s4, s29, $0xb8;
	[tilespmem:$0x1A580] =	vst v63  }
0x154: {  	_ =	swait.ge [sflag:s16], $0x800  }
0x155: {  	[sflag:s16] =	ssyncset.done $0x0  }
0x156: {  	s18 =	sadd.s32 $0x380, s9;
	[sflag:s16] =	ssyncadd.s32 $0xFFFFF800  }
0x157: {  	[spmem:s3] =	stream.indirect.scatter.add.f32 [tilespmem:s10], [sflag:$0x10], $0x10, s18, s29, $0xb8;
	[tilespmem:$0x1A580] =	vst v63  }
.Ltmp6:
0x158: {  	_ = 	snop;
	(pc) =	sbr.rel .LBB2_7-.Ltmp6, $4  }
0x159: {  	_ =	swait.ge [sflag:s22], $0x800  }
0x15a: {  	[sflag:s22] =	ssyncset.done $0x0  }
0x15b: {  	s24 =	sadd.s32 $0x580, s11;
	s23 =	sadd.s32 $0x1000, s23;
	[sflag:s22] =	ssyncadd.s32 $0xFFFFF800  }
0x15c: {  	[tilespmem:s28], [sflag:$0x4] =	stream.indirect.gather [spmem:s2], $0x10, s24, s29, $0xb8;
	[tilespmem:$0x1A580] =	vst v63  }
.LBB2_10:
0x15d: {  	_ =	sfence.sel $0x180000  }
0x15e: {  	[bflag:$0x0] =	sbarrier.arrive $0xFFFF  }
0x15f: {  	_ =	strace $0x90000050  }
0x160: {  	s0 =	stileid.u32;
	[bflag:$0x2] =	sbarrier.arrive $0xFFFF  }
0x161: {  	p0 =	sne.s32 s0, $0x0;
	s0 =	rddreg [dreg:$0x5]  }
0x162: {  	s0 =	sadd.s32 @!p0 $0x100000, s0  }
0x163: {  	[sflag:s0] =	ssyncadd.tile.s32 @!p0 $0x1;
	_ =	shalt  }
.Lfunc_end2:
_tile_overlayer_lowered:
.L_overlay_start_2:
0x164: {  	(tag) =	ssettag $0x2  }
0x165: {  	s0 =	rddreg [dreg:$0x0];
	s2 =	stileid.u32  }
0x166: {  	s1 =	rddreg [dreg:$0x1];
	p0 =	sne.s32 s2, $0x0  }
0x167: {  	s3 =	rddreg [dreg:$0x2];
	[bflag:$0x3] =	sbarrier.arrive $0xFFFF;
	s2 =	simm.s32 @!p0 $0x1C11  }
0x168: {  	[timem:s3], [sflag:s2] =	dma.local @!p0 [hbm:s0], s1  }
0x169: {  	s0 =	simm.s32 @!p0 $0x11  }
0x16a: {  	_ =	swait.ge @!p0 [sflag:s0], s1  }
0x16b: {  	s1 =	ssub.s32 @!p0 $0x0, s1;
	[sflag:s0] =	ssyncset.done @!p0 $0x0  }
0x16c: {  	[sflag:s0] =	ssyncadd.s32 @!p0 s1  }
0x16d: {  	[bflag:$0x3] =	sbarrier.arrive $0xFFFF  }
0x16e: {  	_ =	shalt  }

</sc_bundles>
